<compile_context>
chip_gen: v7x
topology: tpu7x:2x2x1
jax: 0.10.2.dev20260603
libtpu: 0.0.44.dev20260713+nightly
codegen_flags: <defaults>
</compile_context>

<pallas_src>
import functools

import jax
import jax.numpy as jnp
from jax import lax
from jax.experimental import pallas as pl
from jax.experimental.pallas import tpu as pltpu
from jax.experimental.pallas import tpu_sc as plsc

_S, _D = 8192, 768
_H, _DH = 12, 64
_NHR = 2
_NB = 256
_CHUNK = 64
_NCH = _S * _NHR // _CHUNK
_SEG = _H * _NHR
_SB = 512



def _proj_hash_body(h_ref, wqk_ref, wv_ref, rot_ref, eye_ref, qkv_ref, bkt_ref):
    hb = h_ref[...]
    wqk = wqk_ref[...]
    wv = wv_ref[...]
    eye = eye_ref[...]
    qk = lax.dot_general(hb, wqk, (((1,), (1,)), ((), ())),
                         preferred_element_type=jnp.float32)
    v = lax.dot_general(hb, wv, (((1,), (1,)), ((), ())),
                        preferred_element_type=jnp.float32)
    pieces = []
    rot = rot_ref[...]
    i2 = lax.broadcasted_iota(jnp.int32, (_SB, 128), 1)
    for h in range(_H):
        qh = qk[:, h * _DH:(h + 1) * _DH]
        pieces.append(qh)
        pieces.append(v[:, h * _DH:(h + 1) * _DH])
        r = lax.dot_general(qh, rot, (((1,), (0,)), ((), ())),
                            preferred_element_type=jnp.float32)
        for n in range(_NHR):
            rr = r[:, n * 128:(n + 1) * 128]
            mx = jnp.max(jnp.abs(rr), axis=1, keepdims=True)
            t1 = jnp.where(rr == mx, i2, 2 * _NB)
            t2 = jnp.where(rr == -mx, i2 + 128, 2 * _NB)
            am = jnp.min(jnp.minimum(t1, t2), axis=1,
                         keepdims=True).astype(jnp.float32)
            am_row = lax.dot_general(am, eye, (((0,), (0,)), ((), ())),
                                     preferred_element_type=jnp.float32)
            c = h * _NHR + n
            bkt_ref[c:c + 1, :] = am_row
    qkv_ref[...] = jnp.concatenate(pieces, axis=1)


def _proj_hash(h2, wqk, wv, rot2):
    grid = _S // _SB
    eye = jnp.eye(_SB, dtype=jnp.float32)
    return pl.pallas_call(
        _proj_hash_body,
        grid=(grid,),
        in_specs=[
            pl.BlockSpec((_SB, _D), lambda i: (i, 0)),
            pl.BlockSpec((_H * _DH, _D), lambda i: (0, 0)),
            pl.BlockSpec((_H * _DH, _D), lambda i: (0, 0)),
            pl.BlockSpec((_DH, _NHR * 128), lambda i: (0, 0)),
            pl.BlockSpec((_SB, _SB), lambda i: (0, 0)),
        ],
        out_specs=[
            pl.BlockSpec((_SB, _H * 2 * _DH), lambda i: (i, 0)),
            pl.BlockSpec((_SEG, _SB), lambda i: (0, i)),
        ],
        out_shape=[
            jax.ShapeDtypeStruct((_S, _H * 2 * _DH), jnp.float32),
            jax.ShapeDtypeStruct((_SEG, _S), jnp.float32),
        ],
    )(h2, wqk, wv, rot2, eye)



_NT = _S // 128


def _sort_body(bkt_ref, tri_ref, low_ref, dest_ref):
    triu = tri_ref[...]
    low = low_ref[...]

    beta = lax.broadcasted_iota(jnp.int32, (_SEG, _NB, 128), 1)

    def onehot(t):
        b = bkt_ref[:, pl.ds(t * 128, 128)].astype(jnp.int32)
        return (b[:, None, :] == beta).astype(jnp.float32)

    def p1_body(t, carry):
        return carry + jnp.sum(onehot(t), axis=2)
    tot = lax.fori_loop(0, _NT, p1_body,
                        jnp.zeros((_SEG, _NB), jnp.float32), unroll=4)

    start = lax.dot_general(tot, low, (((1,), (0,)), ((), ())),
                            preferred_element_type=jnp.float32)

    def p2_body(t, pre):
        oh3 = onehot(t)
        oh2 = oh3.reshape(_SEG * _NB, 128)
        cnt = lax.dot_general(oh2, triu, (((1,), (0,)), ((), ())),
                              preferred_element_type=jnp.float32)
        cnt3 = cnt.reshape(_SEG, _NB, 128)
        d3 = oh3 * (cnt3 + (pre + start)[:, :, None])
        dest = jnp.sum(d3, axis=1) - 1.0
        dest_ref[:, :, pl.ds(t * 128, 128)] = dest[:, None, :].astype(jnp.int32)
        return pre + jnp.sum(oh3, axis=2)
    lax.fori_loop(0, _NT, p2_body, jnp.zeros((_SEG, _NB), jnp.float32),
                  unroll=4)


def _sort_dest(bkt):
    r = lax.broadcasted_iota(jnp.int32, (128, 128), 0)
    c = lax.broadcasted_iota(jnp.int32, (128, 128), 1)
    triu = (r <= c).astype(jnp.float32)
    r2 = lax.broadcasted_iota(jnp.int32, (_NB, _NB), 0)
    c2 = lax.broadcasted_iota(jnp.int32, (_NB, _NB), 1)
    low = (r2 < c2).astype(jnp.float32)
    return pl.pallas_call(
        _sort_body,
        grid=(1,),
        in_specs=[pl.BlockSpec((_SEG, _S), lambda i: (0, 0)),
                  pl.BlockSpec((128, 128), lambda i: (0, 0)),
                  pl.BlockSpec((_NB, _NB), lambda i: (0, 0))],
        out_specs=pl.BlockSpec((_SEG, 1, _S), lambda i: (0, 0, 0)),
        out_shape=jax.ShapeDtypeStruct((_SEG, 1, _S), jnp.int32),
    )(bkt, triu, low)



_GCH = 32
_NG = _NCH // _GCH
_GS = _GCH * _CHUNK


def _norm_k(q):
    var = jnp.mean(q * q, axis=-1, keepdims=True)
    return q * lax.rsqrt(var + 1e-6) * (1.0 / 8.0)


def _attn_body(qs_ref, idx_ref, qh_ref, ih_ref, out_ref):
    qv = qs_ref[0]
    q = qv[:, :_DH]
    v = qv[:, _DH:]
    k = _norm_k(q)
    qvh = qh_ref[0]
    kh = _norm_k(qvh[:, :_DH])
    q3 = q.reshape(_GCH, _CHUNK, _DH)
    k3 = k.reshape(_GCH, _CHUNK, _DH)
    v3 = v.reshape(_GCH, _CHUNK, _DH)
    kp = jnp.concatenate([kh[None], k3[:-1]], axis=0)
    vp = jnp.concatenate([qvh[None, :, _DH:], v3[:-1]], axis=0)
    qi = idx_ref[0]
    kip = jnp.concatenate([ih_ref[0], qi[:-1]], axis=0)

    def dots(a, b):
        return lax.dot_general(a, b, (((2,), (2,)), ((0,), (0,))),
                               preferred_element_type=jnp.float32)

    def mask(d, kidx):
        ql = qi[:, :, None]
        kl = kidx[:, None, :]
        d = jnp.where(ql >= kl, d, jnp.float32(-1e9))
        return jnp.where(ql != kl, d, jnp.float32(-1e5))

    dp = mask(dots(q3, kp), kip)
    ds = mask(dots(q3, k3), qi)
    m = jnp.maximum(jnp.max(dp, axis=-1), jnp.max(ds, axis=-1))
    ep = jnp.exp(dp - m[:, :, None])
    es = jnp.exp(ds - m[:, :, None])
    ssum = jnp.sum(ep, axis=-1) + jnp.sum(es, axis=-1)
    lse = m + jnp.log(ssum)

    def pv(p, vv):
        return lax.dot_general(p, vv, (((2,), (1,)), ((0,), (0,))),
                               preferred_element_type=jnp.float32)
    o = (pv(ep, vp) + pv(es, v3)) / ssum[:, :, None]
    lse_bc = jnp.broadcast_to(lse[:, :, None], (_GCH, _CHUNK, _DH))
    pk = jnp.concatenate([o, lse_bc], axis=2)
    out_ref[0] = pk.reshape(_GS, 2 * _DH)


def _attention(qsv, sbi3, h_off, hn):
    def prev(h, g):
        return (h_off + h, (g * _GCH - 1) % _NCH, 0)
    return pl.pallas_call(
        _attn_body,
        grid=(hn, _NG),
        in_specs=[
            pl.BlockSpec((1, _GS, 2 * _DH), lambda h, g: (h_off + h, g, 0)),
            pl.BlockSpec((1, _GCH, _CHUNK), lambda h, g: (h_off + h, g, 0)),
            pl.BlockSpec((1, _CHUNK, 2 * _DH), prev),
            pl.BlockSpec((1, 1, _CHUNK),
                         lambda h, g: ((h_off + h) * _NCH
                                       + (g * _GCH - 1) % _NCH, 0, 0)),
        ],
        out_specs=pl.BlockSpec((1, _GS, 2 * _DH), lambda h, g: (h, g, 0)),
        out_shape=jax.ShapeDtypeStruct((hn, _NHR * _S, 2 * _DH), jnp.float32),
    )(qsv, sbi3, qsv, sbi3.reshape(_H * _NCH, 1, _CHUNK))



def _comb_body(og1_ref, og2_ref, out_ref):
    for h in range(_H):
        ref = og1_ref if h < _H // 2 else og2_ref
        hl = h % (_H // 2)
        b0 = ref[2 * hl]
        b1 = ref[2 * hl + 1]
        l0 = b0[:, _DH:_DH + 1]
        l1 = b1[:, _DH:_DH + 1]
        m = jnp.maximum(l0, l1)
        e0 = jnp.exp(l0 - m)
        e1 = jnp.exp(l1 - m)
        t = e0 + e1
        o = b0[:, :_DH] * (e0 / t) + b1[:, :_DH] * (e1 / t)
        out_ref[:, h * _DH:(h + 1) * _DH] = o


def _combine(og1, og2):
    grid = _S // _SB
    hseg = _SEG // 2
    return pl.pallas_call(
        _comb_body,
        grid=(grid,),
        in_specs=[
            pl.BlockSpec((hseg, _SB, 2 * _DH), lambda i: (0, i, 0)),
            pl.BlockSpec((hseg, _SB, 2 * _DH), lambda i: (0, i, 0)),
        ],
        out_specs=pl.BlockSpec((_SB, _H * _DH), lambda i: (i, 0)),
        out_shape=jax.ShapeDtypeStruct((_S, _H * _DH), jnp.float32),
    )(og1, og2)



_CK = 128
_NCK = _S // _CK


_HG = _H // 2
_SEGG = _SEG // 2


def _gather_qkv_body(dest_ref, qkv_ref,
                     sbi_out_ref, qs_ref,
                     dv, sbiv, gidxv, r0, r1, r2, r3,
                     g0, g1, g2, g3, o0, o1, o2, o3):
    rows = (r0, r1, r2, r3)
    gsems = (g0, g1, g2, g3)
    osems = (o0, o1, o2, o3)
    wid = lax.axis_index("s") * 2 + lax.axis_index("c")

    @pl.when(wid < _SEG)
    def _():
        h = wid // _NHR
        r = lax.rem(wid, _NHR)
        pltpu.sync_copy(dest_ref.at[wid], dv)
        i16 = lax.iota(jnp.int32, 16)

        def scat(i, _):
            idx = dv[pl.ds(i * 16, 16)]
            tok = i * 16 + i16
            plsc.store_scatter(sbiv, [idx], tok)
            plsc.store_scatter(gidxv, [idx], tok * _H + h)
            return 0
        lax.fori_loop(0, _S // 16, scat, 0, unroll=8)

        pltpu.sync_copy(sbiv, sbi_out_ref.at[h, pl.ds(r * _S, _S)])

        def gat(j4, _):
            j = j4 * 4
            cs = [pltpu.async_copy(
                      qkv_ref.at[gidxv.at[pl.ds((j + i) * _CK, _CK)]],
                      rows[i], gsems[i]) for i in range(4)]
            outs = []
            for i in range(4):
                cs[i].wait()
                outs.append(pltpu.async_copy(
                    rows[i], qs_ref.at[h, pl.ds(r * _S + (j + i) * _CK, _CK)],
                    osems[i]))
            for o in outs:
                o.wait()
            return 0
        lax.fori_loop(0, _NCK // 4, gat, 0)


def _gather_qkv(dest, qkv_t):
    mesh = plsc.VectorSubcoreMesh(core_axis_name="c", subcore_axis_name="s")
    k = functools.partial(
        pl.kernel,
        out_type=[
            jax.ShapeDtypeStruct((_H, _NHR * _S), jnp.int32),
            jax.ShapeDtypeStruct((_H, _NHR * _S, 2 * _DH), jnp.float32),
        ],
        mesh=mesh,
        compiler_params=pltpu.CompilerParams(needs_layout_passes=False, use_tc_tiling_on_sc=False),
        scratch_types=[
            pltpu.VMEM((_S,), jnp.int32),
            pltpu.VMEM((_S,), jnp.int32),
            pltpu.VMEM((_S,), jnp.int32),
            pltpu.VMEM((_CK, 2 * _DH), jnp.float32),
            pltpu.VMEM((_CK, 2 * _DH), jnp.float32),
            pltpu.VMEM((_CK, 2 * _DH), jnp.float32),
            pltpu.VMEM((_CK, 2 * _DH), jnp.float32),
        ] + [pltpu.SemaphoreType.DMA] * 8,
    )(_gather_qkv_body)
    return k(dest, qkv_t)



_FR = _SEGG * _S // 32
_FCK = _FR // _CK


def _unsort_body(dest_ref, outs_ref, og_ref,
                 dv, gidxv, r0, r1, r2, r3,
                 g0, g1, g2, g3, o0, o1, o2, o3):
    rows = (r0, r1, r2, r3)
    gsems = (g0, g1, g2, g3)
    osems = (o0, o1, o2, o3)
    wid = lax.axis_index("s") * 2 + lax.axis_index("c")
    start = wid * _FR
    pltpu.sync_copy(dest_ref.at[pl.ds(start, _FR)], dv)
    i16 = lax.iota(jnp.int32, 16)

    def mk(i, _):
        u = start + i * 16 + i16
        gidxv[pl.ds(i * 16, 16)] = (dv[pl.ds(i * 16, 16)]
                                    + (u & jnp.int32(~(_S - 1))))
        return 0
    lax.fori_loop(0, _FR // 16, mk, 0, unroll=8)

    def gat(j4, _):
        j = j4 * 4
        cs = [pltpu.async_copy(
                  outs_ref.at[gidxv.at[pl.ds((j + i) * _CK, _CK)]],
                  rows[i], gsems[i]) for i in range(4)]
        outs = []
        for i in range(4):
            cs[i].wait()
            outs.append(pltpu.async_copy(
                rows[i], og_ref.at[pl.ds(start + (j + i) * _CK, _CK)],
                osems[i]))
        for o in outs:
            o.wait()
        return 0
    lax.fori_loop(0, _FCK // 4, gat, 0)


def _unsort(dest_flat, out_s2):
    mesh = plsc.VectorSubcoreMesh(core_axis_name="c", subcore_axis_name="s")
    k = functools.partial(
        pl.kernel,
        out_type=jax.ShapeDtypeStruct((_SEGG * _S, 2 * _DH), jnp.float32),
        mesh=mesh,
        compiler_params=pltpu.CompilerParams(needs_layout_passes=False, use_tc_tiling_on_sc=False),
        scratch_types=[
            pltpu.VMEM((_FR,), jnp.int32),
            pltpu.VMEM((_FR,), jnp.int32),
            pltpu.VMEM((_CK, 2 * _DH), jnp.float32),
            pltpu.VMEM((_CK, 2 * _DH), jnp.float32),
            pltpu.VMEM((_CK, 2 * _DH), jnp.float32),
            pltpu.VMEM((_CK, 2 * _DH), jnp.float32),
        ] + [pltpu.SemaphoreType.DMA] * 8,
    )(_unsort_body)
    return k(dest_flat, out_s2)



def kernel(hidden_states, Wqk, Wv, rotations):
    h2 = hidden_states[0]
    rot2 = rotations.reshape(_DH, _NHR * 128)

    qkv, bkt = _proj_hash(h2, Wqk, Wv, rot2)
    dest = _sort_dest(bkt).reshape(_SEG, _S)

    qkv_t = qkv.reshape(_S * _H, 2 * _DH)

    sbi, qsv = _gather_qkv(dest, qkv_t)
    sbi3 = sbi.reshape(_H, _NCH, _CHUNK)

    out1 = _attention(qsv, sbi3, 0, _HG)
    out2 = _attention(qsv, sbi3, _HG, _HG)
    og1 = _unsort(dest[:_SEGG].reshape(_SEGG * _S),
                  out1.reshape(_HG * _NHR * _S, 2 * _DH))
    og2 = _unsort(dest[_SEGG:].reshape(_SEGG * _S),
                  out2.reshape(_HG * _NHR * _S, 2 * _DH))
    final = _combine(og1.reshape(_SEGG, _S, 2 * _DH),
                     og2.reshape(_SEGG, _S, 2 * _DH))
    return final.reshape(1, _S, _H * _DH)

# --- scband reference (transcript-rebuilt; emitter-appended) ---
"""Pipeline reference for scband-lshself-attention-24361054503215 (READ-ONLY COPY).

The authoritative reference and input builder live on the scoring server;
editing this copy changes nothing except your own understanding.
"""

import jax, jax.numpy as jnp
import numpy as np

B, S, D = 1, 8192, 768
H, DH = 12, 64
NUM_HASHES = 2
NUM_BUCKETS = 256
CHUNK = 64
BEFORE, AFTER = 1, 0
IS_DECODER = True


def setup_inputs(seed: int = 0):
    key = jax.random.key(seed)
    k1, k2, k3, k4 = jax.random.split(key, 4)
    hidden_states = jax.random.normal(k1, (B, S, D), dtype=jnp.float32)
    Wqk = jax.random.normal(k2, (H * DH, D), dtype=jnp.float32) * 0.02
    Wv = jax.random.normal(k3, (H * DH, D), dtype=jnp.float32) * 0.02
    rotations = jax.random.normal(k4, (DH, NUM_HASHES, NUM_BUCKETS // 2), dtype=jnp.float32)
    return {"hidden_states": hidden_states, "Wqk": Wqk, "Wv": Wv, "rotations": rotations}


def _look_adjacent(x, before, after):
    # x: [B, H, n_chunks, chunk_len, ...]; concat neighboring chunks along chunk_len dim
    if before == 0 and after == 0:
        return x
    slices = []
    for i in range(-before, after + 1):
        if i == 0:
            slices.append(x)
        else:
            slices.append(jnp.concatenate([x[:, :, i:], x[:, :, :i]], axis=2))
    return jnp.concatenate(slices, axis=3)


def _lsh_attention(hidden_states, Wqk, Wv, rotations):
    Bq, Sq, _ = hidden_states.shape
    qk = hidden_states @ Wqk.T
    v = hidden_states @ Wv.T
    qk = qk.reshape(Bq, Sq, H, DH).transpose(0, 2, 1, 3)  # [B,H,S,DH]
    v = v.reshape(Bq, Sq, H, DH).transpose(0, 2, 1, 3)

    # --- hash vectors into buckets (random rotations LSH) ---
    rotated = jnp.einsum('bhsd,dnr->bhnsr', qk, rotations)  # [B,H,NH,S,NB/2]
    rotated = jnp.concatenate([rotated, -rotated], axis=-1)  # [B,H,NH,S,NB]
    buckets = jnp.argmax(rotated, axis=-1)  # [B,H,NH,S]
    offsets = (jnp.arange(NUM_HASHES) * NUM_BUCKETS).reshape(1, 1, -1, 1)
    buckets = (buckets + offsets).reshape(Bq, H, NUM_HASHES * Sq)

    # --- stable sort by bucket, keep position order within bucket ---
    orig_idx = jnp.arange(NUM_HASHES * Sq)
    scaled = buckets * Sq + (orig_idx % Sq)
    sorted_bucket_idx = jnp.argsort(scaled, axis=-1)
    undo_sorted_bucket_idx = jnp.argsort(sorted_bucket_idx, axis=-1)
    sbi = sorted_bucket_idx % Sq  # [B,H,NH*S]

    # --- gather by expansion ---
    idx_e = jnp.broadcast_to(sbi[..., None], sbi.shape + (DH,))
    qk_s = jnp.take_along_axis(qk, idx_e, axis=2)
    v_s = jnp.take_along_axis(v, idx_e, axis=2)

    n_chunks = (NUM_HASHES * Sq) // CHUNK
    q = qk_s.reshape(Bq, H, n_chunks, CHUNK, DH)
    val = v_s.reshape(Bq, H, n_chunks, CHUNK, DH)

    # --- key = len-and-dim normalized query_key (shared QK in Reformer) ---
    var = jnp.mean(q * q, axis=-1, keepdims=True)
    k = q * jax.lax.rsqrt(var + 1e-6) / jnp.sqrt(jnp.float32(DH))

    k_adj = _look_adjacent(k, BEFORE, AFTER)
    v_adj = _look_adjacent(val, BEFORE, AFTER)

    dots = jnp.einsum('bhnqd,bhnkd->bhnqk', q, k_adj)  # [B,H,nc,CHUNK,CHUNK*(1+before+after)]

    q_idx = sbi.reshape(Bq, H, n_chunks, CHUNK)
    kv_idx = _look_adjacent(q_idx, BEFORE, AFTER)
    if IS_DECODER:
        causal = q_idx[..., :, None] >= kv_idx[..., None, :]
        dots = jnp.where(causal, dots, jnp.float32(-1e9))
    self_mask = q_idx[..., :, None] != kv_idx[..., None, :]
    dots = jnp.where(self_mask, dots, jnp.float32(-1e5))

    logits = jax.nn.logsumexp(dots, axis=-1, keepdims=True)
    probs = jnp.exp(dots - logits)
    out = jnp.einsum('bhnqk,bhnkd->bhnqd', probs, v_adj)

    out = out.reshape(Bq, H, NUM_HASHES * Sq, DH)
    logits = logits.reshape(Bq, H, NUM_HASHES * Sq)

    # --- undo sort ---
    undo_e = jnp.broadcast_to(undo_sorted_bucket_idx[..., None], undo_sorted_bucket_idx.shape + (DH,))
    out = jnp.take_along_axis(out, undo_e, axis=2)
    logits = jnp.take_along_axis(logits, undo_sorted_bucket_idx, axis=2)

    # --- combine multiple hash rounds via logsumexp weighting ---
    if NUM_HASHES > 1:
        out = out.reshape(Bq, H, NUM_HASHES, Sq, DH)
        logits = logits.reshape(Bq, H, NUM_HASHES, Sq, 1)
        w = jnp.exp(logits - jax.nn.logsumexp(logits, axis=2, keepdims=True))
        out = jnp.sum(out * w, axis=2)

    out = out.transpose(0, 2, 1, 3).reshape(Bq, Sq, H * DH)
    return out


def reference(hidden_states, Wqk, Wv, rotations):
    return _lsh_attention(hidden_states, Wqk, Wv, rotations)

if __name__ == "__main__":
    import jax
    _d = setup_inputs()
    print(jax.jit(kernel)(*tuple(_d.values())))

</pallas_src>

<mosaic_0001>
#map = affine_map<(d0, d1) -> (0)>
#map1 = affine_map<(d0, d1) -> (0, 0)>
module attributes {stable_mosaic.version = 14 : i64} {
  func.func @_unsort_body(%arg0: i32, %arg1: i32, %arg2: memref<98304xi32, #tpu.memory_space<hbm>>, %arg3: memref<98304x128xf32, #tpu.memory_space<hbm>>, %arg4: memref<98304x128xf32, #tpu.memory_space<hbm>>, %arg5: memref<3072xi32, #tpu.memory_space<vmem>>, %arg6: memref<3072xi32, #tpu.memory_space<vmem>>, %arg7: memref<128x128xf32, #tpu.memory_space<vmem>>, %arg8: memref<128x128xf32, #tpu.memory_space<vmem>>, %arg9: memref<128x128xf32, #tpu.memory_space<vmem>>, %arg10: memref<128x128xf32, #tpu.memory_space<vmem>>, %arg11: memref<!tpu.dma_semaphore, #tpu.memory_space<semaphore_mem>>, %arg12: memref<!tpu.dma_semaphore, #tpu.memory_space<semaphore_mem>>, %arg13: memref<!tpu.dma_semaphore, #tpu.memory_space<semaphore_mem>>, %arg14: memref<!tpu.dma_semaphore, #tpu.memory_space<semaphore_mem>>, %arg15: memref<!tpu.dma_semaphore, #tpu.memory_space<semaphore_mem>>, %arg16: memref<!tpu.dma_semaphore, #tpu.memory_space<semaphore_mem>>, %arg17: memref<!tpu.dma_semaphore, #tpu.memory_space<semaphore_mem>>, %arg18: memref<!tpu.dma_semaphore, #tpu.memory_space<semaphore_mem>>) attributes {dimension_semantics = [#tpu.dimension_semantics<core_parallel>, #tpu.dimension_semantics<subcore_parallel>], iteration_bounds = array<i64: 2, 16>, scalar_prefetch = 0 : i64, scratch_operands = 14 : i64, tpu.core_type = #tpu.core_type<sc_vector_subcore>, window_params = [{transform_indices = #map}, {transform_indices = #map1}, {transform_indices = #map1}]} {
    %mul3A = arith.constant 2 : i32
    %mul3A_0 = arith.muli %arg1, %mul3A : i32
    %add3A = arith.addi %mul3A_0, %arg0 : i32
    %mul3A_1 = arith.constant 3072 : i32
    %mul3A_2 = arith.muli %add3A, %mul3A_1 : i32
    "tpu.region"() ({
      %run_scoped3A = tpu.sem_alloc : memref<!tpu.dma_semaphore, #tpu.memory_space<semaphore_mem>>
      %dma_start3A = tpu.memref_slice %arg2[%mul3A_2] : memref<98304xi32, #tpu.memory_space<hbm>> -> memref<3072xi32, #tpu.memory_space<hbm>>
      %dma_start3A_16 = tpu.memref_slice %arg2[%mul3A_2] : memref<98304xi32, #tpu.memory_space<hbm>> -> memref<3072xi32, #tpu.memory_space<hbm>>
      tpu.enqueue_dma source(%dma_start3A_16 : memref<3072xi32, #tpu.memory_space<hbm>>) target(%arg5 : memref<3072xi32, #tpu.memory_space<vmem>>) target_semaphore(%run_scoped3A : memref<!tpu.dma_semaphore, #tpu.memory_space<semaphore_mem>>)
      %dma_wait3A = tpu.memref_slice %arg2[%mul3A_2] : memref<98304xi32, #tpu.memory_space<hbm>> -> memref<3072xi32, #tpu.memory_space<hbm>>
      %dma_wait3A_17 = tpu.memref_slice %arg2[%mul3A_2] : memref<98304xi32, #tpu.memory_space<hbm>> -> memref<3072xi32, #tpu.memory_space<hbm>>
      tpu.wait_dma2 semaphore(%run_scoped3A : memref<!tpu.dma_semaphore, #tpu.memory_space<semaphore_mem>>) src(%dma_wait3A_17 : memref<3072xi32, #tpu.memory_space<hbm>>) dst(%arg5 : memref<3072xi32, #tpu.memory_space<vmem>>)
      tpu.yield
    }) : () -> ()
    %iota3A = tpu.iota {dimensions = array<i32: 0>} : vector<16xi32>
    %scan3A = arith.constant 0 : i32
    %scan3A_3 = arith.constant 0 : i32
    %scan3A_4 = arith.constant 192 : i32
    %scan3A_5 = arith.addi %scan3A_3, %scan3A_4 : i32
    %scan3A_6 = arith.constant 8 : i32
    %scan3A_7 = scf.for %scan3A_16 = %scan3A_3 to %scan3A_5 step %scan3A_6 iter_args(%scan3A_17 = %scan3A) -> (i32)  : i32 {
      %mul3A_18 = arith.constant 16 : i32
      %mul3A_19 = arith.muli %scan3A_16, %mul3A_18 : i32
      %add3A_20 = arith.addi %mul3A_2, %mul3A_19 : i32
      %add3A_21 = vector.broadcast %add3A_20 : i32 to vector<16xi32>
      %add3A_22 = arith.addi %add3A_21, %iota3A : vector<16xi32>
      %mul3A_23 = arith.constant 16 : i32
      %mul3A_24 = arith.muli %scan3A_16, %mul3A_23 : i32
      %get3A = arith.index_cast %mul3A_24 : i32 to index
      %get3A_25 = tpu.vector_load %arg5[%get3A] {strides = array<i32>} : memref<3072xi32, #tpu.memory_space<vmem>>, vector<16xi32>,
      %and3A = arith.constant -8192 : i32
      %and3A_26 = vector.broadcast %and3A : i32 to vector<16xi32>
      %and3A_27 = arith.andi %add3A_22, %and3A_26 : vector<16xi32>
      %add3A_28 = arith.addi %get3A_25, %and3A_27 : vector<16xi32>
      %mul3A_29 = arith.constant 16 : i32
      %mul3A_30 = arith.muli %scan3A_16, %mul3A_29 : i32
      %swap3A = arith.index_cast %mul3A_30 : i32 to index
      %swap3A_31 = tpu.vector_load %arg6[%swap3A] {strides = array<i32>} : memref<3072xi32, #tpu.memory_space<vmem>>, vector<16xi32>,
      tpu.vector_store %arg6[%swap3A], %add3A_28 {strides = array<i32>} : memref<3072xi32, #tpu.memory_space<vmem>>, vector<16xi32>,
      %scan3A_32 = arith.constant 0 : i32
      %scan3A_33 = arith.constant 1 : i32
      %scan3A_34 = arith.addi %scan3A_16, %scan3A_33 : i32
      %mul3A_35 = arith.constant 16 : i32
      %mul3A_36 = arith.muli %scan3A_34, %mul3A_35 : i32
      %add3A_37 = arith.addi %mul3A_2, %mul3A_36 : i32
      %add3A_38 = vector.broadcast %add3A_37 : i32 to vector<16xi32>
      %add3A_39 = arith.addi %add3A_38, %iota3A : vector<16xi32>
      %mul3A_40 = arith.constant 16 : i32
      %mul3A_41 = arith.muli %scan3A_34, %mul3A_40 : i32
      %get3A_42 = arith.index_cast %mul3A_41 : i32 to index
      %get3A_43 = tpu.vector_load %arg5[%get3A_42] {strides = array<i32>} : memref<3072xi32, #tpu.memory_space<vmem>>, vector<16xi32>,
      %and3A_44 = arith.constant -8192 : i32
      %and3A_45 = vector.broadcast %and3A_44 : i32 to vector<16xi32>
      %and3A_46 = arith.andi %add3A_39, %and3A_45 : vector<16xi32>
      %add3A_47 = arith.addi %get3A_43, %and3A_46 : vector<16xi32>
      %mul3A_48 = arith.constant 16 : i32
      %mul3A_49 = arith.muli %scan3A_34, %mul3A_48 : i32
      %swap3A_50 = arith.index_cast %mul3A_49 : i32 to index
      %swap3A_51 = tpu.vector_load %arg6[%swap3A_50] {strides = array<i32>} : memref<3072xi32, #tpu.memory_space<vmem>>, vector<16xi32>,
      tpu.vector_store %arg6[%swap3A_50], %add3A_47 {strides = array<i32>} : memref<3072xi32, #tpu.memory_space<vmem>>, vector<16xi32>,
      %scan3A_52 = arith.constant 0 : i32
      %scan3A_53 = arith.constant 2 : i32
      %scan3A_54 = arith.addi %scan3A_16, %scan3A_53 : i32
      %mul3A_55 = arith.constant 16 : i32
      %mul3A_56 = arith.muli %scan3A_54, %mul3A_55 : i32
      %add3A_57 = arith.addi %mul3A_2, %mul3A_56 : i32
      %add3A_58 = vector.broadcast %add3A_57 : i32 to vector<16xi32>
      %add3A_59 = arith.addi %add3A_58, %iota3A : vector<16xi32>
      %mul3A_60 = arith.constant 16 : i32
      %mul3A_61 = arith.muli %scan3A_54, %mul3A_60 : i32
      %get3A_62 = arith.index_cast %mul3A_61 : i32 to index
      %get3A_63 = tpu.vector_load %arg5[%get3A_62] {strides = array<i32>} : memref<3072xi32, #tpu.memory_space<vmem>>, vector<16xi32>,
      %and3A_64 = arith.constant -8192 : i32
      %and3A_65 = vector.broadcast %and3A_64 : i32 to vector<16xi32>
      %and3A_66 = arith.andi %add3A_59, %and3A_65 : vector<16xi32>
      %add3A_67 = arith.addi %get3A_63, %and3A_66 : vector<16xi32>
      %mul3A_68 = arith.constant 16 : i32
      %mul3A_69 = arith.muli %scan3A_54, %mul3A_68 : i32
      %swap3A_70 = arith.index_cast %mul3A_69 : i32 to index
      %swap3A_71 = tpu.vector_load %arg6[%swap3A_70] {strides = array<i32>} : memref<3072xi32, #tpu.memory_space<vmem>>, vector<16xi32>,
      tpu.vector_store %arg6[%swap3A_70], %add3A_67 {strides = array<i32>} : memref<3072xi32, #tpu.memory_space<vmem>>, vector<16xi32>,
      %scan3A_72 = arith.constant 0 : i32
      %scan3A_73 = arith.constant 3 : i32
      %scan3A_74 = arith.addi %scan3A_16, %scan3A_73 : i32
      %mul3A_75 = arith.constant 16 : i32
      %mul3A_76 = arith.muli %scan3A_74, %mul3A_75 : i32
      %add3A_77 = arith.addi %mul3A_2, %mul3A_76 : i32
      %add3A_78 = vector.broadcast %add3A_77 : i32 to vector<16xi32>
      %add3A_79 = arith.addi %add3A_78, %iota3A : vector<16xi32>
      %mul3A_80 = arith.constant 16 : i32
      %mul3A_81 = arith.muli %scan3A_74, %mul3A_80 : i32
      %get3A_82 = arith.index_cast %mul3A_81 : i32 to index
      %get3A_83 = tpu.vector_load %arg5[%get3A_82] {strides = array<i32>} : memref<3072xi32, #tpu.memory_space<vmem>>, vector<16xi32>,
      %and3A_84 = arith.constant -8192 : i32
      %and3A_85 = vector.broadcast %and3A_84 : i32 to vector<16xi32>
      %and3A_86 = arith.andi %add3A_79, %and3A_85 : vector<16xi32>
      %add3A_87 = arith.addi %get3A_83, %and3A_86 : vector<16xi32>
      %mul3A_88 = arith.constant 16 : i32
      %mul3A_89 = arith.muli %scan3A_74, %mul3A_88 : i32
      %swap3A_90 = arith.index_cast %mul3A_89 : i32 to index
      %swap3A_91 = tpu.vector_load %arg6[%swap3A_90] {strides = array<i32>} : memref<3072xi32, #tpu.memory_space<vmem>>, vector<16xi32>,
      tpu.vector_store %arg6[%swap3A_90], %add3A_87 {strides = array<i32>} : memref<3072xi32, #tpu.memory_space<vmem>>, vector<16xi32>,
      %scan3A_92 = arith.constant 0 : i32
      %scan3A_93 = arith.constant 4 : i32
      %scan3A_94 = arith.addi %scan3A_16, %scan3A_93 : i32
      %mul3A_95 = arith.constant 16 : i32
      %mul3A_96 = arith.muli %scan3A_94, %mul3A_95 : i32
      %add3A_97 = arith.addi %mul3A_2, %mul3A_96 : i32
      %add3A_98 = vector.broadcast %add3A_97 : i32 to vector<16xi32>
      %add3A_99 = arith.addi %add3A_98, %iota3A : vector<16xi32>
      %mul3A_100 = arith.constant 16 : i32
      %mul3A_101 = arith.muli %scan3A_94, %mul3A_100 : i32
      %get3A_102 = arith.index_cast %mul3A_101 : i32 to index
      %get3A_103 = tpu.vector_load %arg5[%get3A_102] {strides = array<i32>} : memref<3072xi32, #tpu.memory_space<vmem>>, vector<16xi32>,
      %and3A_104 = arith.constant -8192 : i32
      %and3A_105 = vector.broadcast %and3A_104 : i32 to vector<16xi32>
      %and3A_106 = arith.andi %add3A_99, %and3A_105 : vector<16xi32>
      %add3A_107 = arith.addi %get3A_103, %and3A_106 : vector<16xi32>
      %mul3A_108 = arith.constant 16 : i32
      %mul3A_109 = arith.muli %scan3A_94, %mul3A_108 : i32
      %swap3A_110 = arith.index_cast %mul3A_109 : i32 to index
      %swap3A_111 = tpu.vector_load %arg6[%swap3A_110] {strides = array<i32>} : memref<3072xi32, #tpu.memory_space<vmem>>, vector<16xi32>,
      tpu.vector_store %arg6[%swap3A_110], %add3A_107 {strides = array<i32>} : memref<3072xi32, #tpu.memory_space<vmem>>, vector<16xi32>,
      %scan3A_112 = arith.constant 0 : i32
      %scan3A_113 = arith.constant 5 : i32
      %scan3A_114 = arith.addi %scan3A_16, %scan3A_113 : i32
      %mul3A_115 = arith.constant 16 : i32
      %mul3A_116 = arith.muli %scan3A_114, %mul3A_115 : i32
      %add3A_117 = arith.addi %mul3A_2, %mul3A_116 : i32
      %add3A_118 = vector.broadcast %add3A_117 : i32 to vector<16xi32>
      %add3A_119 = arith.addi %add3A_118, %iota3A : vector<16xi32>
      %mul3A_120 = arith.constant 16 : i32
      %mul3A_121 = arith.muli %scan3A_114, %mul3A_120 : i32
      %get3A_122 = arith.index_cast %mul3A_121 : i32 to index
      %get3A_123 = tpu.vector_load %arg5[%get3A_122] {strides = array<i32>} : memref<3072xi32, #tpu.memory_space<vmem>>, vector<16xi32>,
      %and3A_124 = arith.constant -8192 : i32
      %and3A_125 = vector.broadcast %and3A_124 : i32 to vector<16xi32>
      %and3A_126 = arith.andi %add3A_119, %and3A_125 : vector<16xi32>
      %add3A_127 = arith.addi %get3A_123, %and3A_126 : vector<16xi32>
      %mul3A_128 = arith.constant 16 : i32
      %mul3A_129 = arith.muli %scan3A_114, %mul3A_128 : i32
      %swap3A_130 = arith.index_cast %mul3A_129 : i32 to index
      %swap3A_131 = tpu.vector_load %arg6[%swap3A_130] {strides = array<i32>} : memref<3072xi32, #tpu.memory_space<vmem>>, vector<16xi32>,
      tpu.vector_store %arg6[%swap3A_130], %add3A_127 {strides = array<i32>} : memref<3072xi32, #tpu.memory_space<vmem>>, vector<16xi32>,
      %scan3A_132 = arith.constant 0 : i32
      %scan3A_133 = arith.constant 6 : i32
      %scan3A_134 = arith.addi %scan3A_16, %scan3A_133 : i32
      %mul3A_135 = arith.constant 16 : i32
      %mul3A_136 = arith.muli %scan3A_134, %mul3A_135 : i32
      %add3A_137 = arith.addi %mul3A_2, %mul3A_136 : i32
      %add3A_138 = vector.broadcast %add3A_137 : i32 to vector<16xi32>
      %add3A_139 = arith.addi %add3A_138, %iota3A : vector<16xi32>
      %mul3A_140 = arith.constant 16 : i32
      %mul3A_141 = arith.muli %scan3A_134, %mul3A_140 : i32
      %get3A_142 = arith.index_cast %mul3A_141 : i32 to index
      %get3A_143 = tpu.vector_load %arg5[%get3A_142] {strides = array<i32>} : memref<3072xi32, #tpu.memory_space<vmem>>, vector<16xi32>,
      %and3A_144 = arith.constant -8192 : i32
      %and3A_145 = vector.broadcast %and3A_144 : i32 to vector<16xi32>
      %and3A_146 = arith.andi %add3A_139, %and3A_145 : vector<16xi32>
      %add3A_147 = arith.addi %get3A_143, %and3A_146 : vector<16xi32>
      %mul3A_148 = arith.constant 16 : i32
      %mul3A_149 = arith.muli %scan3A_134, %mul3A_148 : i32
      %swap3A_150 = arith.index_cast %mul3A_149 : i32 to index
      %swap3A_151 = tpu.vector_load %arg6[%swap3A_150] {strides = array<i32>} : memref<3072xi32, #tpu.memory_space<vmem>>, vector<16xi32>,
      tpu.vector_store %arg6[%swap3A_150], %add3A_147 {strides = array<i32>} : memref<3072xi32, #tpu.memory_space<vmem>>, vector<16xi32>,
      %scan3A_152 = arith.constant 0 : i32
      %scan3A_153 = arith.constant 7 : i32
      %scan3A_154 = arith.addi %scan3A_16, %scan3A_153 : i32
      %mul3A_155 = arith.constant 16 : i32
      %mul3A_156 = arith.muli %scan3A_154, %mul3A_155 : i32
      %add3A_157 = arith.addi %mul3A_2, %mul3A_156 : i32
      %add3A_158 = vector.broadcast %add3A_157 : i32 to vector<16xi32>
      %add3A_159 = arith.addi %add3A_158, %iota3A : vector<16xi32>
      %mul3A_160 = arith.constant 16 : i32
      %mul3A_161 = arith.muli %scan3A_154, %mul3A_160 : i32
      %get3A_162 = arith.index_cast %mul3A_161 : i32 to index
      %get3A_163 = tpu.vector_load %arg5[%get3A_162] {strides = array<i32>} : memref<3072xi32, #tpu.memory_space<vmem>>, vector<16xi32>,
      %and3A_164 = arith.constant -8192 : i32
      %and3A_165 = vector.broadcast %and3A_164 : i32 to vector<16xi32>
      %and3A_166 = arith.andi %add3A_159, %and3A_165 : vector<16xi32>
      %add3A_167 = arith.addi %get3A_163, %and3A_166 : vector<16xi32>
      %mul3A_168 = arith.constant 16 : i32
      %mul3A_169 = arith.muli %scan3A_154, %mul3A_168 : i32
      %swap3A_170 = arith.index_cast %mul3A_169 : i32 to index
      %swap3A_171 = tpu.vector_load %arg6[%swap3A_170] {strides = array<i32>} : memref<3072xi32, #tpu.memory_space<vmem>>, vector<16xi32>,
      tpu.vector_store %arg6[%swap3A_170], %add3A_167 {strides = array<i32>} : memref<3072xi32, #tpu.memory_space<vmem>>, vector<16xi32>,
      %scan3A_172 = arith.constant 0 : i32
      scf.yield %scan3A_172 : i32
    }
    %scan3A_8 = arith.constant 192 : i32
    %scan3A_9 = arith.constant 0 : i32
    %scan3A_10 = arith.constant 0 : i32
    %scan3A_11 = arith.constant 6 : i32
    %scan3A_12 = arith.addi %scan3A_10, %scan3A_11 : i32
    %scan3A_13 = arith.constant 1 : i32
    %scan3A_14 = scf.for %scan3A_16 = %scan3A_10 to %scan3A_12 step %scan3A_13 iter_args(%scan3A_17 = %scan3A_9) -> (i32)  : i32 {
      %mul3A_18 = arith.constant 4 : i32
      %mul3A_19 = arith.muli %scan3A_16, %mul3A_18 : i32
      %add3A_20 = arith.constant 0 : i32
      %add3A_21 = arith.addi %mul3A_19, %add3A_20 : i32
      %mul3A_22 = arith.constant 128 : i32
      %mul3A_23 = arith.muli %add3A_21, %mul3A_22 : i32
      %dma_start3A = tpu.memref_slice %arg6[%mul3A_23] : memref<3072xi32, #tpu.memory_space<vmem>> -> memref<128xi32, #tpu.memory_space<vmem>>
      %dma_start3A_24 = arith.constant 0 : i32
      %dma_start3A_25 = arith.constant 0 : i32
      %dma_start3A_26 = tpu.memref_slice %arg3[%dma_start3A_24, %dma_start3A_25] : memref<98304x128xf32, #tpu.memory_space<hbm>> -> memref<98304x128xf32, #tpu.memory_space<hbm>>
      tpu.enqueue_indirect_dma source(%dma_start3A_26 : memref<98304x128xf32, #tpu.memory_space<hbm>>) target(%arg7 : memref<128x128xf32, #tpu.memory_space<vmem>>) offsets(%dma_start3A : memref<128xi32, #tpu.memory_space<vmem>>) semaphore(%arg11 : memref<!tpu.dma_semaphore, #tpu.memory_space<semaphore_mem>>)
      %add3A_27 = arith.constant 1 : i32
      %add3A_28 = arith.addi %mul3A_19, %add3A_27 : i32
      %mul3A_29 = arith.constant 128 : i32
      %mul3A_30 = arith.muli %add3A_28, %mul3A_29 : i32
      %dma_start3A_31 = tpu.memref_slice %arg6[%mul3A_30] : memref<3072xi32, #tpu.memory_space<vmem>> -> memref<128xi32, #tpu.memory_space<vmem>>
      %dma_start3A_32 = arith.constant 0 : i32
      %dma_start3A_33 = arith.constant 0 : i32
      %dma_start3A_34 = tpu.memref_slice %arg3[%dma_start3A_32, %dma_start3A_33] : memref<98304x128xf32, #tpu.memory_space<hbm>> -> memref<98304x128xf32, #tpu.memory_space<hbm>>
      tpu.enqueue_indirect_dma source(%dma_start3A_34 : memref<98304x128xf32, #tpu.memory_space<hbm>>) target(%arg8 : memref<128x128xf32, #tpu.memory_space<vmem>>) offsets(%dma_start3A_31 : memref<128xi32, #tpu.memory_space<vmem>>) semaphore(%arg12 : memref<!tpu.dma_semaphore, #tpu.memory_space<semaphore_mem>>)
      %add3A_35 = arith.constant 2 : i32
      %add3A_36 = arith.addi %mul3A_19, %add3A_35 : i32
      %mul3A_37 = arith.constant 128 : i32
      %mul3A_38 = arith.muli %add3A_36, %mul3A_37 : i32
      %dma_start3A_39 = tpu.memref_slice %arg6[%mul3A_38] : memref<3072xi32, #tpu.memory_space<vmem>> -> memref<128xi32, #tpu.memory_space<vmem>>
      %dma_start3A_40 = arith.constant 0 : i32
      %dma_start3A_41 = arith.constant 0 : i32
      %dma_start3A_42 = tpu.memref_slice %arg3[%dma_start3A_40, %dma_start3A_41] : memref<98304x128xf32, #tpu.memory_space<hbm>> -> memref<98304x128xf32, #tpu.memory_space<hbm>>
      tpu.enqueue_indirect_dma source(%dma_start3A_42 : memref<98304x128xf32, #tpu.memory_space<hbm>>) target(%arg9 : memref<128x128xf32, #tpu.memory_space<vmem>>) offsets(%dma_start3A_39 : memref<128xi32, #tpu.memory_space<vmem>>) semaphore(%arg13 : memref<!tpu.dma_semaphore, #tpu.memory_space<semaphore_mem>>)
      %add3A_43 = arith.constant 3 : i32
      %add3A_44 = arith.addi %mul3A_19, %add3A_43 : i32
      %mul3A_45 = arith.constant 128 : i32
      %mul3A_46 = arith.muli %add3A_44, %mul3A_45 : i32
      %dma_start3A_47 = tpu.memref_slice %arg6[%mul3A_46] : memref<3072xi32, #tpu.memory_space<vmem>> -> memref<128xi32, #tpu.memory_space<vmem>>
      %dma_start3A_48 = arith.constant 0 : i32
      %dma_start3A_49 = arith.constant 0 : i32
      %dma_start3A_50 = tpu.memref_slice %arg3[%dma_start3A_48, %dma_start3A_49] : memref<98304x128xf32, #tpu.memory_space<hbm>> -> memref<98304x128xf32, #tpu.memory_space<hbm>>
      tpu.enqueue_indirect_dma source(%dma_start3A_50 : memref<98304x128xf32, #tpu.memory_space<hbm>>) target(%arg10 : memref<128x128xf32, #tpu.memory_space<vmem>>) offsets(%dma_start3A_47 : memref<128xi32, #tpu.memory_space<vmem>>) semaphore(%arg14 : memref<!tpu.dma_semaphore, #tpu.memory_space<semaphore_mem>>)
      %dma_wait3A = tpu.memref_slice %arg6[%mul3A_23] : memref<3072xi32, #tpu.memory_space<vmem>> -> memref<128xi32, #tpu.memory_space<vmem>>
      %dma_wait3A_51 = arith.constant 0 : i32
      %dma_wait3A_52 = arith.constant 0 : i32
      %dma_wait3A_53 = tpu.memref_slice %arg3[%dma_wait3A_51, %dma_wait3A_52] : memref<98304x128xf32, #tpu.memory_space<hbm>> -> memref<98304x128xf32, #tpu.memory_space<hbm>>
      tpu.wait_indirect_dma semaphore(%arg11 : memref<!tpu.dma_semaphore, #tpu.memory_space<semaphore_mem>>) src(%dma_wait3A_53 : memref<98304x128xf32, #tpu.memory_space<hbm>>) dst(%arg7 : memref<128x128xf32, #tpu.memory_space<vmem>>)
      %add3A_54 = arith.constant 0 : i32
      %add3A_55 = arith.addi %mul3A_19, %add3A_54 : i32
      %mul3A_56 = arith.constant 128 : i32
      %mul3A_57 = arith.muli %add3A_55, %mul3A_56 : i32
      %add3A_58 = arith.addi %mul3A_2, %mul3A_57 : i32
      %dma_start3A_59 = arith.constant 0 : i32
      %dma_start3A_60 = tpu.memref_slice %arg4[%add3A_58, %dma_start3A_59] : memref<98304x128xf32, #tpu.memory_space<hbm>> -> memref<128x128xf32, #tpu.memory_space<hbm>>
      %dma_start3A_61 = arith.constant 0 : i32
      %dma_start3A_62 = tpu.memref_slice %arg4[%add3A_58, %dma_start3A_61] : memref<98304x128xf32, #tpu.memory_space<hbm>> -> memref<128x128xf32, #tpu.memory_space<hbm>>
      tpu.enqueue_dma source(%arg7 : memref<128x128xf32, #tpu.memory_space<vmem>>) target(%dma_start3A_62 : memref<128x128xf32, #tpu.memory_space<hbm>>) target_semaphore(%arg15 : memref<!tpu.dma_semaphore, #tpu.memory_space<semaphore_mem>>)
      %dma_wait3A_63 = tpu.memref_slice %arg6[%mul3A_30] : memref<3072xi32, #tpu.memory_space<vmem>> -> memref<128xi32, #tpu.memory_space<vmem>>
      %dma_wait3A_64 = arith.constant 0 : i32
      %dma_wait3A_65 = arith.constant 0 : i32
      %dma_wait3A_66 = tpu.memref_slice %arg3[%dma_wait3A_64, %dma_wait3A_65] : memref<98304x128xf32, #tpu.memory_space<hbm>> -> memref<98304x128xf32, #tpu.memory_space<hbm>>
      tpu.wait_indirect_dma semaphore(%arg12 : memref<!tpu.dma_semaphore, #tpu.memory_space<semaphore_mem>>) src(%dma_wait3A_66 : memref<98304x128xf32, #tpu.memory_space<hbm>>) dst(%arg8 : memref<128x128xf32, #tpu.memory_space<vmem>>)
      %add3A_67 = arith.constant 1 : i32
      %add3A_68 = arith.addi %mul3A_19, %add3A_67 : i32
      %mul3A_69 = arith.constant 128 : i32
      %mul3A_70 = arith.muli %add3A_68, %mul3A_69 : i32
      %add3A_71 = arith.addi %mul3A_2, %mul3A_70 : i32
      %dma_start3A_72 = arith.constant 0 : i32
      %dma_start3A_73 = tpu.memref_slice %arg4[%add3A_71, %dma_start3A_72] : memref<98304x128xf32, #tpu.memory_space<hbm>> -> memref<128x128xf32, #tpu.memory_space<hbm>>
      %dma_start3A_74 = arith.constant 0 : i32
      %dma_start3A_75 = tpu.memref_slice %arg4[%add3A_71, %dma_start3A_74] : memref<98304x128xf32, #tpu.memory_space<hbm>> -> memref<128x128xf32, #tpu.memory_space<hbm>>
      tpu.enqueue_dma source(%arg8 : memref<128x128xf32, #tpu.memory_space<vmem>>) target(%dma_start3A_75 : memref<128x128xf32, #tpu.memory_space<hbm>>) target_semaphore(%arg16 : memref<!tpu.dma_semaphore, #tpu.memory_space<semaphore_mem>>)
      %dma_wait3A_76 = tpu.memref_slice %arg6[%mul3A_38] : memref<3072xi32, #tpu.memory_space<vmem>> -> memref<128xi32, #tpu.memory_space<vmem>>
      %dma_wait3A_77 = arith.constant 0 : i32
      %dma_wait3A_78 = arith.constant 0 : i32
      %dma_wait3A_79 = tpu.memref_slice %arg3[%dma_wait3A_77, %dma_wait3A_78] : memref<98304x128xf32, #tpu.memory_space<hbm>> -> memref<98304x128xf32, #tpu.memory_space<hbm>>
      tpu.wait_indirect_dma semaphore(%arg13 : memref<!tpu.dma_semaphore, #tpu.memory_space<semaphore_mem>>) src(%dma_wait3A_79 : memref<98304x128xf32, #tpu.memory_space<hbm>>) dst(%arg9 : memref<128x128xf32, #tpu.memory_space<vmem>>)
      %add3A_80 = arith.constant 2 : i32
      %add3A_81 = arith.addi %mul3A_19, %add3A_80 : i32
      %mul3A_82 = arith.constant 128 : i32
      %mul3A_83 = arith.muli %add3A_81, %mul3A_82 : i32
      %add3A_84 = arith.addi %mul3A_2, %mul3A_83 : i32
      %dma_start3A_85 = arith.constant 0 : i32
      %dma_start3A_86 = tpu.memref_slice %arg4[%add3A_84, %dma_start3A_85] : memref<98304x128xf32, #tpu.memory_space<hbm>> -> memref<128x128xf32, #tpu.memory_space<hbm>>
      %dma_start3A_87 = arith.constant 0 : i32
      %dma_start3A_88 = tpu.memref_slice %arg4[%add3A_84, %dma_start3A_87] : memref<98304x128xf32, #tpu.memory_space<hbm>> -> memref<128x128xf32, #tpu.memory_space<hbm>>
      tpu.enqueue_dma source(%arg9 : memref<128x128xf32, #tpu.memory_space<vmem>>) target(%dma_start3A_88 : memref<128x128xf32, #tpu.memory_space<hbm>>) target_semaphore(%arg17 : memref<!tpu.dma_semaphore, #tpu.memory_space<semaphore_mem>>)
      %dma_wait3A_89 = tpu.memref_slice %arg6[%mul3A_46] : memref<3072xi32, #tpu.memory_space<vmem>> -> memref<128xi32, #tpu.memory_space<vmem>>
      %dma_wait3A_90 = arith.constant 0 : i32
      %dma_wait3A_91 = arith.constant 0 : i32
      %dma_wait3A_92 = tpu.memref_slice %arg3[%dma_wait3A_90, %dma_wait3A_91] : memref<98304x128xf32, #tpu.memory_space<hbm>> -> memref<98304x128xf32, #tpu.memory_space<hbm>>
      tpu.wait_indirect_dma semaphore(%arg14 : memref<!tpu.dma_semaphore, #tpu.memory_space<semaphore_mem>>) src(%dma_wait3A_92 : memref<98304x128xf32, #tpu.memory_space<hbm>>) dst(%arg10 : memref<128x128xf32, #tpu.memory_space<vmem>>)
      %add3A_93 = arith.constant 3 : i32
      %add3A_94 = arith.addi %mul3A_19, %add3A_93 : i32
      %mul3A_95 = arith.constant 128 : i32
      %mul3A_96 = arith.muli %add3A_94, %mul3A_95 : i32
      %add3A_97 = arith.addi %mul3A_2, %mul3A_96 : i32
      %dma_start3A_98 = arith.constant 0 : i32
      %dma_start3A_99 = tpu.memref_slice %arg4[%add3A_97, %dma_start3A_98] : memref<98304x128xf32, #tpu.memory_space<hbm>> -> memref<128x128xf32, #tpu.memory_space<hbm>>
      %dma_start3A_100 = arith.constant 0 : i32
      %dma_start3A_101 = tpu.memref_slice %arg4[%add3A_97, %dma_start3A_100] : memref<98304x128xf32, #tpu.memory_space<hbm>> -> memref<128x128xf32, #tpu.memory_space<hbm>>
      tpu.enqueue_dma source(%arg10 : memref<128x128xf32, #tpu.memory_space<vmem>>) target(%dma_start3A_101 : memref<128x128xf32, #tpu.memory_space<hbm>>) target_semaphore(%arg18 : memref<!tpu.dma_semaphore, #tpu.memory_space<semaphore_mem>>)
      %dma_wait3A_102 = arith.constant 0 : i32
      %dma_wait3A_103 = tpu.memref_slice %arg4[%add3A_58, %dma_wait3A_102] : memref<98304x128xf32, #tpu.memory_space<hbm>> -> memref<128x128xf32, #tpu.memory_space<hbm>>
      %dma_wait3A_104 = arith.constant 0 : i32
      %dma_wait3A_105 = tpu.memref_slice %arg4[%add3A_58, %dma_wait3A_104] : memref<98304x128xf32, #tpu.memory_space<hbm>> -> memref<128x128xf32, #tpu.memory_space<hbm>>
      tpu.wait_dma2 semaphore(%arg15 : memref<!tpu.dma_semaphore, #tpu.memory_space<semaphore_mem>>) src(%arg7 : memref<128x128xf32, #tpu.memory_space<vmem>>) dst(%dma_wait3A_105 : memref<128x128xf32, #tpu.memory_space<hbm>>)
      %dma_wait3A_106 = arith.constant 0 : i32
      %dma_wait3A_107 = tpu.memref_slice %arg4[%add3A_71, %dma_wait3A_106] : memref<98304x128xf32, #tpu.memory_space<hbm>> -> memref<128x128xf32, #tpu.memory_space<hbm>>
      %dma_wait3A_108 = arith.constant 0 : i32
      %dma_wait3A_109 = tpu.memref_slice %arg4[%add3A_71, %dma_wait3A_108] : memref<98304x128xf32, #tpu.memory_space<hbm>> -> memref<128x128xf32, #tpu.memory_space<hbm>>
      tpu.wait_dma2 semaphore(%arg16 : memref<!tpu.dma_semaphore, #tpu.memory_space<semaphore_mem>>) src(%arg8 : memref<128x128xf32, #tpu.memory_space<vmem>>) dst(%dma_wait3A_109 : memref<128x128xf32, #tpu.memory_space<hbm>>)
      %dma_wait3A_110 = arith.constant 0 : i32
      %dma_wait3A_111 = tpu.memref_slice %arg4[%add3A_84, %dma_wait3A_110] : memref<98304x128xf32, #tpu.memory_space<hbm>> -> memref<128x128xf32, #tpu.memory_space<hbm>>
      %dma_wait3A_112 = arith.constant 0 : i32
      %dma_wait3A_113 = tpu.memref_slice %arg4[%add3A_84, %dma_wait3A_112] : memref<98304x128xf32, #tpu.memory_space<hbm>> -> memref<128x128xf32, #tpu.memory_space<hbm>>
      tpu.wait_dma2 semaphore(%arg17 : memref<!tpu.dma_semaphore, #tpu.memory_space<semaphore_mem>>) src(%arg9 : memref<128x128xf32, #tpu.memory_space<vmem>>) dst(%dma_wait3A_113 : memref<128x128xf32, #tpu.memory_space<hbm>>)
      %dma_wait3A_114 = arith.constant 0 : i32
      %dma_wait3A_115 = tpu.memref_slice %arg4[%add3A_97, %dma_wait3A_114] : memref<98304x128xf32, #tpu.memory_space<hbm>> -> memref<128x128xf32, #tpu.memory_space<hbm>>
      %dma_wait3A_116 = arith.constant 0 : i32
      %dma_wait3A_117 = tpu.memref_slice %arg4[%add3A_97, %dma_wait3A_116] : memref<98304x128xf32, #tpu.memory_space<hbm>> -> memref<128x128xf32, #tpu.memory_space<hbm>>
      tpu.wait_dma2 semaphore(%arg18 : memref<!tpu.dma_semaphore, #tpu.memory_space<semaphore_mem>>) src(%arg10 : memref<128x128xf32, #tpu.memory_space<vmem>>) dst(%dma_wait3A_117 : memref<128x128xf32, #tpu.memory_space<hbm>>)
      %scan3A_118 = arith.constant 0 : i32
      scf.yield %scan3A_118 : i32
    }
    %scan3A_15 = arith.constant 6 : i32
    return
  }
}

#map = affine_map<(d0, d1) -> (0)>
#map1 = affine_map<(d0, d1) -> (0, 0)>
module attributes {stable_mosaic.version = 14 : i64} {
  func.func @_unsort_body(%arg0: i32, %arg1: i32, %arg2: memref<98304xi32, #tpu.memory_space<hbm>>, %arg3: memref<98304x128xf32, #tpu.memory_space<hbm>>, %arg4: memref<98304x128xf32, #tpu.memory_space<hbm>>, %arg5: memref<3072xi32, #tpu.memory_space<vmem>>, %arg6: memref<3072xi32, #tpu.memory_space<vmem>>, %arg7: memref<128x128xf32, #tpu.memory_space<vmem>>, %arg8: memref<128x128xf32, #tpu.memory_space<vmem>>, %arg9: memref<128x128xf32, #tpu.memory_space<vmem>>, %arg10: memref<128x128xf32, #tpu.memory_space<vmem>>, %arg11: memref<!tpu.dma_semaphore, #tpu.memory_space<semaphore_mem>>, %arg12: memref<!tpu.dma_semaphore, #tpu.memory_space<semaphore_mem>>, %arg13: memref<!tpu.dma_semaphore, #tpu.memory_space<semaphore_mem>>, %arg14: memref<!tpu.dma_semaphore, #tpu.memory_space<semaphore_mem>>, %arg15: memref<!tpu.dma_semaphore, #tpu.memory_space<semaphore_mem>>, %arg16: memref<!tpu.dma_semaphore, #tpu.memory_space<semaphore_mem>>, %arg17: memref<!tpu.dma_semaphore, #tpu.memory_space<semaphore_mem>>, %arg18: memref<!tpu.dma_semaphore, #tpu.memory_space<semaphore_mem>>) attributes {dimension_semantics = [#tpu.dimension_semantics<core_parallel>, #tpu.dimension_semantics<subcore_parallel>], iteration_bounds = array<i64: 2, 16>, scalar_prefetch = 0 : i64, scratch_operands = 14 : i64, tpu.core_type = #tpu.core_type<sc_vector_subcore>, window_params = [{transform_indices = #map}, {transform_indices = #map1}, {transform_indices = #map1}]} {
    %mul3A = arith.constant 2 : i32
    %mul3A_0 = arith.muli %arg1, %mul3A : i32
    %add3A = arith.addi %mul3A_0, %arg0 : i32
    %mul3A_1 = arith.constant 3072 : i32
    %mul3A_2 = arith.muli %add3A, %mul3A_1 : i32
    "tpu.region"() ({
      %run_scoped3A = tpu.sem_alloc : memref<!tpu.dma_semaphore, #tpu.memory_space<semaphore_mem>>
      %dma_start3A = tpu.memref_slice %arg2[%mul3A_2] : memref<98304xi32, #tpu.memory_space<hbm>> -> memref<3072xi32, #tpu.memory_space<hbm>>
      %dma_start3A_16 = tpu.memref_slice %arg2[%mul3A_2] : memref<98304xi32, #tpu.memory_space<hbm>> -> memref<3072xi32, #tpu.memory_space<hbm>>
      tpu.enqueue_dma source(%dma_start3A_16 : memref<3072xi32, #tpu.memory_space<hbm>>) target(%arg5 : memref<3072xi32, #tpu.memory_space<vmem>>) target_semaphore(%run_scoped3A : memref<!tpu.dma_semaphore, #tpu.memory_space<semaphore_mem>>)
      %dma_wait3A = tpu.memref_slice %arg2[%mul3A_2] : memref<98304xi32, #tpu.memory_space<hbm>> -> memref<3072xi32, #tpu.memory_space<hbm>>
      %dma_wait3A_17 = tpu.memref_slice %arg2[%mul3A_2] : memref<98304xi32, #tpu.memory_space<hbm>> -> memref<3072xi32, #tpu.memory_space<hbm>>
      tpu.wait_dma2 semaphore(%run_scoped3A : memref<!tpu.dma_semaphore, #tpu.memory_space<semaphore_mem>>) src(%dma_wait3A_17 : memref<3072xi32, #tpu.memory_space<hbm>>) dst(%arg5 : memref<3072xi32, #tpu.memory_space<vmem>>)
      tpu.yield
    }) : () -> ()
    %iota3A = tpu.iota {dimensions = array<i32: 0>} : vector<16xi32>
    %scan3A = arith.constant 0 : i32
    %scan3A_3 = arith.constant 0 : i32
    %scan3A_4 = arith.constant 192 : i32
    %scan3A_5 = arith.addi %scan3A_3, %scan3A_4 : i32
    %scan3A_6 = arith.constant 8 : i32
    %scan3A_7 = scf.for %scan3A_16 = %scan3A_3 to %scan3A_5 step %scan3A_6 iter_args(%scan3A_17 = %scan3A) -> (i32)  : i32 {
      %mul3A_18 = arith.constant 16 : i32
      %mul3A_19 = arith.muli %scan3A_16, %mul3A_18 : i32
      %add3A_20 = arith.addi %mul3A_2, %mul3A_19 : i32
      %add3A_21 = vector.broadcast %add3A_20 : i32 to vector<16xi32>
      %add3A_22 = arith.addi %add3A_21, %iota3A : vector<16xi32>
      %mul3A_23 = arith.constant 16 : i32
      %mul3A_24 = arith.muli %scan3A_16, %mul3A_23 : i32
      %get3A = arith.index_cast %mul3A_24 : i32 to index
      %get3A_25 = tpu.vector_load %arg5[%get3A] {strides = array<i32>} : memref<3072xi32, #tpu.memory_space<vmem>>, vector<16xi32>,
      %and3A = arith.constant -8192 : i32
      %and3A_26 = vector.broadcast %and3A : i32 to vector<16xi32>
      %and3A_27 = arith.andi %add3A_22, %and3A_26 : vector<16xi32>
      %add3A_28 = arith.addi %get3A_25, %and3A_27 : vector<16xi32>
      %mul3A_29 = arith.constant 16 : i32
      %mul3A_30 = arith.muli %scan3A_16, %mul3A_29 : i32
      %swap3A = arith.index_cast %mul3A_30 : i32 to index
      %swap3A_31 = tpu.vector_load %arg6[%swap3A] {strides = array<i32>} : memref<3072xi32, #tpu.memory_space<vmem>>, vector<16xi32>,
      tpu.vector_store %arg6[%swap3A], %add3A_28 {strides = array<i32>} : memref<3072xi32, #tpu.memory_space<vmem>>, vector<16xi32>,
      %scan3A_32 = arith.constant 0 : i32
      %scan3A_33 = arith.constant 1 : i32
      %scan3A_34 = arith.addi %scan3A_16, %scan3A_33 : i32
      %mul3A_35 = arith.constant 16 : i32
      %mul3A_36 = arith.muli %scan3A_34, %mul3A_35 : i32
      %add3A_37 = arith.addi %mul3A_2, %mul3A_36 : i32
      %add3A_38 = vector.broadcast %add3A_37 : i32 to vector<16xi32>
      %add3A_39 = arith.addi %add3A_38, %iota3A : vector<16xi32>
      %mul3A_40 = arith.constant 16 : i32
      %mul3A_41 = arith.muli %scan3A_34, %mul3A_40 : i32
      %get3A_42 = arith.index_cast %mul3A_41 : i32 to index
      %get3A_43 = tpu.vector_load %arg5[%get3A_42] {strides = array<i32>} : memref<3072xi32, #tpu.memory_space<vmem>>, vector<16xi32>,
      %and3A_44 = arith.constant -8192 : i32
      %and3A_45 = vector.broadcast %and3A_44 : i32 to vector<16xi32>
      %and3A_46 = arith.andi %add3A_39, %and3A_45 : vector<16xi32>
      %add3A_47 = arith.addi %get3A_43, %and3A_46 : vector<16xi32>
      %mul3A_48 = arith.constant 16 : i32
      %mul3A_49 = arith.muli %scan3A_34, %mul3A_48 : i32
      %swap3A_50 = arith.index_cast %mul3A_49 : i32 to index
      %swap3A_51 = tpu.vector_load %arg6[%swap3A_50] {strides = array<i32>} : memref<3072xi32, #tpu.memory_space<vmem>>, vector<16xi32>,
      tpu.vector_store %arg6[%swap3A_50], %add3A_47 {strides = array<i32>} : memref<3072xi32, #tpu.memory_space<vmem>>, vector<16xi32>,
      %scan3A_52 = arith.constant 0 : i32
      %scan3A_53 = arith.constant 2 : i32
      %scan3A_54 = arith.addi %scan3A_16, %scan3A_53 : i32
      %mul3A_55 = arith.constant 16 : i32
      %mul3A_56 = arith.muli %scan3A_54, %mul3A_55 : i32
      %add3A_57 = arith.addi %mul3A_2, %mul3A_56 : i32
      %add3A_58 = vector.broadcast %add3A_57 : i32 to vector<16xi32>
      %add3A_59 = arith.addi %add3A_58, %iota3A : vector<16xi32>
      %mul3A_60 = arith.constant 16 : i32
      %mul3A_61 = arith.muli %scan3A_54, %mul3A_60 : i32
      %get3A_62 = arith.index_cast %mul3A_61 : i32 to index
      %get3A_63 = tpu.vector_load %arg5[%get3A_62] {strides = array<i32>} : memref<3072xi32, #tpu.memory_space<vmem>>, vector<16xi32>,
      %and3A_64 = arith.constant -8192 : i32
      %and3A_65 = vector.broadcast %and3A_64 : i32 to vector<16xi32>
      %and3A_66 = arith.andi %add3A_59, %and3A_65 : vector<16xi32>
      %add3A_67 = arith.addi %get3A_63, %and3A_66 : vector<16xi32>
      %mul3A_68 = arith.constant 16 : i32
      %mul3A_69 = arith.muli %scan3A_54, %mul3A_68 : i32
      %swap3A_70 = arith.index_cast %mul3A_69 : i32 to index
      %swap3A_71 = tpu.vector_load %arg6[%swap3A_70] {strides = array<i32>} : memref<3072xi32, #tpu.memory_space<vmem>>, vector<16xi32>,
      tpu.vector_store %arg6[%swap3A_70], %add3A_67 {strides = array<i32>} : memref<3072xi32, #tpu.memory_space<vmem>>, vector<16xi32>,
      %scan3A_72 = arith.constant 0 : i32
      %scan3A_73 = arith.constant 3 : i32
      %scan3A_74 = arith.addi %scan3A_16, %scan3A_73 : i32
      %mul3A_75 = arith.constant 16 : i32
      %mul3A_76 = arith.muli %scan3A_74, %mul3A_75 : i32
      %add3A_77 = arith.addi %mul3A_2, %mul3A_76 : i32
      %add3A_78 = vector.broadcast %add3A_77 : i32 to vector<16xi32>
      %add3A_79 = arith.addi %add3A_78, %iota3A : vector<16xi32>
      %mul3A_80 = arith.constant 16 : i32
      %mul3A_81 = arith.muli %scan3A_74, %mul3A_80 : i32
      %get3A_82 = arith.index_cast %mul3A_81 : i32 to index
      %get3A_83 = tpu.vector_load %arg5[%get3A_82] {strides = array<i32>} : memref<3072xi32, #tpu.memory_space<vmem>>, vector<16xi32>,
      %and3A_84 = arith.constant -8192 : i32
      %and3A_85 = vector.broadcast %and3A_84 : i32 to vector<16xi32>
      %and3A_86 = arith.andi %add3A_79, %and3A_85 : vector<16xi32>
      %add3A_87 = arith.addi %get3A_83, %and3A_86 : vector<16xi32>
      %mul3A_88 = arith.constant 16 : i32
      %mul3A_89 = arith.muli %scan3A_74, %mul3A_88 : i32
      %swap3A_90 = arith.index_cast %mul3A_89 : i32 to index
      %swap3A_91 = tpu.vector_load %arg6[%swap3A_90] {strides = array<i32>} : memref<3072xi32, #tpu.memory_space<vmem>>, vector<16xi32>,
      tpu.vector_store %arg6[%swap3A_90], %add3A_87 {strides = array<i32>} : memref<3072xi32, #tpu.memory_space<vmem>>, vector<16xi32>,
      %scan3A_92 = arith.constant 0 : i32
      %scan3A_93 = arith.constant 4 : i32
      %scan3A_94 = arith.addi %scan3A_16, %scan3A_93 : i32
      %mul3A_95 = arith.constant 16 : i32
      %mul3A_96 = arith.muli %scan3A_94, %mul3A_95 : i32
      %add3A_97 = arith.addi %mul3A_2, %mul3A_96 : i32
      %add3A_98 = vector.broadcast %add3A_97 : i32 to vector<16xi32>
      %add3A_99 = arith.addi %add3A_98, %iota3A : vector<16xi32>
      %mul3A_100 = arith.constant 16 : i32
      %mul3A_101 = arith.muli %scan3A_94, %mul3A_100 : i32
      %get3A_102 = arith.index_cast %mul3A_101 : i32 to index
      %get3A_103 = tpu.vector_load %arg5[%get3A_102] {strides = array<i32>} : memref<3072xi32, #tpu.memory_space<vmem>>, vector<16xi32>,
      %and3A_104 = arith.constant -8192 : i32
      %and3A_105 = vector.broadcast %and3A_104 : i32 to vector<16xi32>
      %and3A_106 = arith.andi %add3A_99, %and3A_105 : vector<16xi32>
      %add3A_107 = arith.addi %get3A_103, %and3A_106 : vector<16xi32>
      %mul3A_108 = arith.constant 16 : i32
      %mul3A_109 = arith.muli %scan3A_94, %mul3A_108 : i32
      %swap3A_110 = arith.index_cast %mul3A_109 : i32 to index
      %swap3A_111 = tpu.vector_load %arg6[%swap3A_110] {strides = array<i32>} : memref<3072xi32, #tpu.memory_space<vmem>>, vector<16xi32>,
      tpu.vector_store %arg6[%swap3A_110], %add3A_107 {strides = array<i32>} : memref<3072xi32, #tpu.memory_space<vmem>>, vector<16xi32>,
      %scan3A_112 = arith.constant 0 : i32
      %scan3A_113 = arith.constant 5 : i32
      %scan3A_114 = arith.addi %scan3A_16, %scan3A_113 : i32
      %mul3A_115 = arith.constant 16 : i32
      %mul3A_116 = arith.muli %scan3A_114, %mul3A_115 : i32
      %add3A_117 = arith.addi %mul3A_2, %mul3A_116 : i32
      %add3A_118 = vector.broadcast %add3A_117 : i32 to vector<16xi32>
      %add3A_119 = arith.addi %add3A_118, %iota3A : vector<16xi32>
      %mul3A_120 = arith.constant 16 : i32
      %mul3A_121 = arith.muli %scan3A_114, %mul3A_120 : i32
      %get3A_122 = arith.index_cast %mul3A_121 : i32 to index
      %get3A_123 = tpu.vector_load %arg5[%get3A_122] {strides = array<i32>} : memref<3072xi32, #tpu.memory_space<vmem>>, vector<16xi32>,
      %and3A_124 = arith.constant -8192 : i32
      %and3A_125 = vector.broadcast %and3A_124 : i32 to vector<16xi32>
      %and3A_126 = arith.andi %add3A_119, %and3A_125 : vector<16xi32>
      %add3A_127 = arith.addi %get3A_123, %and3A_126 : vector<16xi32>
      %mul3A_128 = arith.constant 16 : i32
      %mul3A_129 = arith.muli %scan3A_114, %mul3A_128 : i32
      %swap3A_130 = arith.index_cast %mul3A_129 : i32 to index
      %swap3A_131 = tpu.vector_load %arg6[%swap3A_130] {strides = array<i32>} : memref<3072xi32, #tpu.memory_space<vmem>>, vector<16xi32>,
      tpu.vector_store %arg6[%swap3A_130], %add3A_127 {strides = array<i32>} : memref<3072xi32, #tpu.memory_space<vmem>>, vector<16xi32>,
      %scan3A_132 = arith.constant 0 : i32
      %scan3A_133 = arith.constant 6 : i32
      %scan3A_134 = arith.addi %scan3A_16, %scan3A_133 : i32
      %mul3A_135 = arith.constant 16 : i32
      %mul3A_136 = arith.muli %scan3A_134, %mul3A_135 : i32
      %add3A_137 = arith.addi %mul3A_2, %mul3A_136 : i32
      %add3A_138 = vector.broadcast %add3A_137 : i32 to vector<16xi32>
      %add3A_139 = arith.addi %add3A_138, %iota3A : vector<16xi32>
      %mul3A_140 = arith.constant 16 : i32
      %mul3A_141 = arith.muli %scan3A_134, %mul3A_140 : i32
      %get3A_142 = arith.index_cast %mul3A_141 : i32 to index
      %get3A_143 = tpu.vector_load %arg5[%get3A_142] {strides = array<i32>} : memref<3072xi32, #tpu.memory_space<vmem>>, vector<16xi32>,
      %and3A_144 = arith.constant -8192 : i32
      %and3A_145 = vector.broadcast %and3A_144 : i32 to vector<16xi32>
      %and3A_146 = arith.andi %add3A_139, %and3A_145 : vector<16xi32>
      %add3A_147 = arith.addi %get3A_143, %and3A_146 : vector<16xi32>
      %mul3A_148 = arith.constant 16 : i32
      %mul3A_149 = arith.muli %scan3A_134, %mul3A_148 : i32
      %swap3A_150 = arith.index_cast %mul3A_149 : i32 to index
      %swap3A_151 = tpu.vector_load %arg6[%swap3A_150] {strides = array<i32>} : memref<3072xi32, #tpu.memory_space<vmem>>, vector<16xi32>,
      tpu.vector_store %arg6[%swap3A_150], %add3A_147 {strides = array<i32>} : memref<3072xi32, #tpu.memory_space<vmem>>, vector<16xi32>,
      %scan3A_152 = arith.constant 0 : i32
      %scan3A_153 = arith.constant 7 : i32
      %scan3A_154 = arith.addi %scan3A_16, %scan3A_153 : i32
      %mul3A_155 = arith.constant 16 : i32
      %mul3A_156 = arith.muli %scan3A_154, %mul3A_155 : i32
      %add3A_157 = arith.addi %mul3A_2, %mul3A_156 : i32
      %add3A_158 = vector.broadcast %add3A_157 : i32 to vector<16xi32>
      %add3A_159 = arith.addi %add3A_158, %iota3A : vector<16xi32>
      %mul3A_160 = arith.constant 16 : i32
      %mul3A_161 = arith.muli %scan3A_154, %mul3A_160 : i32
      %get3A_162 = arith.index_cast %mul3A_161 : i32 to index
      %get3A_163 = tpu.vector_load %arg5[%get3A_162] {strides = array<i32>} : memref<3072xi32, #tpu.memory_space<vmem>>, vector<16xi32>,
      %and3A_164 = arith.constant -8192 : i32
      %and3A_165 = vector.broadcast %and3A_164 : i32 to vector<16xi32>
      %and3A_166 = arith.andi %add3A_159, %and3A_165 : vector<16xi32>
      %add3A_167 = arith.addi %get3A_163, %and3A_166 : vector<16xi32>
      %mul3A_168 = arith.constant 16 : i32
      %mul3A_169 = arith.muli %scan3A_154, %mul3A_168 : i32
      %swap3A_170 = arith.index_cast %mul3A_169 : i32 to index
      %swap3A_171 = tpu.vector_load %arg6[%swap3A_170] {strides = array<i32>} : memref<3072xi32, #tpu.memory_space<vmem>>, vector<16xi32>,
      tpu.vector_store %arg6[%swap3A_170], %add3A_167 {strides = array<i32>} : memref<3072xi32, #tpu.memory_space<vmem>>, vector<16xi32>,
      %scan3A_172 = arith.constant 0 : i32
      scf.yield %scan3A_172 : i32
    }
    %scan3A_8 = arith.constant 192 : i32
    %scan3A_9 = arith.constant 0 : i32
    %scan3A_10 = arith.constant 0 : i32
    %scan3A_11 = arith.constant 6 : i32
    %scan3A_12 = arith.addi %scan3A_10, %scan3A_11 : i32
    %scan3A_13 = arith.constant 1 : i32
    %scan3A_14 = scf.for %scan3A_16 = %scan3A_10 to %scan3A_12 step %scan3A_13 iter_args(%scan3A_17 = %scan3A_9) -> (i32)  : i32 {
      %mul3A_18 = arith.constant 4 : i32
      %mul3A_19 = arith.muli %scan3A_16, %mul3A_18 : i32
      %add3A_20 = arith.constant 0 : i32
      %add3A_21 = arith.addi %mul3A_19, %add3A_20 : i32
      %mul3A_22 = arith.constant 128 : i32
      %mul3A_23 = arith.muli %add3A_21, %mul3A_22 : i32
      %dma_start3A = tpu.memref_slice %arg6[%mul3A_23] : memref<3072xi32, #tpu.memory_space<vmem>> -> memref<128xi32, #tpu.memory_space<vmem>>
      %dma_start3A_24 = arith.constant 0 : i32
      %dma_start3A_25 = arith.constant 0 : i32
      %dma_start3A_26 = tpu.memref_slice %arg3[%dma_start3A_24, %dma_start3A_25] : memref<98304x128xf32, #tpu.memory_space<hbm>> -> memref<98304x128xf32, #tpu.memory_space<hbm>>
      tpu.enqueue_indirect_dma source(%dma_start3A_26 : memref<98304x128xf32, #tpu.memory_space<hbm>>) target(%arg7 : memref<128x128xf32, #tpu.memory_space<vmem>>) offsets(%dma_start3A : memref<128xi32, #tpu.memory_space<vmem>>) semaphore(%arg11 : memref<!tpu.dma_semaphore, #tpu.memory_space<semaphore_mem>>)
      %add3A_27 = arith.constant 1 : i32
      %add3A_28 = arith.addi %mul3A_19, %add3A_27 : i32
      %mul3A_29 = arith.constant 128 : i32
      %mul3A_30 = arith.muli %add3A_28, %mul3A_29 : i32
      %dma_start3A_31 = tpu.memref_slice %arg6[%mul3A_30] : memref<3072xi32, #tpu.memory_space<vmem>> -> memref<128xi32, #tpu.memory_space<vmem>>
      %dma_start3A_32 = arith.constant 0 : i32
      %dma_start3A_33 = arith.constant 0 : i32
      %dma_start3A_34 = tpu.memref_slice %arg3[%dma_start3A_32, %dma_start3A_33] : memref<98304x128xf32, #tpu.memory_space<hbm>> -> memref<98304x128xf32, #tpu.memory_space<hbm>>
      tpu.enqueue_indirect_dma source(%dma_start3A_34 : memref<98304x128xf32, #tpu.memory_space<hbm>>) target(%arg8 : memref<128x128xf32, #tpu.memory_space<vmem>>) offsets(%dma_start3A_31 : memref<128xi32, #tpu.memory_space<vmem>>) semaphore(%arg12 : memref<!tpu.dma_semaphore, #tpu.memory_space<semaphore_mem>>)
      %add3A_35 = arith.constant 2 : i32
      %add3A_36 = arith.addi %mul3A_19, %add3A_35 : i32
      %mul3A_37 = arith.constant 128 : i32
      %mul3A_38 = arith.muli %add3A_36, %mul3A_37 : i32
      %dma_start3A_39 = tpu.memref_slice %arg6[%mul3A_38] : memref<3072xi32, #tpu.memory_space<vmem>> -> memref<128xi32, #tpu.memory_space<vmem>>
      %dma_start3A_40 = arith.constant 0 : i32
      %dma_start3A_41 = arith.constant 0 : i32
      %dma_start3A_42 = tpu.memref_slice %arg3[%dma_start3A_40, %dma_start3A_41] : memref<98304x128xf32, #tpu.memory_space<hbm>> -> memref<98304x128xf32, #tpu.memory_space<hbm>>
      tpu.enqueue_indirect_dma source(%dma_start3A_42 : memref<98304x128xf32, #tpu.memory_space<hbm>>) target(%arg9 : memref<128x128xf32, #tpu.memory_space<vmem>>) offsets(%dma_start3A_39 : memref<128xi32, #tpu.memory_space<vmem>>) semaphore(%arg13 : memref<!tpu.dma_semaphore, #tpu.memory_space<semaphore_mem>>)
      %add3A_43 = arith.constant 3 : i32
      %add3A_44 = arith.addi %mul3A_19, %add3A_43 : i32
      %mul3A_45 = arith.constant 128 : i32
      %mul3A_46 = arith.muli %add3A_44, %mul3A_45 : i32
      %dma_start3A_47 = tpu.memref_slice %arg6[%mul3A_46] : memref<3072xi32, #tpu.memory_space<vmem>> -> memref<128xi32, #tpu.memory_space<vmem>>
      %dma_start3A_48 = arith.constant 0 : i32
      %dma_start3A_49 = arith.constant 0 : i32
      %dma_start3A_50 = tpu.memref_slice %arg3[%dma_start3A_48, %dma_start3A_49] : memref<98304x128xf32, #tpu.memory_space<hbm>> -> memref<98304x128xf32, #tpu.memory_space<hbm>>
      tpu.enqueue_indirect_dma source(%dma_start3A_50 : memref<98304x128xf32, #tpu.memory_space<hbm>>) target(%arg10 : memref<128x128xf32, #tpu.memory_space<vmem>>) offsets(%dma_start3A_47 : memref<128xi32, #tpu.memory_space<vmem>>) semaphore(%arg14 : memref<!tpu.dma_semaphore, #tpu.memory_space<semaphore_mem>>)
      %dma_wait3A = tpu.memref_slice %arg6[%mul3A_23] : memref<3072xi32, #tpu.memory_space<vmem>> -> memref<128xi32, #tpu.memory_space<vmem>>
      %dma_wait3A_51 = arith.constant 0 : i32
      %dma_wait3A_52 = arith.constant 0 : i32
      %dma_wait3A_53 = tpu.memref_slice %arg3[%dma_wait3A_51, %dma_wait3A_52] : memref<98304x128xf32, #tpu.memory_space<hbm>> -> memref<98304x128xf32, #tpu.memory_space<hbm>>
      tpu.wait_indirect_dma semaphore(%arg11 : memref<!tpu.dma_semaphore, #tpu.memory_space<semaphore_mem>>) src(%dma_wait3A_53 : memref<98304x128xf32, #tpu.memory_space<hbm>>) dst(%arg7 : memref<128x128xf32, #tpu.memory_space<vmem>>)
      %add3A_54 = arith.constant 0 : i32
      %add3A_55 = arith.addi %mul3A_19, %add3A_54 : i32
      %mul3A_56 = arith.constant 128 : i32
      %mul3A_57 = arith.muli %add3A_55, %mul3A_56 : i32
      %add3A_58 = arith.addi %mul3A_2, %mul3A_57 : i32
      %dma_start3A_59 = arith.constant 0 : i32
      %dma_start3A_60 = tpu.memref_slice %arg4[%add3A_58, %dma_start3A_59] : memref<98304x128xf32, #tpu.memory_space<hbm>> -> memref<128x128xf32, #tpu.memory_space<hbm>>
      %dma_start3A_61 = arith.constant 0 : i32
      %dma_start3A_62 = tpu.memref_slice %arg4[%add3A_58, %dma_start3A_61] : memref<98304x128xf32, #tpu.memory_space<hbm>> -> memref<128x128xf32, #tpu.memory_space<hbm>>
      tpu.enqueue_dma source(%arg7 : memref<128x128xf32, #tpu.memory_space<vmem>>) target(%dma_start3A_62 : memref<128x128xf32, #tpu.memory_space<hbm>>) target_semaphore(%arg15 : memref<!tpu.dma_semaphore, #tpu.memory_space<semaphore_mem>>)
      %dma_wait3A_63 = tpu.memref_slice %arg6[%mul3A_30] : memref<3072xi32, #tpu.memory_space<vmem>> -> memref<128xi32, #tpu.memory_space<vmem>>
      %dma_wait3A_64 = arith.constant 0 : i32
      %dma_wait3A_65 = arith.constant 0 : i32
      %dma_wait3A_66 = tpu.memref_slice %arg3[%dma_wait3A_64, %dma_wait3A_65] : memref<98304x128xf32, #tpu.memory_space<hbm>> -> memref<98304x128xf32, #tpu.memory_space<hbm>>
      tpu.wait_indirect_dma semaphore(%arg12 : memref<!tpu.dma_semaphore, #tpu.memory_space<semaphore_mem>>) src(%dma_wait3A_66 : memref<98304x128xf32, #tpu.memory_space<hbm>>) dst(%arg8 : memref<128x128xf32, #tpu.memory_space<vmem>>)
      %add3A_67 = arith.constant 1 : i32
      %add3A_68 = arith.addi %mul3A_19, %add3A_67 : i32
      %mul3A_69 = arith.constant 128 : i32
      %mul3A_70 = arith.muli %add3A_68, %mul3A_69 : i32
      %add3A_71 = arith.addi %mul3A_2, %mul3A_70 : i32
      %dma_start3A_72 = arith.constant 0 : i32
      %dma_start3A_73 = tpu.memref_slice %arg4[%add3A_71, %dma_start3A_72] : memref<98304x128xf32, #tpu.memory_space<hbm>> -> memref<128x128xf32, #tpu.memory_space<hbm>>
      %dma_start3A_74 = arith.constant 0 : i32
      %dma_start3A_75 = tpu.memref_slice %arg4[%add3A_71, %dma_start3A_74] : memref<98304x128xf32, #tpu.memory_space<hbm>> -> memref<128x128xf32, #tpu.memory_space<hbm>>
      tpu.enqueue_dma source(%arg8 : memref<128x128xf32, #tpu.memory_space<vmem>>) target(%dma_start3A_75 : memref<128x128xf32, #tpu.memory_space<hbm>>) target_semaphore(%arg16 : memref<!tpu.dma_semaphore, #tpu.memory_space<semaphore_mem>>)
      %dma_wait3A_76 = tpu.memref_slice %arg6[%mul3A_38] : memref<3072xi32, #tpu.memory_space<vmem>> -> memref<128xi32, #tpu.memory_space<vmem>>
      %dma_wait3A_77 = arith.constant 0 : i32
      %dma_wait3A_78 = arith.constant 0 : i32
      %dma_wait3A_79 = tpu.memref_slice %arg3[%dma_wait3A_77, %dma_wait3A_78] : memref<98304x128xf32, #tpu.memory_space<hbm>> -> memref<98304x128xf32, #tpu.memory_space<hbm>>
      tpu.wait_indirect_dma semaphore(%arg13 : memref<!tpu.dma_semaphore, #tpu.memory_space<semaphore_mem>>) src(%dma_wait3A_79 : memref<98304x128xf32, #tpu.memory_space<hbm>>) dst(%arg9 : memref<128x128xf32, #tpu.memory_space<vmem>>)
      %add3A_80 = arith.constant 2 : i32
      %add3A_81 = arith.addi %mul3A_19, %add3A_80 : i32
      %mul3A_82 = arith.constant 128 : i32
      %mul3A_83 = arith.muli %add3A_81, %mul3A_82 : i32
      %add3A_84 = arith.addi %mul3A_2, %mul3A_83 : i32
      %dma_start3A_85 = arith.constant 0 : i32
      %dma_start3A_86 = tpu.memref_slice %arg4[%add3A_84, %dma_start3A_85] : memref<98304x128xf32, #tpu.memory_space<hbm>> -> memref<128x128xf32, #tpu.memory_space<hbm>>
      %dma_start3A_87 = arith.constant 0 : i32
      %dma_start3A_88 = tpu.memref_slice %arg4[%add3A_84, %dma_start3A_87] : memref<98304x128xf32, #tpu.memory_space<hbm>> -> memref<128x128xf32, #tpu.memory_space<hbm>>
      tpu.enqueue_dma source(%arg9 : memref<128x128xf32, #tpu.memory_space<vmem>>) target(%dma_start3A_88 : memref<128x128xf32, #tpu.memory_space<hbm>>) target_semaphore(%arg17 : memref<!tpu.dma_semaphore, #tpu.memory_space<semaphore_mem>>)
      %dma_wait3A_89 = tpu.memref_slice %arg6[%mul3A_46] : memref<3072xi32, #tpu.memory_space<vmem>> -> memref<128xi32, #tpu.memory_space<vmem>>
      %dma_wait3A_90 = arith.constant 0 : i32
      %dma_wait3A_91 = arith.constant 0 : i32
      %dma_wait3A_92 = tpu.memref_slice %arg3[%dma_wait3A_90, %dma_wait3A_91] : memref<98304x128xf32, #tpu.memory_space<hbm>> -> memref<98304x128xf32, #tpu.memory_space<hbm>>
      tpu.wait_indirect_dma semaphore(%arg14 : memref<!tpu.dma_semaphore, #tpu.memory_space<semaphore_mem>>) src(%dma_wait3A_92 : memref<98304x128xf32, #tpu.memory_space<hbm>>) dst(%arg10 : memref<128x128xf32, #tpu.memory_space<vmem>>)
      %add3A_93 = arith.constant 3 : i32
      %add3A_94 = arith.addi %mul3A_19, %add3A_93 : i32
      %mul3A_95 = arith.constant 128 : i32
      %mul3A_96 = arith.muli %add3A_94, %mul3A_95 : i32
      %add3A_97 = arith.addi %mul3A_2, %mul3A_96 : i32
      %dma_start3A_98 = arith.constant 0 : i32
      %dma_start3A_99 = tpu.memref_slice %arg4[%add3A_97, %dma_start3A_98] : memref<98304x128xf32, #tpu.memory_space<hbm>> -> memref<128x128xf32, #tpu.memory_space<hbm>>
      %dma_start3A_100 = arith.constant 0 : i32
      %dma_start3A_101 = tpu.memref_slice %arg4[%add3A_97, %dma_start3A_100] : memref<98304x128xf32, #tpu.memory_space<hbm>> -> memref<128x128xf32, #tpu.memory_space<hbm>>
      tpu.enqueue_dma source(%arg10 : memref<128x128xf32, #tpu.memory_space<vmem>>) target(%dma_start3A_101 : memref<128x128xf32, #tpu.memory_space<hbm>>) target_semaphore(%arg18 : memref<!tpu.dma_semaphore, #tpu.memory_space<semaphore_mem>>)
      %dma_wait3A_102 = arith.constant 0 : i32
      %dma_wait3A_103 = tpu.memref_slice %arg4[%add3A_58, %dma_wait3A_102] : memref<98304x128xf32, #tpu.memory_space<hbm>> -> memref<128x128xf32, #tpu.memory_space<hbm>>
      %dma_wait3A_104 = arith.constant 0 : i32
      %dma_wait3A_105 = tpu.memref_slice %arg4[%add3A_58, %dma_wait3A_104] : memref<98304x128xf32, #tpu.memory_space<hbm>> -> memref<128x128xf32, #tpu.memory_space<hbm>>
      tpu.wait_dma2 semaphore(%arg15 : memref<!tpu.dma_semaphore, #tpu.memory_space<semaphore_mem>>) src(%arg7 : memref<128x128xf32, #tpu.memory_space<vmem>>) dst(%dma_wait3A_105 : memref<128x128xf32, #tpu.memory_space<hbm>>)
      %dma_wait3A_106 = arith.constant 0 : i32
      %dma_wait3A_107 = tpu.memref_slice %arg4[%add3A_71, %dma_wait3A_106] : memref<98304x128xf32, #tpu.memory_space<hbm>> -> memref<128x128xf32, #tpu.memory_space<hbm>>
      %dma_wait3A_108 = arith.constant 0 : i32
      %dma_wait3A_109 = tpu.memref_slice %arg4[%add3A_71, %dma_wait3A_108] : memref<98304x128xf32, #tpu.memory_space<hbm>> -> memref<128x128xf32, #tpu.memory_space<hbm>>
      tpu.wait_dma2 semaphore(%arg16 : memref<!tpu.dma_semaphore, #tpu.memory_space<semaphore_mem>>) src(%arg8 : memref<128x128xf32, #tpu.memory_space<vmem>>) dst(%dma_wait3A_109 : memref<128x128xf32, #tpu.memory_space<hbm>>)
      %dma_wait3A_110 = arith.constant 0 : i32
      %dma_wait3A_111 = tpu.memref_slice %arg4[%add3A_84, %dma_wait3A_110] : memref<98304x128xf32, #tpu.memory_space<hbm>> -> memref<128x128xf32, #tpu.memory_space<hbm>>
      %dma_wait3A_112 = arith.constant 0 : i32
      %dma_wait3A_113 = tpu.memref_slice %arg4[%add3A_84, %dma_wait3A_112] : memref<98304x128xf32, #tpu.memory_space<hbm>> -> memref<128x128xf32, #tpu.memory_space<hbm>>
      tpu.wait_dma2 semaphore(%arg17 : memref<!tpu.dma_semaphore, #tpu.memory_space<semaphore_mem>>) src(%arg9 : memref<128x128xf32, #tpu.memory_space<vmem>>) dst(%dma_wait3A_113 : memref<128x128xf32, #tpu.memory_space<hbm>>)
      %dma_wait3A_114 = arith.constant 0 : i32
      %dma_wait3A_115 = tpu.memref_slice %arg4[%add3A_97, %dma_wait3A_114] : memref<98304x128xf32, #tpu.memory_space<hbm>> -> memref<128x128xf32, #tpu.memory_space<hbm>>
      %dma_wait3A_116 = arith.constant 0 : i32
      %dma_wait3A_117 = tpu.memref_slice %arg4[%add3A_97, %dma_wait3A_116] : memref<98304x128xf32, #tpu.memory_space<hbm>> -> memref<128x128xf32, #tpu.memory_space<hbm>>
      tpu.wait_dma2 semaphore(%arg18 : memref<!tpu.dma_semaphore, #tpu.memory_space<semaphore_mem>>) src(%arg10 : memref<128x128xf32, #tpu.memory_space<vmem>>) dst(%dma_wait3A_117 : memref<128x128xf32, #tpu.memory_space<hbm>>)
      %scan3A_118 = arith.constant 0 : i32
      scf.yield %scan3A_118 : i32
    }
    %scan3A_15 = arith.constant 6 : i32
    return
  }
}

#map = affine_map<(d0, d1) -> (0, 0)>
#map1 = affine_map<(d0, d1) -> (0, 0, 0)>
module attributes {stable_mosaic.version = 14 : i64} {
  func.func @_gather_qkv_body(%arg0: i32, %arg1: i32, %arg2: memref<24x8192xi32, #tpu.memory_space<hbm>>, %arg3: memref<98304x128xf32, #tpu.memory_space<hbm>>, %arg4: memref<12x16384xi32, #tpu.memory_space<hbm>>, %arg5: memref<12x16384x128xf32, #tpu.memory_space<hbm>>, %arg6: memref<8192xi32, #tpu.memory_space<vmem>>, %arg7: memref<8192xi32, #tpu.memory_space<vmem>>, %arg8: memref<8192xi32, #tpu.memory_space<vmem>>, %arg9: memref<128x128xf32, #tpu.memory_space<vmem>>, %arg10: memref<128x128xf32, #tpu.memory_space<vmem>>, %arg11: memref<128x128xf32, #tpu.memory_space<vmem>>, %arg12: memref<128x128xf32, #tpu.memory_space<vmem>>, %arg13: memref<!tpu.dma_semaphore, #tpu.memory_space<semaphore_mem>>, %arg14: memref<!tpu.dma_semaphore, #tpu.memory_space<semaphore_mem>>, %arg15: memref<!tpu.dma_semaphore, #tpu.memory_space<semaphore_mem>>, %arg16: memref<!tpu.dma_semaphore, #tpu.memory_space<semaphore_mem>>, %arg17: memref<!tpu.dma_semaphore, #tpu.memory_space<semaphore_mem>>, %arg18: memref<!tpu.dma_semaphore, #tpu.memory_space<semaphore_mem>>, %arg19: memref<!tpu.dma_semaphore, #tpu.memory_space<semaphore_mem>>, %arg20: memref<!tpu.dma_semaphore, #tpu.memory_space<semaphore_mem>>) attributes {dimension_semantics = [#tpu.dimension_semantics<core_parallel>, #tpu.dimension_semantics<subcore_parallel>], iteration_bounds = array<i64: 2, 16>, scalar_prefetch = 0 : i64, scratch_operands = 15 : i64, tpu.core_type = #tpu.core_type<sc_vector_subcore>, window_params = [{transform_indices = #map}, {transform_indices = #map}, {transform_indices = #map}, {transform_indices = #map1}]} {
    %mul3A = arith.constant 2 : i32
    %mul3A_0 = arith.muli %arg1, %mul3A : i32
    %add3A = arith.addi %mul3A_0, %arg0 : i32
    %lt3A = arith.constant 24 : i32
    %lt3A_1 = arith.cmpi slt, %add3A, %lt3A : i32
    %convert_element_type3A = arith.extui %lt3A_1 : i1 to i32
    %cond3A = arith.constant 0 : i32
    %cond3A_2 = arith.cmpi ne, %convert_element_type3A, %cond3A : i32
    scf.if %cond3A_2 {
      %jit3A = arith.constant 2 : i32
      %div3A = arith.divsi %add3A, %jit3A : i32
      %sign3A = arith.constant 0 : i32
      %sign3A_3 = arith.cmpi sgt, %add3A, %sign3A : i32
      %sign3A_4 = arith.extui %sign3A_3 : i1 to i32
      %sign3A_5 = arith.constant 0 : i32
      %sign3A_6 = arith.cmpi slt, %add3A, %sign3A_5 : i32
      %sign3A_7 = arith.extui %sign3A_6 : i1 to i32
      %sign3A_8 = arith.subi %sign3A_4, %sign3A_7 : i32
      %sign3A_9 = arith.constant 0 : i32
      %sign3A_10 = arith.cmpi sgt, %jit3A, %sign3A_9 : i32
      %sign3A_11 = arith.extui %sign3A_10 : i1 to i32
      %sign3A_12 = arith.constant 0 : i32
      %sign3A_13 = arith.cmpi slt, %jit3A, %sign3A_12 : i32
      %sign3A_14 = arith.extui %sign3A_13 : i1 to i32
      %sign3A_15 = arith.subi %sign3A_11, %sign3A_14 : i32
      %ne3A = arith.cmpi ne, %sign3A_8, %sign3A_15 : i32
      %rem3A = arith.remsi %add3A, %jit3A : i32
      %ne3A_16 = arith.constant 0 : i32
      %ne3A_17 = arith.cmpi ne, %rem3A, %ne3A_16 : i32
      %and3A = arith.andi %ne3A, %ne3A_17 : i1
      %sub3A = arith.constant 1 : i32
      %sub3A_18 = arith.subi %div3A, %sub3A : i32
      %select_n3A = arith.select %and3A, %sub3A_18, %div3A : i32
      %rem3A_19 = arith.constant 2 : i32
      %rem3A_20 = arith.remsi %add3A, %rem3A_19 : i32
      "tpu.region"() ({
        %run_scoped3A = tpu.sem_alloc : memref<!tpu.dma_semaphore, #tpu.memory_space<semaphore_mem>>
        %dma_start3A = arith.constant 0 : i32
        %dma_start3A_36 = tpu.memref_slice %arg2[%add3A, %dma_start3A] : memref<24x8192xi32, #tpu.memory_space<hbm>> -> memref<1x8192xi32, #tpu.memory_space<hbm>>
        %dma_start3A_37 = tpu.memref_squeeze %dma_start3A_36 : memref<1x8192xi32, #tpu.memory_space<hbm>> -> memref<8192xi32, #tpu.memory_space<hbm>>
        %dma_start3A_38 = arith.constant 0 : i32
        %dma_start3A_39 = tpu.memref_slice %arg2[%add3A, %dma_start3A_38] : memref<24x8192xi32, #tpu.memory_space<hbm>> -> memref<1x8192xi32, #tpu.memory_space<hbm>>
        %dma_start3A_40 = tpu.memref_squeeze %dma_start3A_39 : memref<1x8192xi32, #tpu.memory_space<hbm>> -> memref<8192xi32, #tpu.memory_space<hbm>>
        tpu.enqueue_dma source(%dma_start3A_40 : memref<8192xi32, #tpu.memory_space<hbm>>) target(%arg6 : memref<8192xi32, #tpu.memory_space<vmem>>) target_semaphore(%run_scoped3A : memref<!tpu.dma_semaphore, #tpu.memory_space<semaphore_mem>>)
        %dma_wait3A = arith.constant 0 : i32
        %dma_wait3A_41 = tpu.memref_slice %arg2[%add3A, %dma_wait3A] : memref<24x8192xi32, #tpu.memory_space<hbm>> -> memref<1x8192xi32, #tpu.memory_space<hbm>>
        %dma_wait3A_42 = tpu.memref_squeeze %dma_wait3A_41 : memref<1x8192xi32, #tpu.memory_space<hbm>> -> memref<8192xi32, #tpu.memory_space<hbm>>
        %dma_wait3A_43 = arith.constant 0 : i32
        %dma_wait3A_44 = tpu.memref_slice %arg2[%add3A, %dma_wait3A_43] : memref<24x8192xi32, #tpu.memory_space<hbm>> -> memref<1x8192xi32, #tpu.memory_space<hbm>>
        %dma_wait3A_45 = tpu.memref_squeeze %dma_wait3A_44 : memref<1x8192xi32, #tpu.memory_space<hbm>> -> memref<8192xi32, #tpu.memory_space<hbm>>
        tpu.wait_dma2 semaphore(%run_scoped3A : memref<!tpu.dma_semaphore, #tpu.memory_space<semaphore_mem>>) src(%dma_wait3A_45 : memref<8192xi32, #tpu.memory_space<hbm>>) dst(%arg6 : memref<8192xi32, #tpu.memory_space<vmem>>)
        tpu.yield
      }) : () -> ()
      %iota3A = tpu.iota {dimensions = array<i32: 0>} : vector<16xi32>
      %scan3A = arith.constant 0 : i32
      %scan3A_21 = arith.constant 0 : i32
      %scan3A_22 = arith.constant 512 : i32
      %scan3A_23 = arith.addi %scan3A_21, %scan3A_22 : i32
      %scan3A_24 = arith.constant 8 : i32
      %scan3A_25 = scf.for %scan3A_36 = %scan3A_21 to %scan3A_23 step %scan3A_24 iter_args(%scan3A_37 = %scan3A) -> (i32)  : i32 {
        %mul3A_38 = arith.constant 16 : i32
        %mul3A_39 = arith.muli %scan3A_36, %mul3A_38 : i32
        %get3A = arith.index_cast %mul3A_39 : i32 to index
        %get3A_40 = tpu.vector_load %arg6[%get3A] {strides = array<i32>} : memref<8192xi32, #tpu.memory_space<vmem>>, vector<16xi32>,
        %mul3A_41 = arith.constant 16 : i32
        %mul3A_42 = arith.muli %scan3A_36, %mul3A_41 : i32
        %add3A_43 = vector.broadcast %mul3A_42 : i32 to vector<16xi32>
        %add3A_44 = arith.addi %add3A_43, %iota3A : vector<16xi32>
        tpu.vector_store_idx %arg7[%get3A_40], %add3A_44 : memref<8192xi32, #tpu.memory_space<vmem>>[vector<16xi32>], vector<16xi32>,
        %mul3A_45 = arith.constant 12 : i32
        %mul3A_46 = vector.broadcast %mul3A_45 : i32 to vector<16xi32>
        %mul3A_47 = arith.muli %add3A_44, %mul3A_46 : vector<16xi32>
        %add3A_48 = vector.broadcast %select_n3A : i32 to vector<16xi32>
        %add3A_49 = arith.addi %mul3A_47, %add3A_48 : vector<16xi32>
        tpu.vector_store_idx %arg8[%get3A_40], %add3A_49 : memref<8192xi32, #tpu.memory_space<vmem>>[vector<16xi32>], vector<16xi32>,
        %scan3A_50 = arith.constant 0 : i32
        %scan3A_51 = arith.constant 1 : i32
        %scan3A_52 = arith.addi %scan3A_36, %scan3A_51 : i32
        %mul3A_53 = arith.constant 16 : i32
        %mul3A_54 = arith.muli %scan3A_52, %mul3A_53 : i32
        %get3A_55 = arith.index_cast %mul3A_54 : i32 to index
        %get3A_56 = tpu.vector_load %arg6[%get3A_55] {strides = array<i32>} : memref<8192xi32, #tpu.memory_space<vmem>>, vector<16xi32>,
        %mul3A_57 = arith.constant 16 : i32
        %mul3A_58 = arith.muli %scan3A_52, %mul3A_57 : i32
        %add3A_59 = vector.broadcast %mul3A_58 : i32 to vector<16xi32>
        %add3A_60 = arith.addi %add3A_59, %iota3A : vector<16xi32>
        tpu.vector_store_idx %arg7[%get3A_56], %add3A_60 : memref<8192xi32, #tpu.memory_space<vmem>>[vector<16xi32>], vector<16xi32>,
        %mul3A_61 = arith.constant 12 : i32
        %mul3A_62 = vector.broadcast %mul3A_61 : i32 to vector<16xi32>
        %mul3A_63 = arith.muli %add3A_60, %mul3A_62 : vector<16xi32>
        %add3A_64 = vector.broadcast %select_n3A : i32 to vector<16xi32>
        %add3A_65 = arith.addi %mul3A_63, %add3A_64 : vector<16xi32>
        tpu.vector_store_idx %arg8[%get3A_56], %add3A_65 : memref<8192xi32, #tpu.memory_space<vmem>>[vector<16xi32>], vector<16xi32>,
        %scan3A_66 = arith.constant 0 : i32
        %scan3A_67 = arith.constant 2 : i32
        %scan3A_68 = arith.addi %scan3A_36, %scan3A_67 : i32
        %mul3A_69 = arith.constant 16 : i32
        %mul3A_70 = arith.muli %scan3A_68, %mul3A_69 : i32
        %get3A_71 = arith.index_cast %mul3A_70 : i32 to index
        %get3A_72 = tpu.vector_load %arg6[%get3A_71] {strides = array<i32>} : memref<8192xi32, #tpu.memory_space<vmem>>, vector<16xi32>,
        %mul3A_73 = arith.constant 16 : i32
        %mul3A_74 = arith.muli %scan3A_68, %mul3A_73 : i32
        %add3A_75 = vector.broadcast %mul3A_74 : i32 to vector<16xi32>
        %add3A_76 = arith.addi %add3A_75, %iota3A : vector<16xi32>
        tpu.vector_store_idx %arg7[%get3A_72], %add3A_76 : memref<8192xi32, #tpu.memory_space<vmem>>[vector<16xi32>], vector<16xi32>,
        %mul3A_77 = arith.constant 12 : i32
        %mul3A_78 = vector.broadcast %mul3A_77 : i32 to vector<16xi32>
        %mul3A_79 = arith.muli %add3A_76, %mul3A_78 : vector<16xi32>
        %add3A_80 = vector.broadcast %select_n3A : i32 to vector<16xi32>
        %add3A_81 = arith.addi %mul3A_79, %add3A_80 : vector<16xi32>
        tpu.vector_store_idx %arg8[%get3A_72], %add3A_81 : memref<8192xi32, #tpu.memory_space<vmem>>[vector<16xi32>], vector<16xi32>,
        %scan3A_82 = arith.constant 0 : i32
        %scan3A_83 = arith.constant 3 : i32
        %scan3A_84 = arith.addi %scan3A_36, %scan3A_83 : i32
        %mul3A_85 = arith.constant 16 : i32
        %mul3A_86 = arith.muli %scan3A_84, %mul3A_85 : i32
        %get3A_87 = arith.index_cast %mul3A_86 : i32 to index
        %get3A_88 = tpu.vector_load %arg6[%get3A_87] {strides = array<i32>} : memref<8192xi32, #tpu.memory_space<vmem>>, vector<16xi32>,
        %mul3A_89 = arith.constant 16 : i32
        %mul3A_90 = arith.muli %scan3A_84, %mul3A_89 : i32
        %add3A_91 = vector.broadcast %mul3A_90 : i32 to vector<16xi32>
        %add3A_92 = arith.addi %add3A_91, %iota3A : vector<16xi32>
        tpu.vector_store_idx %arg7[%get3A_88], %add3A_92 : memref<8192xi32, #tpu.memory_space<vmem>>[vector<16xi32>], vector<16xi32>,
        %mul3A_93 = arith.constant 12 : i32
        %mul3A_94 = vector.broadcast %mul3A_93 : i32 to vector<16xi32>
        %mul3A_95 = arith.muli %add3A_92, %mul3A_94 : vector<16xi32>
        %add3A_96 = vector.broadcast %select_n3A : i32 to vector<16xi32>
        %add3A_97 = arith.addi %mul3A_95, %add3A_96 : vector<16xi32>
        tpu.vector_store_idx %arg8[%get3A_88], %add3A_97 : memref<8192xi32, #tpu.memory_space<vmem>>[vector<16xi32>], vector<16xi32>,
        %scan3A_98 = arith.constant 0 : i32
        %scan3A_99 = arith.constant 4 : i32
        %scan3A_100 = arith.addi %scan3A_36, %scan3A_99 : i32
        %mul3A_101 = arith.constant 16 : i32
        %mul3A_102 = arith.muli %scan3A_100, %mul3A_101 : i32
        %get3A_103 = arith.index_cast %mul3A_102 : i32 to index
        %get3A_104 = tpu.vector_load %arg6[%get3A_103] {strides = array<i32>} : memref<8192xi32, #tpu.memory_space<vmem>>, vector<16xi32>,
        %mul3A_105 = arith.constant 16 : i32
        %mul3A_106 = arith.muli %scan3A_100, %mul3A_105 : i32
        %add3A_107 = vector.broadcast %mul3A_106 : i32 to vector<16xi32>
        %add3A_108 = arith.addi %add3A_107, %iota3A : vector<16xi32>
        tpu.vector_store_idx %arg7[%get3A_104], %add3A_108 : memref<8192xi32, #tpu.memory_space<vmem>>[vector<16xi32>], vector<16xi32>,
        %mul3A_109 = arith.constant 12 : i32
        %mul3A_110 = vector.broadcast %mul3A_109 : i32 to vector<16xi32>
        %mul3A_111 = arith.muli %add3A_108, %mul3A_110 : vector<16xi32>
        %add3A_112 = vector.broadcast %select_n3A : i32 to vector<16xi32>
        %add3A_113 = arith.addi %mul3A_111, %add3A_112 : vector<16xi32>
        tpu.vector_store_idx %arg8[%get3A_104], %add3A_113 : memref<8192xi32, #tpu.memory_space<vmem>>[vector<16xi32>], vector<16xi32>,
        %scan3A_114 = arith.constant 0 : i32
        %scan3A_115 = arith.constant 5 : i32
        %scan3A_116 = arith.addi %scan3A_36, %scan3A_115 : i32
        %mul3A_117 = arith.constant 16 : i32
        %mul3A_118 = arith.muli %scan3A_116, %mul3A_117 : i32
        %get3A_119 = arith.index_cast %mul3A_118 : i32 to index
        %get3A_120 = tpu.vector_load %arg6[%get3A_119] {strides = array<i32>} : memref<8192xi32, #tpu.memory_space<vmem>>, vector<16xi32>,
        %mul3A_121 = arith.constant 16 : i32
        %mul3A_122 = arith.muli %scan3A_116, %mul3A_121 : i32
        %add3A_123 = vector.broadcast %mul3A_122 : i32 to vector<16xi32>
        %add3A_124 = arith.addi %add3A_123, %iota3A : vector<16xi32>
        tpu.vector_store_idx %arg7[%get3A_120], %add3A_124 : memref<8192xi32, #tpu.memory_space<vmem>>[vector<16xi32>], vector<16xi32>,
        %mul3A_125 = arith.constant 12 : i32
        %mul3A_126 = vector.broadcast %mul3A_125 : i32 to vector<16xi32>
        %mul3A_127 = arith.muli %add3A_124, %mul3A_126 : vector<16xi32>
        %add3A_128 = vector.broadcast %select_n3A : i32 to vector<16xi32>
        %add3A_129 = arith.addi %mul3A_127, %add3A_128 : vector<16xi32>
        tpu.vector_store_idx %arg8[%get3A_120], %add3A_129 : memref<8192xi32, #tpu.memory_space<vmem>>[vector<16xi32>], vector<16xi32>,
        %scan3A_130 = arith.constant 0 : i32
        %scan3A_131 = arith.constant 6 : i32
        %scan3A_132 = arith.addi %scan3A_36, %scan3A_131 : i32
        %mul3A_133 = arith.constant 16 : i32
        %mul3A_134 = arith.muli %scan3A_132, %mul3A_133 : i32
        %get3A_135 = arith.index_cast %mul3A_134 : i32 to index
        %get3A_136 = tpu.vector_load %arg6[%get3A_135] {strides = array<i32>} : memref<8192xi32, #tpu.memory_space<vmem>>, vector<16xi32>,
        %mul3A_137 = arith.constant 16 : i32
        %mul3A_138 = arith.muli %scan3A_132, %mul3A_137 : i32
        %add3A_139 = vector.broadcast %mul3A_138 : i32 to vector<16xi32>
        %add3A_140 = arith.addi %add3A_139, %iota3A : vector<16xi32>
        tpu.vector_store_idx %arg7[%get3A_136], %add3A_140 : memref<8192xi32, #tpu.memory_space<vmem>>[vector<16xi32>], vector<16xi32>,
        %mul3A_141 = arith.constant 12 : i32
        %mul3A_142 = vector.broadcast %mul3A_141 : i32 to vector<16xi32>
        %mul3A_143 = arith.muli %add3A_140, %mul3A_142 : vector<16xi32>
        %add3A_144 = vector.broadcast %select_n3A : i32 to vector<16xi32>
        %add3A_145 = arith.addi %mul3A_143, %add3A_144 : vector<16xi32>
        tpu.vector_store_idx %arg8[%get3A_136], %add3A_145 : memref<8192xi32, #tpu.memory_space<vmem>>[vector<16xi32>], vector<16xi32>,
        %scan3A_146 = arith.constant 0 : i32
        %scan3A_147 = arith.constant 7 : i32
        %scan3A_148 = arith.addi %scan3A_36, %scan3A_147 : i32
        %mul3A_149 = arith.constant 16 : i32
        %mul3A_150 = arith.muli %scan3A_148, %mul3A_149 : i32
        %get3A_151 = arith.index_cast %mul3A_150 : i32 to index
        %get3A_152 = tpu.vector_load %arg6[%get3A_151] {strides = array<i32>} : memref<8192xi32, #tpu.memory_space<vmem>>, vector<16xi32>,
        %mul3A_153 = arith.constant 16 : i32
        %mul3A_154 = arith.muli %scan3A_148, %mul3A_153 : i32
        %add3A_155 = vector.broadcast %mul3A_154 : i32 to vector<16xi32>
        %add3A_156 = arith.addi %add3A_155, %iota3A : vector<16xi32>
        tpu.vector_store_idx %arg7[%get3A_152], %add3A_156 : memref<8192xi32, #tpu.memory_space<vmem>>[vector<16xi32>], vector<16xi32>,
        %mul3A_157 = arith.constant 12 : i32
        %mul3A_158 = vector.broadcast %mul3A_157 : i32 to vector<16xi32>
        %mul3A_159 = arith.muli %add3A_156, %mul3A_158 : vector<16xi32>
        %add3A_160 = vector.broadcast %select_n3A : i32 to vector<16xi32>
        %add3A_161 = arith.addi %mul3A_159, %add3A_160 : vector<16xi32>
        tpu.vector_store_idx %arg8[%get3A_152], %add3A_161 : memref<8192xi32, #tpu.memory_space<vmem>>[vector<16xi32>], vector<16xi32>,
        %scan3A_162 = arith.constant 0 : i32
        scf.yield %scan3A_162 : i32
      }
      %scan3A_26 = arith.constant 512 : i32
      %mul3A_27 = arith.constant 8192 : i32
      %mul3A_28 = arith.muli %rem3A_20, %mul3A_27 : i32
      "tpu.region"() ({
        %run_scoped3A = tpu.sem_alloc : memref<!tpu.dma_semaphore, #tpu.memory_space<semaphore_mem>>
        %dma_start3A = tpu.memref_slice %arg4[%select_n3A, %mul3A_28] : memref<12x16384xi32, #tpu.memory_space<hbm>> -> memref<1x8192xi32, #tpu.memory_space<hbm>>
        %dma_start3A_36 = tpu.memref_squeeze %dma_start3A : memref<1x8192xi32, #tpu.memory_space<hbm>> -> memref<8192xi32, #tpu.memory_space<hbm>>
        %dma_start3A_37 = tpu.memref_slice %arg4[%select_n3A, %mul3A_28] : memref<12x16384xi32, #tpu.memory_space<hbm>> -> memref<1x8192xi32, #tpu.memory_space<hbm>>
        %dma_start3A_38 = tpu.memref_squeeze %dma_start3A_37 : memref<1x8192xi32, #tpu.memory_space<hbm>> -> memref<8192xi32, #tpu.memory_space<hbm>>
        tpu.enqueue_dma source(%arg7 : memref<8192xi32, #tpu.memory_space<vmem>>) target(%dma_start3A_38 : memref<8192xi32, #tpu.memory_space<hbm>>) target_semaphore(%run_scoped3A : memref<!tpu.dma_semaphore, #tpu.memory_space<semaphore_mem>>)
        %dma_wait3A = tpu.memref_slice %arg4[%select_n3A, %mul3A_28] : memref<12x16384xi32, #tpu.memory_space<hbm>> -> memref<1x8192xi32, #tpu.memory_space<hbm>>
        %dma_wait3A_39 = tpu.memref_squeeze %dma_wait3A : memref<1x8192xi32, #tpu.memory_space<hbm>> -> memref<8192xi32, #tpu.memory_space<hbm>>
        %dma_wait3A_40 = tpu.memref_slice %arg4[%select_n3A, %mul3A_28] : memref<12x16384xi32, #tpu.memory_space<hbm>> -> memref<1x8192xi32, #tpu.memory_space<hbm>>
        %dma_wait3A_41 = tpu.memref_squeeze %dma_wait3A_40 : memref<1x8192xi32, #tpu.memory_space<hbm>> -> memref<8192xi32, #tpu.memory_space<hbm>>
        tpu.wait_dma2 semaphore(%run_scoped3A : memref<!tpu.dma_semaphore, #tpu.memory_space<semaphore_mem>>) src(%arg7 : memref<8192xi32, #tpu.memory_space<vmem>>) dst(%dma_wait3A_41 : memref<8192xi32, #tpu.memory_space<hbm>>)
        tpu.yield
      }) : () -> ()
      %scan3A_29 = arith.constant 0 : i32
      %scan3A_30 = arith.constant 0 : i32
      %scan3A_31 = arith.constant 16 : i32
      %scan3A_32 = arith.addi %scan3A_30, %scan3A_31 : i32
      %scan3A_33 = arith.constant 1 : i32
      %scan3A_34 = scf.for %scan3A_36 = %scan3A_30 to %scan3A_32 step %scan3A_33 iter_args(%scan3A_37 = %scan3A_29) -> (i32)  : i32 {
        %mul3A_38 = arith.constant 4 : i32
        %mul3A_39 = arith.muli %scan3A_36, %mul3A_38 : i32
        %add3A_40 = arith.constant 0 : i32
        %add3A_41 = arith.addi %mul3A_39, %add3A_40 : i32
        %mul3A_42 = arith.constant 128 : i32
        %mul3A_43 = arith.muli %add3A_41, %mul3A_42 : i32
        %dma_start3A = tpu.memref_slice %arg8[%mul3A_43] : memref<8192xi32, #tpu.memory_space<vmem>> -> memref<128xi32, #tpu.memory_space<vmem>>
        %dma_start3A_44 = arith.constant 0 : i32
        %dma_start3A_45 = arith.constant 0 : i32
        %dma_start3A_46 = tpu.memref_slice %arg3[%dma_start3A_44, %dma_start3A_45] : memref<98304x128xf32, #tpu.memory_space<hbm>> -> memref<98304x128xf32, #tpu.memory_space<hbm>>
        tpu.enqueue_indirect_dma source(%dma_start3A_46 : memref<98304x128xf32, #tpu.memory_space<hbm>>) target(%arg9 : memref<128x128xf32, #tpu.memory_space<vmem>>) offsets(%dma_start3A : memref<128xi32, #tpu.memory_space<vmem>>) semaphore(%arg13 : memref<!tpu.dma_semaphore, #tpu.memory_space<semaphore_mem>>)
        %add3A_47 = arith.constant 1 : i32
        %add3A_48 = arith.addi %mul3A_39, %add3A_47 : i32
        %mul3A_49 = arith.constant 128 : i32
        %mul3A_50 = arith.muli %add3A_48, %mul3A_49 : i32
        %dma_start3A_51 = tpu.memref_slice %arg8[%mul3A_50] : memref<8192xi32, #tpu.memory_space<vmem>> -> memref<128xi32, #tpu.memory_space<vmem>>
        %dma_start3A_52 = arith.constant 0 : i32
        %dma_start3A_53 = arith.constant 0 : i32
        %dma_start3A_54 = tpu.memref_slice %arg3[%dma_start3A_52, %dma_start3A_53] : memref<98304x128xf32, #tpu.memory_space<hbm>> -> memref<98304x128xf32, #tpu.memory_space<hbm>>
        tpu.enqueue_indirect_dma source(%dma_start3A_54 : memref<98304x128xf32, #tpu.memory_space<hbm>>) target(%arg10 : memref<128x128xf32, #tpu.memory_space<vmem>>) offsets(%dma_start3A_51 : memref<128xi32, #tpu.memory_space<vmem>>) semaphore(%arg14 : memref<!tpu.dma_semaphore, #tpu.memory_space<semaphore_mem>>)
        %add3A_55 = arith.constant 2 : i32
        %add3A_56 = arith.addi %mul3A_39, %add3A_55 : i32
        %mul3A_57 = arith.constant 128 : i32
        %mul3A_58 = arith.muli %add3A_56, %mul3A_57 : i32
        %dma_start3A_59 = tpu.memref_slice %arg8[%mul3A_58] : memref<8192xi32, #tpu.memory_space<vmem>> -> memref<128xi32, #tpu.memory_space<vmem>>
        %dma_start3A_60 = arith.constant 0 : i32
        %dma_start3A_61 = arith.constant 0 : i32
        %dma_start3A_62 = tpu.memref_slice %arg3[%dma_start3A_60, %dma_start3A_61] : memref<98304x128xf32, #tpu.memory_space<hbm>> -> memref<98304x128xf32, #tpu.memory_space<hbm>>
        tpu.enqueue_indirect_dma source(%dma_start3A_62 : memref<98304x128xf32, #tpu.memory_space<hbm>>) target(%arg11 : memref<128x128xf32, #tpu.memory_space<vmem>>) offsets(%dma_start3A_59 : memref<128xi32, #tpu.memory_space<vmem>>) semaphore(%arg15 : memref<!tpu.dma_semaphore, #tpu.memory_space<semaphore_mem>>)
        %add3A_63 = arith.constant 3 : i32
        %add3A_64 = arith.addi %mul3A_39, %add3A_63 : i32
        %mul3A_65 = arith.constant 128 : i32
        %mul3A_66 = arith.muli %add3A_64, %mul3A_65 : i32
        %dma_start3A_67 = tpu.memref_slice %arg8[%mul3A_66] : memref<8192xi32, #tpu.memory_space<vmem>> -> memref<128xi32, #tpu.memory_space<vmem>>
        %dma_start3A_68 = arith.constant 0 : i32
        %dma_start3A_69 = arith.constant 0 : i32
        %dma_start3A_70 = tpu.memref_slice %arg3[%dma_start3A_68, %dma_start3A_69] : memref<98304x128xf32, #tpu.memory_space<hbm>> -> memref<98304x128xf32, #tpu.memory_space<hbm>>
        tpu.enqueue_indirect_dma source(%dma_start3A_70 : memref<98304x128xf32, #tpu.memory_space<hbm>>) target(%arg12 : memref<128x128xf32, #tpu.memory_space<vmem>>) offsets(%dma_start3A_67 : memref<128xi32, #tpu.memory_space<vmem>>) semaphore(%arg16 : memref<!tpu.dma_semaphore, #tpu.memory_space<semaphore_mem>>)
        %dma_wait3A = tpu.memref_slice %arg8[%mul3A_43] : memref<8192xi32, #tpu.memory_space<vmem>> -> memref<128xi32, #tpu.memory_space<vmem>>
        %dma_wait3A_71 = arith.constant 0 : i32
        %dma_wait3A_72 = arith.constant 0 : i32
        %dma_wait3A_73 = tpu.memref_slice %arg3[%dma_wait3A_71, %dma_wait3A_72] : memref<98304x128xf32, #tpu.memory_space<hbm>> -> memref<98304x128xf32, #tpu.memory_space<hbm>>
        tpu.wait_indirect_dma semaphore(%arg13 : memref<!tpu.dma_semaphore, #tpu.memory_space<semaphore_mem>>) src(%dma_wait3A_73 : memref<98304x128xf32, #tpu.memory_space<hbm>>) dst(%arg9 : memref<128x128xf32, #tpu.memory_space<vmem>>)
        %mul3A_74 = arith.constant 8192 : i32
        %mul3A_75 = arith.muli %rem3A_20, %mul3A_74 : i32
        %add3A_76 = arith.constant 0 : i32
        %add3A_77 = arith.addi %mul3A_39, %add3A_76 : i32
        %mul3A_78 = arith.constant 128 : i32
        %mul3A_79 = arith.muli %add3A_77, %mul3A_78 : i32
        %add3A_80 = arith.addi %mul3A_75, %mul3A_79 : i32
        %dma_start3A_81 = arith.constant 0 : i32
        %dma_start3A_82 = tpu.memref_slice %arg5[%select_n3A, %add3A_80, %dma_start3A_81] : memref<12x16384x128xf32, #tpu.memory_space<hbm>> -> memref<1x128x128xf32, #tpu.memory_space<hbm>>
        %dma_start3A_83 = tpu.memref_squeeze %dma_start3A_82 : memref<1x128x128xf32, #tpu.memory_space<hbm>> -> memref<128x128xf32, #tpu.memory_space<hbm>>
        %dma_start3A_84 = arith.constant 0 : i32
        %dma_start3A_85 = tpu.memref_slice %arg5[%select_n3A, %add3A_80, %dma_start3A_84] : memref<12x16384x128xf32, #tpu.memory_space<hbm>> -> memref<1x128x128xf32, #tpu.memory_space<hbm>>
        %dma_start3A_86 = tpu.memref_squeeze %dma_start3A_85 : memref<1x128x128xf32, #tpu.memory_space<hbm>> -> memref<128x128xf32, #tpu.memory_space<hbm>>
        tpu.enqueue_dma source(%arg9 : memref<128x128xf32, #tpu.memory_space<vmem>>) target(%dma_start3A_86 : memref<128x128xf32, #tpu.memory_space<hbm>>) target_semaphore(%arg17 : memref<!tpu.dma_semaphore, #tpu.memory_space<semaphore_mem>>)
        %dma_wait3A_87 = tpu.memref_slice %arg8[%mul3A_50] : memref<8192xi32, #tpu.memory_space<vmem>> -> memref<128xi32, #tpu.memory_space<vmem>>
        %dma_wait3A_88 = arith.constant 0 : i32
        %dma_wait3A_89 = arith.constant 0 : i32
        %dma_wait3A_90 = tpu.memref_slice %arg3[%dma_wait3A_88, %dma_wait3A_89] : memref<98304x128xf32, #tpu.memory_space<hbm>> -> memref<98304x128xf32, #tpu.memory_space<hbm>>
        tpu.wait_indirect_dma semaphore(%arg14 : memref<!tpu.dma_semaphore, #tpu.memory_space<semaphore_mem>>) src(%dma_wait3A_90 : memref<98304x128xf32, #tpu.memory_space<hbm>>) dst(%arg10 : memref<128x128xf32, #tpu.memory_space<vmem>>)
        %mul3A_91 = arith.constant 8192 : i32
        %mul3A_92 = arith.muli %rem3A_20, %mul3A_91 : i32
        %add3A_93 = arith.constant 1 : i32
        %add3A_94 = arith.addi %mul3A_39, %add3A_93 : i32
        %mul3A_95 = arith.constant 128 : i32
        %mul3A_96 = arith.muli %add3A_94, %mul3A_95 : i32
        %add3A_97 = arith.addi %mul3A_92, %mul3A_96 : i32
        %dma_start3A_98 = arith.constant 0 : i32
        %dma_start3A_99 = tpu.memref_slice %arg5[%select_n3A, %add3A_97, %dma_start3A_98] : memref<12x16384x128xf32, #tpu.memory_space<hbm>> -> memref<1x128x128xf32, #tpu.memory_space<hbm>>
        %dma_start3A_100 = tpu.memref_squeeze %dma_start3A_99 : memref<1x128x128xf32, #tpu.memory_space<hbm>> -> memref<128x128xf32, #tpu.memory_space<hbm>>
        %dma_start3A_101 = arith.constant 0 : i32
        %dma_start3A_102 = tpu.memref_slice %arg5[%select_n3A, %add3A_97, %dma_start3A_101] : memref<12x16384x128xf32, #tpu.memory_space<hbm>> -> memref<1x128x128xf32, #tpu.memory_space<hbm>>
        %dma_start3A_103 = tpu.memref_squeeze %dma_start3A_102 : memref<1x128x128xf32, #tpu.memory_space<hbm>> -> memref<128x128xf32, #tpu.memory_space<hbm>>
        tpu.enqueue_dma source(%arg10 : memref<128x128xf32, #tpu.memory_space<vmem>>) target(%dma_start3A_103 : memref<128x128xf32, #tpu.memory_space<hbm>>) target_semaphore(%arg18 : memref<!tpu.dma_semaphore, #tpu.memory_space<semaphore_mem>>)
        %dma_wait3A_104 = tpu.memref_slice %arg8[%mul3A_58] : memref<8192xi32, #tpu.memory_space<vmem>> -> memref<128xi32, #tpu.memory_space<vmem>>
        %dma_wait3A_105 = arith.constant 0 : i32
        %dma_wait3A_106 = arith.constant 0 : i32
        %dma_wait3A_107 = tpu.memref_slice %arg3[%dma_wait3A_105, %dma_wait3A_106] : memref<98304x128xf32, #tpu.memory_space<hbm>> -> memref<98304x128xf32, #tpu.memory_space<hbm>>
        tpu.wait_indirect_dma semaphore(%arg15 : memref<!tpu.dma_semaphore, #tpu.memory_space<semaphore_mem>>) src(%dma_wait3A_107 : memref<98304x128xf32, #tpu.memory_space<hbm>>) dst(%arg11 : memref<128x128xf32, #tpu.memory_space<vmem>>)
        %mul3A_108 = arith.constant 8192 : i32
        %mul3A_109 = arith.muli %rem3A_20, %mul3A_108 : i32
        %add3A_110 = arith.constant 2 : i32
        %add3A_111 = arith.addi %mul3A_39, %add3A_110 : i32
        %mul3A_112 = arith.constant 128 : i32
        %mul3A_113 = arith.muli %add3A_111, %mul3A_112 : i32
        %add3A_114 = arith.addi %mul3A_109, %mul3A_113 : i32
        %dma_start3A_115 = arith.constant 0 : i32
        %dma_start3A_116 = tpu.memref_slice %arg5[%select_n3A, %add3A_114, %dma_start3A_115] : memref<12x16384x128xf32, #tpu.memory_space<hbm>> -> memref<1x128x128xf32, #tpu.memory_space<hbm>>
        %dma_start3A_117 = tpu.memref_squeeze %dma_start3A_116 : memref<1x128x128xf32, #tpu.memory_space<hbm>> -> memref<128x128xf32, #tpu.memory_space<hbm>>
        %dma_start3A_118 = arith.constant 0 : i32
        %dma_start3A_119 = tpu.memref_slice %arg5[%select_n3A, %add3A_114, %dma_start3A_118] : memref<12x16384x128xf32, #tpu.memory_space<hbm>> -> memref<1x128x128xf32, #tpu.memory_space<hbm>>
        %dma_start3A_120 = tpu.memref_squeeze %dma_start3A_119 : memref<1x128x128xf32, #tpu.memory_space<hbm>> -> memref<128x128xf32, #tpu.memory_space<hbm>>
        tpu.enqueue_dma source(%arg11 : memref<128x128xf32, #tpu.memory_space<vmem>>) target(%dma_start3A_120 : memref<128x128xf32, #tpu.memory_space<hbm>>) target_semaphore(%arg19 : memref<!tpu.dma_semaphore, #tpu.memory_space<semaphore_mem>>)
        %dma_wait3A_121 = tpu.memref_slice %arg8[%mul3A_66] : memref<8192xi32, #tpu.memory_space<vmem>> -> memref<128xi32, #tpu.memory_space<vmem>>
        %dma_wait3A_122 = arith.constant 0 : i32
        %dma_wait3A_123 = arith.constant 0 : i32
        %dma_wait3A_124 = tpu.memref_slice %arg3[%dma_wait3A_122, %dma_wait3A_123] : memref<98304x128xf32, #tpu.memory_space<hbm>> -> memref<98304x128xf32, #tpu.memory_space<hbm>>
        tpu.wait_indirect_dma semaphore(%arg16 : memref<!tpu.dma_semaphore, #tpu.memory_space<semaphore_mem>>) src(%dma_wait3A_124 : memref<98304x128xf32, #tpu.memory_space<hbm>>) dst(%arg12 : memref<128x128xf32, #tpu.memory_space<vmem>>)
        %mul3A_125 = arith.constant 8192 : i32
        %mul3A_126 = arith.muli %rem3A_20, %mul3A_125 : i32
        %add3A_127 = arith.constant 3 : i32
        %add3A_128 = arith.addi %mul3A_39, %add3A_127 : i32
        %mul3A_129 = arith.constant 128 : i32
        %mul3A_130 = arith.muli %add3A_128, %mul3A_129 : i32
        %add3A_131 = arith.addi %mul3A_126, %mul3A_130 : i32
        %dma_start3A_132 = arith.constant 0 : i32
        %dma_start3A_133 = tpu.memref_slice %arg5[%select_n3A, %add3A_131, %dma_start3A_132] : memref<12x16384x128xf32, #tpu.memory_space<hbm>> -> memref<1x128x128xf32, #tpu.memory_space<hbm>>
        %dma_start3A_134 = tpu.memref_squeeze %dma_start3A_133 : memref<1x128x128xf32, #tpu.memory_space<hbm>> -> memref<128x128xf32, #tpu.memory_space<hbm>>
        %dma_start3A_135 = arith.constant 0 : i32
        %dma_start3A_136 = tpu.memref_slice %arg5[%select_n3A, %add3A_131, %dma_start3A_135] : memref<12x16384x128xf32, #tpu.memory_space<hbm>> -> memref<1x128x128xf32, #tpu.memory_space<hbm>>
        %dma_start3A_137 = tpu.memref_squeeze %dma_start3A_136 : memref<1x128x128xf32, #tpu.memory_space<hbm>> -> memref<128x128xf32, #tpu.memory_space<hbm>>
        tpu.enqueue_dma source(%arg12 : memref<128x128xf32, #tpu.memory_space<vmem>>) target(%dma_start3A_137 : memref<128x128xf32, #tpu.memory_space<hbm>>) target_semaphore(%arg20 : memref<!tpu.dma_semaphore, #tpu.memory_space<semaphore_mem>>)
        %dma_wait3A_138 = arith.constant 0 : i32
        %dma_wait3A_139 = tpu.memref_slice %arg5[%select_n3A, %add3A_80, %dma_wait3A_138] : memref<12x16384x128xf32, #tpu.memory_space<hbm>> -> memref<1x128x128xf32, #tpu.memory_space<hbm>>
        %dma_wait3A_140 = tpu.memref_squeeze %dma_wait3A_139 : memref<1x128x128xf32, #tpu.memory_space<hbm>> -> memref<128x128xf32, #tpu.memory_space<hbm>>
        %dma_wait3A_141 = arith.constant 0 : i32
        %dma_wait3A_142 = tpu.memref_slice %arg5[%select_n3A, %add3A_80, %dma_wait3A_141] : memref<12x16384x128xf32, #tpu.memory_space<hbm>> -> memref<1x128x128xf32, #tpu.memory_space<hbm>>
        %dma_wait3A_143 = tpu.memref_squeeze %dma_wait3A_142 : memref<1x128x128xf32, #tpu.memory_space<hbm>> -> memref<128x128xf32, #tpu.memory_space<hbm>>
        tpu.wait_dma2 semaphore(%arg17 : memref<!tpu.dma_semaphore, #tpu.memory_space<semaphore_mem>>) src(%arg9 : memref<128x128xf32, #tpu.memory_space<vmem>>) dst(%dma_wait3A_143 : memref<128x128xf32, #tpu.memory_space<hbm>>)
        %dma_wait3A_144 = arith.constant 0 : i32
        %dma_wait3A_145 = tpu.memref_slice %arg5[%select_n3A, %add3A_97, %dma_wait3A_144] : memref<12x16384x128xf32, #tpu.memory_space<hbm>> -> memref<1x128x128xf32, #tpu.memory_space<hbm>>
        %dma_wait3A_146 = tpu.memref_squeeze %dma_wait3A_145 : memref<1x128x128xf32, #tpu.memory_space<hbm>> -> memref<128x128xf32, #tpu.memory_space<hbm>>
        %dma_wait3A_147 = arith.constant 0 : i32
        %dma_wait3A_148 = tpu.memref_slice %arg5[%select_n3A, %add3A_97, %dma_wait3A_147] : memref<12x16384x128xf32, #tpu.memory_space<hbm>> -> memref<1x128x128xf32, #tpu.memory_space<hbm>>
        %dma_wait3A_149 = tpu.memref_squeeze %dma_wait3A_148 : memref<1x128x128xf32, #tpu.memory_space<hbm>> -> memref<128x128xf32, #tpu.memory_space<hbm>>
        tpu.wait_dma2 semaphore(%arg18 : memref<!tpu.dma_semaphore, #tpu.memory_space<semaphore_mem>>) src(%arg10 : memref<128x128xf32, #tpu.memory_space<vmem>>) dst(%dma_wait3A_149 : memref<128x128xf32, #tpu.memory_space<hbm>>)
        %dma_wait3A_150 = arith.constant 0 : i32
        %dma_wait3A_151 = tpu.memref_slice %arg5[%select_n3A, %add3A_114, %dma_wait3A_150] : memref<12x16384x128xf32, #tpu.memory_space<hbm>> -> memref<1x128x128xf32, #tpu.memory_space<hbm>>
        %dma_wait3A_152 = tpu.memref_squeeze %dma_wait3A_151 : memref<1x128x128xf32, #tpu.memory_space<hbm>> -> memref<128x128xf32, #tpu.memory_space<hbm>>
        %dma_wait3A_153 = arith.constant 0 : i32
        %dma_wait3A_154 = tpu.memref_slice %arg5[%select_n3A, %add3A_114, %dma_wait3A_153] : memref<12x16384x128xf32, #tpu.memory_space<hbm>> -> memref<1x128x128xf32, #tpu.memory_space<hbm>>
        %dma_wait3A_155 = tpu.memref_squeeze %dma_wait3A_154 : memref<1x128x128xf32, #tpu.memory_space<hbm>> -> memref<128x128xf32, #tpu.memory_space<hbm>>
        tpu.wait_dma2 semaphore(%arg19 : memref<!tpu.dma_semaphore, #tpu.memory_space<semaphore_mem>>) src(%arg11 : memref<128x128xf32, #tpu.memory_space<vmem>>) dst(%dma_wait3A_155 : memref<128x128xf32, #tpu.memory_space<hbm>>)
        %dma_wait3A_156 = arith.constant 0 : i32
        %dma_wait3A_157 = tpu.memref_slice %arg5[%select_n3A, %add3A_131, %dma_wait3A_156] : memref<12x16384x128xf32, #tpu.memory_space<hbm>> -> memref<1x128x128xf32, #tpu.memory_space<hbm>>
        %dma_wait3A_158 = tpu.memref_squeeze %dma_wait3A_157 : memref<1x128x128xf32, #tpu.memory_space<hbm>> -> memref<128x128xf32, #tpu.memory_space<hbm>>
        %dma_wait3A_159 = arith.constant 0 : i32
        %dma_wait3A_160 = tpu.memref_slice %arg5[%select_n3A, %add3A_131, %dma_wait3A_159] : memref<12x16384x128xf32, #tpu.memory_space<hbm>> -> memref<1x128x128xf32, #tpu.memory_space<hbm>>
        %dma_wait3A_161 = tpu.memref_squeeze %dma_wait3A_160 : memref<1x128x128xf32, #tpu.memory_space<hbm>> -> memref<128x128xf32, #tpu.memory_space<hbm>>
        tpu.wait_dma2 semaphore(%arg20 : memref<!tpu.dma_semaphore, #tpu.memory_space<semaphore_mem>>) src(%arg12 : memref<128x128xf32, #tpu.memory_space<vmem>>) dst(%dma_wait3A_161 : memref<128x128xf32, #tpu.memory_space<hbm>>)
        %scan3A_162 = arith.constant 0 : i32
        scf.yield %scan3A_162 : i32
      }
      %scan3A_35 = arith.constant 16 : i32
    } else {
    }
    return
  }
}

module attributes {stable_mosaic.version = 14 : i64} {
  func.func @_sort_body(%arg0: i32, %arg1: memref<24x8192xf32, #tpu.memory_space<vmem>>, %arg2: memref<128x128xf32, #tpu.memory_space<vmem>>, %arg3: memref<256x256xf32, #tpu.memory_space<vmem>>, %arg4: memref<24x1x8192xi32, #tpu.memory_space<vmem>>) attributes {dimension_semantics = [#tpu.dimension_semantics<arbitrary>], iteration_bounds = array<i64: 1>, scalar_prefetch = 0 : i64, scratch_operands = 0 : i64, tpu.core_type = #tpu.core_type<tc>, window_params = [{pipeline_mode = #tpu.pipeline_mode<synchronous>, transform_indices = @transform_0, window_bounds = array<i64: 24, 8192>}, {pipeline_mode = #tpu.pipeline_mode<synchronous>, transform_indices = @transform_1, window_bounds = array<i64: 128, 128>}, {pipeline_mode = #tpu.pipeline_mode<synchronous>, transform_indices = @transform_2, window_bounds = array<i64: 256, 256>}, {pipeline_mode = #tpu.pipeline_mode<synchronous>, transform_indices = @transform_3, window_bounds = array<i64: 24, 1, 8192>}]} {
    %get3A = arith.constant 0 : index
    %get3A_0 = arith.constant 0 : index
    %get3A_1 = vector.load %arg2[%get3A, %get3A_0] : memref<128x128xf32, #tpu.memory_space<vmem>>, vector<128x128xf32>
    %get3A_2 = arith.constant 0 : index
    %get3A_3 = arith.constant 0 : index
    %get3A_4 = vector.load %arg3[%get3A_2, %get3A_3] : memref<256x256xf32, #tpu.memory_space<vmem>>, vector<256x256xf32>
    %iota3A = tpu.iota {dimensions = array<i32: 1>} : vector<24x256x128xi32>
    %broadcast_in_dim3A = arith.constant 0.000000e+00 : f32
    %broadcast_in_dim3A_5 = vector.broadcast %broadcast_in_dim3A : f32 to vector<24x256xf32>
    %scan3A = arith.constant 0 : i32
    %scan3A_6 = arith.constant 64 : i32
    %scan3A_7 = arith.addi %scan3A, %scan3A_6 : i32
    %scan3A_8 = arith.constant 4 : i32
    %scan3A_9 = scf.for %scan3A_20 = %scan3A to %scan3A_7 step %scan3A_8 iter_args(%scan3A_21 = %broadcast_in_dim3A_5) -> (vector<24x256xf32>)  : i32 {
      %mul3A = arith.constant 128 : i32
      %mul3A_22 = arith.muli %scan3A_20, %mul3A : i32
      %get3A_23 = arith.constant 0 : index
      %get3A_24 = arith.index_cast %mul3A_22 : i32 to index
      %get3A_25 = vector.load %arg1[%get3A_23, %get3A_24] : memref<24x8192xf32, #tpu.memory_space<vmem>>, vector<24x128xf32>
      %convert_element_type3A = arith.fptosi %get3A_25 : vector<24x128xf32> to vector<24x128xi32>
      %broadcast_in_dim3A_26 = vector.shape_cast %convert_element_type3A : vector<24x128xi32> to vector<24x1x128xi32>
      %eq3A = vector.broadcast %broadcast_in_dim3A_26 : vector<24x1x128xi32> to vector<24x256x128xi32>
      %eq3A_27 = arith.cmpi eq, %eq3A, %iota3A : vector<24x256x128xi32>
      %convert_element_type3A_28 = arith.extui %eq3A_27 : vector<24x256x128xi1> to vector<24x256x128xi32>
      %convert_element_type3A_29 = arith.sitofp %convert_element_type3A_28 : vector<24x256x128xi32> to vector<24x256x128xf32>
      %reduce_sum3A = arith.constant dense<0.000000e+00> : vector<24x256xf32>
      %reduce_sum3A_30 = vector.multi_reduction <add>, %convert_element_type3A_29, %reduce_sum3A [2] : vector<24x256x128xf32> to vector<24x256xf32>
      %add3A = arith.addf %scan3A_21, %reduce_sum3A_30 : vector<24x256xf32>
      %scan3A_31 = arith.constant 1 : i32
      %scan3A_32 = arith.addi %scan3A_20, %scan3A_31 : i32
      %mul3A_33 = arith.constant 128 : i32
      %mul3A_34 = arith.muli %scan3A_32, %mul3A_33 : i32
      %get3A_35 = arith.constant 0 : index
      %get3A_36 = arith.index_cast %mul3A_34 : i32 to index
      %get3A_37 = vector.load %arg1[%get3A_35, %get3A_36] : memref<24x8192xf32, #tpu.memory_space<vmem>>, vector<24x128xf32>
      %convert_element_type3A_38 = arith.fptosi %get3A_37 : vector<24x128xf32> to vector<24x128xi32>
      %broadcast_in_dim3A_39 = vector.shape_cast %convert_element_type3A_38 : vector<24x128xi32> to vector<24x1x128xi32>
      %eq3A_40 = vector.broadcast %broadcast_in_dim3A_39 : vector<24x1x128xi32> to vector<24x256x128xi32>
      %eq3A_41 = arith.cmpi eq, %eq3A_40, %iota3A : vector<24x256x128xi32>
      %convert_element_type3A_42 = arith.extui %eq3A_41 : vector<24x256x128xi1> to vector<24x256x128xi32>
      %convert_element_type3A_43 = arith.sitofp %convert_element_type3A_42 : vector<24x256x128xi32> to vector<24x256x128xf32>
      %reduce_sum3A_44 = arith.constant dense<0.000000e+00> : vector<24x256xf32>
      %reduce_sum3A_45 = vector.multi_reduction <add>, %convert_element_type3A_43, %reduce_sum3A_44 [2] : vector<24x256x128xf32> to vector<24x256xf32>
      %add3A_46 = arith.addf %add3A, %reduce_sum3A_45 : vector<24x256xf32>
      %scan3A_47 = arith.constant 2 : i32
      %scan3A_48 = arith.addi %scan3A_20, %scan3A_47 : i32
      %mul3A_49 = arith.constant 128 : i32
      %mul3A_50 = arith.muli %scan3A_48, %mul3A_49 : i32
      %get3A_51 = arith.constant 0 : index
      %get3A_52 = arith.index_cast %mul3A_50 : i32 to index
      %get3A_53 = vector.load %arg1[%get3A_51, %get3A_52] : memref<24x8192xf32, #tpu.memory_space<vmem>>, vector<24x128xf32>
      %convert_element_type3A_54 = arith.fptosi %get3A_53 : vector<24x128xf32> to vector<24x128xi32>
      %broadcast_in_dim3A_55 = vector.shape_cast %convert_element_type3A_54 : vector<24x128xi32> to vector<24x1x128xi32>
      %eq3A_56 = vector.broadcast %broadcast_in_dim3A_55 : vector<24x1x128xi32> to vector<24x256x128xi32>
      %eq3A_57 = arith.cmpi eq, %eq3A_56, %iota3A : vector<24x256x128xi32>
      %convert_element_type3A_58 = arith.extui %eq3A_57 : vector<24x256x128xi1> to vector<24x256x128xi32>
      %convert_element_type3A_59 = arith.sitofp %convert_element_type3A_58 : vector<24x256x128xi32> to vector<24x256x128xf32>
      %reduce_sum3A_60 = arith.constant dense<0.000000e+00> : vector<24x256xf32>
      %reduce_sum3A_61 = vector.multi_reduction <add>, %convert_element_type3A_59, %reduce_sum3A_60 [2] : vector<24x256x128xf32> to vector<24x256xf32>
      %add3A_62 = arith.addf %add3A_46, %reduce_sum3A_61 : vector<24x256xf32>
      %scan3A_63 = arith.constant 3 : i32
      %scan3A_64 = arith.addi %scan3A_20, %scan3A_63 : i32
      %mul3A_65 = arith.constant 128 : i32
      %mul3A_66 = arith.muli %scan3A_64, %mul3A_65 : i32
      %get3A_67 = arith.constant 0 : index
      %get3A_68 = arith.index_cast %mul3A_66 : i32 to index
      %get3A_69 = vector.load %arg1[%get3A_67, %get3A_68] : memref<24x8192xf32, #tpu.memory_space<vmem>>, vector<24x128xf32>
      %convert_element_type3A_70 = arith.fptosi %get3A_69 : vector<24x128xf32> to vector<24x128xi32>
      %broadcast_in_dim3A_71 = vector.shape_cast %convert_element_type3A_70 : vector<24x128xi32> to vector<24x1x128xi32>
      %eq3A_72 = vector.broadcast %broadcast_in_dim3A_71 : vector<24x1x128xi32> to vector<24x256x128xi32>
      %eq3A_73 = arith.cmpi eq, %eq3A_72, %iota3A : vector<24x256x128xi32>
      %convert_element_type3A_74 = arith.extui %eq3A_73 : vector<24x256x128xi1> to vector<24x256x128xi32>
      %convert_element_type3A_75 = arith.sitofp %convert_element_type3A_74 : vector<24x256x128xi32> to vector<24x256x128xf32>
      %reduce_sum3A_76 = arith.constant dense<0.000000e+00> : vector<24x256xf32>
      %reduce_sum3A_77 = vector.multi_reduction <add>, %convert_element_type3A_75, %reduce_sum3A_76 [2] : vector<24x256x128xf32> to vector<24x256xf32>
      %add3A_78 = arith.addf %add3A_62, %reduce_sum3A_77 : vector<24x256xf32>
      scf.yield %add3A_78 : vector<24x256xf32>
    }
    %scan3A_10 = arith.constant 64 : i32
    %dot_general3A = arith.constant dense<0.000000e+00> : vector<24x256xf32>
    %dot_general3A_11 = tpu.matmul %scan3A_9, %get3A_4, %dot_general3A {dimension_numbers = #tpu.dot_dimension_numbers<[1], [0], [0], [1], [0, 0, 1, 1], [], []>, transpose_lhs_hint = false} : vector<24x256xf32>, vector<256x256xf32>, vector<24x256xf32> -> vector<24x256xf32>
    %broadcast_in_dim3A_12 = arith.constant 0.000000e+00 : f32
    %broadcast_in_dim3A_13 = vector.broadcast %broadcast_in_dim3A_12 : f32 to vector<24x256xf32>
    %scan3A_14 = arith.constant 0 : i32
    %scan3A_15 = arith.constant 64 : i32
    %scan3A_16 = arith.addi %scan3A_14, %scan3A_15 : i32
    %scan3A_17 = arith.constant 4 : i32
    %scan3A_18 = scf.for %scan3A_20 = %scan3A_14 to %scan3A_16 step %scan3A_17 iter_args(%scan3A_21 = %broadcast_in_dim3A_13) -> (vector<24x256xf32>)  : i32 {
      %mul3A = arith.constant 128 : i32
      %mul3A_22 = arith.muli %scan3A_20, %mul3A : i32
      %get3A_23 = arith.constant 0 : index
      %get3A_24 = arith.index_cast %mul3A_22 : i32 to index
      %get3A_25 = vector.load %arg1[%get3A_23, %get3A_24] : memref<24x8192xf32, #tpu.memory_space<vmem>>, vector<24x128xf32>
      %convert_element_type3A = arith.fptosi %get3A_25 : vector<24x128xf32> to vector<24x128xi32>
      %broadcast_in_dim3A_26 = vector.shape_cast %convert_element_type3A : vector<24x128xi32> to vector<24x1x128xi32>
      %eq3A = vector.broadcast %broadcast_in_dim3A_26 : vector<24x1x128xi32> to vector<24x256x128xi32>
      %eq3A_27 = arith.cmpi eq, %eq3A, %iota3A : vector<24x256x128xi32>
      %convert_element_type3A_28 = arith.extui %eq3A_27 : vector<24x256x128xi1> to vector<24x256x128xi32>
      %convert_element_type3A_29 = arith.sitofp %convert_element_type3A_28 : vector<24x256x128xi32> to vector<24x256x128xf32>
      %reshape3A = vector.shape_cast %convert_element_type3A_29 : vector<24x256x128xf32> to vector<6144x128xf32>
      %dot_general3A_30 = arith.constant dense<0.000000e+00> : vector<6144x128xf32>
      %dot_general3A_31 = tpu.matmul %reshape3A, %get3A_1, %dot_general3A_30 {dimension_numbers = #tpu.dot_dimension_numbers<[1], [0], [0], [1], [0, 0, 1, 1], [], []>, transpose_lhs_hint = false} : vector<6144x128xf32>, vector<128x128xf32>, vector<6144x128xf32> -> vector<6144x128xf32>
      %reshape3A_32 = vector.shape_cast %dot_general3A_31 : vector<6144x128xf32> to vector<24x256x128xf32>
      %add3A = arith.addf %scan3A_21, %dot_general3A_11 : vector<24x256xf32>
      %broadcast_in_dim3A_33 = vector.shape_cast %add3A : vector<24x256xf32> to vector<24x256x1xf32>
      %add3A_34 = vector.broadcast %broadcast_in_dim3A_33 : vector<24x256x1xf32> to vector<24x256x128xf32>
      %add3A_35 = arith.addf %reshape3A_32, %add3A_34 : vector<24x256x128xf32>
      %mul3A_36 = arith.mulf %convert_element_type3A_29, %add3A_35 : vector<24x256x128xf32>
      %reduce_sum3A = arith.constant dense<0.000000e+00> : vector<24x128xf32>
      %reduce_sum3A_37 = vector.multi_reduction <add>, %mul3A_36, %reduce_sum3A [1] : vector<24x256x128xf32> to vector<24x128xf32>
      %sub3A = arith.constant 1.000000e+00 : f32
      %sub3A_38 = vector.broadcast %sub3A : f32 to vector<24x128xf32>
      %sub3A_39 = arith.subf %reduce_sum3A_37, %sub3A_38 : vector<24x128xf32>
      %broadcast_in_dim3A_40 = vector.shape_cast %sub3A_39 : vector<24x128xf32> to vector<24x1x128xf32>
      %convert_element_type3A_41 = arith.fptosi %broadcast_in_dim3A_40 : vector<24x1x128xf32> to vector<24x1x128xi32>
      %mul3A_42 = arith.constant 128 : i32
      %mul3A_43 = arith.muli %scan3A_20, %mul3A_42 : i32
      %swap3A = arith.constant 0 : index
      %swap3A_44 = arith.constant 0 : index
      %swap3A_45 = arith.index_cast %mul3A_43 : i32 to index
      %swap3A_46 = vector.load %arg4[%swap3A, %swap3A_44, %swap3A_45] : memref<24x1x8192xi32, #tpu.memory_space<vmem>>, vector<24x1x128xi32>
      tpu.vector_store %arg4[%swap3A, %swap3A_44, %swap3A_45], %convert_element_type3A_41 {strides = array<i32>} : memref<24x1x8192xi32, #tpu.memory_space<vmem>>, vector<24x1x128xi32>,
      %reduce_sum3A_47 = arith.constant dense<0.000000e+00> : vector<24x256xf32>
      %reduce_sum3A_48 = vector.multi_reduction <add>, %convert_element_type3A_29, %reduce_sum3A_47 [2] : vector<24x256x128xf32> to vector<24x256xf32>
      %add3A_49 = arith.addf %scan3A_21, %reduce_sum3A_48 : vector<24x256xf32>
      %scan3A_50 = arith.constant 1 : i32
      %scan3A_51 = arith.addi %scan3A_20, %scan3A_50 : i32
      %mul3A_52 = arith.constant 128 : i32
      %mul3A_53 = arith.muli %scan3A_51, %mul3A_52 : i32
      %get3A_54 = arith.constant 0 : index
      %get3A_55 = arith.index_cast %mul3A_53 : i32 to index
      %get3A_56 = vector.load %arg1[%get3A_54, %get3A_55] : memref<24x8192xf32, #tpu.memory_space<vmem>>, vector<24x128xf32>
      %convert_element_type3A_57 = arith.fptosi %get3A_56 : vector<24x128xf32> to vector<24x128xi32>
      %broadcast_in_dim3A_58 = vector.shape_cast %convert_element_type3A_57 : vector<24x128xi32> to vector<24x1x128xi32>
      %eq3A_59 = vector.broadcast %broadcast_in_dim3A_58 : vector<24x1x128xi32> to vector<24x256x128xi32>
      %eq3A_60 = arith.cmpi eq, %eq3A_59, %iota3A : vector<24x256x128xi32>
      %convert_element_type3A_61 = arith.extui %eq3A_60 : vector<24x256x128xi1> to vector<24x256x128xi32>
      %convert_element_type3A_62 = arith.sitofp %convert_element_type3A_61 : vector<24x256x128xi32> to vector<24x256x128xf32>
      %reshape3A_63 = vector.shape_cast %convert_element_type3A_62 : vector<24x256x128xf32> to vector<6144x128xf32>
      %dot_general3A_64 = arith.constant dense<0.000000e+00> : vector<6144x128xf32>
      %dot_general3A_65 = tpu.matmul %reshape3A_63, %get3A_1, %dot_general3A_64 {dimension_numbers = #tpu.dot_dimension_numbers<[1], [0], [0], [1], [0, 0, 1, 1], [], []>, transpose_lhs_hint = false} : vector<6144x128xf32>, vector<128x128xf32>, vector<6144x128xf32> -> vector<6144x128xf32>
      %reshape3A_66 = vector.shape_cast %dot_general3A_65 : vector<6144x128xf32> to vector<24x256x128xf32>
      %add3A_67 = arith.addf %add3A_49, %dot_general3A_11 : vector<24x256xf32>
      %broadcast_in_dim3A_68 = vector.shape_cast %add3A_67 : vector<24x256xf32> to vector<24x256x1xf32>
      %add3A_69 = vector.broadcast %broadcast_in_dim3A_68 : vector<24x256x1xf32> to vector<24x256x128xf32>
      %add3A_70 = arith.addf %reshape3A_66, %add3A_69 : vector<24x256x128xf32>
      %mul3A_71 = arith.mulf %convert_element_type3A_62, %add3A_70 : vector<24x256x128xf32>
      %reduce_sum3A_72 = arith.constant dense<0.000000e+00> : vector<24x128xf32>
      %reduce_sum3A_73 = vector.multi_reduction <add>, %mul3A_71, %reduce_sum3A_72 [1] : vector<24x256x128xf32> to vector<24x128xf32>
      %sub3A_74 = arith.constant 1.000000e+00 : f32
      %sub3A_75 = vector.broadcast %sub3A_74 : f32 to vector<24x128xf32>
      %sub3A_76 = arith.subf %reduce_sum3A_73, %sub3A_75 : vector<24x128xf32>
      %broadcast_in_dim3A_77 = vector.shape_cast %sub3A_76 : vector<24x128xf32> to vector<24x1x128xf32>
      %convert_element_type3A_78 = arith.fptosi %broadcast_in_dim3A_77 : vector<24x1x128xf32> to vector<24x1x128xi32>
      %mul3A_79 = arith.constant 128 : i32
      %mul3A_80 = arith.muli %scan3A_51, %mul3A_79 : i32
      %swap3A_81 = arith.constant 0 : index
      %swap3A_82 = arith.constant 0 : index
      %swap3A_83 = arith.index_cast %mul3A_80 : i32 to index
      %swap3A_84 = vector.load %arg4[%swap3A_81, %swap3A_82, %swap3A_83] : memref<24x1x8192xi32, #tpu.memory_space<vmem>>, vector<24x1x128xi32>
      tpu.vector_store %arg4[%swap3A_81, %swap3A_82, %swap3A_83], %convert_element_type3A_78 {strides = array<i32>} : memref<24x1x8192xi32, #tpu.memory_space<vmem>>, vector<24x1x128xi32>,
      %reduce_sum3A_85 = arith.constant dense<0.000000e+00> : vector<24x256xf32>
      %reduce_sum3A_86 = vector.multi_reduction <add>, %convert_element_type3A_62, %reduce_sum3A_85 [2] : vector<24x256x128xf32> to vector<24x256xf32>
      %add3A_87 = arith.addf %add3A_49, %reduce_sum3A_86 : vector<24x256xf32>
      %scan3A_88 = arith.constant 2 : i32
      %scan3A_89 = arith.addi %scan3A_20, %scan3A_88 : i32
      %mul3A_90 = arith.constant 128 : i32
      %mul3A_91 = arith.muli %scan3A_89, %mul3A_90 : i32
      %get3A_92 = arith.constant 0 : index
      %get3A_93 = arith.index_cast %mul3A_91 : i32 to index
      %get3A_94 = vector.load %arg1[%get3A_92, %get3A_93] : memref<24x8192xf32, #tpu.memory_space<vmem>>, vector<24x128xf32>
      %convert_element_type3A_95 = arith.fptosi %get3A_94 : vector<24x128xf32> to vector<24x128xi32>
      %broadcast_in_dim3A_96 = vector.shape_cast %convert_element_type3A_95 : vector<24x128xi32> to vector<24x1x128xi32>
      %eq3A_97 = vector.broadcast %broadcast_in_dim3A_96 : vector<24x1x128xi32> to vector<24x256x128xi32>
      %eq3A_98 = arith.cmpi eq, %eq3A_97, %iota3A : vector<24x256x128xi32>
      %convert_element_type3A_99 = arith.extui %eq3A_98 : vector<24x256x128xi1> to vector<24x256x128xi32>
      %convert_element_type3A_100 = arith.sitofp %convert_element_type3A_99 : vector<24x256x128xi32> to vector<24x256x128xf32>
      %reshape3A_101 = vector.shape_cast %convert_element_type3A_100 : vector<24x256x128xf32> to vector<6144x128xf32>
      %dot_general3A_102 = arith.constant dense<0.000000e+00> : vector<6144x128xf32>
      %dot_general3A_103 = tpu.matmul %reshape3A_101, %get3A_1, %dot_general3A_102 {dimension_numbers = #tpu.dot_dimension_numbers<[1], [0], [0], [1], [0, 0, 1, 1], [], []>, transpose_lhs_hint = false} : vector<6144x128xf32>, vector<128x128xf32>, vector<6144x128xf32> -> vector<6144x128xf32>
      %reshape3A_104 = vector.shape_cast %dot_general3A_103 : vector<6144x128xf32> to vector<24x256x128xf32>
      %add3A_105 = arith.addf %add3A_87, %dot_general3A_11 : vector<24x256xf32>
      %broadcast_in_dim3A_106 = vector.shape_cast %add3A_105 : vector<24x256xf32> to vector<24x256x1xf32>
      %add3A_107 = vector.broadcast %broadcast_in_dim3A_106 : vector<24x256x1xf32> to vector<24x256x128xf32>
      %add3A_108 = arith.addf %reshape3A_104, %add3A_107 : vector<24x256x128xf32>
      %mul3A_109 = arith.mulf %convert_element_type3A_100, %add3A_108 : vector<24x256x128xf32>
      %reduce_sum3A_110 = arith.constant dense<0.000000e+00> : vector<24x128xf32>
      %reduce_sum3A_111 = vector.multi_reduction <add>, %mul3A_109, %reduce_sum3A_110 [1] : vector<24x256x128xf32> to vector<24x128xf32>
      %sub3A_112 = arith.constant 1.000000e+00 : f32
      %sub3A_113 = vector.broadcast %sub3A_112 : f32 to vector<24x128xf32>
      %sub3A_114 = arith.subf %reduce_sum3A_111, %sub3A_113 : vector<24x128xf32>
      %broadcast_in_dim3A_115 = vector.shape_cast %sub3A_114 : vector<24x128xf32> to vector<24x1x128xf32>
      %convert_element_type3A_116 = arith.fptosi %broadcast_in_dim3A_115 : vector<24x1x128xf32> to vector<24x1x128xi32>
      %mul3A_117 = arith.constant 128 : i32
      %mul3A_118 = arith.muli %scan3A_89, %mul3A_117 : i32
      %swap3A_119 = arith.constant 0 : index
      %swap3A_120 = arith.constant 0 : index
      %swap3A_121 = arith.index_cast %mul3A_118 : i32 to index
      %swap3A_122 = vector.load %arg4[%swap3A_119, %swap3A_120, %swap3A_121] : memref<24x1x8192xi32, #tpu.memory_space<vmem>>, vector<24x1x128xi32>
      tpu.vector_store %arg4[%swap3A_119, %swap3A_120, %swap3A_121], %convert_element_type3A_116 {strides = array<i32>} : memref<24x1x8192xi32, #tpu.memory_space<vmem>>, vector<24x1x128xi32>,
      %reduce_sum3A_123 = arith.constant dense<0.000000e+00> : vector<24x256xf32>
      %reduce_sum3A_124 = vector.multi_reduction <add>, %convert_element_type3A_100, %reduce_sum3A_123 [2] : vector<24x256x128xf32> to vector<24x256xf32>
      %add3A_125 = arith.addf %add3A_87, %reduce_sum3A_124 : vector<24x256xf32>
      %scan3A_126 = arith.constant 3 : i32
      %scan3A_127 = arith.addi %scan3A_20, %scan3A_126 : i32
      %mul3A_128 = arith.constant 128 : i32
      %mul3A_129 = arith.muli %scan3A_127, %mul3A_128 : i32
      %get3A_130 = arith.constant 0 : index
      %get3A_131 = arith.index_cast %mul3A_129 : i32 to index
      %get3A_132 = vector.load %arg1[%get3A_130, %get3A_131] : memref<24x8192xf32, #tpu.memory_space<vmem>>, vector<24x128xf32>
      %convert_element_type3A_133 = arith.fptosi %get3A_132 : vector<24x128xf32> to vector<24x128xi32>
      %broadcast_in_dim3A_134 = vector.shape_cast %convert_element_type3A_133 : vector<24x128xi32> to vector<24x1x128xi32>
      %eq3A_135 = vector.broadcast %broadcast_in_dim3A_134 : vector<24x1x128xi32> to vector<24x256x128xi32>
      %eq3A_136 = arith.cmpi eq, %eq3A_135, %iota3A : vector<24x256x128xi32>
      %convert_element_type3A_137 = arith.extui %eq3A_136 : vector<24x256x128xi1> to vector<24x256x128xi32>
      %convert_element_type3A_138 = arith.sitofp %convert_element_type3A_137 : vector<24x256x128xi32> to vector<24x256x128xf32>
      %reshape3A_139 = vector.shape_cast %convert_element_type3A_138 : vector<24x256x128xf32> to vector<6144x128xf32>
      %dot_general3A_140 = arith.constant dense<0.000000e+00> : vector<6144x128xf32>
      %dot_general3A_141 = tpu.matmul %reshape3A_139, %get3A_1, %dot_general3A_140 {dimension_numbers = #tpu.dot_dimension_numbers<[1], [0], [0], [1], [0, 0, 1, 1], [], []>, transpose_lhs_hint = false} : vector<6144x128xf32>, vector<128x128xf32>, vector<6144x128xf32> -> vector<6144x128xf32>
      %reshape3A_142 = vector.shape_cast %dot_general3A_141 : vector<6144x128xf32> to vector<24x256x128xf32>
      %add3A_143 = arith.addf %add3A_125, %dot_general3A_11 : vector<24x256xf32>
      %broadcast_in_dim3A_144 = vector.shape_cast %add3A_143 : vector<24x256xf32> to vector<24x256x1xf32>
      %add3A_145 = vector.broadcast %broadcast_in_dim3A_144 : vector<24x256x1xf32> to vector<24x256x128xf32>
      %add3A_146 = arith.addf %reshape3A_142, %add3A_145 : vector<24x256x128xf32>
      %mul3A_147 = arith.mulf %convert_element_type3A_138, %add3A_146 : vector<24x256x128xf32>
      %reduce_sum3A_148 = arith.constant dense<0.000000e+00> : vector<24x128xf32>
      %reduce_sum3A_149 = vector.multi_reduction <add>, %mul3A_147, %reduce_sum3A_148 [1] : vector<24x256x128xf32> to vector<24x128xf32>
      %sub3A_150 = arith.constant 1.000000e+00 : f32
      %sub3A_151 = vector.broadcast %sub3A_150 : f32 to vector<24x128xf32>
      %sub3A_152 = arith.subf %reduce_sum3A_149, %sub3A_151 : vector<24x128xf32>
      %broadcast_in_dim3A_153 = vector.shape_cast %sub3A_152 : vector<24x128xf32> to vector<24x1x128xf32>
      %convert_element_type3A_154 = arith.fptosi %broadcast_in_dim3A_153 : vector<24x1x128xf32> to vector<24x1x128xi32>
      %mul3A_155 = arith.constant 128 : i32
      %mul3A_156 = arith.muli %scan3A_127, %mul3A_155 : i32
      %swap3A_157 = arith.constant 0 : index
      %swap3A_158 = arith.constant 0 : index
      %swap3A_159 = arith.index_cast %mul3A_156 : i32 to index
      %swap3A_160 = vector.load %arg4[%swap3A_157, %swap3A_158, %swap3A_159] : memref<24x1x8192xi32, #tpu.memory_space<vmem>>, vector<24x1x128xi32>
      tpu.vector_store %arg4[%swap3A_157, %swap3A_158, %swap3A_159], %convert_element_type3A_154 {strides = array<i32>} : memref<24x1x8192xi32, #tpu.memory_space<vmem>>, vector<24x1x128xi32>,
      %reduce_sum3A_161 = arith.constant dense<0.000000e+00> : vector<24x256xf32>
      %reduce_sum3A_162 = vector.multi_reduction <add>, %convert_element_type3A_138, %reduce_sum3A_161 [2] : vector<24x256x128xf32> to vector<24x256xf32>
      %add3A_163 = arith.addf %add3A_125, %reduce_sum3A_162 : vector<24x256xf32>
      scf.yield %add3A_163 : vector<24x256xf32>
    }
    %scan3A_19 = arith.constant 64 : i32
    return
  }
  func.func @transform_0(%arg0: i32) -> (i32, i32) {
    %c0_i32 = arith.constant 0 : i32
    %c0_i32_0 = arith.constant 0 : i32
    %c0_i32_1 = arith.constant 0 : i32
    return %c0_i32, %c0_i32_0 : i32, i32
  }
  func.func @transform_1(%arg0: i32) -> (i32, i32) {
    %c0_i32 = arith.constant 0 : i32
    %c0_i32_0 = arith.constant 0 : i32
    %c0_i32_1 = arith.constant 0 : i32
    return %c0_i32, %c0_i32_0 : i32, i32
  }
  func.func @transform_2(%arg0: i32) -> (i32, i32) {
    %c0_i32 = arith.constant 0 : i32
    %c0_i32_0 = arith.constant 0 : i32
    %c0_i32_1 = arith.constant 0 : i32
    return %c0_i32, %c0_i32_0 : i32, i32
  }
  func.func @transform_3(%arg0: i32) -> (i32, i32, i32) {
    %c0_i32 = arith.constant 0 : i32
    %c0_i32_0 = arith.constant 0 : i32
    %c0_i32_1 = arith.constant 0 : i32
    %c0_i32_2 = arith.constant 0 : i32
    return %c0_i32, %c0_i32_0, %c0_i32_1 : i32, i32, i32
  }
}

module attributes {stable_mosaic.version = 14 : i64} {
  func.func @_proj_hash_body(%arg0: i32, %arg1: memref<512x768xf32, #tpu.memory_space<vmem>>, %arg2: memref<768x768xf32, #tpu.memory_space<vmem>>, %arg3: memref<768x768xf32, #tpu.memory_space<vmem>>, %arg4: memref<64x256xf32, #tpu.memory_space<vmem>>, %arg5: memref<512x512xf32, #tpu.memory_space<vmem>>, %arg6: memref<512x1536xf32, #tpu.memory_space<vmem>>, %arg7: memref<24x512xf32, #tpu.memory_space<vmem>>) attributes {dimension_semantics = [#tpu.dimension_semantics<arbitrary>], iteration_bounds = array<i64: 16>, scalar_prefetch = 0 : i64, scratch_operands = 0 : i64, tpu.core_type = #tpu.core_type<tc>, window_params = [{transform_indices = @transform_0, window_bounds = array<i64: 512, 768>}, {pipeline_mode = #tpu.pipeline_mode<synchronous>, transform_indices = @transform_1, window_bounds = array<i64: 768, 768>}, {pipeline_mode = #tpu.pipeline_mode<synchronous>, transform_indices = @transform_2, window_bounds = array<i64: 768, 768>}, {pipeline_mode = #tpu.pipeline_mode<synchronous>, transform_indices = @transform_3, window_bounds = array<i64: 64, 256>}, {pipeline_mode = #tpu.pipeline_mode<synchronous>, transform_indices = @transform_4, window_bounds = array<i64: 512, 512>}, {transform_indices = @transform_5, window_bounds = array<i64: 512, 1536>}, {transform_indices = @transform_6, window_bounds = array<i64: 24, 512>}]} {
    %get3A = arith.constant 0 : index
    %get3A_0 = arith.constant 0 : index
    %get3A_1 = vector.load %arg1[%get3A, %get3A_0] : memref<512x768xf32, #tpu.memory_space<vmem>>, vector<512x768xf32>
    %get3A_2 = arith.constant 0 : index
    %get3A_3 = arith.constant 0 : index
    %get3A_4 = vector.load %arg2[%get3A_2, %get3A_3] : memref<768x768xf32, #tpu.memory_space<vmem>>, vector<768x768xf32>
    %get3A_5 = arith.constant 0 : index
    %get3A_6 = arith.constant 0 : index
    %get3A_7 = vector.load %arg3[%get3A_5, %get3A_6] : memref<768x768xf32, #tpu.memory_space<vmem>>, vector<768x768xf32>
    %get3A_8 = arith.constant 0 : index
    %get3A_9 = arith.constant 0 : index
    %get3A_10 = vector.load %arg5[%get3A_8, %get3A_9] : memref<512x512xf32, #tpu.memory_space<vmem>>, vector<512x512xf32>
    %dot_general3A = arith.constant dense<0.000000e+00> : vector<512x768xf32>
    %dot_general3A_11 = tpu.matmul %get3A_1, %get3A_4, %dot_general3A {dimension_numbers = #tpu.dot_dimension_numbers<[1], [1], [0], [0], [0, 0, 1, 0], [], []>, transpose_lhs_hint = false} : vector<512x768xf32>, vector<768x768xf32>, vector<512x768xf32> -> vector<512x768xf32>
    %dot_general3A_12 = arith.constant dense<0.000000e+00> : vector<512x768xf32>
    %dot_general3A_13 = tpu.matmul %get3A_1, %get3A_7, %dot_general3A_12 {dimension_numbers = #tpu.dot_dimension_numbers<[1], [1], [0], [0], [0, 0, 1, 0], [], []>, transpose_lhs_hint = false} : vector<512x768xf32>, vector<768x768xf32>, vector<512x768xf32> -> vector<512x768xf32>
    %get3A_14 = arith.constant 0 : index
    %get3A_15 = arith.constant 0 : index
    %get3A_16 = vector.load %arg4[%get3A_14, %get3A_15] : memref<64x256xf32, #tpu.memory_space<vmem>>, vector<64x256xf32>
    %iota3A = tpu.iota {dimensions = array<i32: 1>} : vector<512x128xi32>
    %slice3A = vector.extract_strided_slice %dot_general3A_11 {offsets = [0, 0], sizes = [512, 64], strides = [1, 1]} : vector<512x768xf32> to vector<512x64xf32>
    %slice3A_17 = vector.extract_strided_slice %dot_general3A_13 {offsets = [0, 0], sizes = [512, 64], strides = [1, 1]} : vector<512x768xf32> to vector<512x64xf32>
    %dot_general3A_18 = arith.constant dense<0.000000e+00> : vector<512x256xf32>
    %dot_general3A_19 = tpu.matmul %slice3A, %get3A_16, %dot_general3A_18 {dimension_numbers = #tpu.dot_dimension_numbers<[1], [0], [0], [1], [0, 0, 1, 1], [], []>, transpose_lhs_hint = false} : vector<512x64xf32>, vector<64x256xf32>, vector<512x256xf32> -> vector<512x256xf32>
    %slice3A_20 = vector.extract_strided_slice %dot_general3A_19 {offsets = [0, 0], sizes = [512, 128], strides = [1, 1]} : vector<512x256xf32> to vector<512x128xf32>
    %abs3A = math.absf %slice3A_20 : vector<512x128xf32>
    %reduce_max3A = arith.constant dense<0xFF800000> : vector<512xf32>
    %reduce_max3A_21 = vector.multi_reduction <maximumf>, %abs3A, %reduce_max3A [1] : vector<512x128xf32> to vector<512xf32>
    %broadcast_in_dim3A = vector.shape_cast %reduce_max3A_21 : vector<512xf32> to vector<512x1xf32>
    %eq3A = vector.broadcast %broadcast_in_dim3A : vector<512x1xf32> to vector<512x128xf32>
    %eq3A_22 = arith.cmpf oeq, %slice3A_20, %eq3A : vector<512x128xf32>
    %jit3A = arith.constant 512 : i32
    %broadcast_in_dim3A_23 = vector.broadcast %jit3A : i32 to vector<512x128xi32>
    %select_n3A = arith.select %eq3A_22, %iota3A, %broadcast_in_dim3A_23 : vector<512x128xi1>, vector<512x128xi32>
    %neg3A = arith.constant 0.000000e+00 : f32
    %neg3A_24 = vector.broadcast %neg3A : f32 to vector<512x1xf32>
    %neg3A_25 = arith.subf %neg3A_24, %broadcast_in_dim3A : vector<512x1xf32>
    %eq3A_26 = vector.broadcast %neg3A_25 : vector<512x1xf32> to vector<512x128xf32>
    %eq3A_27 = arith.cmpf oeq, %slice3A_20, %eq3A_26 : vector<512x128xf32>
    %add3A = arith.constant 128 : i32
    %add3A_28 = vector.broadcast %add3A : i32 to vector<512x128xi32>
    %add3A_29 = arith.addi %iota3A, %add3A_28 : vector<512x128xi32>
    %jit3A_30 = arith.constant 512 : i32
    %broadcast_in_dim3A_31 = vector.broadcast %jit3A_30 : i32 to vector<512x128xi32>
    %select_n3A_32 = arith.select %eq3A_27, %add3A_29, %broadcast_in_dim3A_31 : vector<512x128xi1>, vector<512x128xi32>
    %min3A = arith.minsi %select_n3A, %select_n3A_32 : vector<512x128xi32>
    %reduce_min3A = arith.constant dense<2147483647> : vector<512xi32>
    %reduce_min3A_33 = vector.multi_reduction <minsi>, %min3A, %reduce_min3A [1] : vector<512x128xi32> to vector<512xi32>
    %broadcast_in_dim3A_34 = vector.shape_cast %reduce_min3A_33 : vector<512xi32> to vector<512x1xi32>
    %convert_element_type3A = arith.sitofp %broadcast_in_dim3A_34 : vector<512x1xi32> to vector<512x1xf32>
    %dot_general3A_35 = arith.constant dense<0.000000e+00> : vector<1x512xf32>
    %dot_general3A_36 = tpu.matmul %convert_element_type3A, %get3A_10, %dot_general3A_35 {dimension_numbers = #tpu.dot_dimension_numbers<[0], [0], [1], [1], [0, 1, 1, 1], [], []>, transpose_lhs_hint = false} : vector<512x1xf32>, vector<512x512xf32>, vector<1x512xf32> -> vector<1x512xf32>
    %swap3A = arith.constant 0 : index
    %swap3A_37 = arith.constant 0 : index
    %swap3A_38 = vector.load %arg7[%swap3A, %swap3A_37] : memref<24x512xf32, #tpu.memory_space<vmem>>, vector<1x512xf32>
    tpu.vector_store %arg7[%swap3A, %swap3A_37], %dot_general3A_36 {strides = array<i32>} : memref<24x512xf32, #tpu.memory_space<vmem>>, vector<1x512xf32>,
    %slice3A_39 = vector.extract_strided_slice %dot_general3A_19 {offsets = [0, 128], sizes = [512, 128], strides = [1, 1]} : vector<512x256xf32> to vector<512x128xf32>
    %abs3A_40 = math.absf %slice3A_39 : vector<512x128xf32>
    %reduce_max3A_41 = arith.constant dense<0xFF800000> : vector<512xf32>
    %reduce_max3A_42 = vector.multi_reduction <maximumf>, %abs3A_40, %reduce_max3A_41 [1] : vector<512x128xf32> to vector<512xf32>
    %broadcast_in_dim3A_43 = vector.shape_cast %reduce_max3A_42 : vector<512xf32> to vector<512x1xf32>
    %eq3A_44 = vector.broadcast %broadcast_in_dim3A_43 : vector<512x1xf32> to vector<512x128xf32>
    %eq3A_45 = arith.cmpf oeq, %slice3A_39, %eq3A_44 : vector<512x128xf32>
    %jit3A_46 = arith.constant 512 : i32
    %broadcast_in_dim3A_47 = vector.broadcast %jit3A_46 : i32 to vector<512x128xi32>
    %select_n3A_48 = arith.select %eq3A_45, %iota3A, %broadcast_in_dim3A_47 : vector<512x128xi1>, vector<512x128xi32>
    %neg3A_49 = arith.constant 0.000000e+00 : f32
    %neg3A_50 = vector.broadcast %neg3A_49 : f32 to vector<512x1xf32>
    %neg3A_51 = arith.subf %neg3A_50, %broadcast_in_dim3A_43 : vector<512x1xf32>
    %eq3A_52 = vector.broadcast %neg3A_51 : vector<512x1xf32> to vector<512x128xf32>
    %eq3A_53 = arith.cmpf oeq, %slice3A_39, %eq3A_52 : vector<512x128xf32>
    %add3A_54 = arith.constant 128 : i32
    %add3A_55 = vector.broadcast %add3A_54 : i32 to vector<512x128xi32>
    %add3A_56 = arith.addi %iota3A, %add3A_55 : vector<512x128xi32>
    %jit3A_57 = arith.constant 512 : i32
    %broadcast_in_dim3A_58 = vector.broadcast %jit3A_57 : i32 to vector<512x128xi32>
    %select_n3A_59 = arith.select %eq3A_53, %add3A_56, %broadcast_in_dim3A_58 : vector<512x128xi1>, vector<512x128xi32>
    %min3A_60 = arith.minsi %select_n3A_48, %select_n3A_59 : vector<512x128xi32>
    %reduce_min3A_61 = arith.constant dense<2147483647> : vector<512xi32>
    %reduce_min3A_62 = vector.multi_reduction <minsi>, %min3A_60, %reduce_min3A_61 [1] : vector<512x128xi32> to vector<512xi32>
    %broadcast_in_dim3A_63 = vector.shape_cast %reduce_min3A_62 : vector<512xi32> to vector<512x1xi32>
    %convert_element_type3A_64 = arith.sitofp %broadcast_in_dim3A_63 : vector<512x1xi32> to vector<512x1xf32>
    %dot_general3A_65 = arith.constant dense<0.000000e+00> : vector<1x512xf32>
    %dot_general3A_66 = tpu.matmul %convert_element_type3A_64, %get3A_10, %dot_general3A_65 {dimension_numbers = #tpu.dot_dimension_numbers<[0], [0], [1], [1], [0, 1, 1, 1], [], []>, transpose_lhs_hint = false} : vector<512x1xf32>, vector<512x512xf32>, vector<1x512xf32> -> vector<1x512xf32>
    %swap3A_67 = arith.constant 1 : index
    %swap3A_68 = arith.constant 0 : index
    %swap3A_69 = vector.load %arg7[%swap3A_67, %swap3A_68] : memref<24x512xf32, #tpu.memory_space<vmem>>, vector<1x512xf32>
    tpu.vector_store %arg7[%swap3A_67, %swap3A_68], %dot_general3A_66 {strides = array<i32>} : memref<24x512xf32, #tpu.memory_space<vmem>>, vector<1x512xf32>,
    %slice3A_70 = vector.extract_strided_slice %dot_general3A_11 {offsets = [0, 64], sizes = [512, 64], strides = [1, 1]} : vector<512x768xf32> to vector<512x64xf32>
    %slice3A_71 = vector.extract_strided_slice %dot_general3A_13 {offsets = [0, 64], sizes = [512, 64], strides = [1, 1]} : vector<512x768xf32> to vector<512x64xf32>
    %dot_general3A_72 = arith.constant dense<0.000000e+00> : vector<512x256xf32>
    %dot_general3A_73 = tpu.matmul %slice3A_70, %get3A_16, %dot_general3A_72 {dimension_numbers = #tpu.dot_dimension_numbers<[1], [0], [0], [1], [0, 0, 1, 1], [], []>, transpose_lhs_hint = false} : vector<512x64xf32>, vector<64x256xf32>, vector<512x256xf32> -> vector<512x256xf32>
    %slice3A_74 = vector.extract_strided_slice %dot_general3A_73 {offsets = [0, 0], sizes = [512, 128], strides = [1, 1]} : vector<512x256xf32> to vector<512x128xf32>
    %abs3A_75 = math.absf %slice3A_74 : vector<512x128xf32>
    %reduce_max3A_76 = arith.constant dense<0xFF800000> : vector<512xf32>
    %reduce_max3A_77 = vector.multi_reduction <maximumf>, %abs3A_75, %reduce_max3A_76 [1] : vector<512x128xf32> to vector<512xf32>
    %broadcast_in_dim3A_78 = vector.shape_cast %reduce_max3A_77 : vector<512xf32> to vector<512x1xf32>
    %eq3A_79 = vector.broadcast %broadcast_in_dim3A_78 : vector<512x1xf32> to vector<512x128xf32>
    %eq3A_80 = arith.cmpf oeq, %slice3A_74, %eq3A_79 : vector<512x128xf32>
    %jit3A_81 = arith.constant 512 : i32
    %broadcast_in_dim3A_82 = vector.broadcast %jit3A_81 : i32 to vector<512x128xi32>
    %select_n3A_83 = arith.select %eq3A_80, %iota3A, %broadcast_in_dim3A_82 : vector<512x128xi1>, vector<512x128xi32>
    %neg3A_84 = arith.constant 0.000000e+00 : f32
    %neg3A_85 = vector.broadcast %neg3A_84 : f32 to vector<512x1xf32>
    %neg3A_86 = arith.subf %neg3A_85, %broadcast_in_dim3A_78 : vector<512x1xf32>
    %eq3A_87 = vector.broadcast %neg3A_86 : vector<512x1xf32> to vector<512x128xf32>
    %eq3A_88 = arith.cmpf oeq, %slice3A_74, %eq3A_87 : vector<512x128xf32>
    %add3A_89 = arith.constant 128 : i32
    %add3A_90 = vector.broadcast %add3A_89 : i32 to vector<512x128xi32>
    %add3A_91 = arith.addi %iota3A, %add3A_90 : vector<512x128xi32>
    %jit3A_92 = arith.constant 512 : i32
    %broadcast_in_dim3A_93 = vector.broadcast %jit3A_92 : i32 to vector<512x128xi32>
    %select_n3A_94 = arith.select %eq3A_88, %add3A_91, %broadcast_in_dim3A_93 : vector<512x128xi1>, vector<512x128xi32>
    %min3A_95 = arith.minsi %select_n3A_83, %select_n3A_94 : vector<512x128xi32>
    %reduce_min3A_96 = arith.constant dense<2147483647> : vector<512xi32>
    %reduce_min3A_97 = vector.multi_reduction <minsi>, %min3A_95, %reduce_min3A_96 [1] : vector<512x128xi32> to vector<512xi32>
    %broadcast_in_dim3A_98 = vector.shape_cast %reduce_min3A_97 : vector<512xi32> to vector<512x1xi32>
    %convert_element_type3A_99 = arith.sitofp %broadcast_in_dim3A_98 : vector<512x1xi32> to vector<512x1xf32>
    %dot_general3A_100 = arith.constant dense<0.000000e+00> : vector<1x512xf32>
    %dot_general3A_101 = tpu.matmul %convert_element_type3A_99, %get3A_10, %dot_general3A_100 {dimension_numbers = #tpu.dot_dimension_numbers<[0], [0], [1], [1], [0, 1, 1, 1], [], []>, transpose_lhs_hint = false} : vector<512x1xf32>, vector<512x512xf32>, vector<1x512xf32> -> vector<1x512xf32>
    %swap3A_102 = arith.constant 2 : index
    %swap3A_103 = arith.constant 0 : index
    %swap3A_104 = vector.load %arg7[%swap3A_102, %swap3A_103] : memref<24x512xf32, #tpu.memory_space<vmem>>, vector<1x512xf32>
    tpu.vector_store %arg7[%swap3A_102, %swap3A_103], %dot_general3A_101 {strides = array<i32>} : memref<24x512xf32, #tpu.memory_space<vmem>>, vector<1x512xf32>,
    %slice3A_105 = vector.extract_strided_slice %dot_general3A_73 {offsets = [0, 128], sizes = [512, 128], strides = [1, 1]} : vector<512x256xf32> to vector<512x128xf32>
    %abs3A_106 = math.absf %slice3A_105 : vector<512x128xf32>
    %reduce_max3A_107 = arith.constant dense<0xFF800000> : vector<512xf32>
    %reduce_max3A_108 = vector.multi_reduction <maximumf>, %abs3A_106, %reduce_max3A_107 [1] : vector<512x128xf32> to vector<512xf32>
    %broadcast_in_dim3A_109 = vector.shape_cast %reduce_max3A_108 : vector<512xf32> to vector<512x1xf32>
    %eq3A_110 = vector.broadcast %broadcast_in_dim3A_109 : vector<512x1xf32> to vector<512x128xf32>
    %eq3A_111 = arith.cmpf oeq, %slice3A_105, %eq3A_110 : vector<512x128xf32>
    %jit3A_112 = arith.constant 512 : i32
    %broadcast_in_dim3A_113 = vector.broadcast %jit3A_112 : i32 to vector<512x128xi32>
    %select_n3A_114 = arith.select %eq3A_111, %iota3A, %broadcast_in_dim3A_113 : vector<512x128xi1>, vector<512x128xi32>
    %neg3A_115 = arith.constant 0.000000e+00 : f32
    %neg3A_116 = vector.broadcast %neg3A_115 : f32 to vector<512x1xf32>
    %neg3A_117 = arith.subf %neg3A_116, %broadcast_in_dim3A_109 : vector<512x1xf32>
    %eq3A_118 = vector.broadcast %neg3A_117 : vector<512x1xf32> to vector<512x128xf32>
    %eq3A_119 = arith.cmpf oeq, %slice3A_105, %eq3A_118 : vector<512x128xf32>
    %add3A_120 = arith.constant 128 : i32
    %add3A_121 = vector.broadcast %add3A_120 : i32 to vector<512x128xi32>
    %add3A_122 = arith.addi %iota3A, %add3A_121 : vector<512x128xi32>
    %jit3A_123 = arith.constant 512 : i32
    %broadcast_in_dim3A_124 = vector.broadcast %jit3A_123 : i32 to vector<512x128xi32>
    %select_n3A_125 = arith.select %eq3A_119, %add3A_122, %broadcast_in_dim3A_124 : vector<512x128xi1>, vector<512x128xi32>
    %min3A_126 = arith.minsi %select_n3A_114, %select_n3A_125 : vector<512x128xi32>
    %reduce_min3A_127 = arith.constant dense<2147483647> : vector<512xi32>
    %reduce_min3A_128 = vector.multi_reduction <minsi>, %min3A_126, %reduce_min3A_127 [1] : vector<512x128xi32> to vector<512xi32>
    %broadcast_in_dim3A_129 = vector.shape_cast %reduce_min3A_128 : vector<512xi32> to vector<512x1xi32>
    %convert_element_type3A_130 = arith.sitofp %broadcast_in_dim3A_129 : vector<512x1xi32> to vector<512x1xf32>
    %dot_general3A_131 = arith.constant dense<0.000000e+00> : vector<1x512xf32>
    %dot_general3A_132 = tpu.matmul %convert_element_type3A_130, %get3A_10, %dot_general3A_131 {dimension_numbers = #tpu.dot_dimension_numbers<[0], [0], [1], [1], [0, 1, 1, 1], [], []>, transpose_lhs_hint = false} : vector<512x1xf32>, vector<512x512xf32>, vector<1x512xf32> -> vector<1x512xf32>
    %swap3A_133 = arith.constant 3 : index
    %swap3A_134 = arith.constant 0 : index
    %swap3A_135 = vector.load %arg7[%swap3A_133, %swap3A_134] : memref<24x512xf32, #tpu.memory_space<vmem>>, vector<1x512xf32>
    tpu.vector_store %arg7[%swap3A_133, %swap3A_134], %dot_general3A_132 {strides = array<i32>} : memref<24x512xf32, #tpu.memory_space<vmem>>, vector<1x512xf32>,
    %slice3A_136 = vector.extract_strided_slice %dot_general3A_11 {offsets = [0, 128], sizes = [512, 64], strides = [1, 1]} : vector<512x768xf32> to vector<512x64xf32>
    %slice3A_137 = vector.extract_strided_slice %dot_general3A_13 {offsets = [0, 128], sizes = [512, 64], strides = [1, 1]} : vector<512x768xf32> to vector<512x64xf32>
    %dot_general3A_138 = arith.constant dense<0.000000e+00> : vector<512x256xf32>
    %dot_general3A_139 = tpu.matmul %slice3A_136, %get3A_16, %dot_general3A_138 {dimension_numbers = #tpu.dot_dimension_numbers<[1], [0], [0], [1], [0, 0, 1, 1], [], []>, transpose_lhs_hint = false} : vector<512x64xf32>, vector<64x256xf32>, vector<512x256xf32> -> vector<512x256xf32>
    %slice3A_140 = vector.extract_strided_slice %dot_general3A_139 {offsets = [0, 0], sizes = [512, 128], strides = [1, 1]} : vector<512x256xf32> to vector<512x128xf32>
    %abs3A_141 = math.absf %slice3A_140 : vector<512x128xf32>
    %reduce_max3A_142 = arith.constant dense<0xFF800000> : vector<512xf32>
    %reduce_max3A_143 = vector.multi_reduction <maximumf>, %abs3A_141, %reduce_max3A_142 [1] : vector<512x128xf32> to vector<512xf32>
    %broadcast_in_dim3A_144 = vector.shape_cast %reduce_max3A_143 : vector<512xf32> to vector<512x1xf32>
    %eq3A_145 = vector.broadcast %broadcast_in_dim3A_144 : vector<512x1xf32> to vector<512x128xf32>
    %eq3A_146 = arith.cmpf oeq, %slice3A_140, %eq3A_145 : vector<512x128xf32>
    %jit3A_147 = arith.constant 512 : i32
    %broadcast_in_dim3A_148 = vector.broadcast %jit3A_147 : i32 to vector<512x128xi32>
    %select_n3A_149 = arith.select %eq3A_146, %iota3A, %broadcast_in_dim3A_148 : vector<512x128xi1>, vector<512x128xi32>
    %neg3A_150 = arith.constant 0.000000e+00 : f32
    %neg3A_151 = vector.broadcast %neg3A_150 : f32 to vector<512x1xf32>
    %neg3A_152 = arith.subf %neg3A_151, %broadcast_in_dim3A_144 : vector<512x1xf32>
    %eq3A_153 = vector.broadcast %neg3A_152 : vector<512x1xf32> to vector<512x128xf32>
    %eq3A_154 = arith.cmpf oeq, %slice3A_140, %eq3A_153 : vector<512x128xf32>
    %add3A_155 = arith.constant 128 : i32
    %add3A_156 = vector.broadcast %add3A_155 : i32 to vector<512x128xi32>
    %add3A_157 = arith.addi %iota3A, %add3A_156 : vector<512x128xi32>
    %jit3A_158 = arith.constant 512 : i32
    %broadcast_in_dim3A_159 = vector.broadcast %jit3A_158 : i32 to vector<512x128xi32>
    %select_n3A_160 = arith.select %eq3A_154, %add3A_157, %broadcast_in_dim3A_159 : vector<512x128xi1>, vector<512x128xi32>
    %min3A_161 = arith.minsi %select_n3A_149, %select_n3A_160 : vector<512x128xi32>
    %reduce_min3A_162 = arith.constant dense<2147483647> : vector<512xi32>
    %reduce_min3A_163 = vector.multi_reduction <minsi>, %min3A_161, %reduce_min3A_162 [1] : vector<512x128xi32> to vector<512xi32>
    %broadcast_in_dim3A_164 = vector.shape_cast %reduce_min3A_163 : vector<512xi32> to vector<512x1xi32>
    %convert_element_type3A_165 = arith.sitofp %broadcast_in_dim3A_164 : vector<512x1xi32> to vector<512x1xf32>
    %dot_general3A_166 = arith.constant dense<0.000000e+00> : vector<1x512xf32>
    %dot_general3A_167 = tpu.matmul %convert_element_type3A_165, %get3A_10, %dot_general3A_166 {dimension_numbers = #tpu.dot_dimension_numbers<[0], [0], [1], [1], [0, 1, 1, 1], [], []>, transpose_lhs_hint = false} : vector<512x1xf32>, vector<512x512xf32>, vector<1x512xf32> -> vector<1x512xf32>
    %swap3A_168 = arith.constant 4 : index
    %swap3A_169 = arith.constant 0 : index
    %swap3A_170 = vector.load %arg7[%swap3A_168, %swap3A_169] : memref<24x512xf32, #tpu.memory_space<vmem>>, vector<1x512xf32>
    tpu.vector_store %arg7[%swap3A_168, %swap3A_169], %dot_general3A_167 {strides = array<i32>} : memref<24x512xf32, #tpu.memory_space<vmem>>, vector<1x512xf32>,
    %slice3A_171 = vector.extract_strided_slice %dot_general3A_139 {offsets = [0, 128], sizes = [512, 128], strides = [1, 1]} : vector<512x256xf32> to vector<512x128xf32>
    %abs3A_172 = math.absf %slice3A_171 : vector<512x128xf32>
    %reduce_max3A_173 = arith.constant dense<0xFF800000> : vector<512xf32>
    %reduce_max3A_174 = vector.multi_reduction <maximumf>, %abs3A_172, %reduce_max3A_173 [1] : vector<512x128xf32> to vector<512xf32>
    %broadcast_in_dim3A_175 = vector.shape_cast %reduce_max3A_174 : vector<512xf32> to vector<512x1xf32>
    %eq3A_176 = vector.broadcast %broadcast_in_dim3A_175 : vector<512x1xf32> to vector<512x128xf32>
    %eq3A_177 = arith.cmpf oeq, %slice3A_171, %eq3A_176 : vector<512x128xf32>
    %jit3A_178 = arith.constant 512 : i32
    %broadcast_in_dim3A_179 = vector.broadcast %jit3A_178 : i32 to vector<512x128xi32>
    %select_n3A_180 = arith.select %eq3A_177, %iota3A, %broadcast_in_dim3A_179 : vector<512x128xi1>, vector<512x128xi32>
    %neg3A_181 = arith.constant 0.000000e+00 : f32
    %neg3A_182 = vector.broadcast %neg3A_181 : f32 to vector<512x1xf32>
    %neg3A_183 = arith.subf %neg3A_182, %broadcast_in_dim3A_175 : vector<512x1xf32>
    %eq3A_184 = vector.broadcast %neg3A_183 : vector<512x1xf32> to vector<512x128xf32>
    %eq3A_185 = arith.cmpf oeq, %slice3A_171, %eq3A_184 : vector<512x128xf32>
    %add3A_186 = arith.constant 128 : i32
    %add3A_187 = vector.broadcast %add3A_186 : i32 to vector<512x128xi32>
    %add3A_188 = arith.addi %iota3A, %add3A_187 : vector<512x128xi32>
    %jit3A_189 = arith.constant 512 : i32
    %broadcast_in_dim3A_190 = vector.broadcast %jit3A_189 : i32 to vector<512x128xi32>
    %select_n3A_191 = arith.select %eq3A_185, %add3A_188, %broadcast_in_dim3A_190 : vector<512x128xi1>, vector<512x128xi32>
    %min3A_192 = arith.minsi %select_n3A_180, %select_n3A_191 : vector<512x128xi32>
    %reduce_min3A_193 = arith.constant dense<2147483647> : vector<512xi32>
    %reduce_min3A_194 = vector.multi_reduction <minsi>, %min3A_192, %reduce_min3A_193 [1] : vector<512x128xi32> to vector<512xi32>
    %broadcast_in_dim3A_195 = vector.shape_cast %reduce_min3A_194 : vector<512xi32> to vector<512x1xi32>
    %convert_element_type3A_196 = arith.sitofp %broadcast_in_dim3A_195 : vector<512x1xi32> to vector<512x1xf32>
    %dot_general3A_197 = arith.constant dense<0.000000e+00> : vector<1x512xf32>
    %dot_general3A_198 = tpu.matmul %convert_element_type3A_196, %get3A_10, %dot_general3A_197 {dimension_numbers = #tpu.dot_dimension_numbers<[0], [0], [1], [1], [0, 1, 1, 1], [], []>, transpose_lhs_hint = false} : vector<512x1xf32>, vector<512x512xf32>, vector<1x512xf32> -> vector<1x512xf32>
    %swap3A_199 = arith.constant 5 : index
    %swap3A_200 = arith.constant 0 : index
    %swap3A_201 = vector.load %arg7[%swap3A_199, %swap3A_200] : memref<24x512xf32, #tpu.memory_space<vmem>>, vector<1x512xf32>
    tpu.vector_store %arg7[%swap3A_199, %swap3A_200], %dot_general3A_198 {strides = array<i32>} : memref<24x512xf32, #tpu.memory_space<vmem>>, vector<1x512xf32>,
    %slice3A_202 = vector.extract_strided_slice %dot_general3A_11 {offsets = [0, 192], sizes = [512, 64], strides = [1, 1]} : vector<512x768xf32> to vector<512x64xf32>
    %slice3A_203 = vector.extract_strided_slice %dot_general3A_13 {offsets = [0, 192], sizes = [512, 64], strides = [1, 1]} : vector<512x768xf32> to vector<512x64xf32>
    %dot_general3A_204 = arith.constant dense<0.000000e+00> : vector<512x256xf32>
    %dot_general3A_205 = tpu.matmul %slice3A_202, %get3A_16, %dot_general3A_204 {dimension_numbers = #tpu.dot_dimension_numbers<[1], [0], [0], [1], [0, 0, 1, 1], [], []>, transpose_lhs_hint = false} : vector<512x64xf32>, vector<64x256xf32>, vector<512x256xf32> -> vector<512x256xf32>
    %slice3A_206 = vector.extract_strided_slice %dot_general3A_205 {offsets = [0, 0], sizes = [512, 128], strides = [1, 1]} : vector<512x256xf32> to vector<512x128xf32>
    %abs3A_207 = math.absf %slice3A_206 : vector<512x128xf32>
    %reduce_max3A_208 = arith.constant dense<0xFF800000> : vector<512xf32>
    %reduce_max3A_209 = vector.multi_reduction <maximumf>, %abs3A_207, %reduce_max3A_208 [1] : vector<512x128xf32> to vector<512xf32>
    %broadcast_in_dim3A_210 = vector.shape_cast %reduce_max3A_209 : vector<512xf32> to vector<512x1xf32>
    %eq3A_211 = vector.broadcast %broadcast_in_dim3A_210 : vector<512x1xf32> to vector<512x128xf32>
    %eq3A_212 = arith.cmpf oeq, %slice3A_206, %eq3A_211 : vector<512x128xf32>
    %jit3A_213 = arith.constant 512 : i32
    %broadcast_in_dim3A_214 = vector.broadcast %jit3A_213 : i32 to vector<512x128xi32>
    %select_n3A_215 = arith.select %eq3A_212, %iota3A, %broadcast_in_dim3A_214 : vector<512x128xi1>, vector<512x128xi32>
    %neg3A_216 = arith.constant 0.000000e+00 : f32
    %neg3A_217 = vector.broadcast %neg3A_216 : f32 to vector<512x1xf32>
    %neg3A_218 = arith.subf %neg3A_217, %broadcast_in_dim3A_210 : vector<512x1xf32>
    %eq3A_219 = vector.broadcast %neg3A_218 : vector<512x1xf32> to vector<512x128xf32>
    %eq3A_220 = arith.cmpf oeq, %slice3A_206, %eq3A_219 : vector<512x128xf32>
    %add3A_221 = arith.constant 128 : i32
    %add3A_222 = vector.broadcast %add3A_221 : i32 to vector<512x128xi32>
    %add3A_223 = arith.addi %iota3A, %add3A_222 : vector<512x128xi32>
    %jit3A_224 = arith.constant 512 : i32
    %broadcast_in_dim3A_225 = vector.broadcast %jit3A_224 : i32 to vector<512x128xi32>
    %select_n3A_226 = arith.select %eq3A_220, %add3A_223, %broadcast_in_dim3A_225 : vector<512x128xi1>, vector<512x128xi32>
    %min3A_227 = arith.minsi %select_n3A_215, %select_n3A_226 : vector<512x128xi32>
    %reduce_min3A_228 = arith.constant dense<2147483647> : vector<512xi32>
    %reduce_min3A_229 = vector.multi_reduction <minsi>, %min3A_227, %reduce_min3A_228 [1] : vector<512x128xi32> to vector<512xi32>
    %broadcast_in_dim3A_230 = vector.shape_cast %reduce_min3A_229 : vector<512xi32> to vector<512x1xi32>
    %convert_element_type3A_231 = arith.sitofp %broadcast_in_dim3A_230 : vector<512x1xi32> to vector<512x1xf32>
    %dot_general3A_232 = arith.constant dense<0.000000e+00> : vector<1x512xf32>
    %dot_general3A_233 = tpu.matmul %convert_element_type3A_231, %get3A_10, %dot_general3A_232 {dimension_numbers = #tpu.dot_dimension_numbers<[0], [0], [1], [1], [0, 1, 1, 1], [], []>, transpose_lhs_hint = false} : vector<512x1xf32>, vector<512x512xf32>, vector<1x512xf32> -> vector<1x512xf32>
    %swap3A_234 = arith.constant 6 : index
    %swap3A_235 = arith.constant 0 : index
    %swap3A_236 = vector.load %arg7[%swap3A_234, %swap3A_235] : memref<24x512xf32, #tpu.memory_space<vmem>>, vector<1x512xf32>
    tpu.vector_store %arg7[%swap3A_234, %swap3A_235], %dot_general3A_233 {strides = array<i32>} : memref<24x512xf32, #tpu.memory_space<vmem>>, vector<1x512xf32>,
    %slice3A_237 = vector.extract_strided_slice %dot_general3A_205 {offsets = [0, 128], sizes = [512, 128], strides = [1, 1]} : vector<512x256xf32> to vector<512x128xf32>
    %abs3A_238 = math.absf %slice3A_237 : vector<512x128xf32>
    %reduce_max3A_239 = arith.constant dense<0xFF800000> : vector<512xf32>
    %reduce_max3A_240 = vector.multi_reduction <maximumf>, %abs3A_238, %reduce_max3A_239 [1] : vector<512x128xf32> to vector<512xf32>
    %broadcast_in_dim3A_241 = vector.shape_cast %reduce_max3A_240 : vector<512xf32> to vector<512x1xf32>
    %eq3A_242 = vector.broadcast %broadcast_in_dim3A_241 : vector<512x1xf32> to vector<512x128xf32>
    %eq3A_243 = arith.cmpf oeq, %slice3A_237, %eq3A_242 : vector<512x128xf32>
    %jit3A_244 = arith.constant 512 : i32
    %broadcast_in_dim3A_245 = vector.broadcast %jit3A_244 : i32 to vector<512x128xi32>
    %select_n3A_246 = arith.select %eq3A_243, %iota3A, %broadcast_in_dim3A_245 : vector<512x128xi1>, vector<512x128xi32>
    %neg3A_247 = arith.constant 0.000000e+00 : f32
    %neg3A_248 = vector.broadcast %neg3A_247 : f32 to vector<512x1xf32>
    %neg3A_249 = arith.subf %neg3A_248, %broadcast_in_dim3A_241 : vector<512x1xf32>
    %eq3A_250 = vector.broadcast %neg3A_249 : vector<512x1xf32> to vector<512x128xf32>
    %eq3A_251 = arith.cmpf oeq, %slice3A_237, %eq3A_250 : vector<512x128xf32>
    %add3A_252 = arith.constant 128 : i32
    %add3A_253 = vector.broadcast %add3A_252 : i32 to vector<512x128xi32>
    %add3A_254 = arith.addi %iota3A, %add3A_253 : vector<512x128xi32>
    %jit3A_255 = arith.constant 512 : i32
    %broadcast_in_dim3A_256 = vector.broadcast %jit3A_255 : i32 to vector<512x128xi32>
    %select_n3A_257 = arith.select %eq3A_251, %add3A_254, %broadcast_in_dim3A_256 : vector<512x128xi1>, vector<512x128xi32>
    %min3A_258 = arith.minsi %select_n3A_246, %select_n3A_257 : vector<512x128xi32>
    %reduce_min3A_259 = arith.constant dense<2147483647> : vector<512xi32>
    %reduce_min3A_260 = vector.multi_reduction <minsi>, %min3A_258, %reduce_min3A_259 [1] : vector<512x128xi32> to vector<512xi32>
    %broadcast_in_dim3A_261 = vector.shape_cast %reduce_min3A_260 : vector<512xi32> to vector<512x1xi32>
    %convert_element_type3A_262 = arith.sitofp %broadcast_in_dim3A_261 : vector<512x1xi32> to vector<512x1xf32>
    %dot_general3A_263 = arith.constant dense<0.000000e+00> : vector<1x512xf32>
    %dot_general3A_264 = tpu.matmul %convert_element_type3A_262, %get3A_10, %dot_general3A_263 {dimension_numbers = #tpu.dot_dimension_numbers<[0], [0], [1], [1], [0, 1, 1, 1], [], []>, transpose_lhs_hint = false} : vector<512x1xf32>, vector<512x512xf32>, vector<1x512xf32> -> vector<1x512xf32>
    %swap3A_265 = arith.constant 7 : index
    %swap3A_266 = arith.constant 0 : index
    %swap3A_267 = vector.load %arg7[%swap3A_265, %swap3A_266] : memref<24x512xf32, #tpu.memory_space<vmem>>, vector<1x512xf32>
    tpu.vector_store %arg7[%swap3A_265, %swap3A_266], %dot_general3A_264 {strides = array<i32>} : memref<24x512xf32, #tpu.memory_space<vmem>>, vector<1x512xf32>,
    %slice3A_268 = vector.extract_strided_slice %dot_general3A_11 {offsets = [0, 256], sizes = [512, 64], strides = [1, 1]} : vector<512x768xf32> to vector<512x64xf32>
    %slice3A_269 = vector.extract_strided_slice %dot_general3A_13 {offsets = [0, 256], sizes = [512, 64], strides = [1, 1]} : vector<512x768xf32> to vector<512x64xf32>
    %dot_general3A_270 = arith.constant dense<0.000000e+00> : vector<512x256xf32>
    %dot_general3A_271 = tpu.matmul %slice3A_268, %get3A_16, %dot_general3A_270 {dimension_numbers = #tpu.dot_dimension_numbers<[1], [0], [0], [1], [0, 0, 1, 1], [], []>, transpose_lhs_hint = false} : vector<512x64xf32>, vector<64x256xf32>, vector<512x256xf32> -> vector<512x256xf32>
    %slice3A_272 = vector.extract_strided_slice %dot_general3A_271 {offsets = [0, 0], sizes = [512, 128], strides = [1, 1]} : vector<512x256xf32> to vector<512x128xf32>
    %abs3A_273 = math.absf %slice3A_272 : vector<512x128xf32>
    %reduce_max3A_274 = arith.constant dense<0xFF800000> : vector<512xf32>
    %reduce_max3A_275 = vector.multi_reduction <maximumf>, %abs3A_273, %reduce_max3A_274 [1] : vector<512x128xf32> to vector<512xf32>
    %broadcast_in_dim3A_276 = vector.shape_cast %reduce_max3A_275 : vector<512xf32> to vector<512x1xf32>
    %eq3A_277 = vector.broadcast %broadcast_in_dim3A_276 : vector<512x1xf32> to vector<512x128xf32>
    %eq3A_278 = arith.cmpf oeq, %slice3A_272, %eq3A_277 : vector<512x128xf32>
    %jit3A_279 = arith.constant 512 : i32
    %broadcast_in_dim3A_280 = vector.broadcast %jit3A_279 : i32 to vector<512x128xi32>
    %select_n3A_281 = arith.select %eq3A_278, %iota3A, %broadcast_in_dim3A_280 : vector<512x128xi1>, vector<512x128xi32>
    %neg3A_282 = arith.constant 0.000000e+00 : f32
    %neg3A_283 = vector.broadcast %neg3A_282 : f32 to vector<512x1xf32>
    %neg3A_284 = arith.subf %neg3A_283, %broadcast_in_dim3A_276 : vector<512x1xf32>
    %eq3A_285 = vector.broadcast %neg3A_284 : vector<512x1xf32> to vector<512x128xf32>
    %eq3A_286 = arith.cmpf oeq, %slice3A_272, %eq3A_285 : vector<512x128xf32>
    %add3A_287 = arith.constant 128 : i32
    %add3A_288 = vector.broadcast %add3A_287 : i32 to vector<512x128xi32>
    %add3A_289 = arith.addi %iota3A, %add3A_288 : vector<512x128xi32>
    %jit3A_290 = arith.constant 512 : i32
    %broadcast_in_dim3A_291 = vector.broadcast %jit3A_290 : i32 to vector<512x128xi32>
    %select_n3A_292 = arith.select %eq3A_286, %add3A_289, %broadcast_in_dim3A_291 : vector<512x128xi1>, vector<512x128xi32>
    %min3A_293 = arith.minsi %select_n3A_281, %select_n3A_292 : vector<512x128xi32>
    %reduce_min3A_294 = arith.constant dense<2147483647> : vector<512xi32>
    %reduce_min3A_295 = vector.multi_reduction <minsi>, %min3A_293, %reduce_min3A_294 [1] : vector<512x128xi32> to vector<512xi32>
    %broadcast_in_dim3A_296 = vector.shape_cast %reduce_min3A_295 : vector<512xi32> to vector<512x1xi32>
    %convert_element_type3A_297 = arith.sitofp %broadcast_in_dim3A_296 : vector<512x1xi32> to vector<512x1xf32>
    %dot_general3A_298 = arith.constant dense<0.000000e+00> : vector<1x512xf32>
    %dot_general3A_299 = tpu.matmul %convert_element_type3A_297, %get3A_10, %dot_general3A_298 {dimension_numbers = #tpu.dot_dimension_numbers<[0], [0], [1], [1], [0, 1, 1, 1], [], []>, transpose_lhs_hint = false} : vector<512x1xf32>, vector<512x512xf32>, vector<1x512xf32> -> vector<1x512xf32>
    %swap3A_300 = arith.constant 8 : index
    %swap3A_301 = arith.constant 0 : index
    %swap3A_302 = vector.load %arg7[%swap3A_300, %swap3A_301] : memref<24x512xf32, #tpu.memory_space<vmem>>, vector<1x512xf32>
    tpu.vector_store %arg7[%swap3A_300, %swap3A_301], %dot_general3A_299 {strides = array<i32>} : memref<24x512xf32, #tpu.memory_space<vmem>>, vector<1x512xf32>,
    %slice3A_303 = vector.extract_strided_slice %dot_general3A_271 {offsets = [0, 128], sizes = [512, 128], strides = [1, 1]} : vector<512x256xf32> to vector<512x128xf32>
    %abs3A_304 = math.absf %slice3A_303 : vector<512x128xf32>
    %reduce_max3A_305 = arith.constant dense<0xFF800000> : vector<512xf32>
    %reduce_max3A_306 = vector.multi_reduction <maximumf>, %abs3A_304, %reduce_max3A_305 [1] : vector<512x128xf32> to vector<512xf32>
    %broadcast_in_dim3A_307 = vector.shape_cast %reduce_max3A_306 : vector<512xf32> to vector<512x1xf32>
    %eq3A_308 = vector.broadcast %broadcast_in_dim3A_307 : vector<512x1xf32> to vector<512x128xf32>
    %eq3A_309 = arith.cmpf oeq, %slice3A_303, %eq3A_308 : vector<512x128xf32>
    %jit3A_310 = arith.constant 512 : i32
    %broadcast_in_dim3A_311 = vector.broadcast %jit3A_310 : i32 to vector<512x128xi32>
    %select_n3A_312 = arith.select %eq3A_309, %iota3A, %broadcast_in_dim3A_311 : vector<512x128xi1>, vector<512x128xi32>
    %neg3A_313 = arith.constant 0.000000e+00 : f32
    %neg3A_314 = vector.broadcast %neg3A_313 : f32 to vector<512x1xf32>
    %neg3A_315 = arith.subf %neg3A_314, %broadcast_in_dim3A_307 : vector<512x1xf32>
    %eq3A_316 = vector.broadcast %neg3A_315 : vector<512x1xf32> to vector<512x128xf32>
    %eq3A_317 = arith.cmpf oeq, %slice3A_303, %eq3A_316 : vector<512x128xf32>
    %add3A_318 = arith.constant 128 : i32
    %add3A_319 = vector.broadcast %add3A_318 : i32 to vector<512x128xi32>
    %add3A_320 = arith.addi %iota3A, %add3A_319 : vector<512x128xi32>
    %jit3A_321 = arith.constant 512 : i32
    %broadcast_in_dim3A_322 = vector.broadcast %jit3A_321 : i32 to vector<512x128xi32>
    %select_n3A_323 = arith.select %eq3A_317, %add3A_320, %broadcast_in_dim3A_322 : vector<512x128xi1>, vector<512x128xi32>
    %min3A_324 = arith.minsi %select_n3A_312, %select_n3A_323 : vector<512x128xi32>
    %reduce_min3A_325 = arith.constant dense<2147483647> : vector<512xi32>
    %reduce_min3A_326 = vector.multi_reduction <minsi>, %min3A_324, %reduce_min3A_325 [1] : vector<512x128xi32> to vector<512xi32>
    %broadcast_in_dim3A_327 = vector.shape_cast %reduce_min3A_326 : vector<512xi32> to vector<512x1xi32>
    %convert_element_type3A_328 = arith.sitofp %broadcast_in_dim3A_327 : vector<512x1xi32> to vector<512x1xf32>
    %dot_general3A_329 = arith.constant dense<0.000000e+00> : vector<1x512xf32>
    %dot_general3A_330 = tpu.matmul %convert_element_type3A_328, %get3A_10, %dot_general3A_329 {dimension_numbers = #tpu.dot_dimension_numbers<[0], [0], [1], [1], [0, 1, 1, 1], [], []>, transpose_lhs_hint = false} : vector<512x1xf32>, vector<512x512xf32>, vector<1x512xf32> -> vector<1x512xf32>
    %swap3A_331 = arith.constant 9 : index
    %swap3A_332 = arith.constant 0 : index
    %swap3A_333 = vector.load %arg7[%swap3A_331, %swap3A_332] : memref<24x512xf32, #tpu.memory_space<vmem>>, vector<1x512xf32>
    tpu.vector_store %arg7[%swap3A_331, %swap3A_332], %dot_general3A_330 {strides = array<i32>} : memref<24x512xf32, #tpu.memory_space<vmem>>, vector<1x512xf32>,
    %slice3A_334 = vector.extract_strided_slice %dot_general3A_11 {offsets = [0, 320], sizes = [512, 64], strides = [1, 1]} : vector<512x768xf32> to vector<512x64xf32>
    %slice3A_335 = vector.extract_strided_slice %dot_general3A_13 {offsets = [0, 320], sizes = [512, 64], strides = [1, 1]} : vector<512x768xf32> to vector<512x64xf32>
    %dot_general3A_336 = arith.constant dense<0.000000e+00> : vector<512x256xf32>
    %dot_general3A_337 = tpu.matmul %slice3A_334, %get3A_16, %dot_general3A_336 {dimension_numbers = #tpu.dot_dimension_numbers<[1], [0], [0], [1], [0, 0, 1, 1], [], []>, transpose_lhs_hint = false} : vector<512x64xf32>, vector<64x256xf32>, vector<512x256xf32> -> vector<512x256xf32>
    %slice3A_338 = vector.extract_strided_slice %dot_general3A_337 {offsets = [0, 0], sizes = [512, 128], strides = [1, 1]} : vector<512x256xf32> to vector<512x128xf32>
    %abs3A_339 = math.absf %slice3A_338 : vector<512x128xf32>
    %reduce_max3A_340 = arith.constant dense<0xFF800000> : vector<512xf32>
    %reduce_max3A_341 = vector.multi_reduction <maximumf>, %abs3A_339, %reduce_max3A_340 [1] : vector<512x128xf32> to vector<512xf32>
    %broadcast_in_dim3A_342 = vector.shape_cast %reduce_max3A_341 : vector<512xf32> to vector<512x1xf32>
    %eq3A_343 = vector.broadcast %broadcast_in_dim3A_342 : vector<512x1xf32> to vector<512x128xf32>
    %eq3A_344 = arith.cmpf oeq, %slice3A_338, %eq3A_343 : vector<512x128xf32>
    %jit3A_345 = arith.constant 512 : i32
    %broadcast_in_dim3A_346 = vector.broadcast %jit3A_345 : i32 to vector<512x128xi32>
    %select_n3A_347 = arith.select %eq3A_344, %iota3A, %broadcast_in_dim3A_346 : vector<512x128xi1>, vector<512x128xi32>
    %neg3A_348 = arith.constant 0.000000e+00 : f32
    %neg3A_349 = vector.broadcast %neg3A_348 : f32 to vector<512x1xf32>
    %neg3A_350 = arith.subf %neg3A_349, %broadcast_in_dim3A_342 : vector<512x1xf32>
    %eq3A_351 = vector.broadcast %neg3A_350 : vector<512x1xf32> to vector<512x128xf32>
    %eq3A_352 = arith.cmpf oeq, %slice3A_338, %eq3A_351 : vector<512x128xf32>
    %add3A_353 = arith.constant 128 : i32
    %add3A_354 = vector.broadcast %add3A_353 : i32 to vector<512x128xi32>
    %add3A_355 = arith.addi %iota3A, %add3A_354 : vector<512x128xi32>
    %jit3A_356 = arith.constant 512 : i32
    %broadcast_in_dim3A_357 = vector.broadcast %jit3A_356 : i32 to vector<512x128xi32>
    %select_n3A_358 = arith.select %eq3A_352, %add3A_355, %broadcast_in_dim3A_357 : vector<512x128xi1>, vector<512x128xi32>
    %min3A_359 = arith.minsi %select_n3A_347, %select_n3A_358 : vector<512x128xi32>
    %reduce_min3A_360 = arith.constant dense<2147483647> : vector<512xi32>
    %reduce_min3A_361 = vector.multi_reduction <minsi>, %min3A_359, %reduce_min3A_360 [1] : vector<512x128xi32> to vector<512xi32>
    %broadcast_in_dim3A_362 = vector.shape_cast %reduce_min3A_361 : vector<512xi32> to vector<512x1xi32>
    %convert_element_type3A_363 = arith.sitofp %broadcast_in_dim3A_362 : vector<512x1xi32> to vector<512x1xf32>
    %dot_general3A_364 = arith.constant dense<0.000000e+00> : vector<1x512xf32>
    %dot_general3A_365 = tpu.matmul %convert_element_type3A_363, %get3A_10, %dot_general3A_364 {dimension_numbers = #tpu.dot_dimension_numbers<[0], [0], [1], [1], [0, 1, 1, 1], [], []>, transpose_lhs_hint = false} : vector<512x1xf32>, vector<512x512xf32>, vector<1x512xf32> -> vector<1x512xf32>
    %swap3A_366 = arith.constant 10 : index
    %swap3A_367 = arith.constant 0 : index
    %swap3A_368 = vector.load %arg7[%swap3A_366, %swap3A_367] : memref<24x512xf32, #tpu.memory_space<vmem>>, vector<1x512xf32>
    tpu.vector_store %arg7[%swap3A_366, %swap3A_367], %dot_general3A_365 {strides = array<i32>} : memref<24x512xf32, #tpu.memory_space<vmem>>, vector<1x512xf32>,
    %slice3A_369 = vector.extract_strided_slice %dot_general3A_337 {offsets = [0, 128], sizes = [512, 128], strides = [1, 1]} : vector<512x256xf32> to vector<512x128xf32>
    %abs3A_370 = math.absf %slice3A_369 : vector<512x128xf32>
    %reduce_max3A_371 = arith.constant dense<0xFF800000> : vector<512xf32>
    %reduce_max3A_372 = vector.multi_reduction <maximumf>, %abs3A_370, %reduce_max3A_371 [1] : vector<512x128xf32> to vector<512xf32>
    %broadcast_in_dim3A_373 = vector.shape_cast %reduce_max3A_372 : vector<512xf32> to vector<512x1xf32>
    %eq3A_374 = vector.broadcast %broadcast_in_dim3A_373 : vector<512x1xf32> to vector<512x128xf32>
    %eq3A_375 = arith.cmpf oeq, %slice3A_369, %eq3A_374 : vector<512x128xf32>
    %jit3A_376 = arith.constant 512 : i32
    %broadcast_in_dim3A_377 = vector.broadcast %jit3A_376 : i32 to vector<512x128xi32>
    %select_n3A_378 = arith.select %eq3A_375, %iota3A, %broadcast_in_dim3A_377 : vector<512x128xi1>, vector<512x128xi32>
    %neg3A_379 = arith.constant 0.000000e+00 : f32
    %neg3A_380 = vector.broadcast %neg3A_379 : f32 to vector<512x1xf32>
    %neg3A_381 = arith.subf %neg3A_380, %broadcast_in_dim3A_373 : vector<512x1xf32>
    %eq3A_382 = vector.broadcast %neg3A_381 : vector<512x1xf32> to vector<512x128xf32>
    %eq3A_383 = arith.cmpf oeq, %slice3A_369, %eq3A_382 : vector<512x128xf32>
    %add3A_384 = arith.constant 128 : i32
    %add3A_385 = vector.broadcast %add3A_384 : i32 to vector<512x128xi32>
    %add3A_386 = arith.addi %iota3A, %add3A_385 : vector<512x128xi32>
    %jit3A_387 = arith.constant 512 : i32
    %broadcast_in_dim3A_388 = vector.broadcast %jit3A_387 : i32 to vector<512x128xi32>
    %select_n3A_389 = arith.select %eq3A_383, %add3A_386, %broadcast_in_dim3A_388 : vector<512x128xi1>, vector<512x128xi32>
    %min3A_390 = arith.minsi %select_n3A_378, %select_n3A_389 : vector<512x128xi32>
    %reduce_min3A_391 = arith.constant dense<2147483647> : vector<512xi32>
    %reduce_min3A_392 = vector.multi_reduction <minsi>, %min3A_390, %reduce_min3A_391 [1] : vector<512x128xi32> to vector<512xi32>
    %broadcast_in_dim3A_393 = vector.shape_cast %reduce_min3A_392 : vector<512xi32> to vector<512x1xi32>
    %convert_element_type3A_394 = arith.sitofp %broadcast_in_dim3A_393 : vector<512x1xi32> to vector<512x1xf32>
    %dot_general3A_395 = arith.constant dense<0.000000e+00> : vector<1x512xf32>
    %dot_general3A_396 = tpu.matmul %convert_element_type3A_394, %get3A_10, %dot_general3A_395 {dimension_numbers = #tpu.dot_dimension_numbers<[0], [0], [1], [1], [0, 1, 1, 1], [], []>, transpose_lhs_hint = false} : vector<512x1xf32>, vector<512x512xf32>, vector<1x512xf32> -> vector<1x512xf32>
    %swap3A_397 = arith.constant 11 : index
    %swap3A_398 = arith.constant 0 : index
    %swap3A_399 = vector.load %arg7[%swap3A_397, %swap3A_398] : memref<24x512xf32, #tpu.memory_space<vmem>>, vector<1x512xf32>
    tpu.vector_store %arg7[%swap3A_397, %swap3A_398], %dot_general3A_396 {strides = array<i32>} : memref<24x512xf32, #tpu.memory_space<vmem>>, vector<1x512xf32>,
    %slice3A_400 = vector.extract_strided_slice %dot_general3A_11 {offsets = [0, 384], sizes = [512, 64], strides = [1, 1]} : vector<512x768xf32> to vector<512x64xf32>
    %slice3A_401 = vector.extract_strided_slice %dot_general3A_13 {offsets = [0, 384], sizes = [512, 64], strides = [1, 1]} : vector<512x768xf32> to vector<512x64xf32>
    %dot_general3A_402 = arith.constant dense<0.000000e+00> : vector<512x256xf32>
    %dot_general3A_403 = tpu.matmul %slice3A_400, %get3A_16, %dot_general3A_402 {dimension_numbers = #tpu.dot_dimension_numbers<[1], [0], [0], [1], [0, 0, 1, 1], [], []>, transpose_lhs_hint = false} : vector<512x64xf32>, vector<64x256xf32>, vector<512x256xf32> -> vector<512x256xf32>
    %slice3A_404 = vector.extract_strided_slice %dot_general3A_403 {offsets = [0, 0], sizes = [512, 128], strides = [1, 1]} : vector<512x256xf32> to vector<512x128xf32>
    %abs3A_405 = math.absf %slice3A_404 : vector<512x128xf32>
    %reduce_max3A_406 = arith.constant dense<0xFF800000> : vector<512xf32>
    %reduce_max3A_407 = vector.multi_reduction <maximumf>, %abs3A_405, %reduce_max3A_406 [1] : vector<512x128xf32> to vector<512xf32>
    %broadcast_in_dim3A_408 = vector.shape_cast %reduce_max3A_407 : vector<512xf32> to vector<512x1xf32>
    %eq3A_409 = vector.broadcast %broadcast_in_dim3A_408 : vector<512x1xf32> to vector<512x128xf32>
    %eq3A_410 = arith.cmpf oeq, %slice3A_404, %eq3A_409 : vector<512x128xf32>
    %jit3A_411 = arith.constant 512 : i32
    %broadcast_in_dim3A_412 = vector.broadcast %jit3A_411 : i32 to vector<512x128xi32>
    %select_n3A_413 = arith.select %eq3A_410, %iota3A, %broadcast_in_dim3A_412 : vector<512x128xi1>, vector<512x128xi32>
    %neg3A_414 = arith.constant 0.000000e+00 : f32
    %neg3A_415 = vector.broadcast %neg3A_414 : f32 to vector<512x1xf32>
    %neg3A_416 = arith.subf %neg3A_415, %broadcast_in_dim3A_408 : vector<512x1xf32>
    %eq3A_417 = vector.broadcast %neg3A_416 : vector<512x1xf32> to vector<512x128xf32>
    %eq3A_418 = arith.cmpf oeq, %slice3A_404, %eq3A_417 : vector<512x128xf32>
    %add3A_419 = arith.constant 128 : i32
    %add3A_420 = vector.broadcast %add3A_419 : i32 to vector<512x128xi32>
    %add3A_421 = arith.addi %iota3A, %add3A_420 : vector<512x128xi32>
    %jit3A_422 = arith.constant 512 : i32
    %broadcast_in_dim3A_423 = vector.broadcast %jit3A_422 : i32 to vector<512x128xi32>
    %select_n3A_424 = arith.select %eq3A_418, %add3A_421, %broadcast_in_dim3A_423 : vector<512x128xi1>, vector<512x128xi32>
    %min3A_425 = arith.minsi %select_n3A_413, %select_n3A_424 : vector<512x128xi32>
    %reduce_min3A_426 = arith.constant dense<2147483647> : vector<512xi32>
    %reduce_min3A_427 = vector.multi_reduction <minsi>, %min3A_425, %reduce_min3A_426 [1] : vector<512x128xi32> to vector<512xi32>
    %broadcast_in_dim3A_428 = vector.shape_cast %reduce_min3A_427 : vector<512xi32> to vector<512x1xi32>
    %convert_element_type3A_429 = arith.sitofp %broadcast_in_dim3A_428 : vector<512x1xi32> to vector<512x1xf32>
    %dot_general3A_430 = arith.constant dense<0.000000e+00> : vector<1x512xf32>
    %dot_general3A_431 = tpu.matmul %convert_element_type3A_429, %get3A_10, %dot_general3A_430 {dimension_numbers = #tpu.dot_dimension_numbers<[0], [0], [1], [1], [0, 1, 1, 1], [], []>, transpose_lhs_hint = false} : vector<512x1xf32>, vector<512x512xf32>, vector<1x512xf32> -> vector<1x512xf32>
    %swap3A_432 = arith.constant 12 : index
    %swap3A_433 = arith.constant 0 : index
    %swap3A_434 = vector.load %arg7[%swap3A_432, %swap3A_433] : memref<24x512xf32, #tpu.memory_space<vmem>>, vector<1x512xf32>
    tpu.vector_store %arg7[%swap3A_432, %swap3A_433], %dot_general3A_431 {strides = array<i32>} : memref<24x512xf32, #tpu.memory_space<vmem>>, vector<1x512xf32>,
    %slice3A_435 = vector.extract_strided_slice %dot_general3A_403 {offsets = [0, 128], sizes = [512, 128], strides = [1, 1]} : vector<512x256xf32> to vector<512x128xf32>
    %abs3A_436 = math.absf %slice3A_435 : vector<512x128xf32>
    %reduce_max3A_437 = arith.constant dense<0xFF800000> : vector<512xf32>
    %reduce_max3A_438 = vector.multi_reduction <maximumf>, %abs3A_436, %reduce_max3A_437 [1] : vector<512x128xf32> to vector<512xf32>
    %broadcast_in_dim3A_439 = vector.shape_cast %reduce_max3A_438 : vector<512xf32> to vector<512x1xf32>
    %eq3A_440 = vector.broadcast %broadcast_in_dim3A_439 : vector<512x1xf32> to vector<512x128xf32>
    %eq3A_441 = arith.cmpf oeq, %slice3A_435, %eq3A_440 : vector<512x128xf32>
    %jit3A_442 = arith.constant 512 : i32
    %broadcast_in_dim3A_443 = vector.broadcast %jit3A_442 : i32 to vector<512x128xi32>
    %select_n3A_444 = arith.select %eq3A_441, %iota3A, %broadcast_in_dim3A_443 : vector<512x128xi1>, vector<512x128xi32>
    %neg3A_445 = arith.constant 0.000000e+00 : f32
    %neg3A_446 = vector.broadcast %neg3A_445 : f32 to vector<512x1xf32>
    %neg3A_447 = arith.subf %neg3A_446, %broadcast_in_dim3A_439 : vector<512x1xf32>
    %eq3A_448 = vector.broadcast %neg3A_447 : vector<512x1xf32> to vector<512x128xf32>
    %eq3A_449 = arith.cmpf oeq, %slice3A_435, %eq3A_448 : vector<512x128xf32>
    %add3A_450 = arith.constant 128 : i32
    %add3A_451 = vector.broadcast %add3A_450 : i32 to vector<512x128xi32>
    %add3A_452 = arith.addi %iota3A, %add3A_451 : vector<512x128xi32>
    %jit3A_453 = arith.constant 512 : i32
    %broadcast_in_dim3A_454 = vector.broadcast %jit3A_453 : i32 to vector<512x128xi32>
    %select_n3A_455 = arith.select %eq3A_449, %add3A_452, %broadcast_in_dim3A_454 : vector<512x128xi1>, vector<512x128xi32>
    %min3A_456 = arith.minsi %select_n3A_444, %select_n3A_455 : vector<512x128xi32>
    %reduce_min3A_457 = arith.constant dense<2147483647> : vector<512xi32>
    %reduce_min3A_458 = vector.multi_reduction <minsi>, %min3A_456, %reduce_min3A_457 [1] : vector<512x128xi32> to vector<512xi32>
    %broadcast_in_dim3A_459 = vector.shape_cast %reduce_min3A_458 : vector<512xi32> to vector<512x1xi32>
    %convert_element_type3A_460 = arith.sitofp %broadcast_in_dim3A_459 : vector<512x1xi32> to vector<512x1xf32>
    %dot_general3A_461 = arith.constant dense<0.000000e+00> : vector<1x512xf32>
    %dot_general3A_462 = tpu.matmul %convert_element_type3A_460, %get3A_10, %dot_general3A_461 {dimension_numbers = #tpu.dot_dimension_numbers<[0], [0], [1], [1], [0, 1, 1, 1], [], []>, transpose_lhs_hint = false} : vector<512x1xf32>, vector<512x512xf32>, vector<1x512xf32> -> vector<1x512xf32>
    %swap3A_463 = arith.constant 13 : index
    %swap3A_464 = arith.constant 0 : index
    %swap3A_465 = vector.load %arg7[%swap3A_463, %swap3A_464] : memref<24x512xf32, #tpu.memory_space<vmem>>, vector<1x512xf32>
    tpu.vector_store %arg7[%swap3A_463, %swap3A_464], %dot_general3A_462 {strides = array<i32>} : memref<24x512xf32, #tpu.memory_space<vmem>>, vector<1x512xf32>,
    %slice3A_466 = vector.extract_strided_slice %dot_general3A_11 {offsets = [0, 448], sizes = [512, 64], strides = [1, 1]} : vector<512x768xf32> to vector<512x64xf32>
    %slice3A_467 = vector.extract_strided_slice %dot_general3A_13 {offsets = [0, 448], sizes = [512, 64], strides = [1, 1]} : vector<512x768xf32> to vector<512x64xf32>
    %dot_general3A_468 = arith.constant dense<0.000000e+00> : vector<512x256xf32>
    %dot_general3A_469 = tpu.matmul %slice3A_466, %get3A_16, %dot_general3A_468 {dimension_numbers = #tpu.dot_dimension_numbers<[1], [0], [0], [1], [0, 0, 1, 1], [], []>, transpose_lhs_hint = false} : vector<512x64xf32>, vector<64x256xf32>, vector<512x256xf32> -> vector<512x256xf32>
    %slice3A_470 = vector.extract_strided_slice %dot_general3A_469 {offsets = [0, 0], sizes = [512, 128], strides = [1, 1]} : vector<512x256xf32> to vector<512x128xf32>
    %abs3A_471 = math.absf %slice3A_470 : vector<512x128xf32>
    %reduce_max3A_472 = arith.constant dense<0xFF800000> : vector<512xf32>
    %reduce_max3A_473 = vector.multi_reduction <maximumf>, %abs3A_471, %reduce_max3A_472 [1] : vector<512x128xf32> to vector<512xf32>
    %broadcast_in_dim3A_474 = vector.shape_cast %reduce_max3A_473 : vector<512xf32> to vector<512x1xf32>
    %eq3A_475 = vector.broadcast %broadcast_in_dim3A_474 : vector<512x1xf32> to vector<512x128xf32>
    %eq3A_476 = arith.cmpf oeq, %slice3A_470, %eq3A_475 : vector<512x128xf32>
    %jit3A_477 = arith.constant 512 : i32
    %broadcast_in_dim3A_478 = vector.broadcast %jit3A_477 : i32 to vector<512x128xi32>
    %select_n3A_479 = arith.select %eq3A_476, %iota3A, %broadcast_in_dim3A_478 : vector<512x128xi1>, vector<512x128xi32>
    %neg3A_480 = arith.constant 0.000000e+00 : f32
    %neg3A_481 = vector.broadcast %neg3A_480 : f32 to vector<512x1xf32>
    %neg3A_482 = arith.subf %neg3A_481, %broadcast_in_dim3A_474 : vector<512x1xf32>
    %eq3A_483 = vector.broadcast %neg3A_482 : vector<512x1xf32> to vector<512x128xf32>
    %eq3A_484 = arith.cmpf oeq, %slice3A_470, %eq3A_483 : vector<512x128xf32>
    %add3A_485 = arith.constant 128 : i32
    %add3A_486 = vector.broadcast %add3A_485 : i32 to vector<512x128xi32>
    %add3A_487 = arith.addi %iota3A, %add3A_486 : vector<512x128xi32>
    %jit3A_488 = arith.constant 512 : i32
    %broadcast_in_dim3A_489 = vector.broadcast %jit3A_488 : i32 to vector<512x128xi32>
    %select_n3A_490 = arith.select %eq3A_484, %add3A_487, %broadcast_in_dim3A_489 : vector<512x128xi1>, vector<512x128xi32>
    %min3A_491 = arith.minsi %select_n3A_479, %select_n3A_490 : vector<512x128xi32>
    %reduce_min3A_492 = arith.constant dense<2147483647> : vector<512xi32>
    %reduce_min3A_493 = vector.multi_reduction <minsi>, %min3A_491, %reduce_min3A_492 [1] : vector<512x128xi32> to vector<512xi32>
    %broadcast_in_dim3A_494 = vector.shape_cast %reduce_min3A_493 : vector<512xi32> to vector<512x1xi32>
    %convert_element_type3A_495 = arith.sitofp %broadcast_in_dim3A_494 : vector<512x1xi32> to vector<512x1xf32>
    %dot_general3A_496 = arith.constant dense<0.000000e+00> : vector<1x512xf32>
    %dot_general3A_497 = tpu.matmul %convert_element_type3A_495, %get3A_10, %dot_general3A_496 {dimension_numbers = #tpu.dot_dimension_numbers<[0], [0], [1], [1], [0, 1, 1, 1], [], []>, transpose_lhs_hint = false} : vector<512x1xf32>, vector<512x512xf32>, vector<1x512xf32> -> vector<1x512xf32>
    %swap3A_498 = arith.constant 14 : index
    %swap3A_499 = arith.constant 0 : index
    %swap3A_500 = vector.load %arg7[%swap3A_498, %swap3A_499] : memref<24x512xf32, #tpu.memory_space<vmem>>, vector<1x512xf32>
    tpu.vector_store %arg7[%swap3A_498, %swap3A_499], %dot_general3A_497 {strides = array<i32>} : memref<24x512xf32, #tpu.memory_space<vmem>>, vector<1x512xf32>,
    %slice3A_501 = vector.extract_strided_slice %dot_general3A_469 {offsets = [0, 128], sizes = [512, 128], strides = [1, 1]} : vector<512x256xf32> to vector<512x128xf32>
    %abs3A_502 = math.absf %slice3A_501 : vector<512x128xf32>
    %reduce_max3A_503 = arith.constant dense<0xFF800000> : vector<512xf32>
    %reduce_max3A_504 = vector.multi_reduction <maximumf>, %abs3A_502, %reduce_max3A_503 [1] : vector<512x128xf32> to vector<512xf32>
    %broadcast_in_dim3A_505 = vector.shape_cast %reduce_max3A_504 : vector<512xf32> to vector<512x1xf32>
    %eq3A_506 = vector.broadcast %broadcast_in_dim3A_505 : vector<512x1xf32> to vector<512x128xf32>
    %eq3A_507 = arith.cmpf oeq, %slice3A_501, %eq3A_506 : vector<512x128xf32>
    %jit3A_508 = arith.constant 512 : i32
    %broadcast_in_dim3A_509 = vector.broadcast %jit3A_508 : i32 to vector<512x128xi32>
    %select_n3A_510 = arith.select %eq3A_507, %iota3A, %broadcast_in_dim3A_509 : vector<512x128xi1>, vector<512x128xi32>
    %neg3A_511 = arith.constant 0.000000e+00 : f32
    %neg3A_512 = vector.broadcast %neg3A_511 : f32 to vector<512x1xf32>
    %neg3A_513 = arith.subf %neg3A_512, %broadcast_in_dim3A_505 : vector<512x1xf32>
    %eq3A_514 = vector.broadcast %neg3A_513 : vector<512x1xf32> to vector<512x128xf32>
    %eq3A_515 = arith.cmpf oeq, %slice3A_501, %eq3A_514 : vector<512x128xf32>
    %add3A_516 = arith.constant 128 : i32
    %add3A_517 = vector.broadcast %add3A_516 : i32 to vector<512x128xi32>
    %add3A_518 = arith.addi %iota3A, %add3A_517 : vector<512x128xi32>
    %jit3A_519 = arith.constant 512 : i32
    %broadcast_in_dim3A_520 = vector.broadcast %jit3A_519 : i32 to vector<512x128xi32>
    %select_n3A_521 = arith.select %eq3A_515, %add3A_518, %broadcast_in_dim3A_520 : vector<512x128xi1>, vector<512x128xi32>
    %min3A_522 = arith.minsi %select_n3A_510, %select_n3A_521 : vector<512x128xi32>
    %reduce_min3A_523 = arith.constant dense<2147483647> : vector<512xi32>
    %reduce_min3A_524 = vector.multi_reduction <minsi>, %min3A_522, %reduce_min3A_523 [1] : vector<512x128xi32> to vector<512xi32>
    %broadcast_in_dim3A_525 = vector.shape_cast %reduce_min3A_524 : vector<512xi32> to vector<512x1xi32>
    %convert_element_type3A_526 = arith.sitofp %broadcast_in_dim3A_525 : vector<512x1xi32> to vector<512x1xf32>
    %dot_general3A_527 = arith.constant dense<0.000000e+00> : vector<1x512xf32>
    %dot_general3A_528 = tpu.matmul %convert_element_type3A_526, %get3A_10, %dot_general3A_527 {dimension_numbers = #tpu.dot_dimension_numbers<[0], [0], [1], [1], [0, 1, 1, 1], [], []>, transpose_lhs_hint = false} : vector<512x1xf32>, vector<512x512xf32>, vector<1x512xf32> -> vector<1x512xf32>
    %swap3A_529 = arith.constant 15 : index
    %swap3A_530 = arith.constant 0 : index
    %swap3A_531 = vector.load %arg7[%swap3A_529, %swap3A_530] : memref<24x512xf32, #tpu.memory_space<vmem>>, vector<1x512xf32>
    tpu.vector_store %arg7[%swap3A_529, %swap3A_530], %dot_general3A_528 {strides = array<i32>} : memref<24x512xf32, #tpu.memory_space<vmem>>, vector<1x512xf32>,
    %slice3A_532 = vector.extract_strided_slice %dot_general3A_11 {offsets = [0, 512], sizes = [512, 64], strides = [1, 1]} : vector<512x768xf32> to vector<512x64xf32>
    %slice3A_533 = vector.extract_strided_slice %dot_general3A_13 {offsets = [0, 512], sizes = [512, 64], strides = [1, 1]} : vector<512x768xf32> to vector<512x64xf32>
    %dot_general3A_534 = arith.constant dense<0.000000e+00> : vector<512x256xf32>
    %dot_general3A_535 = tpu.matmul %slice3A_532, %get3A_16, %dot_general3A_534 {dimension_numbers = #tpu.dot_dimension_numbers<[1], [0], [0], [1], [0, 0, 1, 1], [], []>, transpose_lhs_hint = false} : vector<512x64xf32>, vector<64x256xf32>, vector<512x256xf32> -> vector<512x256xf32>
    %slice3A_536 = vector.extract_strided_slice %dot_general3A_535 {offsets = [0, 0], sizes = [512, 128], strides = [1, 1]} : vector<512x256xf32> to vector<512x128xf32>
    %abs3A_537 = math.absf %slice3A_536 : vector<512x128xf32>
    %reduce_max3A_538 = arith.constant dense<0xFF800000> : vector<512xf32>
    %reduce_max3A_539 = vector.multi_reduction <maximumf>, %abs3A_537, %reduce_max3A_538 [1] : vector<512x128xf32> to vector<512xf32>
    %broadcast_in_dim3A_540 = vector.shape_cast %reduce_max3A_539 : vector<512xf32> to vector<512x1xf32>
    %eq3A_541 = vector.broadcast %broadcast_in_dim3A_540 : vector<512x1xf32> to vector<512x128xf32>
    %eq3A_542 = arith.cmpf oeq, %slice3A_536, %eq3A_541 : vector<512x128xf32>
    %jit3A_543 = arith.constant 512 : i32
    %broadcast_in_dim3A_544 = vector.broadcast %jit3A_543 : i32 to vector<512x128xi32>
    %select_n3A_545 = arith.select %eq3A_542, %iota3A, %broadcast_in_dim3A_544 : vector<512x128xi1>, vector<512x128xi32>
    %neg3A_546 = arith.constant 0.000000e+00 : f32
    %neg3A_547 = vector.broadcast %neg3A_546 : f32 to vector<512x1xf32>
    %neg3A_548 = arith.subf %neg3A_547, %broadcast_in_dim3A_540 : vector<512x1xf32>
    %eq3A_549 = vector.broadcast %neg3A_548 : vector<512x1xf32> to vector<512x128xf32>
    %eq3A_550 = arith.cmpf oeq, %slice3A_536, %eq3A_549 : vector<512x128xf32>
    %add3A_551 = arith.constant 128 : i32
    %add3A_552 = vector.broadcast %add3A_551 : i32 to vector<512x128xi32>
    %add3A_553 = arith.addi %iota3A, %add3A_552 : vector<512x128xi32>
    %jit3A_554 = arith.constant 512 : i32
    %broadcast_in_dim3A_555 = vector.broadcast %jit3A_554 : i32 to vector<512x128xi32>
    %select_n3A_556 = arith.select %eq3A_550, %add3A_553, %broadcast_in_dim3A_555 : vector<512x128xi1>, vector<512x128xi32>
    %min3A_557 = arith.minsi %select_n3A_545, %select_n3A_556 : vector<512x128xi32>
    %reduce_min3A_558 = arith.constant dense<2147483647> : vector<512xi32>
    %reduce_min3A_559 = vector.multi_reduction <minsi>, %min3A_557, %reduce_min3A_558 [1] : vector<512x128xi32> to vector<512xi32>
    %broadcast_in_dim3A_560 = vector.shape_cast %reduce_min3A_559 : vector<512xi32> to vector<512x1xi32>
    %convert_element_type3A_561 = arith.sitofp %broadcast_in_dim3A_560 : vector<512x1xi32> to vector<512x1xf32>
    %dot_general3A_562 = arith.constant dense<0.000000e+00> : vector<1x512xf32>
    %dot_general3A_563 = tpu.matmul %convert_element_type3A_561, %get3A_10, %dot_general3A_562 {dimension_numbers = #tpu.dot_dimension_numbers<[0], [0], [1], [1], [0, 1, 1, 1], [], []>, transpose_lhs_hint = false} : vector<512x1xf32>, vector<512x512xf32>, vector<1x512xf32> -> vector<1x512xf32>
    %swap3A_564 = arith.constant 16 : index
    %swap3A_565 = arith.constant 0 : index
    %swap3A_566 = vector.load %arg7[%swap3A_564, %swap3A_565] : memref<24x512xf32, #tpu.memory_space<vmem>>, vector<1x512xf32>
    tpu.vector_store %arg7[%swap3A_564, %swap3A_565], %dot_general3A_563 {strides = array<i32>} : memref<24x512xf32, #tpu.memory_space<vmem>>, vector<1x512xf32>,
    %slice3A_567 = vector.extract_strided_slice %dot_general3A_535 {offsets = [0, 128], sizes = [512, 128], strides = [1, 1]} : vector<512x256xf32> to vector<512x128xf32>
    %abs3A_568 = math.absf %slice3A_567 : vector<512x128xf32>
    %reduce_max3A_569 = arith.constant dense<0xFF800000> : vector<512xf32>
    %reduce_max3A_570 = vector.multi_reduction <maximumf>, %abs3A_568, %reduce_max3A_569 [1] : vector<512x128xf32> to vector<512xf32>
    %broadcast_in_dim3A_571 = vector.shape_cast %reduce_max3A_570 : vector<512xf32> to vector<512x1xf32>
    %eq3A_572 = vector.broadcast %broadcast_in_dim3A_571 : vector<512x1xf32> to vector<512x128xf32>
    %eq3A_573 = arith.cmpf oeq, %slice3A_567, %eq3A_572 : vector<512x128xf32>
    %jit3A_574 = arith.constant 512 : i32
    %broadcast_in_dim3A_575 = vector.broadcast %jit3A_574 : i32 to vector<512x128xi32>
    %select_n3A_576 = arith.select %eq3A_573, %iota3A, %broadcast_in_dim3A_575 : vector<512x128xi1>, vector<512x128xi32>
    %neg3A_577 = arith.constant 0.000000e+00 : f32
    %neg3A_578 = vector.broadcast %neg3A_577 : f32 to vector<512x1xf32>
    %neg3A_579 = arith.subf %neg3A_578, %broadcast_in_dim3A_571 : vector<512x1xf32>
    %eq3A_580 = vector.broadcast %neg3A_579 : vector<512x1xf32> to vector<512x128xf32>
    %eq3A_581 = arith.cmpf oeq, %slice3A_567, %eq3A_580 : vector<512x128xf32>
    %add3A_582 = arith.constant 128 : i32
    %add3A_583 = vector.broadcast %add3A_582 : i32 to vector<512x128xi32>
    %add3A_584 = arith.addi %iota3A, %add3A_583 : vector<512x128xi32>
    %jit3A_585 = arith.constant 512 : i32
    %broadcast_in_dim3A_586 = vector.broadcast %jit3A_585 : i32 to vector<512x128xi32>
    %select_n3A_587 = arith.select %eq3A_581, %add3A_584, %broadcast_in_dim3A_586 : vector<512x128xi1>, vector<512x128xi32>
    %min3A_588 = arith.minsi %select_n3A_576, %select_n3A_587 : vector<512x128xi32>
    %reduce_min3A_589 = arith.constant dense<2147483647> : vector<512xi32>
    %reduce_min3A_590 = vector.multi_reduction <minsi>, %min3A_588, %reduce_min3A_589 [1] : vector<512x128xi32> to vector<512xi32>
    %broadcast_in_dim3A_591 = vector.shape_cast %reduce_min3A_590 : vector<512xi32> to vector<512x1xi32>
    %convert_element_type3A_592 = arith.sitofp %broadcast_in_dim3A_591 : vector<512x1xi32> to vector<512x1xf32>
    %dot_general3A_593 = arith.constant dense<0.000000e+00> : vector<1x512xf32>
    %dot_general3A_594 = tpu.matmul %convert_element_type3A_592, %get3A_10, %dot_general3A_593 {dimension_numbers = #tpu.dot_dimension_numbers<[0], [0], [1], [1], [0, 1, 1, 1], [], []>, transpose_lhs_hint = false} : vector<512x1xf32>, vector<512x512xf32>, vector<1x512xf32> -> vector<1x512xf32>
    %swap3A_595 = arith.constant 17 : index
    %swap3A_596 = arith.constant 0 : index
    %swap3A_597 = vector.load %arg7[%swap3A_595, %swap3A_596] : memref<24x512xf32, #tpu.memory_space<vmem>>, vector<1x512xf32>
    tpu.vector_store %arg7[%swap3A_595, %swap3A_596], %dot_general3A_594 {strides = array<i32>} : memref<24x512xf32, #tpu.memory_space<vmem>>, vector<1x512xf32>,
    %slice3A_598 = vector.extract_strided_slice %dot_general3A_11 {offsets = [0, 576], sizes = [512, 64], strides = [1, 1]} : vector<512x768xf32> to vector<512x64xf32>
    %slice3A_599 = vector.extract_strided_slice %dot_general3A_13 {offsets = [0, 576], sizes = [512, 64], strides = [1, 1]} : vector<512x768xf32> to vector<512x64xf32>
    %dot_general3A_600 = arith.constant dense<0.000000e+00> : vector<512x256xf32>
    %dot_general3A_601 = tpu.matmul %slice3A_598, %get3A_16, %dot_general3A_600 {dimension_numbers = #tpu.dot_dimension_numbers<[1], [0], [0], [1], [0, 0, 1, 1], [], []>, transpose_lhs_hint = false} : vector<512x64xf32>, vector<64x256xf32>, vector<512x256xf32> -> vector<512x256xf32>
    %slice3A_602 = vector.extract_strided_slice %dot_general3A_601 {offsets = [0, 0], sizes = [512, 128], strides = [1, 1]} : vector<512x256xf32> to vector<512x128xf32>
    %abs3A_603 = math.absf %slice3A_602 : vector<512x128xf32>
    %reduce_max3A_604 = arith.constant dense<0xFF800000> : vector<512xf32>
    %reduce_max3A_605 = vector.multi_reduction <maximumf>, %abs3A_603, %reduce_max3A_604 [1] : vector<512x128xf32> to vector<512xf32>
    %broadcast_in_dim3A_606 = vector.shape_cast %reduce_max3A_605 : vector<512xf32> to vector<512x1xf32>
    %eq3A_607 = vector.broadcast %broadcast_in_dim3A_606 : vector<512x1xf32> to vector<512x128xf32>
    %eq3A_608 = arith.cmpf oeq, %slice3A_602, %eq3A_607 : vector<512x128xf32>
    %jit3A_609 = arith.constant 512 : i32
    %broadcast_in_dim3A_610 = vector.broadcast %jit3A_609 : i32 to vector<512x128xi32>
    %select_n3A_611 = arith.select %eq3A_608, %iota3A, %broadcast_in_dim3A_610 : vector<512x128xi1>, vector<512x128xi32>
    %neg3A_612 = arith.constant 0.000000e+00 : f32
    %neg3A_613 = vector.broadcast %neg3A_612 : f32 to vector<512x1xf32>
    %neg3A_614 = arith.subf %neg3A_613, %broadcast_in_dim3A_606 : vector<512x1xf32>
    %eq3A_615 = vector.broadcast %neg3A_614 : vector<512x1xf32> to vector<512x128xf32>
    %eq3A_616 = arith.cmpf oeq, %slice3A_602, %eq3A_615 : vector<512x128xf32>
    %add3A_617 = arith.constant 128 : i32
    %add3A_618 = vector.broadcast %add3A_617 : i32 to vector<512x128xi32>
    %add3A_619 = arith.addi %iota3A, %add3A_618 : vector<512x128xi32>
    %jit3A_620 = arith.constant 512 : i32
    %broadcast_in_dim3A_621 = vector.broadcast %jit3A_620 : i32 to vector<512x128xi32>
    %select_n3A_622 = arith.select %eq3A_616, %add3A_619, %broadcast_in_dim3A_621 : vector<512x128xi1>, vector<512x128xi32>
    %min3A_623 = arith.minsi %select_n3A_611, %select_n3A_622 : vector<512x128xi32>
    %reduce_min3A_624 = arith.constant dense<2147483647> : vector<512xi32>
    %reduce_min3A_625 = vector.multi_reduction <minsi>, %min3A_623, %reduce_min3A_624 [1] : vector<512x128xi32> to vector<512xi32>
    %broadcast_in_dim3A_626 = vector.shape_cast %reduce_min3A_625 : vector<512xi32> to vector<512x1xi32>
    %convert_element_type3A_627 = arith.sitofp %broadcast_in_dim3A_626 : vector<512x1xi32> to vector<512x1xf32>
    %dot_general3A_628 = arith.constant dense<0.000000e+00> : vector<1x512xf32>
    %dot_general3A_629 = tpu.matmul %convert_element_type3A_627, %get3A_10, %dot_general3A_628 {dimension_numbers = #tpu.dot_dimension_numbers<[0], [0], [1], [1], [0, 1, 1, 1], [], []>, transpose_lhs_hint = false} : vector<512x1xf32>, vector<512x512xf32>, vector<1x512xf32> -> vector<1x512xf32>
    %swap3A_630 = arith.constant 18 : index
    %swap3A_631 = arith.constant 0 : index
    %swap3A_632 = vector.load %arg7[%swap3A_630, %swap3A_631] : memref<24x512xf32, #tpu.memory_space<vmem>>, vector<1x512xf32>
    tpu.vector_store %arg7[%swap3A_630, %swap3A_631], %dot_general3A_629 {strides = array<i32>} : memref<24x512xf32, #tpu.memory_space<vmem>>, vector<1x512xf32>,
    %slice3A_633 = vector.extract_strided_slice %dot_general3A_601 {offsets = [0, 128], sizes = [512, 128], strides = [1, 1]} : vector<512x256xf32> to vector<512x128xf32>
    %abs3A_634 = math.absf %slice3A_633 : vector<512x128xf32>
    %reduce_max3A_635 = arith.constant dense<0xFF800000> : vector<512xf32>
    %reduce_max3A_636 = vector.multi_reduction <maximumf>, %abs3A_634, %reduce_max3A_635 [1] : vector<512x128xf32> to vector<512xf32>
    %broadcast_in_dim3A_637 = vector.shape_cast %reduce_max3A_636 : vector<512xf32> to vector<512x1xf32>
    %eq3A_638 = vector.broadcast %broadcast_in_dim3A_637 : vector<512x1xf32> to vector<512x128xf32>
    %eq3A_639 = arith.cmpf oeq, %slice3A_633, %eq3A_638 : vector<512x128xf32>
    %jit3A_640 = arith.constant 512 : i32
    %broadcast_in_dim3A_641 = vector.broadcast %jit3A_640 : i32 to vector<512x128xi32>
    %select_n3A_642 = arith.select %eq3A_639, %iota3A, %broadcast_in_dim3A_641 : vector<512x128xi1>, vector<512x128xi32>
    %neg3A_643 = arith.constant 0.000000e+00 : f32
    %neg3A_644 = vector.broadcast %neg3A_643 : f32 to vector<512x1xf32>
    %neg3A_645 = arith.subf %neg3A_644, %broadcast_in_dim3A_637 : vector<512x1xf32>
    %eq3A_646 = vector.broadcast %neg3A_645 : vector<512x1xf32> to vector<512x128xf32>
    %eq3A_647 = arith.cmpf oeq, %slice3A_633, %eq3A_646 : vector<512x128xf32>
    %add3A_648 = arith.constant 128 : i32
    %add3A_649 = vector.broadcast %add3A_648 : i32 to vector<512x128xi32>
    %add3A_650 = arith.addi %iota3A, %add3A_649 : vector<512x128xi32>
    %jit3A_651 = arith.constant 512 : i32
    %broadcast_in_dim3A_652 = vector.broadcast %jit3A_651 : i32 to vector<512x128xi32>
    %select_n3A_653 = arith.select %eq3A_647, %add3A_650, %broadcast_in_dim3A_652 : vector<512x128xi1>, vector<512x128xi32>
    %min3A_654 = arith.minsi %select_n3A_642, %select_n3A_653 : vector<512x128xi32>
    %reduce_min3A_655 = arith.constant dense<2147483647> : vector<512xi32>
    %reduce_min3A_656 = vector.multi_reduction <minsi>, %min3A_654, %reduce_min3A_655 [1] : vector<512x128xi32> to vector<512xi32>
    %broadcast_in_dim3A_657 = vector.shape_cast %reduce_min3A_656 : vector<512xi32> to vector<512x1xi32>
    %convert_element_type3A_658 = arith.sitofp %broadcast_in_dim3A_657 : vector<512x1xi32> to vector<512x1xf32>
    %dot_general3A_659 = arith.constant dense<0.000000e+00> : vector<1x512xf32>
    %dot_general3A_660 = tpu.matmul %convert_element_type3A_658, %get3A_10, %dot_general3A_659 {dimension_numbers = #tpu.dot_dimension_numbers<[0], [0], [1], [1], [0, 1, 1, 1], [], []>, transpose_lhs_hint = false} : vector<512x1xf32>, vector<512x512xf32>, vector<1x512xf32> -> vector<1x512xf32>
    %swap3A_661 = arith.constant 19 : index
    %swap3A_662 = arith.constant 0 : index
    %swap3A_663 = vector.load %arg7[%swap3A_661, %swap3A_662] : memref<24x512xf32, #tpu.memory_space<vmem>>, vector<1x512xf32>
    tpu.vector_store %arg7[%swap3A_661, %swap3A_662], %dot_general3A_660 {strides = array<i32>} : memref<24x512xf32, #tpu.memory_space<vmem>>, vector<1x512xf32>,
    %slice3A_664 = vector.extract_strided_slice %dot_general3A_11 {offsets = [0, 640], sizes = [512, 64], strides = [1, 1]} : vector<512x768xf32> to vector<512x64xf32>
    %slice3A_665 = vector.extract_strided_slice %dot_general3A_13 {offsets = [0, 640], sizes = [512, 64], strides = [1, 1]} : vector<512x768xf32> to vector<512x64xf32>
    %dot_general3A_666 = arith.constant dense<0.000000e+00> : vector<512x256xf32>
    %dot_general3A_667 = tpu.matmul %slice3A_664, %get3A_16, %dot_general3A_666 {dimension_numbers = #tpu.dot_dimension_numbers<[1], [0], [0], [1], [0, 0, 1, 1], [], []>, transpose_lhs_hint = false} : vector<512x64xf32>, vector<64x256xf32>, vector<512x256xf32> -> vector<512x256xf32>
    %slice3A_668 = vector.extract_strided_slice %dot_general3A_667 {offsets = [0, 0], sizes = [512, 128], strides = [1, 1]} : vector<512x256xf32> to vector<512x128xf32>
    %abs3A_669 = math.absf %slice3A_668 : vector<512x128xf32>
    %reduce_max3A_670 = arith.constant dense<0xFF800000> : vector<512xf32>
    %reduce_max3A_671 = vector.multi_reduction <maximumf>, %abs3A_669, %reduce_max3A_670 [1] : vector<512x128xf32> to vector<512xf32>
    %broadcast_in_dim3A_672 = vector.shape_cast %reduce_max3A_671 : vector<512xf32> to vector<512x1xf32>
    %eq3A_673 = vector.broadcast %broadcast_in_dim3A_672 : vector<512x1xf32> to vector<512x128xf32>
    %eq3A_674 = arith.cmpf oeq, %slice3A_668, %eq3A_673 : vector<512x128xf32>
    %jit3A_675 = arith.constant 512 : i32
    %broadcast_in_dim3A_676 = vector.broadcast %jit3A_675 : i32 to vector<512x128xi32>
    %select_n3A_677 = arith.select %eq3A_674, %iota3A, %broadcast_in_dim3A_676 : vector<512x128xi1>, vector<512x128xi32>
    %neg3A_678 = arith.constant 0.000000e+00 : f32
    %neg3A_679 = vector.broadcast %neg3A_678 : f32 to vector<512x1xf32>
    %neg3A_680 = arith.subf %neg3A_679, %broadcast_in_dim3A_672 : vector<512x1xf32>
    %eq3A_681 = vector.broadcast %neg3A_680 : vector<512x1xf32> to vector<512x128xf32>
    %eq3A_682 = arith.cmpf oeq, %slice3A_668, %eq3A_681 : vector<512x128xf32>
    %add3A_683 = arith.constant 128 : i32
    %add3A_684 = vector.broadcast %add3A_683 : i32 to vector<512x128xi32>
    %add3A_685 = arith.addi %iota3A, %add3A_684 : vector<512x128xi32>
    %jit3A_686 = arith.constant 512 : i32
    %broadcast_in_dim3A_687 = vector.broadcast %jit3A_686 : i32 to vector<512x128xi32>
    %select_n3A_688 = arith.select %eq3A_682, %add3A_685, %broadcast_in_dim3A_687 : vector<512x128xi1>, vector<512x128xi32>
    %min3A_689 = arith.minsi %select_n3A_677, %select_n3A_688 : vector<512x128xi32>
    %reduce_min3A_690 = arith.constant dense<2147483647> : vector<512xi32>
    %reduce_min3A_691 = vector.multi_reduction <minsi>, %min3A_689, %reduce_min3A_690 [1] : vector<512x128xi32> to vector<512xi32>
    %broadcast_in_dim3A_692 = vector.shape_cast %reduce_min3A_691 : vector<512xi32> to vector<512x1xi32>
    %convert_element_type3A_693 = arith.sitofp %broadcast_in_dim3A_692 : vector<512x1xi32> to vector<512x1xf32>
    %dot_general3A_694 = arith.constant dense<0.000000e+00> : vector<1x512xf32>
    %dot_general3A_695 = tpu.matmul %convert_element_type3A_693, %get3A_10, %dot_general3A_694 {dimension_numbers = #tpu.dot_dimension_numbers<[0], [0], [1], [1], [0, 1, 1, 1], [], []>, transpose_lhs_hint = false} : vector<512x1xf32>, vector<512x512xf32>, vector<1x512xf32> -> vector<1x512xf32>
    %swap3A_696 = arith.constant 20 : index
    %swap3A_697 = arith.constant 0 : index
    %swap3A_698 = vector.load %arg7[%swap3A_696, %swap3A_697] : memref<24x512xf32, #tpu.memory_space<vmem>>, vector<1x512xf32>
    tpu.vector_store %arg7[%swap3A_696, %swap3A_697], %dot_general3A_695 {strides = array<i32>} : memref<24x512xf32, #tpu.memory_space<vmem>>, vector<1x512xf32>,
    %slice3A_699 = vector.extract_strided_slice %dot_general3A_667 {offsets = [0, 128], sizes = [512, 128], strides = [1, 1]} : vector<512x256xf32> to vector<512x128xf32>
    %abs3A_700 = math.absf %slice3A_699 : vector<512x128xf32>
    %reduce_max3A_701 = arith.constant dense<0xFF800000> : vector<512xf32>
    %reduce_max3A_702 = vector.multi_reduction <maximumf>, %abs3A_700, %reduce_max3A_701 [1] : vector<512x128xf32> to vector<512xf32>
    %broadcast_in_dim3A_703 = vector.shape_cast %reduce_max3A_702 : vector<512xf32> to vector<512x1xf32>
    %eq3A_704 = vector.broadcast %broadcast_in_dim3A_703 : vector<512x1xf32> to vector<512x128xf32>
    %eq3A_705 = arith.cmpf oeq, %slice3A_699, %eq3A_704 : vector<512x128xf32>
    %jit3A_706 = arith.constant 512 : i32
    %broadcast_in_dim3A_707 = vector.broadcast %jit3A_706 : i32 to vector<512x128xi32>
    %select_n3A_708 = arith.select %eq3A_705, %iota3A, %broadcast_in_dim3A_707 : vector<512x128xi1>, vector<512x128xi32>
    %neg3A_709 = arith.constant 0.000000e+00 : f32
    %neg3A_710 = vector.broadcast %neg3A_709 : f32 to vector<512x1xf32>
    %neg3A_711 = arith.subf %neg3A_710, %broadcast_in_dim3A_703 : vector<512x1xf32>
    %eq3A_712 = vector.broadcast %neg3A_711 : vector<512x1xf32> to vector<512x128xf32>
    %eq3A_713 = arith.cmpf oeq, %slice3A_699, %eq3A_712 : vector<512x128xf32>
    %add3A_714 = arith.constant 128 : i32
    %add3A_715 = vector.broadcast %add3A_714 : i32 to vector<512x128xi32>
    %add3A_716 = arith.addi %iota3A, %add3A_715 : vector<512x128xi32>
    %jit3A_717 = arith.constant 512 : i32
    %broadcast_in_dim3A_718 = vector.broadcast %jit3A_717 : i32 to vector<512x128xi32>
    %select_n3A_719 = arith.select %eq3A_713, %add3A_716, %broadcast_in_dim3A_718 : vector<512x128xi1>, vector<512x128xi32>
    %min3A_720 = arith.minsi %select_n3A_708, %select_n3A_719 : vector<512x128xi32>
    %reduce_min3A_721 = arith.constant dense<2147483647> : vector<512xi32>
    %reduce_min3A_722 = vector.multi_reduction <minsi>, %min3A_720, %reduce_min3A_721 [1] : vector<512x128xi32> to vector<512xi32>
    %broadcast_in_dim3A_723 = vector.shape_cast %reduce_min3A_722 : vector<512xi32> to vector<512x1xi32>
    %convert_element_type3A_724 = arith.sitofp %broadcast_in_dim3A_723 : vector<512x1xi32> to vector<512x1xf32>
    %dot_general3A_725 = arith.constant dense<0.000000e+00> : vector<1x512xf32>
    %dot_general3A_726 = tpu.matmul %convert_element_type3A_724, %get3A_10, %dot_general3A_725 {dimension_numbers = #tpu.dot_dimension_numbers<[0], [0], [1], [1], [0, 1, 1, 1], [], []>, transpose_lhs_hint = false} : vector<512x1xf32>, vector<512x512xf32>, vector<1x512xf32> -> vector<1x512xf32>
    %swap3A_727 = arith.constant 21 : index
    %swap3A_728 = arith.constant 0 : index
    %swap3A_729 = vector.load %arg7[%swap3A_727, %swap3A_728] : memref<24x512xf32, #tpu.memory_space<vmem>>, vector<1x512xf32>
    tpu.vector_store %arg7[%swap3A_727, %swap3A_728], %dot_general3A_726 {strides = array<i32>} : memref<24x512xf32, #tpu.memory_space<vmem>>, vector<1x512xf32>,
    %slice3A_730 = vector.extract_strided_slice %dot_general3A_11 {offsets = [0, 704], sizes = [512, 64], strides = [1, 1]} : vector<512x768xf32> to vector<512x64xf32>
    %slice3A_731 = vector.extract_strided_slice %dot_general3A_13 {offsets = [0, 704], sizes = [512, 64], strides = [1, 1]} : vector<512x768xf32> to vector<512x64xf32>
    %dot_general3A_732 = arith.constant dense<0.000000e+00> : vector<512x256xf32>
    %dot_general3A_733 = tpu.matmul %slice3A_730, %get3A_16, %dot_general3A_732 {dimension_numbers = #tpu.dot_dimension_numbers<[1], [0], [0], [1], [0, 0, 1, 1], [], []>, transpose_lhs_hint = false} : vector<512x64xf32>, vector<64x256xf32>, vector<512x256xf32> -> vector<512x256xf32>
    %slice3A_734 = vector.extract_strided_slice %dot_general3A_733 {offsets = [0, 0], sizes = [512, 128], strides = [1, 1]} : vector<512x256xf32> to vector<512x128xf32>
    %abs3A_735 = math.absf %slice3A_734 : vector<512x128xf32>
    %reduce_max3A_736 = arith.constant dense<0xFF800000> : vector<512xf32>
    %reduce_max3A_737 = vector.multi_reduction <maximumf>, %abs3A_735, %reduce_max3A_736 [1] : vector<512x128xf32> to vector<512xf32>
    %broadcast_in_dim3A_738 = vector.shape_cast %reduce_max3A_737 : vector<512xf32> to vector<512x1xf32>
    %eq3A_739 = vector.broadcast %broadcast_in_dim3A_738 : vector<512x1xf32> to vector<512x128xf32>
    %eq3A_740 = arith.cmpf oeq, %slice3A_734, %eq3A_739 : vector<512x128xf32>
    %jit3A_741 = arith.constant 512 : i32
    %broadcast_in_dim3A_742 = vector.broadcast %jit3A_741 : i32 to vector<512x128xi32>
    %select_n3A_743 = arith.select %eq3A_740, %iota3A, %broadcast_in_dim3A_742 : vector<512x128xi1>, vector<512x128xi32>
    %neg3A_744 = arith.constant 0.000000e+00 : f32
    %neg3A_745 = vector.broadcast %neg3A_744 : f32 to vector<512x1xf32>
    %neg3A_746 = arith.subf %neg3A_745, %broadcast_in_dim3A_738 : vector<512x1xf32>
    %eq3A_747 = vector.broadcast %neg3A_746 : vector<512x1xf32> to vector<512x128xf32>
    %eq3A_748 = arith.cmpf oeq, %slice3A_734, %eq3A_747 : vector<512x128xf32>
    %add3A_749 = arith.constant 128 : i32
    %add3A_750 = vector.broadcast %add3A_749 : i32 to vector<512x128xi32>
    %add3A_751 = arith.addi %iota3A, %add3A_750 : vector<512x128xi32>
    %jit3A_752 = arith.constant 512 : i32
    %broadcast_in_dim3A_753 = vector.broadcast %jit3A_752 : i32 to vector<512x128xi32>
    %select_n3A_754 = arith.select %eq3A_748, %add3A_751, %broadcast_in_dim3A_753 : vector<512x128xi1>, vector<512x128xi32>
    %min3A_755 = arith.minsi %select_n3A_743, %select_n3A_754 : vector<512x128xi32>
    %reduce_min3A_756 = arith.constant dense<2147483647> : vector<512xi32>
    %reduce_min3A_757 = vector.multi_reduction <minsi>, %min3A_755, %reduce_min3A_756 [1] : vector<512x128xi32> to vector<512xi32>
    %broadcast_in_dim3A_758 = vector.shape_cast %reduce_min3A_757 : vector<512xi32> to vector<512x1xi32>
    %convert_element_type3A_759 = arith.sitofp %broadcast_in_dim3A_758 : vector<512x1xi32> to vector<512x1xf32>
    %dot_general3A_760 = arith.constant dense<0.000000e+00> : vector<1x512xf32>
    %dot_general3A_761 = tpu.matmul %convert_element_type3A_759, %get3A_10, %dot_general3A_760 {dimension_numbers = #tpu.dot_dimension_numbers<[0], [0], [1], [1], [0, 1, 1, 1], [], []>, transpose_lhs_hint = false} : vector<512x1xf32>, vector<512x512xf32>, vector<1x512xf32> -> vector<1x512xf32>
    %swap3A_762 = arith.constant 22 : index
    %swap3A_763 = arith.constant 0 : index
    %swap3A_764 = vector.load %arg7[%swap3A_762, %swap3A_763] : memref<24x512xf32, #tpu.memory_space<vmem>>, vector<1x512xf32>
    tpu.vector_store %arg7[%swap3A_762, %swap3A_763], %dot_general3A_761 {strides = array<i32>} : memref<24x512xf32, #tpu.memory_space<vmem>>, vector<1x512xf32>,
    %slice3A_765 = vector.extract_strided_slice %dot_general3A_733 {offsets = [0, 128], sizes = [512, 128], strides = [1, 1]} : vector<512x256xf32> to vector<512x128xf32>
    %abs3A_766 = math.absf %slice3A_765 : vector<512x128xf32>
    %reduce_max3A_767 = arith.constant dense<0xFF800000> : vector<512xf32>
    %reduce_max3A_768 = vector.multi_reduction <maximumf>, %abs3A_766, %reduce_max3A_767 [1] : vector<512x128xf32> to vector<512xf32>
    %broadcast_in_dim3A_769 = vector.shape_cast %reduce_max3A_768 : vector<512xf32> to vector<512x1xf32>
    %eq3A_770 = vector.broadcast %broadcast_in_dim3A_769 : vector<512x1xf32> to vector<512x128xf32>
    %eq3A_771 = arith.cmpf oeq, %slice3A_765, %eq3A_770 : vector<512x128xf32>
    %jit3A_772 = arith.constant 512 : i32
    %broadcast_in_dim3A_773 = vector.broadcast %jit3A_772 : i32 to vector<512x128xi32>
    %select_n3A_774 = arith.select %eq3A_771, %iota3A, %broadcast_in_dim3A_773 : vector<512x128xi1>, vector<512x128xi32>
    %neg3A_775 = arith.constant 0.000000e+00 : f32
    %neg3A_776 = vector.broadcast %neg3A_775 : f32 to vector<512x1xf32>
    %neg3A_777 = arith.subf %neg3A_776, %broadcast_in_dim3A_769 : vector<512x1xf32>
    %eq3A_778 = vector.broadcast %neg3A_777 : vector<512x1xf32> to vector<512x128xf32>
    %eq3A_779 = arith.cmpf oeq, %slice3A_765, %eq3A_778 : vector<512x128xf32>
    %add3A_780 = arith.constant 128 : i32
    %add3A_781 = vector.broadcast %add3A_780 : i32 to vector<512x128xi32>
    %add3A_782 = arith.addi %iota3A, %add3A_781 : vector<512x128xi32>
    %jit3A_783 = arith.constant 512 : i32
    %broadcast_in_dim3A_784 = vector.broadcast %jit3A_783 : i32 to vector<512x128xi32>
    %select_n3A_785 = arith.select %eq3A_779, %add3A_782, %broadcast_in_dim3A_784 : vector<512x128xi1>, vector<512x128xi32>
    %min3A_786 = arith.minsi %select_n3A_774, %select_n3A_785 : vector<512x128xi32>
    %reduce_min3A_787 = arith.constant dense<2147483647> : vector<512xi32>
    %reduce_min3A_788 = vector.multi_reduction <minsi>, %min3A_786, %reduce_min3A_787 [1] : vector<512x128xi32> to vector<512xi32>
    %broadcast_in_dim3A_789 = vector.shape_cast %reduce_min3A_788 : vector<512xi32> to vector<512x1xi32>
    %convert_element_type3A_790 = arith.sitofp %broadcast_in_dim3A_789 : vector<512x1xi32> to vector<512x1xf32>
    %dot_general3A_791 = arith.constant dense<0.000000e+00> : vector<1x512xf32>
    %dot_general3A_792 = tpu.matmul %convert_element_type3A_790, %get3A_10, %dot_general3A_791 {dimension_numbers = #tpu.dot_dimension_numbers<[0], [0], [1], [1], [0, 1, 1, 1], [], []>, transpose_lhs_hint = false} : vector<512x1xf32>, vector<512x512xf32>, vector<1x512xf32> -> vector<1x512xf32>
    %swap3A_793 = arith.constant 23 : index
    %swap3A_794 = arith.constant 0 : index
    %swap3A_795 = vector.load %arg7[%swap3A_793, %swap3A_794] : memref<24x512xf32, #tpu.memory_space<vmem>>, vector<1x512xf32>
    tpu.vector_store %arg7[%swap3A_793, %swap3A_794], %dot_general3A_792 {strides = array<i32>} : memref<24x512xf32, #tpu.memory_space<vmem>>, vector<1x512xf32>,
    %concatenate3A = tpu.concatenate %slice3A, %slice3A_17, %slice3A_70, %slice3A_71, %slice3A_136, %slice3A_137, %slice3A_202, %slice3A_203, %slice3A_268, %slice3A_269, %slice3A_334, %slice3A_335, %slice3A_400, %slice3A_401, %slice3A_466, %slice3A_467, %slice3A_532, %slice3A_533, %slice3A_598, %slice3A_599, %slice3A_664, %slice3A_665, %slice3A_730, %slice3A_731 in 1 : vector<512x64xf32>, vector<512x64xf32>, vector<512x64xf32>, vector<512x64xf32>, vector<512x64xf32>, vector<512x64xf32>, vector<512x64xf32>, vector<512x64xf32>, vector<512x64xf32>, vector<512x64xf32>, vector<512x64xf32>, vector<512x64xf32>, vector<512x64xf32>, vector<512x64xf32>, vector<512x64xf32>, vector<512x64xf32>, vector<512x64xf32>, vector<512x64xf32>, vector<512x64xf32>, vector<512x64xf32>, vector<512x64xf32>, vector<512x64xf32>, vector<512x64xf32>, vector<512x64xf32> -> vector<512x1536xf32>
    %swap3A_796 = arith.constant 0 : index
    %swap3A_797 = arith.constant 0 : index
    %swap3A_798 = vector.load %arg6[%swap3A_796, %swap3A_797] : memref<512x1536xf32, #tpu.memory_space<vmem>>, vector<512x1536xf32>
    tpu.vector_store %arg6[%swap3A_796, %swap3A_797], %concatenate3A {strides = array<i32>} : memref<512x1536xf32, #tpu.memory_space<vmem>>, vector<512x1536xf32>,
    return
  }
  func.func @transform_0(%arg0: i32) -> (i32, i32) {
    %c0_i32 = arith.constant 0 : i32
    %c0_i32_0 = arith.constant 0 : i32
    return %arg0, %c0_i32 : i32, i32
  }
  func.func @transform_1(%arg0: i32) -> (i32, i32) {
    %c0_i32 = arith.constant 0 : i32
    %c0_i32_0 = arith.constant 0 : i32
    %c0_i32_1 = arith.constant 0 : i32
    return %c0_i32, %c0_i32_0 : i32, i32
  }
  func.func @transform_2(%arg0: i32) -> (i32, i32) {
    %c0_i32 = arith.constant 0 : i32
    %c0_i32_0 = arith.constant 0 : i32
    %c0_i32_1 = arith.constant 0 : i32
    return %c0_i32, %c0_i32_0 : i32, i32
  }
  func.func @transform_3(%arg0: i32) -> (i32, i32) {
    %c0_i32 = arith.constant 0 : i32
    %c0_i32_0 = arith.constant 0 : i32
    %c0_i32_1 = arith.constant 0 : i32
    return %c0_i32, %c0_i32_0 : i32, i32
  }
  func.func @transform_4(%arg0: i32) -> (i32, i32) {
    %c0_i32 = arith.constant 0 : i32
    %c0_i32_0 = arith.constant 0 : i32
    %c0_i32_1 = arith.constant 0 : i32
    return %c0_i32, %c0_i32_0 : i32, i32
  }
  func.func @transform_5(%arg0: i32) -> (i32, i32) {
    %c0_i32 = arith.constant 0 : i32
    %c0_i32_0 = arith.constant 0 : i32
    return %arg0, %c0_i32 : i32, i32
  }
  func.func @transform_6(%arg0: i32) -> (i32, i32) {
    %c0_i32 = arith.constant 0 : i32
    %c0_i32_0 = arith.constant 0 : i32
    return %c0_i32, %arg0 : i32, i32
  }
}

module attributes {stable_mosaic.version = 14 : i64} {
  func.func @_attn_body(%arg0: i32, %arg1: i32, %arg2: memref<1x2048x128xf32, #tpu.memory_space<vmem>>, %arg3: memref<1x32x64xi32, #tpu.memory_space<vmem>>, %arg4: memref<1x64x128xf32, #tpu.memory_space<vmem>>, %arg5: memref<1x1x64xi32, #tpu.memory_space<vmem>>, %arg6: memref<1x2048x128xf32, #tpu.memory_space<vmem>>) attributes {dimension_semantics = [#tpu.dimension_semantics<arbitrary>, #tpu.dimension_semantics<arbitrary>], iteration_bounds = array<i64: 6, 8>, scalar_prefetch = 0 : i64, scratch_operands = 0 : i64, tpu.core_type = #tpu.core_type<tc>, window_params = [{transform_indices = @transform_0, window_bounds = array<i64: 1, 2048, 128>}, {transform_indices = @transform_1, window_bounds = array<i64: 1, 32, 64>}, {transform_indices = @transform_2, window_bounds = array<i64: 1, 64, 128>}, {transform_indices = @transform_3, window_bounds = array<i64: 1, 1, 64>}, {transform_indices = @transform_4, window_bounds = array<i64: 1, 2048, 128>}]} {
    %get3A = arith.constant 0 : index
    %get3A_0 = arith.constant 0 : index
    %get3A_1 = arith.constant 0 : index
    %get3A_2 = vector.load %arg2[%get3A, %get3A_0, %get3A_1] : memref<1x2048x128xf32, #tpu.memory_space<vmem>>, vector<1x2048x128xf32>
    %get3A_3 = vector.shape_cast %get3A_2 : vector<1x2048x128xf32> to vector<2048x128xf32>
    %slice3A = vector.extract_strided_slice %get3A_3 {offsets = [0, 0], sizes = [2048, 64], strides = [1, 1]} : vector<2048x128xf32> to vector<2048x64xf32>
    %slice3A_4 = vector.extract_strided_slice %get3A_3 {offsets = [0, 64], sizes = [2048, 64], strides = [1, 1]} : vector<2048x128xf32> to vector<2048x64xf32>
    %mul3A = arith.mulf %slice3A, %slice3A : vector<2048x64xf32>
    %reduce_sum3A = arith.constant dense<0.000000e+00> : vector<2048xf32>
    %reduce_sum3A_5 = vector.multi_reduction <add>, %mul3A, %reduce_sum3A [1] : vector<2048x64xf32> to vector<2048xf32>
    %broadcast_in_dim3A = vector.shape_cast %reduce_sum3A_5 : vector<2048xf32> to vector<2048x1xf32>
    %div3A = arith.constant 6.400000e+01 : f32
    %div3A_6 = vector.broadcast %div3A : f32 to vector<2048x1xf32>
    %div3A_7 = arith.divf %broadcast_in_dim3A, %div3A_6 : vector<2048x1xf32>
    %add3A = arith.constant 9.99999997E-7 : f32
    %add3A_8 = vector.broadcast %add3A : f32 to vector<2048x1xf32>
    %add3A_9 = arith.addf %div3A_7, %add3A_8 : vector<2048x1xf32>
    %rsqrt3A = math.rsqrt %add3A_9 : vector<2048x1xf32>
    %mul3A_10 = vector.broadcast %rsqrt3A : vector<2048x1xf32> to vector<2048x64xf32>
    %mul3A_11 = arith.mulf %slice3A, %mul3A_10 : vector<2048x64xf32>
    %mul3A_12 = arith.constant 1.250000e-01 : f32
    %mul3A_13 = vector.broadcast %mul3A_12 : f32 to vector<2048x64xf32>
    %mul3A_14 = arith.mulf %mul3A_11, %mul3A_13 : vector<2048x64xf32>
    %get3A_15 = arith.constant 0 : index
    %get3A_16 = arith.constant 0 : index
    %get3A_17 = arith.constant 0 : index
    %get3A_18 = vector.load %arg4[%get3A_15, %get3A_16, %get3A_17] : memref<1x64x128xf32, #tpu.memory_space<vmem>>, vector<1x64x128xf32>
    %get3A_19 = vector.shape_cast %get3A_18 : vector<1x64x128xf32> to vector<64x128xf32>
    %slice3A_20 = vector.extract_strided_slice %get3A_19 {offsets = [0, 0], sizes = [64, 64], strides = [1, 1]} : vector<64x128xf32> to vector<64x64xf32>
    %mul3A_21 = arith.mulf %slice3A_20, %slice3A_20 : vector<64x64xf32>
    %reduce_sum3A_22 = arith.constant dense<0.000000e+00> : vector<64xf32>
    %reduce_sum3A_23 = vector.multi_reduction <add>, %mul3A_21, %reduce_sum3A_22 [1] : vector<64x64xf32> to vector<64xf32>
    %broadcast_in_dim3A_24 = vector.shape_cast %reduce_sum3A_23 : vector<64xf32> to vector<64x1xf32>
    %div3A_25 = arith.constant 6.400000e+01 : f32
    %div3A_26 = vector.broadcast %div3A_25 : f32 to vector<64x1xf32>
    %div3A_27 = arith.divf %broadcast_in_dim3A_24, %div3A_26 : vector<64x1xf32>
    %add3A_28 = arith.constant 9.99999997E-7 : f32
    %add3A_29 = vector.broadcast %add3A_28 : f32 to vector<64x1xf32>
    %add3A_30 = arith.addf %div3A_27, %add3A_29 : vector<64x1xf32>
    %rsqrt3A_31 = math.rsqrt %add3A_30 : vector<64x1xf32>
    %mul3A_32 = vector.broadcast %rsqrt3A_31 : vector<64x1xf32> to vector<64x64xf32>
    %mul3A_33 = arith.mulf %slice3A_20, %mul3A_32 : vector<64x64xf32>
    %mul3A_34 = arith.constant 1.250000e-01 : f32
    %mul3A_35 = vector.broadcast %mul3A_34 : f32 to vector<64x64xf32>
    %mul3A_36 = arith.mulf %mul3A_33, %mul3A_35 : vector<64x64xf32>
    %reshape3A = vector.shape_cast %slice3A : vector<2048x64xf32> to vector<32x64x64xf32>
    %reshape3A_37 = vector.shape_cast %mul3A_14 : vector<2048x64xf32> to vector<32x64x64xf32>
    %reshape3A_38 = vector.shape_cast %slice3A_4 : vector<2048x64xf32> to vector<32x64x64xf32>
    %broadcast_in_dim3A_39 = vector.shape_cast %mul3A_36 : vector<64x64xf32> to vector<1x64x64xf32>
    %slice3A_40 = vector.extract_strided_slice %reshape3A_37 {offsets = [0, 0, 0], sizes = [31, 64, 64], strides = [1, 1, 1]} : vector<32x64x64xf32> to vector<31x64x64xf32>
    %concatenate3A = tpu.concatenate %broadcast_in_dim3A_39, %slice3A_40 in 0 : vector<1x64x64xf32>, vector<31x64x64xf32> -> vector<32x64x64xf32>
    %slice3A_41 = vector.extract_strided_slice %get3A_19 {offsets = [0, 64], sizes = [64, 64], strides = [1, 1]} : vector<64x128xf32> to vector<64x64xf32>
    %broadcast_in_dim3A_42 = vector.shape_cast %slice3A_41 : vector<64x64xf32> to vector<1x64x64xf32>
    %slice3A_43 = vector.extract_strided_slice %reshape3A_38 {offsets = [0, 0, 0], sizes = [31, 64, 64], strides = [1, 1, 1]} : vector<32x64x64xf32> to vector<31x64x64xf32>
    %concatenate3A_44 = tpu.concatenate %broadcast_in_dim3A_42, %slice3A_43 in 0 : vector<1x64x64xf32>, vector<31x64x64xf32> -> vector<32x64x64xf32>
    %get3A_45 = arith.constant 0 : index
    %get3A_46 = arith.constant 0 : index
    %get3A_47 = arith.constant 0 : index
    %get3A_48 = vector.load %arg3[%get3A_45, %get3A_46, %get3A_47] : memref<1x32x64xi32, #tpu.memory_space<vmem>>, vector<1x32x64xi32>
    %get3A_49 = vector.shape_cast %get3A_48 : vector<1x32x64xi32> to vector<32x64xi32>
    %get3A_50 = arith.constant 0 : index
    %get3A_51 = arith.constant 0 : index
    %get3A_52 = arith.constant 0 : index
    %get3A_53 = vector.load %arg5[%get3A_50, %get3A_51, %get3A_52] : memref<1x1x64xi32, #tpu.memory_space<vmem>>, vector<1x1x64xi32>
    %get3A_54 = vector.shape_cast %get3A_53 : vector<1x1x64xi32> to vector<1x64xi32>
    %slice3A_55 = vector.extract_strided_slice %get3A_49 {offsets = [0, 0], sizes = [31, 64], strides = [1, 1]} : vector<32x64xi32> to vector<31x64xi32>
    %concatenate3A_56 = tpu.concatenate %get3A_54, %slice3A_55 in 0 : vector<1x64xi32>, vector<31x64xi32> -> vector<32x64xi32>
    %dot_general3A = arith.constant dense<0.000000e+00> : vector<32x64x64xf32>
    %dot_general3A_57 = tpu.matmul %reshape3A, %concatenate3A, %dot_general3A {dimension_numbers = #tpu.dot_dimension_numbers<[2], [2], [1], [1], [0, 0, 0, 1, 1, 1], [0], [0]>, transpose_lhs_hint = false} : vector<32x64x64xf32>, vector<32x64x64xf32>, vector<32x64x64xf32> -> vector<32x64x64xf32>
    %broadcast_in_dim3A_58 = vector.shape_cast %get3A_49 : vector<32x64xi32> to vector<32x64x1xi32>
    %broadcast_in_dim3A_59 = vector.shape_cast %concatenate3A_56 : vector<32x64xi32> to vector<32x1x64xi32>
    %ge3A = vector.broadcast %broadcast_in_dim3A_58 : vector<32x64x1xi32> to vector<32x64x64xi32>
    %ge3A_60 = vector.broadcast %broadcast_in_dim3A_59 : vector<32x1x64xi32> to vector<32x64x64xi32>
    %ge3A_61 = arith.cmpi sge, %ge3A, %ge3A_60 : vector<32x64x64xi32>
    %jit3A = arith.constant -1.000000e+09 : f32
    %broadcast_in_dim3A_62 = vector.broadcast %jit3A : f32 to vector<32x64x64xf32>
    %select_n3A = arith.select %ge3A_61, %dot_general3A_57, %broadcast_in_dim3A_62 : vector<32x64x64xi1>, vector<32x64x64xf32>
    %ne3A = vector.broadcast %broadcast_in_dim3A_58 : vector<32x64x1xi32> to vector<32x64x64xi32>
    %ne3A_63 = vector.broadcast %broadcast_in_dim3A_59 : vector<32x1x64xi32> to vector<32x64x64xi32>
    %ne3A_64 = arith.cmpi ne, %ne3A, %ne3A_63 : vector<32x64x64xi32>
    %jit3A_65 = arith.constant -1.000000e+05 : f32
    %broadcast_in_dim3A_66 = vector.broadcast %jit3A_65 : f32 to vector<32x64x64xf32>
    %select_n3A_67 = arith.select %ne3A_64, %select_n3A, %broadcast_in_dim3A_66 : vector<32x64x64xi1>, vector<32x64x64xf32>
    %dot_general3A_68 = arith.constant dense<0.000000e+00> : vector<32x64x64xf32>
    %dot_general3A_69 = tpu.matmul %reshape3A, %reshape3A_37, %dot_general3A_68 {dimension_numbers = #tpu.dot_dimension_numbers<[2], [2], [1], [1], [0, 0, 0, 1, 1, 1], [0], [0]>, transpose_lhs_hint = false} : vector<32x64x64xf32>, vector<32x64x64xf32>, vector<32x64x64xf32> -> vector<32x64x64xf32>
    %broadcast_in_dim3A_70 = vector.shape_cast %get3A_49 : vector<32x64xi32> to vector<32x64x1xi32>
    %broadcast_in_dim3A_71 = vector.shape_cast %get3A_49 : vector<32x64xi32> to vector<32x1x64xi32>
    %ge3A_72 = vector.broadcast %broadcast_in_dim3A_70 : vector<32x64x1xi32> to vector<32x64x64xi32>
    %ge3A_73 = vector.broadcast %broadcast_in_dim3A_71 : vector<32x1x64xi32> to vector<32x64x64xi32>
    %ge3A_74 = arith.cmpi sge, %ge3A_72, %ge3A_73 : vector<32x64x64xi32>
    %jit3A_75 = arith.constant -1.000000e+09 : f32
    %broadcast_in_dim3A_76 = vector.broadcast %jit3A_75 : f32 to vector<32x64x64xf32>
    %select_n3A_77 = arith.select %ge3A_74, %dot_general3A_69, %broadcast_in_dim3A_76 : vector<32x64x64xi1>, vector<32x64x64xf32>
    %ne3A_78 = vector.broadcast %broadcast_in_dim3A_70 : vector<32x64x1xi32> to vector<32x64x64xi32>
    %ne3A_79 = vector.broadcast %broadcast_in_dim3A_71 : vector<32x1x64xi32> to vector<32x64x64xi32>
    %ne3A_80 = arith.cmpi ne, %ne3A_78, %ne3A_79 : vector<32x64x64xi32>
    %jit3A_81 = arith.constant -1.000000e+05 : f32
    %broadcast_in_dim3A_82 = vector.broadcast %jit3A_81 : f32 to vector<32x64x64xf32>
    %select_n3A_83 = arith.select %ne3A_80, %select_n3A_77, %broadcast_in_dim3A_82 : vector<32x64x64xi1>, vector<32x64x64xf32>
    %reduce_max3A = arith.constant dense<0xFF800000> : vector<32x64xf32>
    %reduce_max3A_84 = vector.multi_reduction <maximumf>, %select_n3A_67, %reduce_max3A [2] : vector<32x64x64xf32> to vector<32x64xf32>
    %reduce_max3A_85 = arith.constant dense<0xFF800000> : vector<32x64xf32>
    %reduce_max3A_86 = vector.multi_reduction <maximumf>, %select_n3A_83, %reduce_max3A_85 [2] : vector<32x64x64xf32> to vector<32x64xf32>
    %max3A = arith.maximumf %reduce_max3A_84, %reduce_max3A_86 : vector<32x64xf32>
    %broadcast_in_dim3A_87 = vector.shape_cast %max3A : vector<32x64xf32> to vector<32x64x1xf32>
    %sub3A = vector.broadcast %broadcast_in_dim3A_87 : vector<32x64x1xf32> to vector<32x64x64xf32>
    %sub3A_88 = arith.subf %select_n3A_67, %sub3A : vector<32x64x64xf32>
    %exp3A = math.exp %sub3A_88 : vector<32x64x64xf32>
    %broadcast_in_dim3A_89 = vector.shape_cast %max3A : vector<32x64xf32> to vector<32x64x1xf32>
    %sub3A_90 = vector.broadcast %broadcast_in_dim3A_89 : vector<32x64x1xf32> to vector<32x64x64xf32>
    %sub3A_91 = arith.subf %select_n3A_83, %sub3A_90 : vector<32x64x64xf32>
    %exp3A_92 = math.exp %sub3A_91 : vector<32x64x64xf32>
    %reduce_sum3A_93 = arith.constant dense<0.000000e+00> : vector<32x64xf32>
    %reduce_sum3A_94 = vector.multi_reduction <add>, %exp3A, %reduce_sum3A_93 [2] : vector<32x64x64xf32> to vector<32x64xf32>
    %reduce_sum3A_95 = arith.constant dense<0.000000e+00> : vector<32x64xf32>
    %reduce_sum3A_96 = vector.multi_reduction <add>, %exp3A_92, %reduce_sum3A_95 [2] : vector<32x64x64xf32> to vector<32x64xf32>
    %add3A_97 = arith.addf %reduce_sum3A_94, %reduce_sum3A_96 : vector<32x64xf32>
    %log3A = math.log %add3A_97 : vector<32x64xf32>
    %add3A_98 = arith.addf %max3A, %log3A : vector<32x64xf32>
    %dot_general3A_99 = arith.constant dense<0.000000e+00> : vector<32x64x64xf32>
    %dot_general3A_100 = tpu.matmul %exp3A, %concatenate3A_44, %dot_general3A_99 {dimension_numbers = #tpu.dot_dimension_numbers<[2], [1], [1], [2], [0, 0, 0, 1, 1, 2], [0], [0]>, transpose_lhs_hint = false} : vector<32x64x64xf32>, vector<32x64x64xf32>, vector<32x64x64xf32> -> vector<32x64x64xf32>
    %dot_general3A_101 = arith.constant dense<0.000000e+00> : vector<32x64x64xf32>
    %dot_general3A_102 = tpu.matmul %exp3A_92, %reshape3A_38, %dot_general3A_101 {dimension_numbers = #tpu.dot_dimension_numbers<[2], [1], [1], [2], [0, 0, 0, 1, 1, 2], [0], [0]>, transpose_lhs_hint = false} : vector<32x64x64xf32>, vector<32x64x64xf32>, vector<32x64x64xf32> -> vector<32x64x64xf32>
    %add3A_103 = arith.addf %dot_general3A_100, %dot_general3A_102 : vector<32x64x64xf32>
    %broadcast_in_dim3A_104 = vector.shape_cast %add3A_97 : vector<32x64xf32> to vector<32x64x1xf32>
    %div3A_105 = vector.broadcast %broadcast_in_dim3A_104 : vector<32x64x1xf32> to vector<32x64x64xf32>
    %div3A_106 = arith.divf %add3A_103, %div3A_105 : vector<32x64x64xf32>
    %broadcast_in_dim3A_107 = vector.shape_cast %add3A_98 : vector<32x64xf32> to vector<32x64x1xf32>
    %broadcast_in_dim3A_108 = vector.shape_cast %broadcast_in_dim3A_107 : vector<32x64x1xf32> to vector<32x64x1xf32>
    %broadcast_in_dim3A_109 = vector.broadcast %broadcast_in_dim3A_108 : vector<32x64x1xf32> to vector<32x64x64xf32>
    %concatenate3A_110 = tpu.concatenate %div3A_106, %broadcast_in_dim3A_109 in 2 : vector<32x64x64xf32>, vector<32x64x64xf32> -> vector<32x64x128xf32>
    %reshape3A_111 = vector.shape_cast %concatenate3A_110 : vector<32x64x128xf32> to vector<2048x128xf32>
    %swap3A = arith.constant 0 : index
    %swap3A_112 = arith.constant 0 : index
    %swap3A_113 = arith.constant 0 : index
    %swap3A_114 = vector.load %arg6[%swap3A, %swap3A_112, %swap3A_113] : memref<1x2048x128xf32, #tpu.memory_space<vmem>>, vector<1x2048x128xf32>
    %swap3A_115 = vector.shape_cast %swap3A_114 : vector<1x2048x128xf32> to vector<2048x128xf32>
    %swap3A_116 = vector.shape_cast %reshape3A_111 : vector<2048x128xf32> to vector<1x2048x128xf32>
    tpu.vector_store %arg6[%swap3A, %swap3A_112, %swap3A_113], %swap3A_116 {strides = array<i32>} : memref<1x2048x128xf32, #tpu.memory_space<vmem>>, vector<1x2048x128xf32>,
    return
  }
  func.func @transform_0(%arg0: i32, %arg1: i32) -> (i32, i32, i32) {
    %add3A = arith.constant 6 : i32
    %add3A_0 = arith.addi %add3A, %arg0 : i32
    %c0_i32 = arith.constant 0 : i32
    %c0_i32_1 = arith.constant 0 : i32
    return %add3A_0, %arg1, %c0_i32 : i32, i32, i32
  }
  func.func @transform_1(%arg0: i32, %arg1: i32) -> (i32, i32, i32) {
    %add3A = arith.constant 6 : i32
    %add3A_0 = arith.addi %add3A, %arg0 : i32
    %c0_i32 = arith.constant 0 : i32
    %c0_i32_1 = arith.constant 0 : i32
    return %add3A_0, %arg1, %c0_i32 : i32, i32, i32
  }
  func.func @transform_2(%arg0: i32, %arg1: i32) -> (i32, i32, i32) {
    %add3A = arith.constant 6 : i32
    %add3A_0 = arith.addi %add3A, %arg0 : i32
    %mul3A = arith.constant 32 : i32
    %mul3A_1 = arith.muli %arg1, %mul3A : i32
    %sub3A = arith.constant 1 : i32
    %sub3A_2 = arith.subi %mul3A_1, %sub3A : i32
    %jit3A = arith.constant 256 : i32
    %eq3A = arith.constant 0 : i32
    %eq3A_3 = arith.cmpi eq, %jit3A, %eq3A : i32
    %jit3A_4 = arith.constant 1 : i32
    %select_n3A = arith.select %eq3A_3, %jit3A_4, %jit3A : i32
    %rem3A = arith.remsi %sub3A_2, %select_n3A : i32
    %ne3A = arith.constant 0 : i32
    %ne3A_5 = arith.cmpi ne, %rem3A, %ne3A : i32
    %lt3A = arith.constant 0 : i32
    %lt3A_6 = arith.cmpi slt, %rem3A, %lt3A : i32
    %lt3A_7 = arith.constant 0 : i32
    %lt3A_8 = arith.cmpi slt, %select_n3A, %lt3A_7 : i32
    %ne3A_9 = arith.xori %lt3A_6, %lt3A_8 : i1
    %and3A = arith.andi %ne3A_9, %ne3A_5 : i1
    %add3A_10 = arith.addi %rem3A, %select_n3A : i32
    %select_n3A_11 = arith.select %and3A, %add3A_10, %rem3A : i32
    %c0_i32 = arith.constant 0 : i32
    %c0_i32_12 = arith.constant 0 : i32
    return %add3A_0, %select_n3A_11, %c0_i32 : i32, i32, i32
  }
  func.func @transform_3(%arg0: i32, %arg1: i32) -> (i32, i32, i32) {
    %add3A = arith.constant 6 : i32
    %add3A_0 = arith.addi %add3A, %arg0 : i32
    %mul3A = arith.constant 256 : i32
    %mul3A_1 = arith.muli %add3A_0, %mul3A : i32
    %mul3A_2 = arith.constant 32 : i32
    %mul3A_3 = arith.muli %arg1, %mul3A_2 : i32
    %sub3A = arith.constant 1 : i32
    %sub3A_4 = arith.subi %mul3A_3, %sub3A : i32
    %jit3A = arith.constant 256 : i32
    %eq3A = arith.constant 0 : i32
    %eq3A_5 = arith.cmpi eq, %jit3A, %eq3A : i32
    %jit3A_6 = arith.constant 1 : i32
    %select_n3A = arith.select %eq3A_5, %jit3A_6, %jit3A : i32
    %rem3A = arith.remsi %sub3A_4, %select_n3A : i32
    %ne3A = arith.constant 0 : i32
    %ne3A_7 = arith.cmpi ne, %rem3A, %ne3A : i32
    %lt3A = arith.constant 0 : i32
    %lt3A_8 = arith.cmpi slt, %rem3A, %lt3A : i32
    %lt3A_9 = arith.constant 0 : i32
    %lt3A_10 = arith.cmpi slt, %select_n3A, %lt3A_9 : i32
    %ne3A_11 = arith.xori %lt3A_8, %lt3A_10 : i1
    %and3A = arith.andi %ne3A_11, %ne3A_7 : i1
    %add3A_12 = arith.addi %rem3A, %select_n3A : i32
    %select_n3A_13 = arith.select %and3A, %add3A_12, %rem3A : i32
    %add3A_14 = arith.addi %mul3A_1, %select_n3A_13 : i32
    %c0_i32 = arith.constant 0 : i32
    %c0_i32_15 = arith.constant 0 : i32
    %c0_i32_16 = arith.constant 0 : i32
    return %add3A_14, %c0_i32, %c0_i32_15 : i32, i32, i32
  }
  func.func @transform_4(%arg0: i32, %arg1: i32) -> (i32, i32, i32) {
    %c0_i32 = arith.constant 0 : i32
    %c0_i32_0 = arith.constant 0 : i32
    return %arg0, %arg1, %c0_i32 : i32, i32, i32
  }
}

module attributes {stable_mosaic.version = 14 : i64} {
  func.func @_attn_body(%arg0: i32, %arg1: i32, %arg2: memref<1x2048x128xf32, #tpu.memory_space<vmem>>, %arg3: memref<1x32x64xi32, #tpu.memory_space<vmem>>, %arg4: memref<1x64x128xf32, #tpu.memory_space<vmem>>, %arg5: memref<1x1x64xi32, #tpu.memory_space<vmem>>, %arg6: memref<1x2048x128xf32, #tpu.memory_space<vmem>>) attributes {dimension_semantics = [#tpu.dimension_semantics<arbitrary>, #tpu.dimension_semantics<arbitrary>], iteration_bounds = array<i64: 6, 8>, scalar_prefetch = 0 : i64, scratch_operands = 0 : i64, tpu.core_type = #tpu.core_type<tc>, window_params = [{transform_indices = @transform_0, window_bounds = array<i64: 1, 2048, 128>}, {transform_indices = @transform_1, window_bounds = array<i64: 1, 32, 64>}, {transform_indices = @transform_2, window_bounds = array<i64: 1, 64, 128>}, {transform_indices = @transform_3, window_bounds = array<i64: 1, 1, 64>}, {transform_indices = @transform_4, window_bounds = array<i64: 1, 2048, 128>}]} {
    %get3A = arith.constant 0 : index
    %get3A_0 = arith.constant 0 : index
    %get3A_1 = arith.constant 0 : index
    %get3A_2 = vector.load %arg2[%get3A, %get3A_0, %get3A_1] : memref<1x2048x128xf32, #tpu.memory_space<vmem>>, vector<1x2048x128xf32>
    %get3A_3 = vector.shape_cast %get3A_2 : vector<1x2048x128xf32> to vector<2048x128xf32>
    %slice3A = vector.extract_strided_slice %get3A_3 {offsets = [0, 0], sizes = [2048, 64], strides = [1, 1]} : vector<2048x128xf32> to vector<2048x64xf32>
    %slice3A_4 = vector.extract_strided_slice %get3A_3 {offsets = [0, 64], sizes = [2048, 64], strides = [1, 1]} : vector<2048x128xf32> to vector<2048x64xf32>
    %mul3A = arith.mulf %slice3A, %slice3A : vector<2048x64xf32>
    %reduce_sum3A = arith.constant dense<0.000000e+00> : vector<2048xf32>
    %reduce_sum3A_5 = vector.multi_reduction <add>, %mul3A, %reduce_sum3A [1] : vector<2048x64xf32> to vector<2048xf32>
    %broadcast_in_dim3A = vector.shape_cast %reduce_sum3A_5 : vector<2048xf32> to vector<2048x1xf32>
    %div3A = arith.constant 6.400000e+01 : f32
    %div3A_6 = vector.broadcast %div3A : f32 to vector<2048x1xf32>
    %div3A_7 = arith.divf %broadcast_in_dim3A, %div3A_6 : vector<2048x1xf32>
    %add3A = arith.constant 9.99999997E-7 : f32
    %add3A_8 = vector.broadcast %add3A : f32 to vector<2048x1xf32>
    %add3A_9 = arith.addf %div3A_7, %add3A_8 : vector<2048x1xf32>
    %rsqrt3A = math.rsqrt %add3A_9 : vector<2048x1xf32>
    %mul3A_10 = vector.broadcast %rsqrt3A : vector<2048x1xf32> to vector<2048x64xf32>
    %mul3A_11 = arith.mulf %slice3A, %mul3A_10 : vector<2048x64xf32>
    %mul3A_12 = arith.constant 1.250000e-01 : f32
    %mul3A_13 = vector.broadcast %mul3A_12 : f32 to vector<2048x64xf32>
    %mul3A_14 = arith.mulf %mul3A_11, %mul3A_13 : vector<2048x64xf32>
    %get3A_15 = arith.constant 0 : index
    %get3A_16 = arith.constant 0 : index
    %get3A_17 = arith.constant 0 : index
    %get3A_18 = vector.load %arg4[%get3A_15, %get3A_16, %get3A_17] : memref<1x64x128xf32, #tpu.memory_space<vmem>>, vector<1x64x128xf32>
    %get3A_19 = vector.shape_cast %get3A_18 : vector<1x64x128xf32> to vector<64x128xf32>
    %slice3A_20 = vector.extract_strided_slice %get3A_19 {offsets = [0, 0], sizes = [64, 64], strides = [1, 1]} : vector<64x128xf32> to vector<64x64xf32>
    %mul3A_21 = arith.mulf %slice3A_20, %slice3A_20 : vector<64x64xf32>
    %reduce_sum3A_22 = arith.constant dense<0.000000e+00> : vector<64xf32>
    %reduce_sum3A_23 = vector.multi_reduction <add>, %mul3A_21, %reduce_sum3A_22 [1] : vector<64x64xf32> to vector<64xf32>
    %broadcast_in_dim3A_24 = vector.shape_cast %reduce_sum3A_23 : vector<64xf32> to vector<64x1xf32>
    %div3A_25 = arith.constant 6.400000e+01 : f32
    %div3A_26 = vector.broadcast %div3A_25 : f32 to vector<64x1xf32>
    %div3A_27 = arith.divf %broadcast_in_dim3A_24, %div3A_26 : vector<64x1xf32>
    %add3A_28 = arith.constant 9.99999997E-7 : f32
    %add3A_29 = vector.broadcast %add3A_28 : f32 to vector<64x1xf32>
    %add3A_30 = arith.addf %div3A_27, %add3A_29 : vector<64x1xf32>
    %rsqrt3A_31 = math.rsqrt %add3A_30 : vector<64x1xf32>
    %mul3A_32 = vector.broadcast %rsqrt3A_31 : vector<64x1xf32> to vector<64x64xf32>
    %mul3A_33 = arith.mulf %slice3A_20, %mul3A_32 : vector<64x64xf32>
    %mul3A_34 = arith.constant 1.250000e-01 : f32
    %mul3A_35 = vector.broadcast %mul3A_34 : f32 to vector<64x64xf32>
    %mul3A_36 = arith.mulf %mul3A_33, %mul3A_35 : vector<64x64xf32>
    %reshape3A = vector.shape_cast %slice3A : vector<2048x64xf32> to vector<32x64x64xf32>
    %reshape3A_37 = vector.shape_cast %mul3A_14 : vector<2048x64xf32> to vector<32x64x64xf32>
    %reshape3A_38 = vector.shape_cast %slice3A_4 : vector<2048x64xf32> to vector<32x64x64xf32>
    %broadcast_in_dim3A_39 = vector.shape_cast %mul3A_36 : vector<64x64xf32> to vector<1x64x64xf32>
    %slice3A_40 = vector.extract_strided_slice %reshape3A_37 {offsets = [0, 0, 0], sizes = [31, 64, 64], strides = [1, 1, 1]} : vector<32x64x64xf32> to vector<31x64x64xf32>
    %concatenate3A = tpu.concatenate %broadcast_in_dim3A_39, %slice3A_40 in 0 : vector<1x64x64xf32>, vector<31x64x64xf32> -> vector<32x64x64xf32>
    %slice3A_41 = vector.extract_strided_slice %get3A_19 {offsets = [0, 64], sizes = [64, 64], strides = [1, 1]} : vector<64x128xf32> to vector<64x64xf32>
    %broadcast_in_dim3A_42 = vector.shape_cast %slice3A_41 : vector<64x64xf32> to vector<1x64x64xf32>
    %slice3A_43 = vector.extract_strided_slice %reshape3A_38 {offsets = [0, 0, 0], sizes = [31, 64, 64], strides = [1, 1, 1]} : vector<32x64x64xf32> to vector<31x64x64xf32>
    %concatenate3A_44 = tpu.concatenate %broadcast_in_dim3A_42, %slice3A_43 in 0 : vector<1x64x64xf32>, vector<31x64x64xf32> -> vector<32x64x64xf32>
    %get3A_45 = arith.constant 0 : index
    %get3A_46 = arith.constant 0 : index
    %get3A_47 = arith.constant 0 : index
    %get3A_48 = vector.load %arg3[%get3A_45, %get3A_46, %get3A_47] : memref<1x32x64xi32, #tpu.memory_space<vmem>>, vector<1x32x64xi32>
    %get3A_49 = vector.shape_cast %get3A_48 : vector<1x32x64xi32> to vector<32x64xi32>
    %get3A_50 = arith.constant 0 : index
    %get3A_51 = arith.constant 0 : index
    %get3A_52 = arith.constant 0 : index
    %get3A_53 = vector.load %arg5[%get3A_50, %get3A_51, %get3A_52] : memref<1x1x64xi32, #tpu.memory_space<vmem>>, vector<1x1x64xi32>
    %get3A_54 = vector.shape_cast %get3A_53 : vector<1x1x64xi32> to vector<1x64xi32>
    %slice3A_55 = vector.extract_strided_slice %get3A_49 {offsets = [0, 0], sizes = [31, 64], strides = [1, 1]} : vector<32x64xi32> to vector<31x64xi32>
    %concatenate3A_56 = tpu.concatenate %get3A_54, %slice3A_55 in 0 : vector<1x64xi32>, vector<31x64xi32> -> vector<32x64xi32>
    %dot_general3A = arith.constant dense<0.000000e+00> : vector<32x64x64xf32>
    %dot_general3A_57 = tpu.matmul %reshape3A, %concatenate3A, %dot_general3A {dimension_numbers = #tpu.dot_dimension_numbers<[2], [2], [1], [1], [0, 0, 0, 1, 1, 1], [0], [0]>, transpose_lhs_hint = false} : vector<32x64x64xf32>, vector<32x64x64xf32>, vector<32x64x64xf32> -> vector<32x64x64xf32>
    %broadcast_in_dim3A_58 = vector.shape_cast %get3A_49 : vector<32x64xi32> to vector<32x64x1xi32>
    %broadcast_in_dim3A_59 = vector.shape_cast %concatenate3A_56 : vector<32x64xi32> to vector<32x1x64xi32>
    %ge3A = vector.broadcast %broadcast_in_dim3A_58 : vector<32x64x1xi32> to vector<32x64x64xi32>
    %ge3A_60 = vector.broadcast %broadcast_in_dim3A_59 : vector<32x1x64xi32> to vector<32x64x64xi32>
    %ge3A_61 = arith.cmpi sge, %ge3A, %ge3A_60 : vector<32x64x64xi32>
    %jit3A = arith.constant -1.000000e+09 : f32
    %broadcast_in_dim3A_62 = vector.broadcast %jit3A : f32 to vector<32x64x64xf32>
    %select_n3A = arith.select %ge3A_61, %dot_general3A_57, %broadcast_in_dim3A_62 : vector<32x64x64xi1>, vector<32x64x64xf32>
    %ne3A = vector.broadcast %broadcast_in_dim3A_58 : vector<32x64x1xi32> to vector<32x64x64xi32>
    %ne3A_63 = vector.broadcast %broadcast_in_dim3A_59 : vector<32x1x64xi32> to vector<32x64x64xi32>
    %ne3A_64 = arith.cmpi ne, %ne3A, %ne3A_63 : vector<32x64x64xi32>
    %jit3A_65 = arith.constant -1.000000e+05 : f32
    %broadcast_in_dim3A_66 = vector.broadcast %jit3A_65 : f32 to vector<32x64x64xf32>
    %select_n3A_67 = arith.select %ne3A_64, %select_n3A, %broadcast_in_dim3A_66 : vector<32x64x64xi1>, vector<32x64x64xf32>
    %dot_general3A_68 = arith.constant dense<0.000000e+00> : vector<32x64x64xf32>
    %dot_general3A_69 = tpu.matmul %reshape3A, %reshape3A_37, %dot_general3A_68 {dimension_numbers = #tpu.dot_dimension_numbers<[2], [2], [1], [1], [0, 0, 0, 1, 1, 1], [0], [0]>, transpose_lhs_hint = false} : vector<32x64x64xf32>, vector<32x64x64xf32>, vector<32x64x64xf32> -> vector<32x64x64xf32>
    %broadcast_in_dim3A_70 = vector.shape_cast %get3A_49 : vector<32x64xi32> to vector<32x64x1xi32>
    %broadcast_in_dim3A_71 = vector.shape_cast %get3A_49 : vector<32x64xi32> to vector<32x1x64xi32>
    %ge3A_72 = vector.broadcast %broadcast_in_dim3A_70 : vector<32x64x1xi32> to vector<32x64x64xi32>
    %ge3A_73 = vector.broadcast %broadcast_in_dim3A_71 : vector<32x1x64xi32> to vector<32x64x64xi32>
    %ge3A_74 = arith.cmpi sge, %ge3A_72, %ge3A_73 : vector<32x64x64xi32>
    %jit3A_75 = arith.constant -1.000000e+09 : f32
    %broadcast_in_dim3A_76 = vector.broadcast %jit3A_75 : f32 to vector<32x64x64xf32>
    %select_n3A_77 = arith.select %ge3A_74, %dot_general3A_69, %broadcast_in_dim3A_76 : vector<32x64x64xi1>, vector<32x64x64xf32>
    %ne3A_78 = vector.broadcast %broadcast_in_dim3A_70 : vector<32x64x1xi32> to vector<32x64x64xi32>
    %ne3A_79 = vector.broadcast %broadcast_in_dim3A_71 : vector<32x1x64xi32> to vector<32x64x64xi32>
    %ne3A_80 = arith.cmpi ne, %ne3A_78, %ne3A_79 : vector<32x64x64xi32>
    %jit3A_81 = arith.constant -1.000000e+05 : f32
    %broadcast_in_dim3A_82 = vector.broadcast %jit3A_81 : f32 to vector<32x64x64xf32>
    %select_n3A_83 = arith.select %ne3A_80, %select_n3A_77, %broadcast_in_dim3A_82 : vector<32x64x64xi1>, vector<32x64x64xf32>
    %reduce_max3A = arith.constant dense<0xFF800000> : vector<32x64xf32>
    %reduce_max3A_84 = vector.multi_reduction <maximumf>, %select_n3A_67, %reduce_max3A [2] : vector<32x64x64xf32> to vector<32x64xf32>
    %reduce_max3A_85 = arith.constant dense<0xFF800000> : vector<32x64xf32>
    %reduce_max3A_86 = vector.multi_reduction <maximumf>, %select_n3A_83, %reduce_max3A_85 [2] : vector<32x64x64xf32> to vector<32x64xf32>
    %max3A = arith.maximumf %reduce_max3A_84, %reduce_max3A_86 : vector<32x64xf32>
    %broadcast_in_dim3A_87 = vector.shape_cast %max3A : vector<32x64xf32> to vector<32x64x1xf32>
    %sub3A = vector.broadcast %broadcast_in_dim3A_87 : vector<32x64x1xf32> to vector<32x64x64xf32>
    %sub3A_88 = arith.subf %select_n3A_67, %sub3A : vector<32x64x64xf32>
    %exp3A = math.exp %sub3A_88 : vector<32x64x64xf32>
    %broadcast_in_dim3A_89 = vector.shape_cast %max3A : vector<32x64xf32> to vector<32x64x1xf32>
    %sub3A_90 = vector.broadcast %broadcast_in_dim3A_89 : vector<32x64x1xf32> to vector<32x64x64xf32>
    %sub3A_91 = arith.subf %select_n3A_83, %sub3A_90 : vector<32x64x64xf32>
    %exp3A_92 = math.exp %sub3A_91 : vector<32x64x64xf32>
    %reduce_sum3A_93 = arith.constant dense<0.000000e+00> : vector<32x64xf32>
    %reduce_sum3A_94 = vector.multi_reduction <add>, %exp3A, %reduce_sum3A_93 [2] : vector<32x64x64xf32> to vector<32x64xf32>
    %reduce_sum3A_95 = arith.constant dense<0.000000e+00> : vector<32x64xf32>
    %reduce_sum3A_96 = vector.multi_reduction <add>, %exp3A_92, %reduce_sum3A_95 [2] : vector<32x64x64xf32> to vector<32x64xf32>
    %add3A_97 = arith.addf %reduce_sum3A_94, %reduce_sum3A_96 : vector<32x64xf32>
    %log3A = math.log %add3A_97 : vector<32x64xf32>
    %add3A_98 = arith.addf %max3A, %log3A : vector<32x64xf32>
    %dot_general3A_99 = arith.constant dense<0.000000e+00> : vector<32x64x64xf32>
    %dot_general3A_100 = tpu.matmul %exp3A, %concatenate3A_44, %dot_general3A_99 {dimension_numbers = #tpu.dot_dimension_numbers<[2], [1], [1], [2], [0, 0, 0, 1, 1, 2], [0], [0]>, transpose_lhs_hint = false} : vector<32x64x64xf32>, vector<32x64x64xf32>, vector<32x64x64xf32> -> vector<32x64x64xf32>
    %dot_general3A_101 = arith.constant dense<0.000000e+00> : vector<32x64x64xf32>
    %dot_general3A_102 = tpu.matmul %exp3A_92, %reshape3A_38, %dot_general3A_101 {dimension_numbers = #tpu.dot_dimension_numbers<[2], [1], [1], [2], [0, 0, 0, 1, 1, 2], [0], [0]>, transpose_lhs_hint = false} : vector<32x64x64xf32>, vector<32x64x64xf32>, vector<32x64x64xf32> -> vector<32x64x64xf32>
    %add3A_103 = arith.addf %dot_general3A_100, %dot_general3A_102 : vector<32x64x64xf32>
    %broadcast_in_dim3A_104 = vector.shape_cast %add3A_97 : vector<32x64xf32> to vector<32x64x1xf32>
    %div3A_105 = vector.broadcast %broadcast_in_dim3A_104 : vector<32x64x1xf32> to vector<32x64x64xf32>
    %div3A_106 = arith.divf %add3A_103, %div3A_105 : vector<32x64x64xf32>
    %broadcast_in_dim3A_107 = vector.shape_cast %add3A_98 : vector<32x64xf32> to vector<32x64x1xf32>
    %broadcast_in_dim3A_108 = vector.shape_cast %broadcast_in_dim3A_107 : vector<32x64x1xf32> to vector<32x64x1xf32>
    %broadcast_in_dim3A_109 = vector.broadcast %broadcast_in_dim3A_108 : vector<32x64x1xf32> to vector<32x64x64xf32>
    %concatenate3A_110 = tpu.concatenate %div3A_106, %broadcast_in_dim3A_109 in 2 : vector<32x64x64xf32>, vector<32x64x64xf32> -> vector<32x64x128xf32>
    %reshape3A_111 = vector.shape_cast %concatenate3A_110 : vector<32x64x128xf32> to vector<2048x128xf32>
    %swap3A = arith.constant 0 : index
    %swap3A_112 = arith.constant 0 : index
    %swap3A_113 = arith.constant 0 : index
    %swap3A_114 = vector.load %arg6[%swap3A, %swap3A_112, %swap3A_113] : memref<1x2048x128xf32, #tpu.memory_space<vmem>>, vector<1x2048x128xf32>
    %swap3A_115 = vector.shape_cast %swap3A_114 : vector<1x2048x128xf32> to vector<2048x128xf32>
    %swap3A_116 = vector.shape_cast %reshape3A_111 : vector<2048x128xf32> to vector<1x2048x128xf32>
    tpu.vector_store %arg6[%swap3A, %swap3A_112, %swap3A_113], %swap3A_116 {strides = array<i32>} : memref<1x2048x128xf32, #tpu.memory_space<vmem>>, vector<1x2048x128xf32>,
    return
  }
  func.func @transform_0(%arg0: i32, %arg1: i32) -> (i32, i32, i32) {
    %add3A = arith.constant 0 : i32
    %add3A_0 = arith.addi %add3A, %arg0 : i32
    %c0_i32 = arith.constant 0 : i32
    %c0_i32_1 = arith.constant 0 : i32
    return %add3A_0, %arg1, %c0_i32 : i32, i32, i32
  }
  func.func @transform_1(%arg0: i32, %arg1: i32) -> (i32, i32, i32) {
    %add3A = arith.constant 0 : i32
    %add3A_0 = arith.addi %add3A, %arg0 : i32
    %c0_i32 = arith.constant 0 : i32
    %c0_i32_1 = arith.constant 0 : i32
    return %add3A_0, %arg1, %c0_i32 : i32, i32, i32
  }
  func.func @transform_2(%arg0: i32, %arg1: i32) -> (i32, i32, i32) {
    %add3A = arith.constant 0 : i32
    %add3A_0 = arith.addi %add3A, %arg0 : i32
    %mul3A = arith.constant 32 : i32
    %mul3A_1 = arith.muli %arg1, %mul3A : i32
    %sub3A = arith.constant 1 : i32
    %sub3A_2 = arith.subi %mul3A_1, %sub3A : i32
    %jit3A = arith.constant 256 : i32
    %eq3A = arith.constant 0 : i32
    %eq3A_3 = arith.cmpi eq, %jit3A, %eq3A : i32
    %jit3A_4 = arith.constant 1 : i32
    %select_n3A = arith.select %eq3A_3, %jit3A_4, %jit3A : i32
    %rem3A = arith.remsi %sub3A_2, %select_n3A : i32
    %ne3A = arith.constant 0 : i32
    %ne3A_5 = arith.cmpi ne, %rem3A, %ne3A : i32
    %lt3A = arith.constant 0 : i32
    %lt3A_6 = arith.cmpi slt, %rem3A, %lt3A : i32
    %lt3A_7 = arith.constant 0 : i32
    %lt3A_8 = arith.cmpi slt, %select_n3A, %lt3A_7 : i32
    %ne3A_9 = arith.xori %lt3A_6, %lt3A_8 : i1
    %and3A = arith.andi %ne3A_9, %ne3A_5 : i1
    %add3A_10 = arith.addi %rem3A, %select_n3A : i32
    %select_n3A_11 = arith.select %and3A, %add3A_10, %rem3A : i32
    %c0_i32 = arith.constant 0 : i32
    %c0_i32_12 = arith.constant 0 : i32
    return %add3A_0, %select_n3A_11, %c0_i32 : i32, i32, i32
  }
  func.func @transform_3(%arg0: i32, %arg1: i32) -> (i32, i32, i32) {
    %add3A = arith.constant 0 : i32
    %add3A_0 = arith.addi %add3A, %arg0 : i32
    %mul3A = arith.constant 256 : i32
    %mul3A_1 = arith.muli %add3A_0, %mul3A : i32
    %mul3A_2 = arith.constant 32 : i32
    %mul3A_3 = arith.muli %arg1, %mul3A_2 : i32
    %sub3A = arith.constant 1 : i32
    %sub3A_4 = arith.subi %mul3A_3, %sub3A : i32
    %jit3A = arith.constant 256 : i32
    %eq3A = arith.constant 0 : i32
    %eq3A_5 = arith.cmpi eq, %jit3A, %eq3A : i32
    %jit3A_6 = arith.constant 1 : i32
    %select_n3A = arith.select %eq3A_5, %jit3A_6, %jit3A : i32
    %rem3A = arith.remsi %sub3A_4, %select_n3A : i32
    %ne3A = arith.constant 0 : i32
    %ne3A_7 = arith.cmpi ne, %rem3A, %ne3A : i32
    %lt3A = arith.constant 0 : i32
    %lt3A_8 = arith.cmpi slt, %rem3A, %lt3A : i32
    %lt3A_9 = arith.constant 0 : i32
    %lt3A_10 = arith.cmpi slt, %select_n3A, %lt3A_9 : i32
    %ne3A_11 = arith.xori %lt3A_8, %lt3A_10 : i1
    %and3A = arith.andi %ne3A_11, %ne3A_7 : i1
    %add3A_12 = arith.addi %rem3A, %select_n3A : i32
    %select_n3A_13 = arith.select %and3A, %add3A_12, %rem3A : i32
    %add3A_14 = arith.addi %mul3A_1, %select_n3A_13 : i32
    %c0_i32 = arith.constant 0 : i32
    %c0_i32_15 = arith.constant 0 : i32
    %c0_i32_16 = arith.constant 0 : i32
    return %add3A_14, %c0_i32, %c0_i32_15 : i32, i32, i32
  }
  func.func @transform_4(%arg0: i32, %arg1: i32) -> (i32, i32, i32) {
    %c0_i32 = arith.constant 0 : i32
    %c0_i32_0 = arith.constant 0 : i32
    return %arg0, %arg1, %c0_i32 : i32, i32, i32
  }
}

module attributes {stable_mosaic.version = 14 : i64} {
  func.func @_comb_body(%arg0: i32, %arg1: memref<12x512x128xf32, #tpu.memory_space<vmem>>, %arg2: memref<12x512x128xf32, #tpu.memory_space<vmem>>, %arg3: memref<512x768xf32, #tpu.memory_space<vmem>>) attributes {dimension_semantics = [#tpu.dimension_semantics<arbitrary>], iteration_bounds = array<i64: 16>, scalar_prefetch = 0 : i64, scratch_operands = 0 : i64, tpu.core_type = #tpu.core_type<tc>, window_params = [{transform_indices = @transform_0, window_bounds = array<i64: 12, 512, 128>}, {transform_indices = @transform_1, window_bounds = array<i64: 12, 512, 128>}, {transform_indices = @transform_2, window_bounds = array<i64: 512, 768>}]} {
    %get3A = arith.constant 0 : index
    %get3A_0 = arith.constant 0 : index
    %get3A_1 = arith.constant 0 : index
    %get3A_2 = vector.load %arg1[%get3A, %get3A_0, %get3A_1] : memref<12x512x128xf32, #tpu.memory_space<vmem>>, vector<1x512x128xf32>
    %get3A_3 = vector.shape_cast %get3A_2 : vector<1x512x128xf32> to vector<512x128xf32>
    %get3A_4 = arith.constant 1 : index
    %get3A_5 = arith.constant 0 : index
    %get3A_6 = arith.constant 0 : index
    %get3A_7 = vector.load %arg1[%get3A_4, %get3A_5, %get3A_6] : memref<12x512x128xf32, #tpu.memory_space<vmem>>, vector<1x512x128xf32>
    %get3A_8 = vector.shape_cast %get3A_7 : vector<1x512x128xf32> to vector<512x128xf32>
    %slice3A = vector.extract_strided_slice %get3A_3 {offsets = [0, 64], sizes = [512, 1], strides = [1, 1]} : vector<512x128xf32> to vector<512x1xf32>
    %slice3A_9 = vector.extract_strided_slice %get3A_8 {offsets = [0, 64], sizes = [512, 1], strides = [1, 1]} : vector<512x128xf32> to vector<512x1xf32>
    %max3A = arith.maximumf %slice3A, %slice3A_9 : vector<512x1xf32>
    %sub3A = arith.subf %slice3A, %max3A : vector<512x1xf32>
    %exp3A = math.exp %sub3A : vector<512x1xf32>
    %sub3A_10 = arith.subf %slice3A_9, %max3A : vector<512x1xf32>
    %exp3A_11 = math.exp %sub3A_10 : vector<512x1xf32>
    %add3A = arith.addf %exp3A, %exp3A_11 : vector<512x1xf32>
    %slice3A_12 = vector.extract_strided_slice %get3A_3 {offsets = [0, 0], sizes = [512, 64], strides = [1, 1]} : vector<512x128xf32> to vector<512x64xf32>
    %div3A = arith.divf %exp3A, %add3A : vector<512x1xf32>
    %mul3A = vector.broadcast %div3A : vector<512x1xf32> to vector<512x64xf32>
    %mul3A_13 = arith.mulf %slice3A_12, %mul3A : vector<512x64xf32>
    %slice3A_14 = vector.extract_strided_slice %get3A_8 {offsets = [0, 0], sizes = [512, 64], strides = [1, 1]} : vector<512x128xf32> to vector<512x64xf32>
    %div3A_15 = arith.divf %exp3A_11, %add3A : vector<512x1xf32>
    %mul3A_16 = vector.broadcast %div3A_15 : vector<512x1xf32> to vector<512x64xf32>
    %mul3A_17 = arith.mulf %slice3A_14, %mul3A_16 : vector<512x64xf32>
    %add3A_18 = arith.addf %mul3A_13, %mul3A_17 : vector<512x64xf32>
    %swap3A = arith.constant 0 : index
    %swap3A_19 = arith.constant 0 : index
    %swap3A_20 = vector.load %arg3[%swap3A, %swap3A_19] : memref<512x768xf32, #tpu.memory_space<vmem>>, vector<512x64xf32>
    tpu.vector_store %arg3[%swap3A, %swap3A_19], %add3A_18 {strides = array<i32>} : memref<512x768xf32, #tpu.memory_space<vmem>>, vector<512x64xf32>,
    %get3A_21 = arith.constant 2 : index
    %get3A_22 = arith.constant 0 : index
    %get3A_23 = arith.constant 0 : index
    %get3A_24 = vector.load %arg1[%get3A_21, %get3A_22, %get3A_23] : memref<12x512x128xf32, #tpu.memory_space<vmem>>, vector<1x512x128xf32>
    %get3A_25 = vector.shape_cast %get3A_24 : vector<1x512x128xf32> to vector<512x128xf32>
    %get3A_26 = arith.constant 3 : index
    %get3A_27 = arith.constant 0 : index
    %get3A_28 = arith.constant 0 : index
    %get3A_29 = vector.load %arg1[%get3A_26, %get3A_27, %get3A_28] : memref<12x512x128xf32, #tpu.memory_space<vmem>>, vector<1x512x128xf32>
    %get3A_30 = vector.shape_cast %get3A_29 : vector<1x512x128xf32> to vector<512x128xf32>
    %slice3A_31 = vector.extract_strided_slice %get3A_25 {offsets = [0, 64], sizes = [512, 1], strides = [1, 1]} : vector<512x128xf32> to vector<512x1xf32>
    %slice3A_32 = vector.extract_strided_slice %get3A_30 {offsets = [0, 64], sizes = [512, 1], strides = [1, 1]} : vector<512x128xf32> to vector<512x1xf32>
    %max3A_33 = arith.maximumf %slice3A_31, %slice3A_32 : vector<512x1xf32>
    %sub3A_34 = arith.subf %slice3A_31, %max3A_33 : vector<512x1xf32>
    %exp3A_35 = math.exp %sub3A_34 : vector<512x1xf32>
    %sub3A_36 = arith.subf %slice3A_32, %max3A_33 : vector<512x1xf32>
    %exp3A_37 = math.exp %sub3A_36 : vector<512x1xf32>
    %add3A_38 = arith.addf %exp3A_35, %exp3A_37 : vector<512x1xf32>
    %slice3A_39 = vector.extract_strided_slice %get3A_25 {offsets = [0, 0], sizes = [512, 64], strides = [1, 1]} : vector<512x128xf32> to vector<512x64xf32>
    %div3A_40 = arith.divf %exp3A_35, %add3A_38 : vector<512x1xf32>
    %mul3A_41 = vector.broadcast %div3A_40 : vector<512x1xf32> to vector<512x64xf32>
    %mul3A_42 = arith.mulf %slice3A_39, %mul3A_41 : vector<512x64xf32>
    %slice3A_43 = vector.extract_strided_slice %get3A_30 {offsets = [0, 0], sizes = [512, 64], strides = [1, 1]} : vector<512x128xf32> to vector<512x64xf32>
    %div3A_44 = arith.divf %exp3A_37, %add3A_38 : vector<512x1xf32>
    %mul3A_45 = vector.broadcast %div3A_44 : vector<512x1xf32> to vector<512x64xf32>
    %mul3A_46 = arith.mulf %slice3A_43, %mul3A_45 : vector<512x64xf32>
    %add3A_47 = arith.addf %mul3A_42, %mul3A_46 : vector<512x64xf32>
    %swap3A_48 = arith.constant 0 : index
    %swap3A_49 = arith.constant 64 : index
    %swap3A_50 = vector.load %arg3[%swap3A_48, %swap3A_49] : memref<512x768xf32, #tpu.memory_space<vmem>>, vector<512x64xf32>
    tpu.vector_store %arg3[%swap3A_48, %swap3A_49], %add3A_47 {strides = array<i32>} : memref<512x768xf32, #tpu.memory_space<vmem>>, vector<512x64xf32>,
    %get3A_51 = arith.constant 4 : index
    %get3A_52 = arith.constant 0 : index
    %get3A_53 = arith.constant 0 : index
    %get3A_54 = vector.load %arg1[%get3A_51, %get3A_52, %get3A_53] : memref<12x512x128xf32, #tpu.memory_space<vmem>>, vector<1x512x128xf32>
    %get3A_55 = vector.shape_cast %get3A_54 : vector<1x512x128xf32> to vector<512x128xf32>
    %get3A_56 = arith.constant 5 : index
    %get3A_57 = arith.constant 0 : index
    %get3A_58 = arith.constant 0 : index
    %get3A_59 = vector.load %arg1[%get3A_56, %get3A_57, %get3A_58] : memref<12x512x128xf32, #tpu.memory_space<vmem>>, vector<1x512x128xf32>
    %get3A_60 = vector.shape_cast %get3A_59 : vector<1x512x128xf32> to vector<512x128xf32>
    %slice3A_61 = vector.extract_strided_slice %get3A_55 {offsets = [0, 64], sizes = [512, 1], strides = [1, 1]} : vector<512x128xf32> to vector<512x1xf32>
    %slice3A_62 = vector.extract_strided_slice %get3A_60 {offsets = [0, 64], sizes = [512, 1], strides = [1, 1]} : vector<512x128xf32> to vector<512x1xf32>
    %max3A_63 = arith.maximumf %slice3A_61, %slice3A_62 : vector<512x1xf32>
    %sub3A_64 = arith.subf %slice3A_61, %max3A_63 : vector<512x1xf32>
    %exp3A_65 = math.exp %sub3A_64 : vector<512x1xf32>
    %sub3A_66 = arith.subf %slice3A_62, %max3A_63 : vector<512x1xf32>
    %exp3A_67 = math.exp %sub3A_66 : vector<512x1xf32>
    %add3A_68 = arith.addf %exp3A_65, %exp3A_67 : vector<512x1xf32>
    %slice3A_69 = vector.extract_strided_slice %get3A_55 {offsets = [0, 0], sizes = [512, 64], strides = [1, 1]} : vector<512x128xf32> to vector<512x64xf32>
    %div3A_70 = arith.divf %exp3A_65, %add3A_68 : vector<512x1xf32>
    %mul3A_71 = vector.broadcast %div3A_70 : vector<512x1xf32> to vector<512x64xf32>
    %mul3A_72 = arith.mulf %slice3A_69, %mul3A_71 : vector<512x64xf32>
    %slice3A_73 = vector.extract_strided_slice %get3A_60 {offsets = [0, 0], sizes = [512, 64], strides = [1, 1]} : vector<512x128xf32> to vector<512x64xf32>
    %div3A_74 = arith.divf %exp3A_67, %add3A_68 : vector<512x1xf32>
    %mul3A_75 = vector.broadcast %div3A_74 : vector<512x1xf32> to vector<512x64xf32>
    %mul3A_76 = arith.mulf %slice3A_73, %mul3A_75 : vector<512x64xf32>
    %add3A_77 = arith.addf %mul3A_72, %mul3A_76 : vector<512x64xf32>
    %swap3A_78 = arith.constant 0 : index
    %swap3A_79 = arith.constant 128 : index
    %swap3A_80 = vector.load %arg3[%swap3A_78, %swap3A_79] : memref<512x768xf32, #tpu.memory_space<vmem>>, vector<512x64xf32>
    tpu.vector_store %arg3[%swap3A_78, %swap3A_79], %add3A_77 {strides = array<i32>} : memref<512x768xf32, #tpu.memory_space<vmem>>, vector<512x64xf32>,
    %get3A_81 = arith.constant 6 : index
    %get3A_82 = arith.constant 0 : index
    %get3A_83 = arith.constant 0 : index
    %get3A_84 = vector.load %arg1[%get3A_81, %get3A_82, %get3A_83] : memref<12x512x128xf32, #tpu.memory_space<vmem>>, vector<1x512x128xf32>
    %get3A_85 = vector.shape_cast %get3A_84 : vector<1x512x128xf32> to vector<512x128xf32>
    %get3A_86 = arith.constant 7 : index
    %get3A_87 = arith.constant 0 : index
    %get3A_88 = arith.constant 0 : index
    %get3A_89 = vector.load %arg1[%get3A_86, %get3A_87, %get3A_88] : memref<12x512x128xf32, #tpu.memory_space<vmem>>, vector<1x512x128xf32>
    %get3A_90 = vector.shape_cast %get3A_89 : vector<1x512x128xf32> to vector<512x128xf32>
    %slice3A_91 = vector.extract_strided_slice %get3A_85 {offsets = [0, 64], sizes = [512, 1], strides = [1, 1]} : vector<512x128xf32> to vector<512x1xf32>
    %slice3A_92 = vector.extract_strided_slice %get3A_90 {offsets = [0, 64], sizes = [512, 1], strides = [1, 1]} : vector<512x128xf32> to vector<512x1xf32>
    %max3A_93 = arith.maximumf %slice3A_91, %slice3A_92 : vector<512x1xf32>
    %sub3A_94 = arith.subf %slice3A_91, %max3A_93 : vector<512x1xf32>
    %exp3A_95 = math.exp %sub3A_94 : vector<512x1xf32>
    %sub3A_96 = arith.subf %slice3A_92, %max3A_93 : vector<512x1xf32>
    %exp3A_97 = math.exp %sub3A_96 : vector<512x1xf32>
    %add3A_98 = arith.addf %exp3A_95, %exp3A_97 : vector<512x1xf32>
    %slice3A_99 = vector.extract_strided_slice %get3A_85 {offsets = [0, 0], sizes = [512, 64], strides = [1, 1]} : vector<512x128xf32> to vector<512x64xf32>
    %div3A_100 = arith.divf %exp3A_95, %add3A_98 : vector<512x1xf32>
    %mul3A_101 = vector.broadcast %div3A_100 : vector<512x1xf32> to vector<512x64xf32>
    %mul3A_102 = arith.mulf %slice3A_99, %mul3A_101 : vector<512x64xf32>
    %slice3A_103 = vector.extract_strided_slice %get3A_90 {offsets = [0, 0], sizes = [512, 64], strides = [1, 1]} : vector<512x128xf32> to vector<512x64xf32>
    %div3A_104 = arith.divf %exp3A_97, %add3A_98 : vector<512x1xf32>
    %mul3A_105 = vector.broadcast %div3A_104 : vector<512x1xf32> to vector<512x64xf32>
    %mul3A_106 = arith.mulf %slice3A_103, %mul3A_105 : vector<512x64xf32>
    %add3A_107 = arith.addf %mul3A_102, %mul3A_106 : vector<512x64xf32>
    %swap3A_108 = arith.constant 0 : index
    %swap3A_109 = arith.constant 192 : index
    %swap3A_110 = vector.load %arg3[%swap3A_108, %swap3A_109] : memref<512x768xf32, #tpu.memory_space<vmem>>, vector<512x64xf32>
    tpu.vector_store %arg3[%swap3A_108, %swap3A_109], %add3A_107 {strides = array<i32>} : memref<512x768xf32, #tpu.memory_space<vmem>>, vector<512x64xf32>,
    %get3A_111 = arith.constant 8 : index
    %get3A_112 = arith.constant 0 : index
    %get3A_113 = arith.constant 0 : index
    %get3A_114 = vector.load %arg1[%get3A_111, %get3A_112, %get3A_113] : memref<12x512x128xf32, #tpu.memory_space<vmem>>, vector<1x512x128xf32>
    %get3A_115 = vector.shape_cast %get3A_114 : vector<1x512x128xf32> to vector<512x128xf32>
    %get3A_116 = arith.constant 9 : index
    %get3A_117 = arith.constant 0 : index
    %get3A_118 = arith.constant 0 : index
    %get3A_119 = vector.load %arg1[%get3A_116, %get3A_117, %get3A_118] : memref<12x512x128xf32, #tpu.memory_space<vmem>>, vector<1x512x128xf32>
    %get3A_120 = vector.shape_cast %get3A_119 : vector<1x512x128xf32> to vector<512x128xf32>
    %slice3A_121 = vector.extract_strided_slice %get3A_115 {offsets = [0, 64], sizes = [512, 1], strides = [1, 1]} : vector<512x128xf32> to vector<512x1xf32>
    %slice3A_122 = vector.extract_strided_slice %get3A_120 {offsets = [0, 64], sizes = [512, 1], strides = [1, 1]} : vector<512x128xf32> to vector<512x1xf32>
    %max3A_123 = arith.maximumf %slice3A_121, %slice3A_122 : vector<512x1xf32>
    %sub3A_124 = arith.subf %slice3A_121, %max3A_123 : vector<512x1xf32>
    %exp3A_125 = math.exp %sub3A_124 : vector<512x1xf32>
    %sub3A_126 = arith.subf %slice3A_122, %max3A_123 : vector<512x1xf32>
    %exp3A_127 = math.exp %sub3A_126 : vector<512x1xf32>
    %add3A_128 = arith.addf %exp3A_125, %exp3A_127 : vector<512x1xf32>
    %slice3A_129 = vector.extract_strided_slice %get3A_115 {offsets = [0, 0], sizes = [512, 64], strides = [1, 1]} : vector<512x128xf32> to vector<512x64xf32>
    %div3A_130 = arith.divf %exp3A_125, %add3A_128 : vector<512x1xf32>
    %mul3A_131 = vector.broadcast %div3A_130 : vector<512x1xf32> to vector<512x64xf32>
    %mul3A_132 = arith.mulf %slice3A_129, %mul3A_131 : vector<512x64xf32>
    %slice3A_133 = vector.extract_strided_slice %get3A_120 {offsets = [0, 0], sizes = [512, 64], strides = [1, 1]} : vector<512x128xf32> to vector<512x64xf32>
    %div3A_134 = arith.divf %exp3A_127, %add3A_128 : vector<512x1xf32>
    %mul3A_135 = vector.broadcast %div3A_134 : vector<512x1xf32> to vector<512x64xf32>
    %mul3A_136 = arith.mulf %slice3A_133, %mul3A_135 : vector<512x64xf32>
    %add3A_137 = arith.addf %mul3A_132, %mul3A_136 : vector<512x64xf32>
    %swap3A_138 = arith.constant 0 : index
    %swap3A_139 = arith.constant 256 : index
    %swap3A_140 = vector.load %arg3[%swap3A_138, %swap3A_139] : memref<512x768xf32, #tpu.memory_space<vmem>>, vector<512x64xf32>
    tpu.vector_store %arg3[%swap3A_138, %swap3A_139], %add3A_137 {strides = array<i32>} : memref<512x768xf32, #tpu.memory_space<vmem>>, vector<512x64xf32>,
    %get3A_141 = arith.constant 10 : index
    %get3A_142 = arith.constant 0 : index
    %get3A_143 = arith.constant 0 : index
    %get3A_144 = vector.load %arg1[%get3A_141, %get3A_142, %get3A_143] : memref<12x512x128xf32, #tpu.memory_space<vmem>>, vector<1x512x128xf32>
    %get3A_145 = vector.shape_cast %get3A_144 : vector<1x512x128xf32> to vector<512x128xf32>
    %get3A_146 = arith.constant 11 : index
    %get3A_147 = arith.constant 0 : index
    %get3A_148 = arith.constant 0 : index
    %get3A_149 = vector.load %arg1[%get3A_146, %get3A_147, %get3A_148] : memref<12x512x128xf32, #tpu.memory_space<vmem>>, vector<1x512x128xf32>
    %get3A_150 = vector.shape_cast %get3A_149 : vector<1x512x128xf32> to vector<512x128xf32>
    %slice3A_151 = vector.extract_strided_slice %get3A_145 {offsets = [0, 64], sizes = [512, 1], strides = [1, 1]} : vector<512x128xf32> to vector<512x1xf32>
    %slice3A_152 = vector.extract_strided_slice %get3A_150 {offsets = [0, 64], sizes = [512, 1], strides = [1, 1]} : vector<512x128xf32> to vector<512x1xf32>
    %max3A_153 = arith.maximumf %slice3A_151, %slice3A_152 : vector<512x1xf32>
    %sub3A_154 = arith.subf %slice3A_151, %max3A_153 : vector<512x1xf32>
    %exp3A_155 = math.exp %sub3A_154 : vector<512x1xf32>
    %sub3A_156 = arith.subf %slice3A_152, %max3A_153 : vector<512x1xf32>
    %exp3A_157 = math.exp %sub3A_156 : vector<512x1xf32>
    %add3A_158 = arith.addf %exp3A_155, %exp3A_157 : vector<512x1xf32>
    %slice3A_159 = vector.extract_strided_slice %get3A_145 {offsets = [0, 0], sizes = [512, 64], strides = [1, 1]} : vector<512x128xf32> to vector<512x64xf32>
    %div3A_160 = arith.divf %exp3A_155, %add3A_158 : vector<512x1xf32>
    %mul3A_161 = vector.broadcast %div3A_160 : vector<512x1xf32> to vector<512x64xf32>
    %mul3A_162 = arith.mulf %slice3A_159, %mul3A_161 : vector<512x64xf32>
    %slice3A_163 = vector.extract_strided_slice %get3A_150 {offsets = [0, 0], sizes = [512, 64], strides = [1, 1]} : vector<512x128xf32> to vector<512x64xf32>
    %div3A_164 = arith.divf %exp3A_157, %add3A_158 : vector<512x1xf32>
    %mul3A_165 = vector.broadcast %div3A_164 : vector<512x1xf32> to vector<512x64xf32>
    %mul3A_166 = arith.mulf %slice3A_163, %mul3A_165 : vector<512x64xf32>
    %add3A_167 = arith.addf %mul3A_162, %mul3A_166 : vector<512x64xf32>
    %swap3A_168 = arith.constant 0 : index
    %swap3A_169 = arith.constant 320 : index
    %swap3A_170 = vector.load %arg3[%swap3A_168, %swap3A_169] : memref<512x768xf32, #tpu.memory_space<vmem>>, vector<512x64xf32>
    tpu.vector_store %arg3[%swap3A_168, %swap3A_169], %add3A_167 {strides = array<i32>} : memref<512x768xf32, #tpu.memory_space<vmem>>, vector<512x64xf32>,
    %get3A_171 = arith.constant 0 : index
    %get3A_172 = arith.constant 0 : index
    %get3A_173 = arith.constant 0 : index
    %get3A_174 = vector.load %arg2[%get3A_171, %get3A_172, %get3A_173] : memref<12x512x128xf32, #tpu.memory_space<vmem>>, vector<1x512x128xf32>
    %get3A_175 = vector.shape_cast %get3A_174 : vector<1x512x128xf32> to vector<512x128xf32>
    %get3A_176 = arith.constant 1 : index
    %get3A_177 = arith.constant 0 : index
    %get3A_178 = arith.constant 0 : index
    %get3A_179 = vector.load %arg2[%get3A_176, %get3A_177, %get3A_178] : memref<12x512x128xf32, #tpu.memory_space<vmem>>, vector<1x512x128xf32>
    %get3A_180 = vector.shape_cast %get3A_179 : vector<1x512x128xf32> to vector<512x128xf32>
    %slice3A_181 = vector.extract_strided_slice %get3A_175 {offsets = [0, 64], sizes = [512, 1], strides = [1, 1]} : vector<512x128xf32> to vector<512x1xf32>
    %slice3A_182 = vector.extract_strided_slice %get3A_180 {offsets = [0, 64], sizes = [512, 1], strides = [1, 1]} : vector<512x128xf32> to vector<512x1xf32>
    %max3A_183 = arith.maximumf %slice3A_181, %slice3A_182 : vector<512x1xf32>
    %sub3A_184 = arith.subf %slice3A_181, %max3A_183 : vector<512x1xf32>
    %exp3A_185 = math.exp %sub3A_184 : vector<512x1xf32>
    %sub3A_186 = arith.subf %slice3A_182, %max3A_183 : vector<512x1xf32>
    %exp3A_187 = math.exp %sub3A_186 : vector<512x1xf32>
    %add3A_188 = arith.addf %exp3A_185, %exp3A_187 : vector<512x1xf32>
    %slice3A_189 = vector.extract_strided_slice %get3A_175 {offsets = [0, 0], sizes = [512, 64], strides = [1, 1]} : vector<512x128xf32> to vector<512x64xf32>
    %div3A_190 = arith.divf %exp3A_185, %add3A_188 : vector<512x1xf32>
    %mul3A_191 = vector.broadcast %div3A_190 : vector<512x1xf32> to vector<512x64xf32>
    %mul3A_192 = arith.mulf %slice3A_189, %mul3A_191 : vector<512x64xf32>
    %slice3A_193 = vector.extract_strided_slice %get3A_180 {offsets = [0, 0], sizes = [512, 64], strides = [1, 1]} : vector<512x128xf32> to vector<512x64xf32>
    %div3A_194 = arith.divf %exp3A_187, %add3A_188 : vector<512x1xf32>
    %mul3A_195 = vector.broadcast %div3A_194 : vector<512x1xf32> to vector<512x64xf32>
    %mul3A_196 = arith.mulf %slice3A_193, %mul3A_195 : vector<512x64xf32>
    %add3A_197 = arith.addf %mul3A_192, %mul3A_196 : vector<512x64xf32>
    %swap3A_198 = arith.constant 0 : index
    %swap3A_199 = arith.constant 384 : index
    %swap3A_200 = vector.load %arg3[%swap3A_198, %swap3A_199] : memref<512x768xf32, #tpu.memory_space<vmem>>, vector<512x64xf32>
    tpu.vector_store %arg3[%swap3A_198, %swap3A_199], %add3A_197 {strides = array<i32>} : memref<512x768xf32, #tpu.memory_space<vmem>>, vector<512x64xf32>,
    %get3A_201 = arith.constant 2 : index
    %get3A_202 = arith.constant 0 : index
    %get3A_203 = arith.constant 0 : index
    %get3A_204 = vector.load %arg2[%get3A_201, %get3A_202, %get3A_203] : memref<12x512x128xf32, #tpu.memory_space<vmem>>, vector<1x512x128xf32>
    %get3A_205 = vector.shape_cast %get3A_204 : vector<1x512x128xf32> to vector<512x128xf32>
    %get3A_206 = arith.constant 3 : index
    %get3A_207 = arith.constant 0 : index
    %get3A_208 = arith.constant 0 : index
    %get3A_209 = vector.load %arg2[%get3A_206, %get3A_207, %get3A_208] : memref<12x512x128xf32, #tpu.memory_space<vmem>>, vector<1x512x128xf32>
    %get3A_210 = vector.shape_cast %get3A_209 : vector<1x512x128xf32> to vector<512x128xf32>
    %slice3A_211 = vector.extract_strided_slice %get3A_205 {offsets = [0, 64], sizes = [512, 1], strides = [1, 1]} : vector<512x128xf32> to vector<512x1xf32>
    %slice3A_212 = vector.extract_strided_slice %get3A_210 {offsets = [0, 64], sizes = [512, 1], strides = [1, 1]} : vector<512x128xf32> to vector<512x1xf32>
    %max3A_213 = arith.maximumf %slice3A_211, %slice3A_212 : vector<512x1xf32>
    %sub3A_214 = arith.subf %slice3A_211, %max3A_213 : vector<512x1xf32>
    %exp3A_215 = math.exp %sub3A_214 : vector<512x1xf32>
    %sub3A_216 = arith.subf %slice3A_212, %max3A_213 : vector<512x1xf32>
    %exp3A_217 = math.exp %sub3A_216 : vector<512x1xf32>
    %add3A_218 = arith.addf %exp3A_215, %exp3A_217 : vector<512x1xf32>
    %slice3A_219 = vector.extract_strided_slice %get3A_205 {offsets = [0, 0], sizes = [512, 64], strides = [1, 1]} : vector<512x128xf32> to vector<512x64xf32>
    %div3A_220 = arith.divf %exp3A_215, %add3A_218 : vector<512x1xf32>
    %mul3A_221 = vector.broadcast %div3A_220 : vector<512x1xf32> to vector<512x64xf32>
    %mul3A_222 = arith.mulf %slice3A_219, %mul3A_221 : vector<512x64xf32>
    %slice3A_223 = vector.extract_strided_slice %get3A_210 {offsets = [0, 0], sizes = [512, 64], strides = [1, 1]} : vector<512x128xf32> to vector<512x64xf32>
    %div3A_224 = arith.divf %exp3A_217, %add3A_218 : vector<512x1xf32>
    %mul3A_225 = vector.broadcast %div3A_224 : vector<512x1xf32> to vector<512x64xf32>
    %mul3A_226 = arith.mulf %slice3A_223, %mul3A_225 : vector<512x64xf32>
    %add3A_227 = arith.addf %mul3A_222, %mul3A_226 : vector<512x64xf32>
    %swap3A_228 = arith.constant 0 : index
    %swap3A_229 = arith.constant 448 : index
    %swap3A_230 = vector.load %arg3[%swap3A_228, %swap3A_229] : memref<512x768xf32, #tpu.memory_space<vmem>>, vector<512x64xf32>
    tpu.vector_store %arg3[%swap3A_228, %swap3A_229], %add3A_227 {strides = array<i32>} : memref<512x768xf32, #tpu.memory_space<vmem>>, vector<512x64xf32>,
    %get3A_231 = arith.constant 4 : index
    %get3A_232 = arith.constant 0 : index
    %get3A_233 = arith.constant 0 : index
    %get3A_234 = vector.load %arg2[%get3A_231, %get3A_232, %get3A_233] : memref<12x512x128xf32, #tpu.memory_space<vmem>>, vector<1x512x128xf32>
    %get3A_235 = vector.shape_cast %get3A_234 : vector<1x512x128xf32> to vector<512x128xf32>
    %get3A_236 = arith.constant 5 : index
    %get3A_237 = arith.constant 0 : index
    %get3A_238 = arith.constant 0 : index
    %get3A_239 = vector.load %arg2[%get3A_236, %get3A_237, %get3A_238] : memref<12x512x128xf32, #tpu.memory_space<vmem>>, vector<1x512x128xf32>
    %get3A_240 = vector.shape_cast %get3A_239 : vector<1x512x128xf32> to vector<512x128xf32>
    %slice3A_241 = vector.extract_strided_slice %get3A_235 {offsets = [0, 64], sizes = [512, 1], strides = [1, 1]} : vector<512x128xf32> to vector<512x1xf32>
    %slice3A_242 = vector.extract_strided_slice %get3A_240 {offsets = [0, 64], sizes = [512, 1], strides = [1, 1]} : vector<512x128xf32> to vector<512x1xf32>
    %max3A_243 = arith.maximumf %slice3A_241, %slice3A_242 : vector<512x1xf32>
    %sub3A_244 = arith.subf %slice3A_241, %max3A_243 : vector<512x1xf32>
    %exp3A_245 = math.exp %sub3A_244 : vector<512x1xf32>
    %sub3A_246 = arith.subf %slice3A_242, %max3A_243 : vector<512x1xf32>
    %exp3A_247 = math.exp %sub3A_246 : vector<512x1xf32>
    %add3A_248 = arith.addf %exp3A_245, %exp3A_247 : vector<512x1xf32>
    %slice3A_249 = vector.extract_strided_slice %get3A_235 {offsets = [0, 0], sizes = [512, 64], strides = [1, 1]} : vector<512x128xf32> to vector<512x64xf32>
    %div3A_250 = arith.divf %exp3A_245, %add3A_248 : vector<512x1xf32>
    %mul3A_251 = vector.broadcast %div3A_250 : vector<512x1xf32> to vector<512x64xf32>
    %mul3A_252 = arith.mulf %slice3A_249, %mul3A_251 : vector<512x64xf32>
    %slice3A_253 = vector.extract_strided_slice %get3A_240 {offsets = [0, 0], sizes = [512, 64], strides = [1, 1]} : vector<512x128xf32> to vector<512x64xf32>
    %div3A_254 = arith.divf %exp3A_247, %add3A_248 : vector<512x1xf32>
    %mul3A_255 = vector.broadcast %div3A_254 : vector<512x1xf32> to vector<512x64xf32>
    %mul3A_256 = arith.mulf %slice3A_253, %mul3A_255 : vector<512x64xf32>
    %add3A_257 = arith.addf %mul3A_252, %mul3A_256 : vector<512x64xf32>
    %swap3A_258 = arith.constant 0 : index
    %swap3A_259 = arith.constant 512 : index
    %swap3A_260 = vector.load %arg3[%swap3A_258, %swap3A_259] : memref<512x768xf32, #tpu.memory_space<vmem>>, vector<512x64xf32>
    tpu.vector_store %arg3[%swap3A_258, %swap3A_259], %add3A_257 {strides = array<i32>} : memref<512x768xf32, #tpu.memory_space<vmem>>, vector<512x64xf32>,
    %get3A_261 = arith.constant 6 : index
    %get3A_262 = arith.constant 0 : index
    %get3A_263 = arith.constant 0 : index
    %get3A_264 = vector.load %arg2[%get3A_261, %get3A_262, %get3A_263] : memref<12x512x128xf32, #tpu.memory_space<vmem>>, vector<1x512x128xf32>
    %get3A_265 = vector.shape_cast %get3A_264 : vector<1x512x128xf32> to vector<512x128xf32>
    %get3A_266 = arith.constant 7 : index
    %get3A_267 = arith.constant 0 : index
    %get3A_268 = arith.constant 0 : index
    %get3A_269 = vector.load %arg2[%get3A_266, %get3A_267, %get3A_268] : memref<12x512x128xf32, #tpu.memory_space<vmem>>, vector<1x512x128xf32>
    %get3A_270 = vector.shape_cast %get3A_269 : vector<1x512x128xf32> to vector<512x128xf32>
    %slice3A_271 = vector.extract_strided_slice %get3A_265 {offsets = [0, 64], sizes = [512, 1], strides = [1, 1]} : vector<512x128xf32> to vector<512x1xf32>
    %slice3A_272 = vector.extract_strided_slice %get3A_270 {offsets = [0, 64], sizes = [512, 1], strides = [1, 1]} : vector<512x128xf32> to vector<512x1xf32>
    %max3A_273 = arith.maximumf %slice3A_271, %slice3A_272 : vector<512x1xf32>
    %sub3A_274 = arith.subf %slice3A_271, %max3A_273 : vector<512x1xf32>
    %exp3A_275 = math.exp %sub3A_274 : vector<512x1xf32>
    %sub3A_276 = arith.subf %slice3A_272, %max3A_273 : vector<512x1xf32>
    %exp3A_277 = math.exp %sub3A_276 : vector<512x1xf32>
    %add3A_278 = arith.addf %exp3A_275, %exp3A_277 : vector<512x1xf32>
    %slice3A_279 = vector.extract_strided_slice %get3A_265 {offsets = [0, 0], sizes = [512, 64], strides = [1, 1]} : vector<512x128xf32> to vector<512x64xf32>
    %div3A_280 = arith.divf %exp3A_275, %add3A_278 : vector<512x1xf32>
    %mul3A_281 = vector.broadcast %div3A_280 : vector<512x1xf32> to vector<512x64xf32>
    %mul3A_282 = arith.mulf %slice3A_279, %mul3A_281 : vector<512x64xf32>
    %slice3A_283 = vector.extract_strided_slice %get3A_270 {offsets = [0, 0], sizes = [512, 64], strides = [1, 1]} : vector<512x128xf32> to vector<512x64xf32>
    %div3A_284 = arith.divf %exp3A_277, %add3A_278 : vector<512x1xf32>
    %mul3A_285 = vector.broadcast %div3A_284 : vector<512x1xf32> to vector<512x64xf32>
    %mul3A_286 = arith.mulf %slice3A_283, %mul3A_285 : vector<512x64xf32>
    %add3A_287 = arith.addf %mul3A_282, %mul3A_286 : vector<512x64xf32>
    %swap3A_288 = arith.constant 0 : index
    %swap3A_289 = arith.constant 576 : index
    %swap3A_290 = vector.load %arg3[%swap3A_288, %swap3A_289] : memref<512x768xf32, #tpu.memory_space<vmem>>, vector<512x64xf32>
    tpu.vector_store %arg3[%swap3A_288, %swap3A_289], %add3A_287 {strides = array<i32>} : memref<512x768xf32, #tpu.memory_space<vmem>>, vector<512x64xf32>,
    %get3A_291 = arith.constant 8 : index
    %get3A_292 = arith.constant 0 : index
    %get3A_293 = arith.constant 0 : index
    %get3A_294 = vector.load %arg2[%get3A_291, %get3A_292, %get3A_293] : memref<12x512x128xf32, #tpu.memory_space<vmem>>, vector<1x512x128xf32>
    %get3A_295 = vector.shape_cast %get3A_294 : vector<1x512x128xf32> to vector<512x128xf32>
    %get3A_296 = arith.constant 9 : index
    %get3A_297 = arith.constant 0 : index
    %get3A_298 = arith.constant 0 : index
    %get3A_299 = vector.load %arg2[%get3A_296, %get3A_297, %get3A_298] : memref<12x512x128xf32, #tpu.memory_space<vmem>>, vector<1x512x128xf32>
    %get3A_300 = vector.shape_cast %get3A_299 : vector<1x512x128xf32> to vector<512x128xf32>
    %slice3A_301 = vector.extract_strided_slice %get3A_295 {offsets = [0, 64], sizes = [512, 1], strides = [1, 1]} : vector<512x128xf32> to vector<512x1xf32>
    %slice3A_302 = vector.extract_strided_slice %get3A_300 {offsets = [0, 64], sizes = [512, 1], strides = [1, 1]} : vector<512x128xf32> to vector<512x1xf32>
    %max3A_303 = arith.maximumf %slice3A_301, %slice3A_302 : vector<512x1xf32>
    %sub3A_304 = arith.subf %slice3A_301, %max3A_303 : vector<512x1xf32>
    %exp3A_305 = math.exp %sub3A_304 : vector<512x1xf32>
    %sub3A_306 = arith.subf %slice3A_302, %max3A_303 : vector<512x1xf32>
    %exp3A_307 = math.exp %sub3A_306 : vector<512x1xf32>
    %add3A_308 = arith.addf %exp3A_305, %exp3A_307 : vector<512x1xf32>
    %slice3A_309 = vector.extract_strided_slice %get3A_295 {offsets = [0, 0], sizes = [512, 64], strides = [1, 1]} : vector<512x128xf32> to vector<512x64xf32>
    %div3A_310 = arith.divf %exp3A_305, %add3A_308 : vector<512x1xf32>
    %mul3A_311 = vector.broadcast %div3A_310 : vector<512x1xf32> to vector<512x64xf32>
    %mul3A_312 = arith.mulf %slice3A_309, %mul3A_311 : vector<512x64xf32>
    %slice3A_313 = vector.extract_strided_slice %get3A_300 {offsets = [0, 0], sizes = [512, 64], strides = [1, 1]} : vector<512x128xf32> to vector<512x64xf32>
    %div3A_314 = arith.divf %exp3A_307, %add3A_308 : vector<512x1xf32>
    %mul3A_315 = vector.broadcast %div3A_314 : vector<512x1xf32> to vector<512x64xf32>
    %mul3A_316 = arith.mulf %slice3A_313, %mul3A_315 : vector<512x64xf32>
    %add3A_317 = arith.addf %mul3A_312, %mul3A_316 : vector<512x64xf32>
    %swap3A_318 = arith.constant 0 : index
    %swap3A_319 = arith.constant 640 : index
    %swap3A_320 = vector.load %arg3[%swap3A_318, %swap3A_319] : memref<512x768xf32, #tpu.memory_space<vmem>>, vector<512x64xf32>
    tpu.vector_store %arg3[%swap3A_318, %swap3A_319], %add3A_317 {strides = array<i32>} : memref<512x768xf32, #tpu.memory_space<vmem>>, vector<512x64xf32>,
    %get3A_321 = arith.constant 10 : index
    %get3A_322 = arith.constant 0 : index
    %get3A_323 = arith.constant 0 : index
    %get3A_324 = vector.load %arg2[%get3A_321, %get3A_322, %get3A_323] : memref<12x512x128xf32, #tpu.memory_space<vmem>>, vector<1x512x128xf32>
    %get3A_325 = vector.shape_cast %get3A_324 : vector<1x512x128xf32> to vector<512x128xf32>
    %get3A_326 = arith.constant 11 : index
    %get3A_327 = arith.constant 0 : index
    %get3A_328 = arith.constant 0 : index
    %get3A_329 = vector.load %arg2[%get3A_326, %get3A_327, %get3A_328] : memref<12x512x128xf32, #tpu.memory_space<vmem>>, vector<1x512x128xf32>
    %get3A_330 = vector.shape_cast %get3A_329 : vector<1x512x128xf32> to vector<512x128xf32>
    %slice3A_331 = vector.extract_strided_slice %get3A_325 {offsets = [0, 64], sizes = [512, 1], strides = [1, 1]} : vector<512x128xf32> to vector<512x1xf32>
    %slice3A_332 = vector.extract_strided_slice %get3A_330 {offsets = [0, 64], sizes = [512, 1], strides = [1, 1]} : vector<512x128xf32> to vector<512x1xf32>
    %max3A_333 = arith.maximumf %slice3A_331, %slice3A_332 : vector<512x1xf32>
    %sub3A_334 = arith.subf %slice3A_331, %max3A_333 : vector<512x1xf32>
    %exp3A_335 = math.exp %sub3A_334 : vector<512x1xf32>
    %sub3A_336 = arith.subf %slice3A_332, %max3A_333 : vector<512x1xf32>
    %exp3A_337 = math.exp %sub3A_336 : vector<512x1xf32>
    %add3A_338 = arith.addf %exp3A_335, %exp3A_337 : vector<512x1xf32>
    %slice3A_339 = vector.extract_strided_slice %get3A_325 {offsets = [0, 0], sizes = [512, 64], strides = [1, 1]} : vector<512x128xf32> to vector<512x64xf32>
    %div3A_340 = arith.divf %exp3A_335, %add3A_338 : vector<512x1xf32>
    %mul3A_341 = vector.broadcast %div3A_340 : vector<512x1xf32> to vector<512x64xf32>
    %mul3A_342 = arith.mulf %slice3A_339, %mul3A_341 : vector<512x64xf32>
    %slice3A_343 = vector.extract_strided_slice %get3A_330 {offsets = [0, 0], sizes = [512, 64], strides = [1, 1]} : vector<512x128xf32> to vector<512x64xf32>
    %div3A_344 = arith.divf %exp3A_337, %add3A_338 : vector<512x1xf32>
    %mul3A_345 = vector.broadcast %div3A_344 : vector<512x1xf32> to vector<512x64xf32>
    %mul3A_346 = arith.mulf %slice3A_343, %mul3A_345 : vector<512x64xf32>
    %add3A_347 = arith.addf %mul3A_342, %mul3A_346 : vector<512x64xf32>
    %swap3A_348 = arith.constant 0 : index
    %swap3A_349 = arith.constant 704 : index
    %swap3A_350 = vector.load %arg3[%swap3A_348, %swap3A_349] : memref<512x768xf32, #tpu.memory_space<vmem>>, vector<512x64xf32>
    tpu.vector_store %arg3[%swap3A_348, %swap3A_349], %add3A_347 {strides = array<i32>} : memref<512x768xf32, #tpu.memory_space<vmem>>, vector<512x64xf32>,
    return
  }
  func.func @transform_0(%arg0: i32) -> (i32, i32, i32) {
    %c0_i32 = arith.constant 0 : i32
    %c0_i32_0 = arith.constant 0 : i32
    %c0_i32_1 = arith.constant 0 : i32
    return %c0_i32, %arg0, %c0_i32_0 : i32, i32, i32
  }
  func.func @transform_1(%arg0: i32) -> (i32, i32, i32) {
    %c0_i32 = arith.constant 0 : i32
    %c0_i32_0 = arith.constant 0 : i32
    %c0_i32_1 = arith.constant 0 : i32
    return %c0_i32, %arg0, %c0_i32_0 : i32, i32, i32
  }
  func.func @transform_2(%arg0: i32) -> (i32, i32) {
    %c0_i32 = arith.constant 0 : i32
    %c0_i32_0 = arith.constant 0 : i32
    return %arg0, %c0_i32 : i32, i32
  }
}

</mosaic_0001>

<sc_bundles>
// kernel: kernel.10.cloned.1.call-start
scs
__scs_entry_jumppad:
0x0: {  	(pc) =	sbr.rel $0x88, $3  }
0x1: {  	(tag) =	ssettag $0x0;
	lr =	simm.s32 $0x1  }
0x2: {  	[smem:$0x3F9D] =	sst lr;
	_ =	strace $0xD0000000  }
0x3: {  	_ = 	snop  }
0x4: {  	_ = 	snop  }
0x5: {  	_ = 	snop  }
0x6: {  	_ = 	snop  }
0x7: {  	_ = 	snop  }
__scs_overlays_trampoline_lowered:
0x8: {  	[smem:$0x3FAC] =	sst s0  }
0x9: {  	[smem:$0x3FAD] =	sst s1  }
0xa: {  	[smem:$0x3FAE] =	sst s2  }
0xb: {  	[smem:$0x3FAF] =	sst s3  }
0xc: {  	[smem:$0x3FB0] =	sst s4  }
0xd: {  	[smem:$0x3FB1] =	sst s5  }
0xe: {  	[smem:$0x3FB2] =	sst s6  }
0xf: {  	[smem:$0x3FB3] =	sst s7  }
0x10: {  	[smem:$0x3FB4] =	sst s8  }
0x11: {  	[smem:$0x3FB5] =	sst s9;
	s0 =	simm.s32 @!p0 $0x0  }
0x12: {  	s1 =	sld [smem:$0x3F9B];
	s0 =	simm.s32 @p0 $0x1  }
0x13: {  	[smem:$0x3FB6] =	sst s0;
	s0 =	simm.s32 @!p1 $0x0  }
0x14: {  	s2 =	sld [smem:$0x3F9A];
	s0 =	simm.s32 @p1 $0x1  }
0x15: {  	[smem:$0x3FB7] =	sst s0;
	s0 =	simm.s32 @!p2 $0x0  }
0x16: {  	s3 =	sld [smem:$0x3FDB];
	s0 =	simm.s32 @p2 $0x1  }
0x17: {  	s4 =	simm.s32 $0x1BF5;
	[smem:$0x3FB9] =	sst s0  }
0x18: {  	s0 =	sld [smem:$0x3F9C];
	_ =	swait.ge [sflag:s4], $0x0  }
0x19: {  	s7 =	sld [smem:$0x3F9D]  }
0x1a: {  	s8 =	sadd.s32 $0xFFFFE003, lr  }
0x1b: {  	s9 =	sadd.s32 $0xFFFFFEF7, lr;
	s5 =	simm.s32 $0xFFFFFFFF;
	p2 =	slt.u32 s8, $0xFFFFF086  }
0x1c: {  	p1 =	slt.u32 s9, $0xF7A;
	s5 =	simm.s32 @!p2 $0x0  }
0x1d: {  	s5 =	simm.s32 @p1 $0x1;
	p0 =	seq.s32 s7, s2  }
0x1e: {  	s7 =	smul.u32 @!p0 $0xF7A, s2;
	p2 =	seq.s32 @!p0 s5, $0x0  }
0x1f: {  	s9 =	smul.u32 $0xF7A, s1;
	s8 =	simm.s32 @!p0 $0x1BF5;
	p2 =	por !p2, p0  }
0x20: {  	[sflag:s8] =	ssyncset.s32 @!p0 $0xFFFFF086;
	s6 =	sadd.s32 @!p0 s3, s7;
	s7 =	simm.s32 @!p0 $0x108  }
0x21: {  	s3 =	sadd.s32 s3, s9;
	s6 =	sadd.s32 @!p0 $0x88, s6;
	s7 =	simm.s32 @p2 $0x1082  }
0x22: {  	[simem:s7], [sflag:s8] =	dma.local @!p0 [hbm:s6], $0xF7A  }
0x23: {  	s9 =	sor.u32 $0xD0000000, s2;
	s6 =	simm.s32 $0x108;
	_ =	swait.ge @!p0 [sflag:s8], $0x0  }
0x24: {  	s3 =	sadd.s32 $0x88, s3;
	s6 =	simm.s32 @!p1 $0x1082;
	[sflag:s4] =	ssyncset.s32 $0xFFFFF086  }
0x25: {  	[simem:s6], [sflag:s4] =	dma.local [hbm:s3], $0xF7A  }
0x26: {  	[smem:$0x3F9D] =	sst s1;
	(tag) =	ssettag s2;
	_ =	strace s9  }
0x27: {  	s1 =	sld [smem:$0x3FAD]  }
0x28: {  	s2 =	sld [smem:$0x3FAE]  }
0x29: {  	s4 =	sld [smem:$0x3FB0]  }
0x2a: {  	p0 =	seq.s32 s5, $0x0;
	s5 =	sld [smem:$0x3FB1]  }
0x2b: {  	s6 =	sld [smem:$0x3FB2]  }
0x2c: {  	s7 =	sld [smem:$0x3FB3]  }
0x2d: {  	s3 =	simm.s32 $0x108;
	s8 =	sld [smem:$0x3FB4]  }
0x2e: {  	s3 =	simm.s32 @!p0 $0x1082;
	s9 =	sld [smem:$0x3FB5]  }
0x2f: {  	lr =	sadd.s32 s0, s3;
	s0 =	sld [smem:$0x3FAC]  }
0x30: {  	s3 =	sld [smem:$0x3FAF]  }
0x31: {  	[smem:$0x3FB8] =	sst s10  }
0x32: {  	s10 =	sld [smem:$0x3FB6];
	_ =	sdelay $0x3  }
0x33: {  	p0 =	seq.s32 s10, $0x1;
	s10 =	sld [smem:$0x3FB8];
	_ =	sdelay $0x3  }
0x34: {  	[smem:$0x3FB8] =	sst s10  }
0x35: {  	s10 =	sld [smem:$0x3FB7];
	_ =	sdelay $0x3  }
0x36: {  	p1 =	seq.s32 s10, $0x1;
	s10 =	sld [smem:$0x3FB8];
	_ =	sdelay $0x3  }
0x37: {  	[smem:$0x3FB8] =	sst s10  }
0x38: {  	s10 =	sld [smem:$0x3FB9]  }
0x39: {  	_ = 	snop;
	(pc) =	sbr.ind lr, $3  }
0x3a: {  	_ = 	snop  }
0x3b: {  	_ = 	snop  }
0x3c: {  	p2 =	seq.s32 s10, $0x1;
	s10 =	sld [smem:$0x3FB8]  }
0x3d: {  	_ =	shalt  }
0x3e: {  	_ =	shalt  }
0x3f: {  	_ =	shalt  }
0x40: {  	_ =	shalt  }
0x41: {  	_ =	shalt  }
0x42: {  	_ =	shalt  }
0x43: {  	_ =	shalt  }
0x44: {  	_ =	shalt  }
0x45: {  	_ =	shalt  }
0x46: {  	_ =	shalt  }
0x47: {  	_ =	shalt  }
0x48: {  	_ =	shalt  }
0x49: {  	_ =	shalt  }
0x4a: {  	_ =	shalt  }
0x4b: {  	_ =	shalt  }
0x4c: {  	_ =	shalt  }
0x4d: {  	_ =	shalt  }
0x4e: {  	_ =	shalt  }
0x4f: {  	_ =	shalt  }
0x50: {  	_ =	shalt  }
0x51: {  	_ =	shalt  }
0x52: {  	_ =	shalt  }
0x53: {  	_ =	shalt  }
0x54: {  	_ =	shalt  }
0x55: {  	_ =	shalt  }
0x56: {  	_ =	shalt  }
0x57: {  	_ =	shalt  }
0x58: {  	_ =	shalt  }
0x59: {  	_ =	shalt  }
0x5a: {  	_ =	shalt  }
0x5b: {  	_ =	shalt  }
0x5c: {  	_ =	shalt  }
0x5d: {  	_ =	shalt  }
0x5e: {  	_ =	shalt  }
0x5f: {  	_ =	shalt  }
0x60: {  	_ =	shalt  }
0x61: {  	_ =	shalt  }
0x62: {  	_ =	shalt  }
0x63: {  	_ =	shalt  }
0x64: {  	_ =	shalt  }
0x65: {  	_ =	shalt  }
0x66: {  	_ =	shalt  }
0x67: {  	_ =	shalt  }
0x68: {  	_ =	shalt  }
0x69: {  	_ =	shalt  }
0x6a: {  	_ =	shalt  }
0x6b: {  	_ =	shalt  }
0x6c: {  	_ =	shalt  }
0x6d: {  	_ =	shalt  }
0x6e: {  	_ =	shalt  }
0x6f: {  	_ =	shalt  }
0x70: {  	_ =	shalt  }
0x71: {  	_ =	shalt  }
0x72: {  	_ =	shalt  }
0x73: {  	_ =	shalt  }
0x74: {  	_ =	shalt  }
0x75: {  	_ =	shalt  }
0x76: {  	_ =	shalt  }
0x77: {  	_ =	shalt  }
0x78: {  	_ =	shalt  }
0x79: {  	_ =	shalt  }
0x7a: {  	_ =	shalt  }
0x7b: {  	_ =	shalt  }
0x7c: {  	_ =	shalt  }
0x7d: {  	_ =	shalt  }
0x7e: {  	_ =	shalt  }
0x7f: {  	_ =	shalt  }
0x80: {  	_ =	shalt  }
0x81: {  	_ =	shalt  }
0x82: {  	_ =	shalt  }
0x83: {  	_ =	shalt  }
0x84: {  	_ =	shalt  }
0x85: {  	_ =	shalt  }
0x86: {  	_ =	shalt  }
0x87: {  	_ =	shalt  }
.Lfunc_end0:
.L_simem_size_0:
called_computation_lowered:
.L_overlay_start_0:
0x88: {  	s2 =	sld [smem:$0x3FD9]  }
0x89: {  	s3 =	sld [smem:$0x3FFE];
	_ =	sdelay $0x1  }
0x8a: {  	s1 =	srdreg.scid  }
0x8b: {  	s0 =	sand.u32 $0x1, s1  }
0x8c: {  	s17 =	sshll.u32 s0, $0xA;
	s2 =	sadd.s32 s3, s2  }
0x8d: {  	s2 =	sadd.s32 s2, s17  }
0x8e: {  	[smem:$0x3FC4] =	sst s2  }
0x8f: {  	_ = 	snop  }
0x90: {  	s2 =	sld [smem:$0x3FD0];
	(tm) =	ssettm $0x1  }
0x91: {  	s18 =	sld [smem:$0x3FFB];
	_ =	sdelay $0x3  }
0x92: {  	_ =	strace s18  }
0x93: {  	s3 =	sld [smem:$0x3FFC];
	_ =	sdelay $0x3  }
0x94: {  	_ =	strace s3  }
0x95: {  	s3 =	sld [smem:$0x3FFD];
	_ =	sdelay $0x3  }
0x96: {  	_ =	strace s3  }
0x97: {  	_ =	strace $0x8FFFFFFF  }
0x98: {  	s19 =	sld [smem:$0x3FDB];
	_ =	sdelay $0x1  }
0x99: {  	s4 =	simm.s32 $_scs_section_size  }
0x9a: {  	s5 =	simm.s32 $_size__tile_overlayer_lowered;
	s6 =	simm.s32 $_tile_overlayer_lowered  }
0x9b: {  	s22 =	simm.s32 $0x1BFF;
	s21 =	sshll.u32 s6, $0x1;
	s3 =	sadd.s32 s4, s19  }
0x9c: {  	s7 =	simm.s32 $0x0;
	s20 =	sshll.u32 s5, $0x1;
	s5 =	sadd.s32 s21, s3  }
0x9d: {  	[timem:s7], [sflag:s22] =	dma.local [hbm:s5], s20  }
0x9e: {  	_ =	swait.ge [sflag:s22], s20  }
0x9f: {  	s4 =	ssub.s32 $0x0, s20;
	[sflag:s22] =	ssyncset.done $0x0  }
0xa0: {  	[sflag:s22] =	ssyncadd.s32 s4;
	_ =	sdelay $0x1  }
0xa1: {  	s23 =	simm.s32 $0x1B8B  }
0xa2: {  	_ =	swait.ge [sflag:s23], $0x1  }
0xa3: {  	[sflag:s23] =	ssyncset.done $0x0  }
0xa4: {  	s25 =	simm.s32 $0x1B8E;
	s24 =	sld [smem:$0x3FFE];
	[sflag:s23] =	ssyncadd.s32 $0xFFFFFFFF  }
0xa5: {  	s26 =	simm.s32 $execute0_lowered;
	[smem:$0x3FD2] =	sst s25  }
0xa6: {  	s5 =	sshll.u32 s26, $0x1;
	_ =	strace $0x80000046;
	[dreg:$0x1] =	wrdreg $0xFFFFFFFF  }
0xa7: {  	s28 =	simm.s32 $_size_execute0_lowered;
	s3 =	sadd.s32 s3, s5;
	[dreg:$0x0] =	wrdreg $0x0  }
0xa8: {  	s5 =	sshll.u32 s28, $0x1;
	[dreg:$0x2] =	wrdreg s3  }
0xa9: {  	[dreg:$0x3] =	wrdreg s5  }
0xaa: {  	[dreg:$0x4] =	wrdreg $0xC0  }
0xab: {  	_ =	task [dreg:s7], $0x5FFFF  }
0xac: {  	[dreg:$0x1] =	wrdreg $0xFFFFFFFF  }
0xad: {  	[dreg:$0x0] =	wrdreg $0x60  }
0xae: {  	[dreg:$0x2] =	wrdreg s2  }
0xaf: {  	[dreg:$0x3] =	wrdreg s24  }
0xb0: {  	[dreg:$0x4] =	wrdreg $0x9  }
0xb1: {  	_ =	task.clear_ibuf [dreg:s7], $0x5FFFF;
	_ =	strace $0x90000046  }
0xb2: {  	s29 =	simm.s32 $0x9;
	_ =	strace $0x80000048  }
0xb3: {  	_ =	swait.ge [sflag:s29], $0x1  }
0xb4: {  	[sflag:s29] =	ssyncadd.s32 $0xFFFFFFFF  }
0xb5: {  	_ =	strace $0x90000048  }
0xb6: {  	_ =	sfence  }
0xb7: {  	s30 =	sld [smem:$0x0];
	_ =	sdelay $0x2  }
0xb8: {  	s31 =	sshll.u32 s1, $0xD;
	s1 =	sshrl.u32 s1, $0x2  }
0xb9: {  	s3 =	sand.u32 $0x4000, s31;
	s1 =	sadd.s32 s1, s30  }
0xba: {  	s0 =	sor.u32 s3, s0;
	s1 =	sshll.u32 s1, $0x11  }
0xbb: {  	s0 =	sor.u32 s1, s0  }
0xbc: {  	s0 =	sadd.s32 $0x8F2B, s0  }
0xbd: {  	[sflag:s0] =	ssyncadd.remote.s32 $0x1  }
0xbe: {  	_ =	sfence.sel $0xFFFF  }
0xbf: {  	[dreg:$0x0] =	wrdreg $0xFFFFFFFF;
	(pc) =	sbr.abs _section_cstart, $3  }
0xc0: {  	[dreg:$0x1] =	wrdreg $0xFFFFFFFF  }
0xc1: {  	_ =	task.clear_ibuf [dreg:s7], $0x2FFFF;
	_ =	strace $0x9FFFFFFF  }
0xc2: {  	(tm) =	ssettm $0x7FFFFFFF  }
0xc3: {  	_ =	shalt  }
tec
execute0_lowered:
.L_overlay_start_1:
0x0: {  	(tag) =	ssettag $0x1  }
0x1: {  	s0 =	stileid.u32  }
0x2: {  	p0 =	sgt.u32 s0, $0xB  }
.Ltmp0:
0x3: {  	_ = 	snop;
	(pc) =	sbr.rel @p0 .LBB2_7-.Ltmp0, $4  }
0x4: {  	_ = 	snop  }
0x5: {  	s6 =	rddreg [dreg:$0x0];
	s2 =	simm.s32 $0x0  }
0x6: {  	[smem:$0x7FF] =	sst s2  }
0x7: {  	s5 =	rddreg [dreg:$0x1];
	_ =	strace $0x80000047  }
0x8: {  	s3 =	srdreg.scid;
	s0 =	stileid.u32;
	s11 =	sadd.s32 $0x301C00, s5  }
0x9: {  	s14 =	simm.s32 $0x4000;
	s7 =	sand.u32 $0x1, s3;
	s20 =	sshll.u32 s0, $0x1  }
0xa: {  	s15 =	simm.s32 $0x80;
	s16 =	simm.s32 $0x6000;
	s8 =	sor.u32 s7, s20  }
0xb: {  	s17 =	simm.s32 $0xA000;
	p1 =	seq.s32 s7, $0x1;
	p0 =	seq.s32 s8, $0x0  }
0xc: {  	s18 =	simm.s32 $0xE000;
	s19 =	simm.s32 $0x12000;
	p0 =	por !p0, !p1  }
0xd: {  	s28 =	simm.s32 $0x0;
	s3 =	simm.s32 $0x1;
	p0 =	por !p0, !p0  }
0xe: {  	s21 =	sshll.u32 s7, $0xD;
	s10 =	ssub.s32 $0x2, s7;
	s3 =	simm.s32 @!p0 $0x0  }
0xf: {  	s7 =	sshll.u32 s7, $0x14;
	s20 =	simm.s32 $0x2;
	s25 =	ssub.s32 s0, s3  }
0x10: {  	s12 =	sshrl.u32 s10, $0x1;
	s8 =	sshll.u32 s8, $0xA;
	s4 =	sshll.u32 s25, $0xE  }
0x11: {  	s23 =	ssub.s32 s10, s12;
	s6 =	sadd.s32 s6, s8;
	s3 =	sor.u32 s21, s4  }
0x12: {  	s12 =	simm.s32 $0x9;
	s22 =	sshll.u32 s25, $0x15;
	s4 =	sshrl.u32 s3, $0x3  }
0x13: {  	v0 =	vmov s25;
	s25 =	simm.s32 $0x7;
	s21 =	simm.s32 $0x3;
	s9 =	sadd.s32 s4, s5  }
0x14: {  	s3 =	sadd.s32 $0x181C00, s5;
	s4 =	simm.s32 $0x1;
	s5 =	sadd.s32 $0x1C00, s9  }
0x15: {  	s9 =	sadd.s32 s7, s22;
	s7 =	smax.u32 s23, $0x1;
	s22 =	simm.s32 $0x4  }
0x16: {  	s23 =	simm.s32 $0x5;
	s24 =	sshrl.u32 s9, $0x3;
	s26 =	sadd.s32 $0x8000, s9  }
0x17: {  	s29 =	sadd.s32 $0x4000, s9;
	s13 =	sadd.s32 $0xC000, s9;
	s8 =	sadd.s32 s24, s11  }
0x18: {  	s10 =	sshrl.u32 s26, $0x3;
	s30 =	sshrl.u32 s29, $0x3;
	s31 =	sshrl.u32 s13, $0x3  }
0x19: {  	s13 =	simm.s32 $0x2000;
	s24 =	simm.s32 $0x6;
	s26 =	simm.s32 $0x8  }
0x1a: {  	v1 =	vlaneseq.u32;
	s9 =	sadd.s32 s10, s11;
	s10 =	sadd.s32 s30, s11;
	s11 =	sadd.s32 s31, s11  }
.LBB2_2:
0x1b: {  	s29 =	simm.s32 $0x0  }
0x1c: {  	[tilespmem:s29], [sflag:$0x9] =	stream.linear.gather [hbm4b:s6+s29], $0x2000, $0x38;
	[tilespmem:$0x16000] =	vst v63  }
0x1d: {  	_ =	swait.ge [sflag:s12], $0x2000  }
0x1e: {  	[sflag:s12] =	ssyncset.done $0x0  }
0x1f: {  	s30 =	simm.s32 $0xFFFFFFF8;
	s31 =	simm.s32 $0x40;
	[sflag:s12] =	ssyncadd.s32 $0xFFFFE000  }
.LBB2_3:
0x20: {  	v2 =	vld [tilespmem:s31+$0xFFFFFFC0];
	_ =	sdelay $0x4  }
0x21: {  	v3 =	vor.u32 s29, v1  }
0x22: {  	v4 =	vmul.u32 $0xC, v3;
	_ =	sdelay $0x1  }
0x23: {  	[tilespmem:v2+s13+$0x0] =	vst.idx.msk $0xffff, v3;
	v3 =	vadd.s32 v0, v4  }
0x24: {  	[tilespmem:v2+s14+$0x0] =	vst.idx.msk $0xffff, v3  }
0x25: {  	v2 =	vld [tilespmem:s31+$0xFFFFFFD0];
	_ =	sdelay $0x3  }
0x26: {  	s0 =	sadd.s32 $0x10, s29  }
0x27: {  	v3 =	vor.u32 s0, v1  }
0x28: {  	v57 =	vmul.u32 $0xC, v3;
	_ =	sdelay $0x1  }
0x29: {  	[tilespmem:v2+s13+$0x0] =	vst.idx.msk $0xffff, v3;
	v3 =	vadd.s32 v0, v57  }
0x2a: {  	[tilespmem:v2+s14+$0x0] =	vst.idx.msk $0xffff, v3  }
0x2b: {  	v2 =	vld [tilespmem:s31+$0xFFFFFFE0];
	_ =	sdelay $0x3  }
0x2c: {  	s1 =	sadd.s32 $0x20, s29  }
0x2d: {  	v3 =	vor.u32 s1, v1  }
0x2e: {  	v58 =	vmul.u32 $0xC, v3;
	_ =	sdelay $0x1  }
0x2f: {  	[tilespmem:v2+s13+$0x0] =	vst.idx.msk $0xffff, v3;
	v3 =	vadd.s32 v0, v58  }
0x30: {  	[tilespmem:v2+s14+$0x0] =	vst.idx.msk $0xffff, v3  }
0x31: {  	v2 =	vld [tilespmem:s31+$0xFFFFFFF0];
	_ =	sdelay $0x3  }
0x32: {  	s1 =	sadd.s32 $0x30, s29  }
0x33: {  	v3 =	vor.u32 s1, v1  }
0x34: {  	v59 =	vmul.u32 $0xC, v3;
	_ =	sdelay $0x1  }
0x35: {  	[tilespmem:v2+s13+$0x0] =	vst.idx.msk $0xffff, v3;
	v3 =	vadd.s32 v0, v59  }
0x36: {  	[tilespmem:v2+s14+$0x0] =	vst.idx.msk $0xffff, v3  }
0x37: {  	v2 =	vld [tilespmem:s31+$0x0];
	_ =	sdelay $0x3  }
0x38: {  	s1 =	sadd.s32 $0x40, s29  }
0x39: {  	v3 =	vor.u32 s1, v1  }
0x3a: {  	v60 =	vmul.u32 $0xC, v3;
	_ =	sdelay $0x1  }
0x3b: {  	[tilespmem:v2+s13+$0x0] =	vst.idx.msk $0xffff, v3;
	v3 =	vadd.s32 v0, v60  }
0x3c: {  	[tilespmem:v2+s14+$0x0] =	vst.idx.msk $0xffff, v3  }
0x3d: {  	v2 =	vld [tilespmem:s31+$0x10];
	_ =	sdelay $0x3  }
0x3e: {  	s1 =	sadd.s32 $0x50, s29  }
0x3f: {  	v3 =	vor.u32 s1, v1  }
0x40: {  	v61 =	vmul.u32 $0xC, v3;
	_ =	sdelay $0x1  }
0x41: {  	[tilespmem:v2+s13+$0x0] =	vst.idx.msk $0xffff, v3;
	v3 =	vadd.s32 v0, v61  }
0x42: {  	[tilespmem:v2+s14+$0x0] =	vst.idx.msk $0xffff, v3  }
0x43: {  	v2 =	vld [tilespmem:s31+$0x20];
	_ =	sdelay $0x3  }
0x44: {  	s1 =	sadd.s32 $0x60, s29  }
0x45: {  	v3 =	vor.u32 s1, v1  }
0x46: {  	v62 =	vmul.u32 $0xC, v3;
	_ =	sdelay $0x1  }
0x47: {  	[tilespmem:v2+s13+$0x0] =	vst.idx.msk $0xffff, v3;
	v3 =	vadd.s32 v0, v62  }
0x48: {  	[tilespmem:v2+s14+$0x0] =	vst.idx.msk $0xffff, v3  }
0x49: {  	v2 =	vld [tilespmem:s31+$0x30];
	_ =	sdelay $0x2  }
0x4a: {  	s30 =	sadd.s32 $0x8, s30  }
0x4b: {  	p0 =	slt.u32 s30, $0x1F8;
	s1 =	sadd.s32 $0x70, s29  }
.Ltmp1:
0x4c: {  	v3 =	vor.u32 s1, v1;
	(pc) =	sbr.rel @p0 .LBB2_3-.Ltmp1, $3  }
0x4d: {  	v63 =	vmul.u32 $0xC, v3;
	_ =	sdelay $0x1  }
0x4e: {  	[tilespmem:v2+s13+$0x0] =	vst.idx.msk $0xffff, v3;
	v3 =	vadd.s32 v0, v63  }
0x4f: {  	s29 =	sadd.s32 $0x80, s29;
	s31 =	sadd.s32 $0x80, s31;
	[tilespmem:v2+s14+$0x0] =	vst.idx.msk $0xffff, v3  }
0x50: {  	s0 =	simm.s32 $0x0  }
0x51: {  	[hbm4b:s5+s0] =	stream.linear.scatter [tilespmem:s13], [sflag:$0x9], $0x2000, $0x38;
	[tilespmem:$0x16000] =	vst v63  }
0x52: {  	_ =	swait.ge [sflag:s12], $0x2000  }
0x53: {  	[sflag:s12] =	ssyncset.done $0x0  }
0x54: {  	s1 =	simm.s32 $0x4000;
	[sflag:s12] =	ssyncadd.s32 $0xFFFFE000  }
0x55: {  	[tilespmem:s16], [sflag:$0x1] =	stream.indirect.gather [hbm4b:s3+s15], $0x80, s1, s15, $0xb8;
	[tilespmem:$0x16000] =	vst v63  }
0x56: {  	s1 =	simm.s32 $0x4080  }
0x57: {  	[tilespmem:s17], [sflag:$0x2] =	stream.indirect.gather [hbm4b:s3+s15], $0x80, s1, s15, $0xb8;
	[tilespmem:$0x16000] =	vst v63  }
0x58: {  	s1 =	simm.s32 $0x4100  }
0x59: {  	[tilespmem:s18], [sflag:$0x3] =	stream.indirect.gather [hbm4b:s3+s15], $0x80, s1, s15, $0xb8;
	[tilespmem:$0x16000] =	vst v63  }
0x5a: {  	s1 =	simm.s32 $0x4180  }
0x5b: {  	[tilespmem:s19], [sflag:$0x4] =	stream.indirect.gather [hbm4b:s3+s15], $0x80, s1, s15, $0xb8;
	[tilespmem:$0x16000] =	vst v63  }
0x5c: {  	_ =	swait.ge [sflag:s4], $0x4000  }
0x5d: {  	[sflag:s4] =	ssyncset.done $0x0  }
0x5e: {  	s1 =	sadd.s32 $0x0, s8;
	[sflag:s4] =	ssyncadd.s32 $0xFFFFC000  }
0x5f: {  	[hbm4b:s1+s2] =	stream.linear.scatter [tilespmem:s16], [sflag:$0x5], $0x4000, $0x38;
	[tilespmem:$0x16000] =	vst v63  }
0x60: {  	_ =	swait.ge [sflag:s20], $0x4000  }
0x61: {  	[sflag:s20] =	ssyncset.done $0x0  }
0x62: {  	s1 =	sadd.s32 $0x0, s10;
	[sflag:s20] =	ssyncadd.s32 $0xFFFFC000  }
0x63: {  	[hbm4b:s1+s2] =	stream.linear.scatter [tilespmem:s17], [sflag:$0x6], $0x4000, $0x38;
	[tilespmem:$0x16000] =	vst v63  }
0x64: {  	_ =	swait.ge [sflag:s21], $0x4000  }
0x65: {  	[sflag:s21] =	ssyncset.done $0x0  }
0x66: {  	s1 =	sadd.s32 $0x0, s9;
	[sflag:s21] =	ssyncadd.s32 $0xFFFFC000  }
0x67: {  	[hbm4b:s1+s2] =	stream.linear.scatter [tilespmem:s18], [sflag:$0x7], $0x4000, $0x38;
	[tilespmem:$0x16000] =	vst v63  }
0x68: {  	_ =	swait.ge [sflag:s22], $0x4000  }
0x69: {  	[sflag:s22] =	ssyncset.done $0x0  }
0x6a: {  	s1 =	sadd.s32 $0x0, s11;
	[sflag:s22] =	ssyncadd.s32 $0xFFFFC000  }
0x6b: {  	[hbm4b:s1+s2] =	stream.linear.scatter [tilespmem:s19], [sflag:$0x8], $0x4000, $0x38;
	[tilespmem:$0x16000] =	vst v63  }
0x6c: {  	_ =	swait.ge [sflag:s23], $0x4000  }
0x6d: {  	[sflag:s23] =	ssyncset.done $0x0  }
0x6e: {  	[sflag:s23] =	ssyncadd.s32 $0xFFFFC000  }
0x6f: {  	_ =	swait.ge [sflag:s24], $0x4000  }
0x70: {  	[sflag:s24] =	ssyncset.done $0x0  }
0x71: {  	[sflag:s24] =	ssyncadd.s32 $0xFFFFC000  }
0x72: {  	_ =	swait.ge [sflag:s25], $0x4000  }
0x73: {  	[sflag:s25] =	ssyncset.done $0x0  }
0x74: {  	[sflag:s25] =	ssyncadd.s32 $0xFFFFC000  }
0x75: {  	s29 =	simm.s32 $0x2000;
	_ =	swait.ge [sflag:s26], $0x4000  }
0x76: {  	s31 =	simm.s32 $0x4000;
	s30 =	simm.s32 $0x4300;
	[sflag:s26] =	ssyncset.done $0x0  }
.LBB2_5:
0x77: {  	p0 =	sne.s32 s31, $0x1E000;
	s0 =	sadd.s32 $0xFFFFFF00, s30;
	[sflag:s26] =	ssyncadd.s32 $0xFFFFC000  }
0x78: {  	[tilespmem:s16], [sflag:$0x1] =	stream.indirect.gather [hbm4b:s3+s15], $0x80, s0, s15, $0xb8;
	[tilespmem:$0x16000] =	vst v63  }
0x79: {  	s1 =	smov.u32 s31;
	s31 =	sadd.s32 $0x2000, s31;
	s0 =	sadd.s32 $0xFFFFFF80, s30  }
0x7a: {  	[tilespmem:s17], [sflag:$0x2] =	stream.indirect.gather [hbm4b:s3+s15], $0x80, s0, s15, $0xb8;
	[tilespmem:$0x16000] =	vst v63  }
0x7b: {  	_ = 	snop  }
0x7c: {  	[tilespmem:s18], [sflag:$0x3] =	stream.indirect.gather [hbm4b:s3+s15], $0x80, s30, s15, $0xb8;
	[tilespmem:$0x16000] =	vst v63  }
0x7d: {  	s0 =	sadd.s32 $0x80, s30  }
0x7e: {  	[tilespmem:s19], [sflag:$0x4] =	stream.indirect.gather [hbm4b:s3+s15], $0x80, s0, s15, $0xb8;
	[tilespmem:$0x16000] =	vst v63  }
0x7f: {  	_ =	swait.ge [sflag:s4], $0x4000  }
0x80: {  	[sflag:s4] =	ssyncset.done $0x0  }
0x81: {  	s0 =	sadd.s32 s29, s8;
	[sflag:s4] =	ssyncadd.s32 $0xFFFFC000  }
0x82: {  	[hbm4b:s0+s2] =	stream.linear.scatter [tilespmem:s16], [sflag:$0x5], $0x4000, $0x38;
	[tilespmem:$0x16000] =	vst v63  }
0x83: {  	_ =	swait.ge [sflag:s20], $0x4000  }
0x84: {  	[sflag:s20] =	ssyncset.done $0x0  }
0x85: {  	s0 =	sadd.s32 s29, s10;
	[sflag:s20] =	ssyncadd.s32 $0xFFFFC000  }
0x86: {  	[hbm4b:s0+s2] =	stream.linear.scatter [tilespmem:s17], [sflag:$0x6], $0x4000, $0x38;
	[tilespmem:$0x16000] =	vst v63  }
0x87: {  	_ =	swait.ge [sflag:s21], $0x4000  }
0x88: {  	[sflag:s21] =	ssyncset.done $0x0  }
0x89: {  	s0 =	sadd.s32 s29, s9;
	[sflag:s21] =	ssyncadd.s32 $0xFFFFC000  }
0x8a: {  	[hbm4b:s0+s2] =	stream.linear.scatter [tilespmem:s18], [sflag:$0x7], $0x4000, $0x38;
	[tilespmem:$0x16000] =	vst v63  }
0x8b: {  	_ =	swait.ge [sflag:s22], $0x4000  }
0x8c: {  	[sflag:s22] =	ssyncset.done $0x0  }
0x8d: {  	s0 =	sadd.s32 s29, s11;
	s29 =	smov.u32 s1;
	[sflag:s22] =	ssyncadd.s32 $0xFFFFC000  }
0x8e: {  	[hbm4b:s0+s2] =	stream.linear.scatter [tilespmem:s19], [sflag:$0x8], $0x4000, $0x38;
	[tilespmem:$0x16000] =	vst v63  }
0x8f: {  	_ =	swait.ge [sflag:s23], $0x4000  }
0x90: {  	[sflag:s23] =	ssyncset.done $0x0  }
0x91: {  	[sflag:s23] =	ssyncadd.s32 $0xFFFFC000  }
0x92: {  	_ =	swait.ge [sflag:s24], $0x4000  }
0x93: {  	[sflag:s24] =	ssyncset.done $0x0  }
0x94: {  	[sflag:s24] =	ssyncadd.s32 $0xFFFFC000  }
.Ltmp2:
0x95: {  	_ =	swait.ge [sflag:s25], $0x4000;
	(pc) =	sbr.rel @p0 .LBB2_5-.Ltmp2, $4  }
0x96: {  	[sflag:s25] =	ssyncset.done $0x0  }
0x97: {  	[sflag:s25] =	ssyncadd.s32 $0xFFFFC000  }
0x98: {  	_ =	swait.ge [sflag:s26], $0x4000  }
0x99: {  	s30 =	sadd.s32 $0x200, s30;
	[sflag:s26] =	ssyncset.done $0x0  }
0x9a: {  	s0 =	sadd.s32 $0xFFFFFF00, s30;
	[sflag:s26] =	ssyncadd.s32 $0xFFFFC000  }
0x9b: {  	[tilespmem:s16], [sflag:$0x1] =	stream.indirect.gather [hbm4b:s3+s15], $0x80, s0, s15, $0xb8;
	[tilespmem:$0x16000] =	vst v63  }
0x9c: {  	s1 =	sadd.s32 $0xFFFFFF80, s30  }
0x9d: {  	[tilespmem:s17], [sflag:$0x2] =	stream.indirect.gather [hbm4b:s3+s15], $0x80, s1, s15, $0xb8;
	[tilespmem:$0x16000] =	vst v63  }
0x9e: {  	_ = 	snop  }
0x9f: {  	[tilespmem:s18], [sflag:$0x3] =	stream.indirect.gather [hbm4b:s3+s15], $0x80, s30, s15, $0xb8;
	[tilespmem:$0x16000] =	vst v63  }
0xa0: {  	s30 =	sadd.s32 $0x80, s30  }
0xa1: {  	[tilespmem:s19], [sflag:$0x4] =	stream.indirect.gather [hbm4b:s3+s15], $0x80, s30, s15, $0xb8;
	[tilespmem:$0x16000] =	vst v63  }
0xa2: {  	_ =	swait.ge [sflag:s4], $0x4000  }
0xa3: {  	[sflag:s4] =	ssyncset.done $0x0  }
0xa4: {  	s31 =	sadd.s32 s29, s8;
	[sflag:s4] =	ssyncadd.s32 $0xFFFFC000  }
0xa5: {  	[hbm4b:s31+s2] =	stream.linear.scatter [tilespmem:s16], [sflag:$0x5], $0x4000, $0x38;
	[tilespmem:$0x16000] =	vst v63  }
0xa6: {  	_ =	swait.ge [sflag:s20], $0x4000  }
0xa7: {  	[sflag:s20] =	ssyncset.done $0x0  }
0xa8: {  	s1 =	sadd.s32 s29, s10;
	[sflag:s20] =	ssyncadd.s32 $0xFFFFC000  }
0xa9: {  	[hbm4b:s1+s2] =	stream.linear.scatter [tilespmem:s17], [sflag:$0x6], $0x4000, $0x38;
	[tilespmem:$0x16000] =	vst v63  }
0xaa: {  	_ =	swait.ge [sflag:s21], $0x4000  }
0xab: {  	[sflag:s21] =	ssyncset.done $0x0  }
0xac: {  	s30 =	sadd.s32 s29, s9;
	[sflag:s21] =	ssyncadd.s32 $0xFFFFC000  }
0xad: {  	[hbm4b:s30+s2] =	stream.linear.scatter [tilespmem:s18], [sflag:$0x7], $0x4000, $0x38;
	[tilespmem:$0x16000] =	vst v63  }
0xae: {  	_ =	swait.ge [sflag:s22], $0x4000  }
0xaf: {  	[sflag:s22] =	ssyncset.done $0x0  }
0xb0: {  	s31 =	sadd.s32 s29, s11;
	[sflag:s22] =	ssyncadd.s32 $0xFFFFC000  }
0xb1: {  	[hbm4b:s31+s2] =	stream.linear.scatter [tilespmem:s19], [sflag:$0x8], $0x4000, $0x38;
	[tilespmem:$0x16000] =	vst v63  }
0xb2: {  	_ =	swait.ge [sflag:s23], $0x4000  }
0xb3: {  	[sflag:s23] =	ssyncset.done $0x0  }
0xb4: {  	[sflag:s23] =	ssyncadd.s32 $0xFFFFC000  }
0xb5: {  	_ =	swait.ge [sflag:s24], $0x4000  }
0xb6: {  	[sflag:s24] =	ssyncset.done $0x0  }
0xb7: {  	s28 =	sadd.s32 $0x1, s28;
	[sflag:s24] =	ssyncadd.s32 $0xFFFFC000  }
0xb8: {  	p0 =	sne.s32 s28, s7;
	_ =	swait.ge [sflag:s25], $0x4000  }
.Ltmp3:
0xb9: {  	[sflag:s25] =	ssyncset.done $0x0;
	(pc) =	sbr.rel @p0 .LBB2_2-.Ltmp3, $4  }
0xba: {  	[sflag:s25] =	ssyncadd.s32 $0xFFFFC000  }
0xbb: {  	_ =	swait.ge [sflag:s26], $0x4000  }
0xbc: {  	[sflag:s26] =	ssyncset.done $0x0  }
0xbd: {  	[sflag:s26] =	ssyncadd.s32 $0xFFFFC000  }
.LBB2_7:
0xbe: {  	_ =	sfence.sel $0x180000  }
0xbf: {  	[bflag:$0x0] =	sbarrier.arrive $0xFFFF  }
0xc0: {  	_ =	strace $0x90000047  }
0xc1: {  	s0 =	stileid.u32;
	[bflag:$0x2] =	sbarrier.arrive $0xFFFF  }
0xc2: {  	p0 =	sne.s32 s0, $0x0;
	s0 =	rddreg [dreg:$0x2]  }
0xc3: {  	s0 =	sadd.s32 @!p0 $0x100000, s0  }
0xc4: {  	[sflag:s0] =	ssyncadd.tile.s32 @!p0 $0x1;
	_ =	shalt  }
.Lfunc_end2:
_tile_overlayer_lowered:
.L_overlay_start_2:
0xc5: {  	(tag) =	ssettag $0x2  }
0xc6: {  	s0 =	rddreg [dreg:$0x0];
	s2 =	stileid.u32  }
0xc7: {  	s1 =	rddreg [dreg:$0x1];
	p0 =	sne.s32 s2, $0x0  }
0xc8: {  	s3 =	rddreg [dreg:$0x2];
	[bflag:$0x3] =	sbarrier.arrive $0xFFFF;
	s2 =	simm.s32 @!p0 $0x1C09  }
0xc9: {  	[timem:s3], [sflag:s2] =	dma.local @!p0 [hbm:s0], s1  }
0xca: {  	s0 =	simm.s32 @!p0 $0x9  }
0xcb: {  	_ =	swait.ge @!p0 [sflag:s0], s1  }
0xcc: {  	s1 =	ssub.s32 @!p0 $0x0, s1;
	[sflag:s0] =	ssyncset.done @!p0 $0x0  }
0xcd: {  	[sflag:s0] =	ssyncadd.s32 @!p0 s1  }
0xce: {  	[bflag:$0x3] =	sbarrier.arrive $0xFFFF  }
0xcf: {  	_ =	shalt  }

// kernel: kernel.13.cloned.1.call-start
scs
__scs_entry_jumppad:
0x0: {  	(pc) =	sbr.rel $0x88, $3  }
0x1: {  	(tag) =	ssettag $0x0;
	lr =	simm.s32 $0x1  }
0x2: {  	[smem:$0x3F9D] =	sst lr;
	_ =	strace $0xD0000000  }
0x3: {  	_ = 	snop  }
0x4: {  	_ = 	snop  }
0x5: {  	_ = 	snop  }
0x6: {  	_ = 	snop  }
0x7: {  	_ = 	snop  }
__scs_overlays_trampoline_lowered:
0x8: {  	[smem:$0x3FAC] =	sst s0  }
0x9: {  	[smem:$0x3FAD] =	sst s1  }
0xa: {  	[smem:$0x3FAE] =	sst s2  }
0xb: {  	[smem:$0x3FAF] =	sst s3  }
0xc: {  	[smem:$0x3FB0] =	sst s4  }
0xd: {  	[smem:$0x3FB1] =	sst s5  }
0xe: {  	[smem:$0x3FB2] =	sst s6  }
0xf: {  	[smem:$0x3FB3] =	sst s7  }
0x10: {  	[smem:$0x3FB4] =	sst s8  }
0x11: {  	[smem:$0x3FB5] =	sst s9;
	s0 =	simm.s32 @!p0 $0x0  }
0x12: {  	s1 =	sld [smem:$0x3F9B];
	s0 =	simm.s32 @p0 $0x1  }
0x13: {  	[smem:$0x3FB6] =	sst s0;
	s0 =	simm.s32 @!p1 $0x0  }
0x14: {  	s2 =	sld [smem:$0x3F9A];
	s0 =	simm.s32 @p1 $0x1  }
0x15: {  	[smem:$0x3FB7] =	sst s0;
	s0 =	simm.s32 @!p2 $0x0  }
0x16: {  	s3 =	sld [smem:$0x3FDB];
	s0 =	simm.s32 @p2 $0x1  }
0x17: {  	s4 =	simm.s32 $0x1BF5;
	[smem:$0x3FB9] =	sst s0  }
0x18: {  	s0 =	sld [smem:$0x3F9C];
	_ =	swait.ge [sflag:s4], $0x0  }
0x19: {  	s7 =	sld [smem:$0x3F9D]  }
0x1a: {  	s8 =	sadd.s32 $0xFFFFE003, lr  }
0x1b: {  	s9 =	sadd.s32 $0xFFFFFEF7, lr;
	s5 =	simm.s32 $0xFFFFFFFF;
	p2 =	slt.u32 s8, $0xFFFFF086  }
0x1c: {  	p1 =	slt.u32 s9, $0xF7A;
	s5 =	simm.s32 @!p2 $0x0  }
0x1d: {  	s5 =	simm.s32 @p1 $0x1;
	p0 =	seq.s32 s7, s2  }
0x1e: {  	s7 =	smul.u32 @!p0 $0xF7A, s2;
	p2 =	seq.s32 @!p0 s5, $0x0  }
0x1f: {  	s9 =	smul.u32 $0xF7A, s1;
	s8 =	simm.s32 @!p0 $0x1BF5;
	p2 =	por !p2, p0  }
0x20: {  	[sflag:s8] =	ssyncset.s32 @!p0 $0xFFFFF086;
	s6 =	sadd.s32 @!p0 s3, s7;
	s7 =	simm.s32 @!p0 $0x108  }
0x21: {  	s3 =	sadd.s32 s3, s9;
	s6 =	sadd.s32 @!p0 $0x88, s6;
	s7 =	simm.s32 @p2 $0x1082  }
0x22: {  	[simem:s7], [sflag:s8] =	dma.local @!p0 [hbm:s6], $0xF7A  }
0x23: {  	s9 =	sor.u32 $0xD0000000, s2;
	s6 =	simm.s32 $0x108;
	_ =	swait.ge @!p0 [sflag:s8], $0x0  }
0x24: {  	s3 =	sadd.s32 $0x88, s3;
	s6 =	simm.s32 @!p1 $0x1082;
	[sflag:s4] =	ssyncset.s32 $0xFFFFF086  }
0x25: {  	[simem:s6], [sflag:s4] =	dma.local [hbm:s3], $0xF7A  }
0x26: {  	[smem:$0x3F9D] =	sst s1;
	(tag) =	ssettag s2;
	_ =	strace s9  }
0x27: {  	s1 =	sld [smem:$0x3FAD]  }
0x28: {  	s2 =	sld [smem:$0x3FAE]  }
0x29: {  	s4 =	sld [smem:$0x3FB0]  }
0x2a: {  	p0 =	seq.s32 s5, $0x0;
	s5 =	sld [smem:$0x3FB1]  }
0x2b: {  	s6 =	sld [smem:$0x3FB2]  }
0x2c: {  	s7 =	sld [smem:$0x3FB3]  }
0x2d: {  	s3 =	simm.s32 $0x108;
	s8 =	sld [smem:$0x3FB4]  }
0x2e: {  	s3 =	simm.s32 @!p0 $0x1082;
	s9 =	sld [smem:$0x3FB5]  }
0x2f: {  	lr =	sadd.s32 s0, s3;
	s0 =	sld [smem:$0x3FAC]  }
0x30: {  	s3 =	sld [smem:$0x3FAF]  }
0x31: {  	[smem:$0x3FB8] =	sst s10  }
0x32: {  	s10 =	sld [smem:$0x3FB6];
	_ =	sdelay $0x3  }
0x33: {  	p0 =	seq.s32 s10, $0x1;
	s10 =	sld [smem:$0x3FB8];
	_ =	sdelay $0x3  }
0x34: {  	[smem:$0x3FB8] =	sst s10  }
0x35: {  	s10 =	sld [smem:$0x3FB7];
	_ =	sdelay $0x3  }
0x36: {  	p1 =	seq.s32 s10, $0x1;
	s10 =	sld [smem:$0x3FB8];
	_ =	sdelay $0x3  }
0x37: {  	[smem:$0x3FB8] =	sst s10  }
0x38: {  	s10 =	sld [smem:$0x3FB9]  }
0x39: {  	_ = 	snop;
	(pc) =	sbr.ind lr, $3  }
0x3a: {  	_ = 	snop  }
0x3b: {  	_ = 	snop  }
0x3c: {  	p2 =	seq.s32 s10, $0x1;
	s10 =	sld [smem:$0x3FB8]  }
0x3d: {  	_ =	shalt  }
0x3e: {  	_ =	shalt  }
0x3f: {  	_ =	shalt  }
0x40: {  	_ =	shalt  }
0x41: {  	_ =	shalt  }
0x42: {  	_ =	shalt  }
0x43: {  	_ =	shalt  }
0x44: {  	_ =	shalt  }
0x45: {  	_ =	shalt  }
0x46: {  	_ =	shalt  }
0x47: {  	_ =	shalt  }
0x48: {  	_ =	shalt  }
0x49: {  	_ =	shalt  }
0x4a: {  	_ =	shalt  }
0x4b: {  	_ =	shalt  }
0x4c: {  	_ =	shalt  }
0x4d: {  	_ =	shalt  }
0x4e: {  	_ =	shalt  }
0x4f: {  	_ =	shalt  }
0x50: {  	_ =	shalt  }
0x51: {  	_ =	shalt  }
0x52: {  	_ =	shalt  }
0x53: {  	_ =	shalt  }
0x54: {  	_ =	shalt  }
0x55: {  	_ =	shalt  }
0x56: {  	_ =	shalt  }
0x57: {  	_ =	shalt  }
0x58: {  	_ =	shalt  }
0x59: {  	_ =	shalt  }
0x5a: {  	_ =	shalt  }
0x5b: {  	_ =	shalt  }
0x5c: {  	_ =	shalt  }
0x5d: {  	_ =	shalt  }
0x5e: {  	_ =	shalt  }
0x5f: {  	_ =	shalt  }
0x60: {  	_ =	shalt  }
0x61: {  	_ =	shalt  }
0x62: {  	_ =	shalt  }
0x63: {  	_ =	shalt  }
0x64: {  	_ =	shalt  }
0x65: {  	_ =	shalt  }
0x66: {  	_ =	shalt  }
0x67: {  	_ =	shalt  }
0x68: {  	_ =	shalt  }
0x69: {  	_ =	shalt  }
0x6a: {  	_ =	shalt  }
0x6b: {  	_ =	shalt  }
0x6c: {  	_ =	shalt  }
0x6d: {  	_ =	shalt  }
0x6e: {  	_ =	shalt  }
0x6f: {  	_ =	shalt  }
0x70: {  	_ =	shalt  }
0x71: {  	_ =	shalt  }
0x72: {  	_ =	shalt  }
0x73: {  	_ =	shalt  }
0x74: {  	_ =	shalt  }
0x75: {  	_ =	shalt  }
0x76: {  	_ =	shalt  }
0x77: {  	_ =	shalt  }
0x78: {  	_ =	shalt  }
0x79: {  	_ =	shalt  }
0x7a: {  	_ =	shalt  }
0x7b: {  	_ =	shalt  }
0x7c: {  	_ =	shalt  }
0x7d: {  	_ =	shalt  }
0x7e: {  	_ =	shalt  }
0x7f: {  	_ =	shalt  }
0x80: {  	_ =	shalt  }
0x81: {  	_ =	shalt  }
0x82: {  	_ =	shalt  }
0x83: {  	_ =	shalt  }
0x84: {  	_ =	shalt  }
0x85: {  	_ =	shalt  }
0x86: {  	_ =	shalt  }
0x87: {  	_ =	shalt  }
.Lfunc_end0:
.L_simem_size_0:
called_computation.1_lowered:
.L_overlay_start_0:
0x88: {  	s2 =	sld [smem:$0x3FD9]  }
0x89: {  	s3 =	sld [smem:$0x3FFE];
	_ =	sdelay $0x1  }
0x8a: {  	s1 =	srdreg.scid  }
0x8b: {  	s0 =	sand.u32 $0x1, s1  }
0x8c: {  	s17 =	sshll.u32 s0, $0xA;
	s2 =	sadd.s32 s3, s2  }
0x8d: {  	s2 =	sadd.s32 s2, s17  }
0x8e: {  	[smem:$0x3FC4] =	sst s2  }
0x8f: {  	_ = 	snop  }
0x90: {  	s18 =	sld [smem:$0x3FD0];
	(tm) =	ssettm $0x1  }
0x91: {  	s19 =	sld [smem:$0x3FFB];
	_ =	sdelay $0x3  }
0x92: {  	_ =	strace s19  }
0x93: {  	s2 =	sld [smem:$0x3FFC];
	_ =	sdelay $0x3  }
0x94: {  	_ =	strace s2  }
0x95: {  	s2 =	sld [smem:$0x3FFD];
	_ =	sdelay $0x3  }
0x96: {  	_ =	strace s2  }
0x97: {  	_ =	strace $0x8FFFFFFF  }
0x98: {  	s20 =	sld [smem:$0x3FDB];
	_ =	sdelay $0x1  }
0x99: {  	s4 =	simm.s32 $_scs_section_size  }
0x9a: {  	s5 =	simm.s32 $_size__tile_overlayer_lowered;
	s6 =	simm.s32 $_tile_overlayer_lowered  }
0x9b: {  	s7 =	simm.s32 $0x1BFF;
	s21 =	sshll.u32 s6, $0x1;
	s4 =	sadd.s32 s4, s20  }
0x9c: {  	s22 =	simm.s32 $0x0;
	s5 =	sshll.u32 s5, $0x1;
	s6 =	sadd.s32 s21, s4  }
0x9d: {  	[timem:s22], [sflag:s7] =	dma.local [hbm:s6], s5  }
0x9e: {  	_ =	swait.ge [sflag:s7], s5  }
0x9f: {  	s5 =	ssub.s32 $0x0, s5;
	[sflag:s7] =	ssyncset.done $0x0  }
0xa0: {  	[sflag:s7] =	ssyncadd.s32 s5;
	_ =	sdelay $0x1  }
0xa1: {  	s23 =	simm.s32 $0x1B8B  }
0xa2: {  	_ =	swait.ge [sflag:s23], $0x1  }
0xa3: {  	[sflag:s23] =	ssyncset.done $0x0  }
0xa4: {  	[sflag:s23] =	ssyncadd.s32 $0xFFFFFFFF  }
0xa5: {  	s5 =	sld [smem:$0x0]  }
0xa6: {  	s6 =	sand.u32 $0xFFFFFFFE, s1  }
0xa7: {  	p0 =	sne.s32 s1, s6  }
0xa8: {  	s6 =	sshll.u32 @p0 s6, $0xE  }
0xa9: {  	s6 =	sadd.s32 @p0 $0x11B8D, s6;
	s7 =	sshll.u32 @p0 s5, $0x11  }
0xaa: {  	s6 =	sor.u32 @p0 s7, s6  }
0xab: {  	[sflag:s6] =	ssyncadd.remote.s32 @p0 $0x1;
	_ =	sdelay $0x1  }
0xac: {  	s6 =	simm.s32 @p0 $0x1B8D  }
0xad: {  	_ =	swait.eq @p0 [sflag:s6], $0x1  }
0xae: {  	[sflag:s6] =	ssyncadd.s32 @p0 $0xFFFFFFFF  }
0xaf: {  	s7 =	sshll.u32 @!p0 s1, $0xE  }
0xb0: {  	s7 =	sor.u32 @!p0 $0x4000, s7;
	s6 =	simm.s32 @!p0 $0x1B8D  }
0xb1: {  	s5 =	sshll.u32 @!p0 s5, $0x11;
	s7 =	sadd.s32 @!p0 $0x11B8D, s7;
	_ =	swait.eq @!p0 [sflag:s6], $0x1  }
0xb2: {  	s5 =	sor.u32 @!p0 s5, s7;
	[sflag:s6] =	ssyncadd.s32 @!p0 $0xFFFFFFFF  }
0xb3: {  	s25 =	simm.s32 $0x1B8E;
	s24 =	sld [smem:$0x3FFE];
	[sflag:s5] =	ssyncadd.remote.s32 @!p0 $0x1  }
0xb4: {  	s26 =	simm.s32 $execute0_lowered;
	[smem:$0x3FD2] =	sst s25  }
0xb5: {  	s6 =	sshll.u32 s26, $0x1;
	_ =	strace $0x8000004C;
	[dreg:$0x1] =	wrdreg $0xFFFFFFFF  }
0xb6: {  	s28 =	simm.s32 $_size_execute0_lowered;
	s4 =	sadd.s32 s4, s6;
	[dreg:$0x0] =	wrdreg $0x0  }
0xb7: {  	s6 =	sshll.u32 s28, $0x1;
	[dreg:$0x2] =	wrdreg s4  }
0xb8: {  	[dreg:$0x3] =	wrdreg s6  }
0xb9: {  	[dreg:$0x4] =	wrdreg $0xC0  }
0xba: {  	_ =	task [dreg:s22], $0x5FFFF  }
0xbb: {  	[dreg:$0x1] =	wrdreg $0xFFFFFFFF  }
0xbc: {  	[dreg:$0x0] =	wrdreg $0x60  }
0xbd: {  	[dreg:$0x2] =	wrdreg s18  }
0xbe: {  	[dreg:$0x3] =	wrdreg s24  }
0xbf: {  	[dreg:$0x4] =	wrdreg $0x9  }
0xc0: {  	_ =	task.clear_ibuf [dreg:s22], $0x5FFFF;
	_ =	strace $0x9000004C  }
0xc1: {  	s29 =	simm.s32 $0x9;
	_ =	strace $0x8000004E  }
0xc2: {  	_ =	swait.ge [sflag:s29], $0x1  }
0xc3: {  	[sflag:s29] =	ssyncadd.s32 $0xFFFFFFFF  }
0xc4: {  	_ =	strace $0x9000004E  }
0xc5: {  	_ =	sfence  }
0xc6: {  	s30 =	sld [smem:$0x0];
	_ =	sdelay $0x2  }
0xc7: {  	s31 =	sshll.u32 s1, $0xD;
	s1 =	sshrl.u32 s1, $0x2  }
0xc8: {  	s4 =	sand.u32 $0x4000, s31;
	s1 =	sadd.s32 s1, s30  }
0xc9: {  	s0 =	sor.u32 s4, s0;
	s1 =	sshll.u32 s1, $0x11  }
0xca: {  	s0 =	sor.u32 s1, s0  }
0xcb: {  	s0 =	sadd.s32 $0x8F2B, s0  }
0xcc: {  	[sflag:s0] =	ssyncadd.remote.s32 $0x1  }
0xcd: {  	_ =	sfence.sel $0xFFFF  }
0xce: {  	[dreg:$0x0] =	wrdreg $0xFFFFFFFF;
	(pc) =	sbr.abs _section_cstart, $3  }
0xcf: {  	[dreg:$0x1] =	wrdreg $0xFFFFFFFF  }
0xd0: {  	_ =	task.clear_ibuf [dreg:s22], $0x2FFFF;
	_ =	strace $0x9FFFFFFF  }
0xd1: {  	(tm) =	ssettm $0x7FFFFFFF  }
tec
execute0_lowered:
.L_overlay_start_1:
0x0: {  	(tag) =	ssettag $0x1  }
0x1: {  	s0 =	srdreg.scid;
	s1 =	rddreg [dreg:$0x0]  }
0x2: {  	s10 =	stileid.u32;
	s4 =	rddreg [dreg:$0x1]  }
0x3: {  	s11 =	simm.s32 $0x9;
	s12 =	simm.s32 $0x80;
	s13 =	simm.s32 $0x1800  }
0x4: {  	s14 =	simm.s32 $0x5800;
	s15 =	simm.s32 $0x9800;
	s16 =	simm.s32 $0xD800  }
0x5: {  	s17 =	simm.s32 $0x1;
	s18 =	simm.s32 $0x2;
	s19 =	simm.s32 $0x3  }
0x6: {  	s20 =	simm.s32 $0x4;
	s21 =	simm.s32 $0x5;
	s22 =	simm.s32 $0x6  }
0x7: {  	s23 =	simm.s32 $0x7;
	s24 =	simm.s32 $0x8;
	s6 =	smul.u32 $0x1800, s10  }
0x8: {  	s0 =	sand.u32 $0x1, s0;
	s2 =	sshll.u32 s10, $0x1;
	s30 =	smul.u32 $0x18000, s10  }
0x9: {  	s25 =	simm.s32 $0x0;
	s3 =	sor.u32 s0, s2;
	s8 =	smul.u32 $0xC00, s0  }
0xa: {  	s2 =	simm.s32 $0x0;
	s7 =	ssub.s32 $0x2, s0;
	s0 =	smul.u32 $0xC000, s0  }
0xb: {  	s5 =	smul.u32 $0xC00, s3;
	[smem:$0x7FF] =	sst s2;
	s3 =	sadd.s32 $0x781C00, s4  }
0xc: {  	s4 =	sadd.s32 $0x18AC00, s4;
	s9 =	sshrl.u32 s7, $0x1;
	_ =	strace $0x8000004D  }
0xd: {  	s7 =	ssub.s32 s7, s9;
	s6 =	sadd.s32 s8, s6;
	s5 =	sshrl.u32 s5, $0x3  }
0xe: {  	s29 =	sshll.u32 s6, $0x4;
	s31 =	smax.u32 s7, $0x1;
	s1 =	sadd.s32 s1, s5  }
0xf: {  	s6 =	sor.u32 $0x70, s6;
	[dreg:$0x3] =	wrdreg s1;
	s1 =	sadd.s32 s29, s4  }
0x10: {  	[dreg:$0x4] =	wrdreg s31;
	s4 =	sadd.s32 s30, s4;
	s7 =	sadd.s32 $0x1000, s1  }
0x11: {  	s8 =	sadd.s32 $0x800, s1;
	s9 =	sadd.s32 s0, s4;
	s10 =	sadd.s32 $0x1800, s1  }
.LBB2_1:
0x12: {  	s0 =	rddreg [dreg:$0x3]  }
0x13: {  	[tilespmem:s2], [sflag:$0x9] =	stream.linear.gather [hbm4b:s0+s2], $0xC00, $0x38;
	[tilespmem:$0x11800] =	vst v63  }
0x14: {  	_ =	swait.ge [sflag:s11], $0xC00  }
0x15: {  	[sflag:s11] =	ssyncset.done $0x0  }
0x16: {  	s0 =	simm.s32 $0x40;
	[sflag:s11] =	ssyncadd.s32 $0xFFFFF400  }
0x17: {  	s1 =	sadd.s32 $0xFFFFFF90, s6;
	v0 =	vld [tilespmem:s0+$0xFFFFFFC0]  }
0x18: {  	v1 =	vmov s1  }
0x19: {  	v1 =	vand.u32 $0xFFFFE000, v1  }
0x1a: {  	v1 =	vbroadcast v1, $0x0;
	_ =	sdelay $0x1  }
0x1b: {  	s26 =	simm.s32 $0xC40;
	v0 =	vadd.s32 v1, v0  }
0x1c: {  	[tilespmem:s26+$0xFFFFFFC0] =	vst v0  }
0x1d: {  	s4 =	sadd.s32 $0xFFFFFFA0, s6;
	v0 =	vld [tilespmem:s0+$0xFFFFFFD0]  }
0x1e: {  	v57 =	vmov s4  }
0x1f: {  	v1 =	vand.u32 $0xFFFFE000, v57  }
0x20: {  	v1 =	vbroadcast v1, $0x0;
	_ =	sdelay $0x1  }
0x21: {  	v0 =	vadd.s32 v1, v0  }
0x22: {  	[tilespmem:s26+$0xFFFFFFD0] =	vst v0  }
0x23: {  	s5 =	sadd.s32 $0xFFFFFFB0, s6;
	v0 =	vld [tilespmem:s0+$0xFFFFFFE0]  }
0x24: {  	v58 =	vmov s5  }
0x25: {  	v1 =	vand.u32 $0xFFFFE000, v58  }
0x26: {  	v1 =	vbroadcast v1, $0x0;
	_ =	sdelay $0x1  }
0x27: {  	v0 =	vadd.s32 v1, v0  }
0x28: {  	[tilespmem:s26+$0xFFFFFFE0] =	vst v0  }
0x29: {  	s31 =	sadd.s32 $0xFFFFFFC0, s6;
	v0 =	vld [tilespmem:s0+$0xFFFFFFF0]  }
0x2a: {  	v59 =	vmov s31  }
0x2b: {  	v1 =	vand.u32 $0xFFFFE000, v59  }
0x2c: {  	v1 =	vbroadcast v1, $0x0;
	_ =	sdelay $0x1  }
0x2d: {  	v0 =	vadd.s32 v1, v0  }
0x2e: {  	[tilespmem:s26+$0xFFFFFFF0] =	vst v0  }
0x2f: {  	s4 =	sadd.s32 $0xFFFFFFD0, s6;
	v0 =	vld [tilespmem:s0+$0x0]  }
0x30: {  	v60 =	vmov s4  }
0x31: {  	v1 =	vand.u32 $0xFFFFE000, v60  }
0x32: {  	v1 =	vbroadcast v1, $0x0;
	_ =	sdelay $0x1  }
0x33: {  	v0 =	vadd.s32 v1, v0  }
0x34: {  	[tilespmem:s26+$0x0] =	vst v0  }
0x35: {  	s5 =	sadd.s32 $0xFFFFFFE0, s6;
	v0 =	vld [tilespmem:s0+$0x10]  }
0x36: {  	v61 =	vmov s5  }
0x37: {  	v1 =	vand.u32 $0xFFFFE000, v61  }
0x38: {  	v1 =	vbroadcast v1, $0x0;
	_ =	sdelay $0x1  }
0x39: {  	v0 =	vadd.s32 v1, v0  }
0x3a: {  	[tilespmem:s26+$0x10] =	vst v0  }
0x3b: {  	s31 =	sadd.s32 $0xFFFFFFF0, s6;
	v0 =	vld [tilespmem:s0+$0x20]  }
0x3c: {  	v62 =	vmov s31  }
0x3d: {  	v1 =	vand.u32 $0xFFFFE000, v62  }
0x3e: {  	v1 =	vbroadcast v1, $0x0;
	_ =	sdelay $0x1  }
0x3f: {  	v0 =	vadd.s32 v1, v0  }
0x40: {  	[tilespmem:s26+$0x20] =	vst v0  }
0x41: {  	v0 =	vld [tilespmem:s0+$0x30]  }
0x42: {  	v63 =	vmov s6  }
0x43: {  	v1 =	vand.u32 $0xFFFFE000, v63  }
0x44: {  	v1 =	vbroadcast v1, $0x0;
	_ =	sdelay $0x1  }
0x45: {  	v0 =	vadd.s32 v1, v0  }
0x46: {  	s28 =	simm.s32 $0x0;
	s29 =	sadd.s32 $0x80, s6;
	s30 =	simm.s32 $0xC0;
	[tilespmem:s26+$0x30] =	vst v0  }
.LBB2_2:
0x47: {  	s0 =	sadd.s32 $0xFFFFFF90, s29;
	v0 =	vld [tilespmem:s30+$0xFFFFFFC0];
	s28 =	sadd.s32 $0x8, s28  }
0x48: {  	v1 =	vmov s0;
	p0 =	slt.u32 s28, $0xB8  }
0x49: {  	v1 =	vand.u32 $0xFFFFE000, v1  }
0x4a: {  	v1 =	vbroadcast v1, $0x0;
	_ =	sdelay $0x1  }
0x4b: {  	s26 =	sadd.s32 $0x80, s26;
	v0 =	vadd.s32 v1, v0  }
0x4c: {  	[tilespmem:s26+$0xFFFFFFC0] =	vst v0  }
0x4d: {  	s0 =	sadd.s32 $0xFFFFFFA0, s29;
	v0 =	vld [tilespmem:s30+$0xFFFFFFD0]  }
0x4e: {  	v1 =	vmov s0  }
0x4f: {  	v1 =	vand.u32 $0xFFFFE000, v1  }
0x50: {  	v1 =	vbroadcast v1, $0x0;
	_ =	sdelay $0x1  }
0x51: {  	v0 =	vadd.s32 v1, v0  }
0x52: {  	[tilespmem:s26+$0xFFFFFFD0] =	vst v0  }
0x53: {  	s0 =	sadd.s32 $0xFFFFFFB0, s29;
	v0 =	vld [tilespmem:s30+$0xFFFFFFE0]  }
0x54: {  	v1 =	vmov s0  }
0x55: {  	v1 =	vand.u32 $0xFFFFE000, v1  }
0x56: {  	v1 =	vbroadcast v1, $0x0;
	_ =	sdelay $0x1  }
0x57: {  	v0 =	vadd.s32 v1, v0  }
0x58: {  	[tilespmem:s26+$0xFFFFFFE0] =	vst v0  }
0x59: {  	s0 =	sadd.s32 $0xFFFFFFC0, s29;
	v0 =	vld [tilespmem:s30+$0xFFFFFFF0]  }
0x5a: {  	v1 =	vmov s0  }
0x5b: {  	v1 =	vand.u32 $0xFFFFE000, v1  }
0x5c: {  	v1 =	vbroadcast v1, $0x0;
	_ =	sdelay $0x1  }
0x5d: {  	v0 =	vadd.s32 v1, v0  }
0x5e: {  	[tilespmem:s26+$0xFFFFFFF0] =	vst v0  }
0x5f: {  	s0 =	sadd.s32 $0xFFFFFFD0, s29;
	v0 =	vld [tilespmem:s30+$0x0]  }
0x60: {  	v1 =	vmov s0  }
0x61: {  	v1 =	vand.u32 $0xFFFFE000, v1  }
0x62: {  	v1 =	vbroadcast v1, $0x0;
	_ =	sdelay $0x1  }
0x63: {  	v0 =	vadd.s32 v1, v0  }
0x64: {  	[tilespmem:s26+$0x0] =	vst v0  }
0x65: {  	s0 =	sadd.s32 $0xFFFFFFE0, s29;
	v0 =	vld [tilespmem:s30+$0x10]  }
0x66: {  	v1 =	vmov s0  }
0x67: {  	v1 =	vand.u32 $0xFFFFE000, v1  }
0x68: {  	v1 =	vbroadcast v1, $0x0;
	_ =	sdelay $0x1  }
0x69: {  	v0 =	vadd.s32 v1, v0  }
0x6a: {  	[tilespmem:s26+$0x10] =	vst v0  }
0x6b: {  	s0 =	sadd.s32 $0xFFFFFFF0, s29;
	v0 =	vld [tilespmem:s30+$0x20]  }
0x6c: {  	v1 =	vmov s0  }
0x6d: {  	v1 =	vand.u32 $0xFFFFE000, v1  }
0x6e: {  	v1 =	vbroadcast v1, $0x0;
	_ =	sdelay $0x1  }
0x6f: {  	v0 =	vadd.s32 v1, v0  }
0x70: {  	[tilespmem:s26+$0x20] =	vst v0  }
0x71: {  	v0 =	vld [tilespmem:s30+$0x30]  }
0x72: {  	v1 =	vmov s29  }
.Ltmp0:
0x73: {  	v1 =	vand.u32 $0xFFFFE000, v1;
	(pc) =	sbr.rel @p0 .LBB2_2-.Ltmp0, $3  }
0x74: {  	v1 =	vbroadcast v1, $0x0;
	_ =	sdelay $0x1  }
0x75: {  	v0 =	vadd.s32 v1, v0  }
0x76: {  	s29 =	sadd.s32 $0x80, s29;
	s30 =	sadd.s32 $0x80, s30;
	[tilespmem:s26+$0x30] =	vst v0  }
0x77: {  	s0 =	simm.s32 $0xC00  }
0x78: {  	[tilespmem:s13], [sflag:$0x1] =	stream.indirect.gather [hbm4b:s3+s12], $0x80, s0, s12, $0xb8;
	[tilespmem:$0x11800] =	vst v63  }
0x79: {  	s4 =	simm.s32 $0xC80  }
0x7a: {  	[tilespmem:s14], [sflag:$0x2] =	stream.indirect.gather [hbm4b:s3+s12], $0x80, s4, s12, $0xb8;
	[tilespmem:$0x11800] =	vst v63  }
0x7b: {  	s5 =	simm.s32 $0xD00  }
0x7c: {  	[tilespmem:s15], [sflag:$0x3] =	stream.indirect.gather [hbm4b:s3+s12], $0x80, s5, s12, $0xb8;
	[tilespmem:$0x11800] =	vst v63  }
0x7d: {  	s26 =	simm.s32 $0xD80  }
0x7e: {  	[tilespmem:s16], [sflag:$0x4] =	stream.indirect.gather [hbm4b:s3+s12], $0x80, s26, s12, $0xb8;
	[tilespmem:$0x11800] =	vst v63  }
0x7f: {  	_ =	swait.ge [sflag:s17], $0x4000  }
0x80: {  	[sflag:s17] =	ssyncset.done $0x0  }
0x81: {  	[sflag:s17] =	ssyncadd.s32 $0xFFFFC000  }
0x82: {  	[hbm4b:s9+s2] =	stream.linear.scatter [tilespmem:s13], [sflag:$0x5], $0x4000, $0x38;
	[tilespmem:$0x11800] =	vst v63  }
0x83: {  	_ =	swait.ge [sflag:s18], $0x4000  }
0x84: {  	[sflag:s18] =	ssyncset.done $0x0  }
0x85: {  	[sflag:s18] =	ssyncadd.s32 $0xFFFFC000  }
0x86: {  	[hbm4b:s8+s2] =	stream.linear.scatter [tilespmem:s14], [sflag:$0x6], $0x4000, $0x38;
	[tilespmem:$0x11800] =	vst v63  }
0x87: {  	_ =	swait.ge [sflag:s19], $0x4000  }
0x88: {  	[sflag:s19] =	ssyncset.done $0x0  }
0x89: {  	[sflag:s19] =	ssyncadd.s32 $0xFFFFC000  }
0x8a: {  	[hbm4b:s7+s2] =	stream.linear.scatter [tilespmem:s15], [sflag:$0x7], $0x4000, $0x38;
	[tilespmem:$0x11800] =	vst v63  }
0x8b: {  	_ =	swait.ge [sflag:s20], $0x4000  }
0x8c: {  	[sflag:s20] =	ssyncset.done $0x0  }
0x8d: {  	[sflag:s20] =	ssyncadd.s32 $0xFFFFC000  }
0x8e: {  	[hbm4b:s10+s2] =	stream.linear.scatter [tilespmem:s16], [sflag:$0x8], $0x4000, $0x38;
	[tilespmem:$0x11800] =	vst v63  }
0x8f: {  	_ =	swait.ge [sflag:s21], $0x4000  }
0x90: {  	[sflag:s21] =	ssyncset.done $0x0  }
0x91: {  	[sflag:s21] =	ssyncadd.s32 $0xFFFFC000  }
0x92: {  	_ =	swait.ge [sflag:s22], $0x4000  }
0x93: {  	[sflag:s22] =	ssyncset.done $0x0  }
0x94: {  	[sflag:s22] =	ssyncadd.s32 $0xFFFFC000  }
0x95: {  	_ =	swait.ge [sflag:s23], $0x4000  }
0x96: {  	[sflag:s23] =	ssyncset.done $0x0  }
0x97: {  	s31 =	simm.s32 $0x1000;
	s28 =	sadd.s32 $0x2000, s8;
	[sflag:s23] =	ssyncadd.s32 $0xFFFFC000  }
0x98: {  	s30 =	sadd.s32 $0x2000, s9;
	s29 =	sadd.s32 $0x2000, s7;
	_ =	swait.ge [sflag:s24], $0x4000  }
0x99: {  	s0 =	simm.s32 $0x200;
	s26 =	sadd.s32 $0x2000, s10;
	[sflag:s24] =	ssyncset.done $0x0  }
.LBB2_4:
0x9a: {  	s5 =	sadd.s32 $0xC00, s0  }
0x9b: {  	[sflag:s24] =	ssyncadd.s32 $0xFFFFC000;
	s1 =	smov.u32 s31;
	s4 =	sadd.s32 $0x800, s31  }
0x9c: {  	[tilespmem:s13], [sflag:$0x1] =	stream.indirect.gather [hbm4b:s3+s12], $0x80, s5, s12, $0xb8;
	[tilespmem:$0x11800] =	vst v63  }
0x9d: {  	p0 =	sne.s32 s31, $0x2800;
	s5 =	sadd.s32 $0xC80, s0  }
0x9e: {  	[tilespmem:s14], [sflag:$0x2] =	stream.indirect.gather [hbm4b:s3+s12], $0x80, s5, s12, $0xb8;
	[tilespmem:$0x11800] =	vst v63  }
0x9f: {  	s5 =	sadd.s32 $0xD00, s0  }
0xa0: {  	[tilespmem:s15], [sflag:$0x3] =	stream.indirect.gather [hbm4b:s3+s12], $0x80, s5, s12, $0xb8;
	[tilespmem:$0x11800] =	vst v63  }
0xa1: {  	s0 =	sadd.s32 $0xD80, s0  }
0xa2: {  	[tilespmem:s16], [sflag:$0x4] =	stream.indirect.gather [hbm4b:s3+s12], $0x80, s0, s12, $0xb8;
	[tilespmem:$0x11800] =	vst v63  }
0xa3: {  	_ =	swait.ge [sflag:s17], $0x4000  }
0xa4: {  	[sflag:s17] =	ssyncset.done $0x0  }
0xa5: {  	[sflag:s17] =	ssyncadd.s32 $0xFFFFC000  }
0xa6: {  	[hbm4b:s30+s2] =	stream.linear.scatter [tilespmem:s13], [sflag:$0x5], $0x4000, $0x38;
	[tilespmem:$0x11800] =	vst v63  }
0xa7: {  	_ =	swait.ge [sflag:s18], $0x4000  }
0xa8: {  	[sflag:s18] =	ssyncset.done $0x0  }
0xa9: {  	[sflag:s18] =	ssyncadd.s32 $0xFFFFC000  }
0xaa: {  	[hbm4b:s28+s2] =	stream.linear.scatter [tilespmem:s14], [sflag:$0x6], $0x4000, $0x38;
	[tilespmem:$0x11800] =	vst v63  }
0xab: {  	_ =	swait.ge [sflag:s19], $0x4000  }
0xac: {  	[sflag:s19] =	ssyncset.done $0x0  }
0xad: {  	[sflag:s19] =	ssyncadd.s32 $0xFFFFC000  }
0xae: {  	[hbm4b:s29+s2] =	stream.linear.scatter [tilespmem:s15], [sflag:$0x7], $0x4000, $0x38;
	[tilespmem:$0x11800] =	vst v63  }
0xaf: {  	_ =	swait.ge [sflag:s20], $0x4000  }
0xb0: {  	[sflag:s20] =	ssyncset.done $0x0  }
0xb1: {  	[sflag:s20] =	ssyncadd.s32 $0xFFFFC000  }
0xb2: {  	[hbm4b:s26+s2] =	stream.linear.scatter [tilespmem:s16], [sflag:$0x8], $0x4000, $0x38;
	[tilespmem:$0x11800] =	vst v63  }
0xb3: {  	_ =	swait.ge [sflag:s21], $0x4000  }
0xb4: {  	[sflag:s21] =	ssyncset.done $0x0  }
0xb5: {  	[sflag:s21] =	ssyncadd.s32 $0xFFFFC000  }
0xb6: {  	_ =	swait.ge [sflag:s22], $0x4000  }
0xb7: {  	[sflag:s22] =	ssyncset.done $0x0  }
0xb8: {  	[sflag:s22] =	ssyncadd.s32 $0xFFFFC000  }
.Ltmp1:
0xb9: {  	_ =	swait.ge [sflag:s23], $0x4000;
	(pc) =	sbr.rel @p0 .LBB2_4-.Ltmp1, $4  }
0xba: {  	[sflag:s23] =	ssyncset.done $0x0  }
0xbb: {  	s31 =	smov.u32 s4;
	s26 =	sadd.s32 $0x2000, s26;
	[sflag:s23] =	ssyncadd.s32 $0xFFFFC000  }
0xbc: {  	s30 =	sadd.s32 $0x2000, s30;
	s28 =	sadd.s32 $0x2000, s28;
	_ =	swait.ge [sflag:s24], $0x4000  }
0xbd: {  	s0 =	sshra.s32 s1, $0x2;
	s29 =	sadd.s32 $0x2000, s29;
	[sflag:s24] =	ssyncset.done $0x0  }
0xbe: {  	s1 =	sadd.s32 $0xC00, s0;
	[sflag:s24] =	ssyncadd.s32 $0xFFFFC000  }
0xbf: {  	[tilespmem:s13], [sflag:$0x1] =	stream.indirect.gather [hbm4b:s3+s12], $0x80, s1, s12, $0xb8;
	[tilespmem:$0x11800] =	vst v63  }
0xc0: {  	s31 =	sadd.s32 $0xC80, s0  }
0xc1: {  	[tilespmem:s14], [sflag:$0x2] =	stream.indirect.gather [hbm4b:s3+s12], $0x80, s31, s12, $0xb8;
	[tilespmem:$0x11800] =	vst v63  }
0xc2: {  	s4 =	sadd.s32 $0xD00, s0  }
0xc3: {  	[tilespmem:s15], [sflag:$0x3] =	stream.indirect.gather [hbm4b:s3+s12], $0x80, s4, s12, $0xb8;
	[tilespmem:$0x11800] =	vst v63  }
0xc4: {  	s5 =	sadd.s32 $0xD80, s0  }
0xc5: {  	[tilespmem:s16], [sflag:$0x4] =	stream.indirect.gather [hbm4b:s3+s12], $0x80, s5, s12, $0xb8;
	[tilespmem:$0x11800] =	vst v63  }
0xc6: {  	_ =	swait.ge [sflag:s17], $0x4000  }
0xc7: {  	[sflag:s17] =	ssyncset.done $0x0  }
0xc8: {  	[sflag:s17] =	ssyncadd.s32 $0xFFFFC000  }
0xc9: {  	[hbm4b:s30+s2] =	stream.linear.scatter [tilespmem:s13], [sflag:$0x5], $0x4000, $0x38;
	[tilespmem:$0x11800] =	vst v63  }
0xca: {  	_ =	swait.ge [sflag:s18], $0x4000  }
0xcb: {  	[sflag:s18] =	ssyncset.done $0x0  }
0xcc: {  	[sflag:s18] =	ssyncadd.s32 $0xFFFFC000  }
0xcd: {  	[hbm4b:s28+s2] =	stream.linear.scatter [tilespmem:s14], [sflag:$0x6], $0x4000, $0x38;
	[tilespmem:$0x11800] =	vst v63  }
0xce: {  	_ =	swait.ge [sflag:s19], $0x4000  }
0xcf: {  	[sflag:s19] =	ssyncset.done $0x0  }
0xd0: {  	[sflag:s19] =	ssyncadd.s32 $0xFFFFC000  }
0xd1: {  	[hbm4b:s29+s2] =	stream.linear.scatter [tilespmem:s15], [sflag:$0x7], $0x4000, $0x38;
	[tilespmem:$0x11800] =	vst v63  }
0xd2: {  	_ =	swait.ge [sflag:s20], $0x4000  }
0xd3: {  	[sflag:s20] =	ssyncset.done $0x0  }
0xd4: {  	[sflag:s20] =	ssyncadd.s32 $0xFFFFC000  }
0xd5: {  	[hbm4b:s26+s2] =	stream.linear.scatter [tilespmem:s16], [sflag:$0x8], $0x4000, $0x38;
	[tilespmem:$0x11800] =	vst v63  }
0xd6: {  	_ =	swait.ge [sflag:s21], $0x4000  }
0xd7: {  	[sflag:s21] =	ssyncset.done $0x0  }
0xd8: {  	[sflag:s21] =	ssyncadd.s32 $0xFFFFC000  }
0xd9: {  	_ =	swait.ge [sflag:s22], $0x4000  }
0xda: {  	[sflag:s22] =	ssyncset.done $0x0  }
0xdb: {  	[sflag:s22] =	ssyncadd.s32 $0xFFFFC000  }
0xdc: {  	_ =	swait.ge [sflag:s23], $0x4000  }
0xdd: {  	[sflag:s23] =	ssyncset.done $0x0  }
0xde: {  	[sflag:s23] =	ssyncadd.s32 $0xFFFFC000  }
0xdf: {  	_ =	swait.ge [sflag:s24], $0x4000  }
0xe0: {  	s25 =	sadd.s32 $0x1, s25;
	s31 =	rddreg [dreg:$0x4]  }
0xe1: {  	p0 =	sne.s32 s25, s31  }
.Ltmp2:
0xe2: {  	_ = 	snop;
	(pc) =	sbr.rel @p0 .LBB2_1-.Ltmp2, $3  }
0xe3: {  	_ =	sdelay $0x1  }
0xe4: {  	[sflag:s24] =	ssyncset.done $0x0  }
0xe5: {  	[sflag:s24] =	ssyncadd.s32 $0xFFFFC000  }
0xe6: {  	_ =	sfence.sel $0x180000  }
0xe7: {  	[bflag:$0x0] =	sbarrier.arrive $0xFFFF  }
0xe8: {  	_ =	strace $0x9000004D  }
0xe9: {  	s0 =	stileid.u32;
	[bflag:$0x2] =	sbarrier.arrive $0xFFFF  }
0xea: {  	p0 =	sne.s32 s0, $0x0;
	s0 =	rddreg [dreg:$0x2]  }
0xeb: {  	s0 =	sadd.s32 @!p0 $0x100000, s0  }
0xec: {  	[sflag:s0] =	ssyncadd.tile.s32 @!p0 $0x1;
	_ =	shalt  }
.Lfunc_end2:
_tile_overlayer_lowered:
.L_overlay_start_2:
0xed: {  	(tag) =	ssettag $0x2  }
0xee: {  	s0 =	rddreg [dreg:$0x0];
	s2 =	stileid.u32  }
0xef: {  	s1 =	rddreg [dreg:$0x1];
	p0 =	sne.s32 s2, $0x0  }
0xf0: {  	s3 =	rddreg [dreg:$0x2];
	[bflag:$0x3] =	sbarrier.arrive $0xFFFF;
	s2 =	simm.s32 @!p0 $0x1C09  }
0xf1: {  	[timem:s3], [sflag:s2] =	dma.local @!p0 [hbm:s0], s1  }
0xf2: {  	s0 =	simm.s32 @!p0 $0x9  }
0xf3: {  	_ =	swait.ge @!p0 [sflag:s0], s1  }
0xf4: {  	s1 =	ssub.s32 @!p0 $0x0, s1;
	[sflag:s0] =	ssyncset.done @!p0 $0x0  }
0xf5: {  	[sflag:s0] =	ssyncadd.s32 @!p0 s1  }
0xf6: {  	[bflag:$0x3] =	sbarrier.arrive $0xFFFF  }
0xf7: {  	_ =	shalt  }

// kernel: kernel.16.cloned.1.call-start
scs
__scs_entry_jumppad:
0x0: {  	(pc) =	sbr.rel $0x88, $3  }
0x1: {  	(tag) =	ssettag $0x0;
	lr =	simm.s32 $0x1  }
0x2: {  	[smem:$0x3F9D] =	sst lr;
	_ =	strace $0xD0000000  }
0x3: {  	_ = 	snop  }
0x4: {  	_ = 	snop  }
0x5: {  	_ = 	snop  }
0x6: {  	_ = 	snop  }
0x7: {  	_ = 	snop  }
__scs_overlays_trampoline_lowered:
0x8: {  	[smem:$0x3FAC] =	sst s0  }
0x9: {  	[smem:$0x3FAD] =	sst s1  }
0xa: {  	[smem:$0x3FAE] =	sst s2  }
0xb: {  	[smem:$0x3FAF] =	sst s3  }
0xc: {  	[smem:$0x3FB0] =	sst s4  }
0xd: {  	[smem:$0x3FB1] =	sst s5  }
0xe: {  	[smem:$0x3FB2] =	sst s6  }
0xf: {  	[smem:$0x3FB3] =	sst s7  }
0x10: {  	[smem:$0x3FB4] =	sst s8  }
0x11: {  	[smem:$0x3FB5] =	sst s9;
	s0 =	simm.s32 @!p0 $0x0  }
0x12: {  	s1 =	sld [smem:$0x3F9B];
	s0 =	simm.s32 @p0 $0x1  }
0x13: {  	[smem:$0x3FB6] =	sst s0;
	s0 =	simm.s32 @!p1 $0x0  }
0x14: {  	s2 =	sld [smem:$0x3F9A];
	s0 =	simm.s32 @p1 $0x1  }
0x15: {  	[smem:$0x3FB7] =	sst s0;
	s0 =	simm.s32 @!p2 $0x0  }
0x16: {  	s3 =	sld [smem:$0x3FDB];
	s0 =	simm.s32 @p2 $0x1  }
0x17: {  	s4 =	simm.s32 $0x1BF5;
	[smem:$0x3FB9] =	sst s0  }
0x18: {  	s0 =	sld [smem:$0x3F9C];
	_ =	swait.ge [sflag:s4], $0x0  }
0x19: {  	s7 =	sld [smem:$0x3F9D]  }
0x1a: {  	s8 =	sadd.s32 $0xFFFFE003, lr  }
0x1b: {  	s9 =	sadd.s32 $0xFFFFFEF7, lr;
	s5 =	simm.s32 $0xFFFFFFFF;
	p2 =	slt.u32 s8, $0xFFFFF086  }
0x1c: {  	p1 =	slt.u32 s9, $0xF7A;
	s5 =	simm.s32 @!p2 $0x0  }
0x1d: {  	s5 =	simm.s32 @p1 $0x1;
	p0 =	seq.s32 s7, s2  }
0x1e: {  	s7 =	smul.u32 @!p0 $0xF7A, s2;
	p2 =	seq.s32 @!p0 s5, $0x0  }
0x1f: {  	s9 =	smul.u32 $0xF7A, s1;
	s8 =	simm.s32 @!p0 $0x1BF5;
	p2 =	por !p2, p0  }
0x20: {  	[sflag:s8] =	ssyncset.s32 @!p0 $0xFFFFF086;
	s6 =	sadd.s32 @!p0 s3, s7;
	s7 =	simm.s32 @!p0 $0x108  }
0x21: {  	s3 =	sadd.s32 s3, s9;
	s6 =	sadd.s32 @!p0 $0x88, s6;
	s7 =	simm.s32 @p2 $0x1082  }
0x22: {  	[simem:s7], [sflag:s8] =	dma.local @!p0 [hbm:s6], $0xF7A  }
0x23: {  	s9 =	sor.u32 $0xD0000000, s2;
	s6 =	simm.s32 $0x108;
	_ =	swait.ge @!p0 [sflag:s8], $0x0  }
0x24: {  	s3 =	sadd.s32 $0x88, s3;
	s6 =	simm.s32 @!p1 $0x1082;
	[sflag:s4] =	ssyncset.s32 $0xFFFFF086  }
0x25: {  	[simem:s6], [sflag:s4] =	dma.local [hbm:s3], $0xF7A  }
0x26: {  	[smem:$0x3F9D] =	sst s1;
	(tag) =	ssettag s2;
	_ =	strace s9  }
0x27: {  	s1 =	sld [smem:$0x3FAD]  }
0x28: {  	s2 =	sld [smem:$0x3FAE]  }
0x29: {  	s4 =	sld [smem:$0x3FB0]  }
0x2a: {  	p0 =	seq.s32 s5, $0x0;
	s5 =	sld [smem:$0x3FB1]  }
0x2b: {  	s6 =	sld [smem:$0x3FB2]  }
0x2c: {  	s7 =	sld [smem:$0x3FB3]  }
0x2d: {  	s3 =	simm.s32 $0x108;
	s8 =	sld [smem:$0x3FB4]  }
0x2e: {  	s3 =	simm.s32 @!p0 $0x1082;
	s9 =	sld [smem:$0x3FB5]  }
0x2f: {  	lr =	sadd.s32 s0, s3;
	s0 =	sld [smem:$0x3FAC]  }
0x30: {  	s3 =	sld [smem:$0x3FAF]  }
0x31: {  	[smem:$0x3FB8] =	sst s10  }
0x32: {  	s10 =	sld [smem:$0x3FB6];
	_ =	sdelay $0x3  }
0x33: {  	p0 =	seq.s32 s10, $0x1;
	s10 =	sld [smem:$0x3FB8];
	_ =	sdelay $0x3  }
0x34: {  	[smem:$0x3FB8] =	sst s10  }
0x35: {  	s10 =	sld [smem:$0x3FB7];
	_ =	sdelay $0x3  }
0x36: {  	p1 =	seq.s32 s10, $0x1;
	s10 =	sld [smem:$0x3FB8];
	_ =	sdelay $0x3  }
0x37: {  	[smem:$0x3FB8] =	sst s10  }
0x38: {  	s10 =	sld [smem:$0x3FB9]  }
0x39: {  	_ = 	snop;
	(pc) =	sbr.ind lr, $3  }
0x3a: {  	_ = 	snop  }
0x3b: {  	_ = 	snop  }
0x3c: {  	p2 =	seq.s32 s10, $0x1;
	s10 =	sld [smem:$0x3FB8]  }
0x3d: {  	_ =	shalt  }
0x3e: {  	_ =	shalt  }
0x3f: {  	_ =	shalt  }
0x40: {  	_ =	shalt  }
0x41: {  	_ =	shalt  }
0x42: {  	_ =	shalt  }
0x43: {  	_ =	shalt  }
0x44: {  	_ =	shalt  }
0x45: {  	_ =	shalt  }
0x46: {  	_ =	shalt  }
0x47: {  	_ =	shalt  }
0x48: {  	_ =	shalt  }
0x49: {  	_ =	shalt  }
0x4a: {  	_ =	shalt  }
0x4b: {  	_ =	shalt  }
0x4c: {  	_ =	shalt  }
0x4d: {  	_ =	shalt  }
0x4e: {  	_ =	shalt  }
0x4f: {  	_ =	shalt  }
0x50: {  	_ =	shalt  }
0x51: {  	_ =	shalt  }
0x52: {  	_ =	shalt  }
0x53: {  	_ =	shalt  }
0x54: {  	_ =	shalt  }
0x55: {  	_ =	shalt  }
0x56: {  	_ =	shalt  }
0x57: {  	_ =	shalt  }
0x58: {  	_ =	shalt  }
0x59: {  	_ =	shalt  }
0x5a: {  	_ =	shalt  }
0x5b: {  	_ =	shalt  }
0x5c: {  	_ =	shalt  }
0x5d: {  	_ =	shalt  }
0x5e: {  	_ =	shalt  }
0x5f: {  	_ =	shalt  }
0x60: {  	_ =	shalt  }
0x61: {  	_ =	shalt  }
0x62: {  	_ =	shalt  }
0x63: {  	_ =	shalt  }
0x64: {  	_ =	shalt  }
0x65: {  	_ =	shalt  }
0x66: {  	_ =	shalt  }
0x67: {  	_ =	shalt  }
0x68: {  	_ =	shalt  }
0x69: {  	_ =	shalt  }
0x6a: {  	_ =	shalt  }
0x6b: {  	_ =	shalt  }
0x6c: {  	_ =	shalt  }
0x6d: {  	_ =	shalt  }
0x6e: {  	_ =	shalt  }
0x6f: {  	_ =	shalt  }
0x70: {  	_ =	shalt  }
0x71: {  	_ =	shalt  }
0x72: {  	_ =	shalt  }
0x73: {  	_ =	shalt  }
0x74: {  	_ =	shalt  }
0x75: {  	_ =	shalt  }
0x76: {  	_ =	shalt  }
0x77: {  	_ =	shalt  }
0x78: {  	_ =	shalt  }
0x79: {  	_ =	shalt  }
0x7a: {  	_ =	shalt  }
0x7b: {  	_ =	shalt  }
0x7c: {  	_ =	shalt  }
0x7d: {  	_ =	shalt  }
0x7e: {  	_ =	shalt  }
0x7f: {  	_ =	shalt  }
0x80: {  	_ =	shalt  }
0x81: {  	_ =	shalt  }
0x82: {  	_ =	shalt  }
0x83: {  	_ =	shalt  }
0x84: {  	_ =	shalt  }
0x85: {  	_ =	shalt  }
0x86: {  	_ =	shalt  }
0x87: {  	_ =	shalt  }
.Lfunc_end0:
.L_simem_size_0:
called_computation.2_lowered:
.L_overlay_start_0:
0x88: {  	s2 =	sld [smem:$0x3FD9]  }
0x89: {  	s3 =	sld [smem:$0x3FFE];
	_ =	sdelay $0x1  }
0x8a: {  	s1 =	srdreg.scid  }
0x8b: {  	s0 =	sand.u32 $0x1, s1  }
0x8c: {  	s16 =	sshll.u32 s0, $0xA;
	s2 =	sadd.s32 s3, s2  }
0x8d: {  	s2 =	sadd.s32 s2, s16  }
0x8e: {  	[smem:$0x3FC4] =	sst s2  }
0x8f: {  	_ = 	snop  }
0x90: {  	(tm) =	ssettm $0x1  }
0x91: {  	s17 =	sld [smem:$0x3FFB];
	_ =	sdelay $0x3  }
0x92: {  	_ =	strace s17  }
0x93: {  	s2 =	sld [smem:$0x3FFC];
	_ =	sdelay $0x3  }
0x94: {  	_ =	strace s2  }
0x95: {  	s2 =	sld [smem:$0x3FFD];
	_ =	sdelay $0x3  }
0x96: {  	_ =	strace s2  }
0x97: {  	_ =	strace $0x8FFFFFFF  }
0x98: {  	s18 =	sld [smem:$0x3FDB];
	_ =	sdelay $0x1  }
0x99: {  	s19 =	simm.s32 $_scs_section_size  }
0x9a: {  	s4 =	simm.s32 $_size__tile_overlayer_lowered;
	s5 =	simm.s32 $_tile_overlayer_lowered  }
0x9b: {  	s22 =	simm.s32 $0x1BFF;
	s21 =	sshll.u32 s5, $0x1;
	s2 =	sadd.s32 s19, s18  }
0x9c: {  	s6 =	simm.s32 $0x0;
	s20 =	sshll.u32 s4, $0x1;
	s4 =	sadd.s32 s21, s2  }
0x9d: {  	[timem:s6], [sflag:s22] =	dma.local [hbm:s4], s20  }
0x9e: {  	_ =	swait.ge [sflag:s22], s20  }
0x9f: {  	s3 =	ssub.s32 $0x0, s20;
	[sflag:s22] =	ssyncset.done $0x0  }
0xa0: {  	[sflag:s22] =	ssyncadd.s32 s3;
	_ =	sdelay $0x1  }
0xa1: {  	s23 =	simm.s32 $0x1B8B  }
0xa2: {  	_ =	swait.ge [sflag:s23], $0x1  }
0xa3: {  	[sflag:s23] =	ssyncset.done $0x0  }
0xa4: {  	s25 =	simm.s32 $0x1B8E;
	s24 =	sld [smem:$0x3FFE];
	[sflag:s23] =	ssyncadd.s32 $0xFFFFFFFF  }
0xa5: {  	s26 =	simm.s32 $execute0_lowered;
	[smem:$0x3FD2] =	sst s25  }
0xa6: {  	s4 =	sshll.u32 s26, $0x1;
	_ =	strace $0x80000049;
	[dreg:$0x1] =	wrdreg $0xFFFFFFFF  }
0xa7: {  	s28 =	simm.s32 $_size_execute0_lowered;
	s2 =	sadd.s32 s2, s4;
	[dreg:$0x0] =	wrdreg $0x0  }
0xa8: {  	s4 =	sshll.u32 s28, $0x1;
	[dreg:$0x2] =	wrdreg s2  }
0xa9: {  	[dreg:$0x3] =	wrdreg s4  }
0xaa: {  	[dreg:$0x4] =	wrdreg $0xC0  }
0xab: {  	_ =	task [dreg:s6], $0x5FFFF  }
0xac: {  	[dreg:$0x1] =	wrdreg $0xFFFFFFFF  }
0xad: {  	[dreg:$0x0] =	wrdreg $0x60  }
0xae: {  	[dreg:$0x2] =	wrdreg s24  }
0xaf: {  	[dreg:$0x3] =	wrdreg $0xA  }
0xb0: {  	_ =	task.clear_ibuf [dreg:s6], $0x4FFFF;
	_ =	strace $0x90000049  }
0xb1: {  	s29 =	simm.s32 $0xA;
	_ =	strace $0x8000004B  }
0xb2: {  	_ =	swait.ge [sflag:s29], $0x1  }
0xb3: {  	[sflag:s29] =	ssyncadd.s32 $0xFFFFFFFF  }
0xb4: {  	_ =	strace $0x9000004B  }
0xb5: {  	_ =	sfence  }
0xb6: {  	s30 =	sld [smem:$0x0];
	_ =	sdelay $0x2  }
0xb7: {  	s31 =	sshll.u32 s1, $0xD;
	s1 =	sshrl.u32 s1, $0x2  }
0xb8: {  	s3 =	sand.u32 $0x4000, s31;
	s1 =	sadd.s32 s1, s30  }
0xb9: {  	s0 =	sor.u32 s3, s0;
	s1 =	sshll.u32 s1, $0x11  }
0xba: {  	s0 =	sor.u32 s1, s0  }
0xbb: {  	s0 =	sadd.s32 $0x8F2B, s0  }
0xbc: {  	[sflag:s0] =	ssyncadd.remote.s32 $0x1  }
0xbd: {  	_ =	sfence.sel $0xFFFF  }
0xbe: {  	[dreg:$0x0] =	wrdreg $0xFFFFFFFF;
	(pc) =	sbr.abs _section_cstart, $3  }
0xbf: {  	[dreg:$0x1] =	wrdreg $0xFFFFFFFF  }
0xc0: {  	_ =	task.clear_ibuf [dreg:s6], $0x2FFFF;
	_ =	strace $0x9FFFFFFF  }
0xc1: {  	(tm) =	ssettm $0x7FFFFFFF  }
tec
execute0_lowered:
.L_overlay_start_1:
0x0: {  	(tag) =	ssettag $0x1  }
0x1: {  	s0 =	srdreg.scid  }
0x2: {  	s9 =	stileid.u32;
	s1 =	rddreg [dreg:$0x0];
	s2 =	simm.s32 $0x0  }
0x3: {  	s11 =	simm.s32 $0x9;
	s12 =	simm.s32 $0x80;
	s13 =	simm.s32 $0x1800  }
0x4: {  	s14 =	simm.s32 $0x5800;
	s15 =	simm.s32 $0x9800;
	s16 =	simm.s32 $0xD800  }
0x5: {  	s17 =	simm.s32 $0x1;
	s18 =	simm.s32 $0x2;
	s19 =	simm.s32 $0x3  }
0x6: {  	s20 =	simm.s32 $0x4;
	s21 =	simm.s32 $0x5;
	s22 =	simm.s32 $0x6  }
0x7: {  	s23 =	simm.s32 $0x7;
	s24 =	simm.s32 $0x8;
	s4 =	smul.u32 $0x1800, s9  }
0x8: {  	s0 =	sand.u32 $0x1, s0;
	s3 =	sshll.u32 s9, $0x1;
	s31 =	smul.u32 $0x18000, s9  }
0x9: {  	s25 =	simm.s32 $0x0;
	s3 =	sor.u32 s0, s3;
	s6 =	smul.u32 $0xC00, s0  }
0xa: {  	[smem:$0x7FF] =	sst s2;
	s5 =	ssub.s32 $0x2, s0;
	s3 =	smul.u32 $0xC00, s3  }
0xb: {  	_ =	strace $0x8000004A;
	s0 =	smul.u32 $0xC000, s0;
	s8 =	sshrl.u32 s5, $0x1  }
0xc: {  	s5 =	ssub.s32 s5, s8;
	s4 =	sadd.s32 s6, s4;
	s3 =	sshrl.u32 s3, $0x3  }
0xd: {  	s30 =	sshll.u32 s4, $0x4;
	s5 =	smax.u32 s5, $0x1;
	s6 =	sor.u32 $0x70, s4  }
0xe: {  	s7 =	sadd.s32 s3, s1;
	s3 =	sadd.s32 $0xAC00, s1;
	s1 =	sadd.s32 $0x601C00, s1  }
0xf: {  	[dreg:$0x3] =	wrdreg s5;
	s29 =	sadd.s32 $0x7C00, s7;
	s10 =	sadd.s32 s30, s1  }
0x10: {  	s1 =	sadd.s32 s31, s1;
	[dreg:$0x2] =	wrdreg s29;
	s7 =	sadd.s32 $0x1000, s10  }
0x11: {  	s8 =	sadd.s32 $0x800, s10;
	s9 =	sadd.s32 s0, s1;
	s10 =	sadd.s32 $0x1800, s10  }
.LBB2_1:
0x12: {  	s0 =	rddreg [dreg:$0x2]  }
0x13: {  	[tilespmem:s2], [sflag:$0x9] =	stream.linear.gather [hbm4b:s0+s2], $0xC00, $0x38;
	[tilespmem:$0x11800] =	vst v63  }
0x14: {  	_ =	swait.ge [sflag:s11], $0xC00  }
0x15: {  	[sflag:s11] =	ssyncset.done $0x0  }
0x16: {  	s0 =	simm.s32 $0x40;
	[sflag:s11] =	ssyncadd.s32 $0xFFFFF400  }
0x17: {  	s1 =	sadd.s32 $0xFFFFFF90, s6;
	v0 =	vld [tilespmem:s0+$0xFFFFFFC0]  }
0x18: {  	v1 =	vmov s1  }
0x19: {  	v1 =	vand.u32 $0xFFFFE000, v1  }
0x1a: {  	v1 =	vbroadcast v1, $0x0;
	_ =	sdelay $0x1  }
0x1b: {  	s26 =	simm.s32 $0xC40;
	v0 =	vadd.s32 v1, v0  }
0x1c: {  	[tilespmem:s26+$0xFFFFFFC0] =	vst v0  }
0x1d: {  	s4 =	sadd.s32 $0xFFFFFFA0, s6;
	v0 =	vld [tilespmem:s0+$0xFFFFFFD0]  }
0x1e: {  	v57 =	vmov s4  }
0x1f: {  	v1 =	vand.u32 $0xFFFFE000, v57  }
0x20: {  	v1 =	vbroadcast v1, $0x0;
	_ =	sdelay $0x1  }
0x21: {  	v0 =	vadd.s32 v1, v0  }
0x22: {  	[tilespmem:s26+$0xFFFFFFD0] =	vst v0  }
0x23: {  	s5 =	sadd.s32 $0xFFFFFFB0, s6;
	v0 =	vld [tilespmem:s0+$0xFFFFFFE0]  }
0x24: {  	v58 =	vmov s5  }
0x25: {  	v1 =	vand.u32 $0xFFFFE000, v58  }
0x26: {  	v1 =	vbroadcast v1, $0x0;
	_ =	sdelay $0x1  }
0x27: {  	v0 =	vadd.s32 v1, v0  }
0x28: {  	[tilespmem:s26+$0xFFFFFFE0] =	vst v0  }
0x29: {  	s31 =	sadd.s32 $0xFFFFFFC0, s6;
	v0 =	vld [tilespmem:s0+$0xFFFFFFF0]  }
0x2a: {  	v59 =	vmov s31  }
0x2b: {  	v1 =	vand.u32 $0xFFFFE000, v59  }
0x2c: {  	v1 =	vbroadcast v1, $0x0;
	_ =	sdelay $0x1  }
0x2d: {  	v0 =	vadd.s32 v1, v0  }
0x2e: {  	[tilespmem:s26+$0xFFFFFFF0] =	vst v0  }
0x2f: {  	s4 =	sadd.s32 $0xFFFFFFD0, s6;
	v0 =	vld [tilespmem:s0+$0x0]  }
0x30: {  	v60 =	vmov s4  }
0x31: {  	v1 =	vand.u32 $0xFFFFE000, v60  }
0x32: {  	v1 =	vbroadcast v1, $0x0;
	_ =	sdelay $0x1  }
0x33: {  	v0 =	vadd.s32 v1, v0  }
0x34: {  	[tilespmem:s26+$0x0] =	vst v0  }
0x35: {  	s5 =	sadd.s32 $0xFFFFFFE0, s6;
	v0 =	vld [tilespmem:s0+$0x10]  }
0x36: {  	v61 =	vmov s5  }
0x37: {  	v1 =	vand.u32 $0xFFFFE000, v61  }
0x38: {  	v1 =	vbroadcast v1, $0x0;
	_ =	sdelay $0x1  }
0x39: {  	v0 =	vadd.s32 v1, v0  }
0x3a: {  	[tilespmem:s26+$0x10] =	vst v0  }
0x3b: {  	s31 =	sadd.s32 $0xFFFFFFF0, s6;
	v0 =	vld [tilespmem:s0+$0x20]  }
0x3c: {  	v62 =	vmov s31  }
0x3d: {  	v1 =	vand.u32 $0xFFFFE000, v62  }
0x3e: {  	v1 =	vbroadcast v1, $0x0;
	_ =	sdelay $0x1  }
0x3f: {  	v0 =	vadd.s32 v1, v0  }
0x40: {  	[tilespmem:s26+$0x20] =	vst v0  }
0x41: {  	v0 =	vld [tilespmem:s0+$0x30]  }
0x42: {  	v63 =	vmov s6  }
0x43: {  	v1 =	vand.u32 $0xFFFFE000, v63  }
0x44: {  	v1 =	vbroadcast v1, $0x0;
	_ =	sdelay $0x1  }
0x45: {  	v0 =	vadd.s32 v1, v0  }
0x46: {  	s28 =	simm.s32 $0x0;
	s29 =	sadd.s32 $0x80, s6;
	s30 =	simm.s32 $0xC0;
	[tilespmem:s26+$0x30] =	vst v0  }
.LBB2_2:
0x47: {  	s0 =	sadd.s32 $0xFFFFFF90, s29;
	v0 =	vld [tilespmem:s30+$0xFFFFFFC0];
	s28 =	sadd.s32 $0x8, s28  }
0x48: {  	v1 =	vmov s0;
	p0 =	slt.u32 s28, $0xB8  }
0x49: {  	v1 =	vand.u32 $0xFFFFE000, v1  }
0x4a: {  	v1 =	vbroadcast v1, $0x0;
	_ =	sdelay $0x1  }
0x4b: {  	s26 =	sadd.s32 $0x80, s26;
	v0 =	vadd.s32 v1, v0  }
0x4c: {  	[tilespmem:s26+$0xFFFFFFC0] =	vst v0  }
0x4d: {  	s0 =	sadd.s32 $0xFFFFFFA0, s29;
	v0 =	vld [tilespmem:s30+$0xFFFFFFD0]  }
0x4e: {  	v1 =	vmov s0  }
0x4f: {  	v1 =	vand.u32 $0xFFFFE000, v1  }
0x50: {  	v1 =	vbroadcast v1, $0x0;
	_ =	sdelay $0x1  }
0x51: {  	v0 =	vadd.s32 v1, v0  }
0x52: {  	[tilespmem:s26+$0xFFFFFFD0] =	vst v0  }
0x53: {  	s0 =	sadd.s32 $0xFFFFFFB0, s29;
	v0 =	vld [tilespmem:s30+$0xFFFFFFE0]  }
0x54: {  	v1 =	vmov s0  }
0x55: {  	v1 =	vand.u32 $0xFFFFE000, v1  }
0x56: {  	v1 =	vbroadcast v1, $0x0;
	_ =	sdelay $0x1  }
0x57: {  	v0 =	vadd.s32 v1, v0  }
0x58: {  	[tilespmem:s26+$0xFFFFFFE0] =	vst v0  }
0x59: {  	s0 =	sadd.s32 $0xFFFFFFC0, s29;
	v0 =	vld [tilespmem:s30+$0xFFFFFFF0]  }
0x5a: {  	v1 =	vmov s0  }
0x5b: {  	v1 =	vand.u32 $0xFFFFE000, v1  }
0x5c: {  	v1 =	vbroadcast v1, $0x0;
	_ =	sdelay $0x1  }
0x5d: {  	v0 =	vadd.s32 v1, v0  }
0x5e: {  	[tilespmem:s26+$0xFFFFFFF0] =	vst v0  }
0x5f: {  	s0 =	sadd.s32 $0xFFFFFFD0, s29;
	v0 =	vld [tilespmem:s30+$0x0]  }
0x60: {  	v1 =	vmov s0  }
0x61: {  	v1 =	vand.u32 $0xFFFFE000, v1  }
0x62: {  	v1 =	vbroadcast v1, $0x0;
	_ =	sdelay $0x1  }
0x63: {  	v0 =	vadd.s32 v1, v0  }
0x64: {  	[tilespmem:s26+$0x0] =	vst v0  }
0x65: {  	s0 =	sadd.s32 $0xFFFFFFE0, s29;
	v0 =	vld [tilespmem:s30+$0x10]  }
0x66: {  	v1 =	vmov s0  }
0x67: {  	v1 =	vand.u32 $0xFFFFE000, v1  }
0x68: {  	v1 =	vbroadcast v1, $0x0;
	_ =	sdelay $0x1  }
0x69: {  	v0 =	vadd.s32 v1, v0  }
0x6a: {  	[tilespmem:s26+$0x10] =	vst v0  }
0x6b: {  	s0 =	sadd.s32 $0xFFFFFFF0, s29;
	v0 =	vld [tilespmem:s30+$0x20]  }
0x6c: {  	v1 =	vmov s0  }
0x6d: {  	v1 =	vand.u32 $0xFFFFE000, v1  }
0x6e: {  	v1 =	vbroadcast v1, $0x0;
	_ =	sdelay $0x1  }
0x6f: {  	v0 =	vadd.s32 v1, v0  }
0x70: {  	[tilespmem:s26+$0x20] =	vst v0  }
0x71: {  	v0 =	vld [tilespmem:s30+$0x30]  }
0x72: {  	v1 =	vmov s29  }
.Ltmp0:
0x73: {  	v1 =	vand.u32 $0xFFFFE000, v1;
	(pc) =	sbr.rel @p0 .LBB2_2-.Ltmp0, $3  }
0x74: {  	v1 =	vbroadcast v1, $0x0;
	_ =	sdelay $0x1  }
0x75: {  	v0 =	vadd.s32 v1, v0  }
0x76: {  	s29 =	sadd.s32 $0x80, s29;
	s30 =	sadd.s32 $0x80, s30;
	[tilespmem:s26+$0x30] =	vst v0  }
0x77: {  	s0 =	simm.s32 $0xC00  }
0x78: {  	[tilespmem:s13], [sflag:$0x1] =	stream.indirect.gather [hbm4b:s3+s12], $0x80, s0, s12, $0xb8;
	[tilespmem:$0x11800] =	vst v63  }
0x79: {  	s4 =	simm.s32 $0xC80  }
0x7a: {  	[tilespmem:s14], [sflag:$0x2] =	stream.indirect.gather [hbm4b:s3+s12], $0x80, s4, s12, $0xb8;
	[tilespmem:$0x11800] =	vst v63  }
0x7b: {  	s5 =	simm.s32 $0xD00  }
0x7c: {  	[tilespmem:s15], [sflag:$0x3] =	stream.indirect.gather [hbm4b:s3+s12], $0x80, s5, s12, $0xb8;
	[tilespmem:$0x11800] =	vst v63  }
0x7d: {  	s26 =	simm.s32 $0xD80  }
0x7e: {  	[tilespmem:s16], [sflag:$0x4] =	stream.indirect.gather [hbm4b:s3+s12], $0x80, s26, s12, $0xb8;
	[tilespmem:$0x11800] =	vst v63  }
0x7f: {  	_ =	swait.ge [sflag:s17], $0x4000  }
0x80: {  	[sflag:s17] =	ssyncset.done $0x0  }
0x81: {  	[sflag:s17] =	ssyncadd.s32 $0xFFFFC000  }
0x82: {  	[hbm4b:s9+s2] =	stream.linear.scatter [tilespmem:s13], [sflag:$0x5], $0x4000, $0x38;
	[tilespmem:$0x11800] =	vst v63  }
0x83: {  	_ =	swait.ge [sflag:s18], $0x4000  }
0x84: {  	[sflag:s18] =	ssyncset.done $0x0  }
0x85: {  	[sflag:s18] =	ssyncadd.s32 $0xFFFFC000  }
0x86: {  	[hbm4b:s8+s2] =	stream.linear.scatter [tilespmem:s14], [sflag:$0x6], $0x4000, $0x38;
	[tilespmem:$0x11800] =	vst v63  }
0x87: {  	_ =	swait.ge [sflag:s19], $0x4000  }
0x88: {  	[sflag:s19] =	ssyncset.done $0x0  }
0x89: {  	[sflag:s19] =	ssyncadd.s32 $0xFFFFC000  }
0x8a: {  	[hbm4b:s7+s2] =	stream.linear.scatter [tilespmem:s15], [sflag:$0x7], $0x4000, $0x38;
	[tilespmem:$0x11800] =	vst v63  }
0x8b: {  	_ =	swait.ge [sflag:s20], $0x4000  }
0x8c: {  	[sflag:s20] =	ssyncset.done $0x0  }
0x8d: {  	[sflag:s20] =	ssyncadd.s32 $0xFFFFC000  }
0x8e: {  	[hbm4b:s10+s2] =	stream.linear.scatter [tilespmem:s16], [sflag:$0x8], $0x4000, $0x38;
	[tilespmem:$0x11800] =	vst v63  }
0x8f: {  	_ =	swait.ge [sflag:s21], $0x4000  }
0x90: {  	[sflag:s21] =	ssyncset.done $0x0  }
0x91: {  	[sflag:s21] =	ssyncadd.s32 $0xFFFFC000  }
0x92: {  	_ =	swait.ge [sflag:s22], $0x4000  }
0x93: {  	[sflag:s22] =	ssyncset.done $0x0  }
0x94: {  	[sflag:s22] =	ssyncadd.s32 $0xFFFFC000  }
0x95: {  	_ =	swait.ge [sflag:s23], $0x4000  }
0x96: {  	[sflag:s23] =	ssyncset.done $0x0  }
0x97: {  	s31 =	simm.s32 $0x1000;
	s28 =	sadd.s32 $0x2000, s8;
	[sflag:s23] =	ssyncadd.s32 $0xFFFFC000  }
0x98: {  	s30 =	sadd.s32 $0x2000, s9;
	s29 =	sadd.s32 $0x2000, s7;
	_ =	swait.ge [sflag:s24], $0x4000  }
0x99: {  	s0 =	simm.s32 $0x200;
	s26 =	sadd.s32 $0x2000, s10;
	[sflag:s24] =	ssyncset.done $0x0  }
.LBB2_4:
0x9a: {  	s5 =	sadd.s32 $0xC00, s0  }
0x9b: {  	[sflag:s24] =	ssyncadd.s32 $0xFFFFC000;
	s1 =	smov.u32 s31;
	s4 =	sadd.s32 $0x800, s31  }
0x9c: {  	[tilespmem:s13], [sflag:$0x1] =	stream.indirect.gather [hbm4b:s3+s12], $0x80, s5, s12, $0xb8;
	[tilespmem:$0x11800] =	vst v63  }
0x9d: {  	p0 =	sne.s32 s31, $0x2800;
	s5 =	sadd.s32 $0xC80, s0  }
0x9e: {  	[tilespmem:s14], [sflag:$0x2] =	stream.indirect.gather [hbm4b:s3+s12], $0x80, s5, s12, $0xb8;
	[tilespmem:$0x11800] =	vst v63  }
0x9f: {  	s5 =	sadd.s32 $0xD00, s0  }
0xa0: {  	[tilespmem:s15], [sflag:$0x3] =	stream.indirect.gather [hbm4b:s3+s12], $0x80, s5, s12, $0xb8;
	[tilespmem:$0x11800] =	vst v63  }
0xa1: {  	s0 =	sadd.s32 $0xD80, s0  }
0xa2: {  	[tilespmem:s16], [sflag:$0x4] =	stream.indirect.gather [hbm4b:s3+s12], $0x80, s0, s12, $0xb8;
	[tilespmem:$0x11800] =	vst v63  }
0xa3: {  	_ =	swait.ge [sflag:s17], $0x4000  }
0xa4: {  	[sflag:s17] =	ssyncset.done $0x0  }
0xa5: {  	[sflag:s17] =	ssyncadd.s32 $0xFFFFC000  }
0xa6: {  	[hbm4b:s30+s2] =	stream.linear.scatter [tilespmem:s13], [sflag:$0x5], $0x4000, $0x38;
	[tilespmem:$0x11800] =	vst v63  }
0xa7: {  	_ =	swait.ge [sflag:s18], $0x4000  }
0xa8: {  	[sflag:s18] =	ssyncset.done $0x0  }
0xa9: {  	[sflag:s18] =	ssyncadd.s32 $0xFFFFC000  }
0xaa: {  	[hbm4b:s28+s2] =	stream.linear.scatter [tilespmem:s14], [sflag:$0x6], $0x4000, $0x38;
	[tilespmem:$0x11800] =	vst v63  }
0xab: {  	_ =	swait.ge [sflag:s19], $0x4000  }
0xac: {  	[sflag:s19] =	ssyncset.done $0x0  }
0xad: {  	[sflag:s19] =	ssyncadd.s32 $0xFFFFC000  }
0xae: {  	[hbm4b:s29+s2] =	stream.linear.scatter [tilespmem:s15], [sflag:$0x7], $0x4000, $0x38;
	[tilespmem:$0x11800] =	vst v63  }
0xaf: {  	_ =	swait.ge [sflag:s20], $0x4000  }
0xb0: {  	[sflag:s20] =	ssyncset.done $0x0  }
0xb1: {  	[sflag:s20] =	ssyncadd.s32 $0xFFFFC000  }
0xb2: {  	[hbm4b:s26+s2] =	stream.linear.scatter [tilespmem:s16], [sflag:$0x8], $0x4000, $0x38;
	[tilespmem:$0x11800] =	vst v63  }
0xb3: {  	_ =	swait.ge [sflag:s21], $0x4000  }
0xb4: {  	[sflag:s21] =	ssyncset.done $0x0  }
0xb5: {  	[sflag:s21] =	ssyncadd.s32 $0xFFFFC000  }
0xb6: {  	_ =	swait.ge [sflag:s22], $0x4000  }
0xb7: {  	[sflag:s22] =	ssyncset.done $0x0  }
0xb8: {  	[sflag:s22] =	ssyncadd.s32 $0xFFFFC000  }
.Ltmp1:
0xb9: {  	_ =	swait.ge [sflag:s23], $0x4000;
	(pc) =	sbr.rel @p0 .LBB2_4-.Ltmp1, $4  }
0xba: {  	[sflag:s23] =	ssyncset.done $0x0  }
0xbb: {  	s31 =	smov.u32 s4;
	s26 =	sadd.s32 $0x2000, s26;
	[sflag:s23] =	ssyncadd.s32 $0xFFFFC000  }
0xbc: {  	s30 =	sadd.s32 $0x2000, s30;
	s28 =	sadd.s32 $0x2000, s28;
	_ =	swait.ge [sflag:s24], $0x4000  }
0xbd: {  	s0 =	sshra.s32 s1, $0x2;
	s29 =	sadd.s32 $0x2000, s29;
	[sflag:s24] =	ssyncset.done $0x0  }
0xbe: {  	s1 =	sadd.s32 $0xC00, s0;
	[sflag:s24] =	ssyncadd.s32 $0xFFFFC000  }
0xbf: {  	[tilespmem:s13], [sflag:$0x1] =	stream.indirect.gather [hbm4b:s3+s12], $0x80, s1, s12, $0xb8;
	[tilespmem:$0x11800] =	vst v63  }
0xc0: {  	s31 =	sadd.s32 $0xC80, s0  }
0xc1: {  	[tilespmem:s14], [sflag:$0x2] =	stream.indirect.gather [hbm4b:s3+s12], $0x80, s31, s12, $0xb8;
	[tilespmem:$0x11800] =	vst v63  }
0xc2: {  	s4 =	sadd.s32 $0xD00, s0  }
0xc3: {  	[tilespmem:s15], [sflag:$0x3] =	stream.indirect.gather [hbm4b:s3+s12], $0x80, s4, s12, $0xb8;
	[tilespmem:$0x11800] =	vst v63  }
0xc4: {  	s5 =	sadd.s32 $0xD80, s0  }
0xc5: {  	[tilespmem:s16], [sflag:$0x4] =	stream.indirect.gather [hbm4b:s3+s12], $0x80, s5, s12, $0xb8;
	[tilespmem:$0x11800] =	vst v63  }
0xc6: {  	_ =	swait.ge [sflag:s17], $0x4000  }
0xc7: {  	[sflag:s17] =	ssyncset.done $0x0  }
0xc8: {  	[sflag:s17] =	ssyncadd.s32 $0xFFFFC000  }
0xc9: {  	[hbm4b:s30+s2] =	stream.linear.scatter [tilespmem:s13], [sflag:$0x5], $0x4000, $0x38;
	[tilespmem:$0x11800] =	vst v63  }
0xca: {  	_ =	swait.ge [sflag:s18], $0x4000  }
0xcb: {  	[sflag:s18] =	ssyncset.done $0x0  }
0xcc: {  	[sflag:s18] =	ssyncadd.s32 $0xFFFFC000  }
0xcd: {  	[hbm4b:s28+s2] =	stream.linear.scatter [tilespmem:s14], [sflag:$0x6], $0x4000, $0x38;
	[tilespmem:$0x11800] =	vst v63  }
0xce: {  	_ =	swait.ge [sflag:s19], $0x4000  }
0xcf: {  	[sflag:s19] =	ssyncset.done $0x0  }
0xd0: {  	[sflag:s19] =	ssyncadd.s32 $0xFFFFC000  }
0xd1: {  	[hbm4b:s29+s2] =	stream.linear.scatter [tilespmem:s15], [sflag:$0x7], $0x4000, $0x38;
	[tilespmem:$0x11800] =	vst v63  }
0xd2: {  	_ =	swait.ge [sflag:s20], $0x4000  }
0xd3: {  	[sflag:s20] =	ssyncset.done $0x0  }
0xd4: {  	[sflag:s20] =	ssyncadd.s32 $0xFFFFC000  }
0xd5: {  	[hbm4b:s26+s2] =	stream.linear.scatter [tilespmem:s16], [sflag:$0x8], $0x4000, $0x38;
	[tilespmem:$0x11800] =	vst v63  }
0xd6: {  	_ =	swait.ge [sflag:s21], $0x4000  }
0xd7: {  	[sflag:s21] =	ssyncset.done $0x0  }
0xd8: {  	[sflag:s21] =	ssyncadd.s32 $0xFFFFC000  }
0xd9: {  	_ =	swait.ge [sflag:s22], $0x4000  }
0xda: {  	[sflag:s22] =	ssyncset.done $0x0  }
0xdb: {  	[sflag:s22] =	ssyncadd.s32 $0xFFFFC000  }
0xdc: {  	_ =	swait.ge [sflag:s23], $0x4000  }
0xdd: {  	[sflag:s23] =	ssyncset.done $0x0  }
0xde: {  	[sflag:s23] =	ssyncadd.s32 $0xFFFFC000  }
0xdf: {  	_ =	swait.ge [sflag:s24], $0x4000  }
0xe0: {  	s25 =	sadd.s32 $0x1, s25;
	s31 =	rddreg [dreg:$0x3]  }
0xe1: {  	p0 =	sne.s32 s25, s31  }
.Ltmp2:
0xe2: {  	_ = 	snop;
	(pc) =	sbr.rel @p0 .LBB2_1-.Ltmp2, $3  }
0xe3: {  	_ =	sdelay $0x1  }
0xe4: {  	[sflag:s24] =	ssyncset.done $0x0  }
0xe5: {  	[sflag:s24] =	ssyncadd.s32 $0xFFFFC000  }
0xe6: {  	_ =	sfence.sel $0x180000  }
0xe7: {  	[bflag:$0x0] =	sbarrier.arrive $0xFFFF  }
0xe8: {  	_ =	strace $0x9000004A  }
0xe9: {  	s0 =	stileid.u32;
	[bflag:$0x2] =	sbarrier.arrive $0xFFFF  }
0xea: {  	p0 =	sne.s32 s0, $0x0;
	s0 =	rddreg [dreg:$0x1]  }
0xeb: {  	s0 =	sadd.s32 @!p0 $0x100000, s0  }
0xec: {  	[sflag:s0] =	ssyncadd.tile.s32 @!p0 $0x1;
	_ =	shalt  }
.Lfunc_end2:
_tile_overlayer_lowered:
.L_overlay_start_2:
0xed: {  	(tag) =	ssettag $0x2  }
0xee: {  	s0 =	rddreg [dreg:$0x0];
	s2 =	stileid.u32  }
0xef: {  	s1 =	rddreg [dreg:$0x1];
	p0 =	sne.s32 s2, $0x0  }
0xf0: {  	s3 =	rddreg [dreg:$0x2];
	[bflag:$0x3] =	sbarrier.arrive $0xFFFF;
	s2 =	simm.s32 @!p0 $0x1C09  }
0xf1: {  	[timem:s3], [sflag:s2] =	dma.local @!p0 [hbm:s0], s1  }
0xf2: {  	s0 =	simm.s32 @!p0 $0x9  }
0xf3: {  	_ =	swait.ge @!p0 [sflag:s0], s1  }
0xf4: {  	s1 =	ssub.s32 @!p0 $0x0, s1;
	[sflag:s0] =	ssyncset.done @!p0 $0x0  }
0xf5: {  	[sflag:s0] =	ssyncadd.s32 @!p0 s1  }
0xf6: {  	[bflag:$0x3] =	sbarrier.arrive $0xFFFF  }
0xf7: {  	_ =	shalt  }

</sc_bundles>
